<compile_context>
chip_gen: v7x
topology: tpu7x:2x2x1
jax: 0.10.2.dev20260603
libtpu: 0.0.44.dev20260713+nightly
codegen_flags: <defaults>
</compile_context>

<pallas_src>
import functools

import jax
import jax.numpy as jnp
from jax import lax
from jax.experimental import pallas as pl
from jax.experimental.pallas import tpu as pltpu
from jax.experimental.pallas import tpu_sc as plsc

_G = 8
_F = 128
_NQ = 8
_QC = _F // _NQ
_WIN = 128
_NTILES = 16
_NCORES = 2


def _ceil_div(a, b):
    return (a + b - 1) // b


_GK = 8


@functools.partial(jax.jit, static_argnums=(3, 4, 5))
def _sc_segment_sum(h4, src2, dst2, n_pad, n_win_tile, rows_tile):

    mesh = plsc.VectorSubcoreMesh(core_axis_name="c", subcore_axis_name="s")
    zq = jnp.zeros((rows_tile, _QC), jnp.float32)

    @functools.partial(
        pl.kernel,
        out_type=jax.ShapeDtypeStruct((_NQ, n_pad, _QC), jnp.float32),
        mesh=mesh,
        compiler_params=pltpu.CompilerParams(use_tc_tiling_on_sc=False),
        scratch_types=[
            pltpu.VMEM((_GK, _WIN), jnp.int32),
            pltpu.VMEM((_GK, _WIN), jnp.int32),
            pltpu.VMEM((_GK, _WIN, _QC), jnp.float32),
            pltpu.VMEM((rows_tile, _QC), jnp.float32),
            pltpu.VMEM_SHARED((n_pad, _QC), jnp.float32),
            pltpu.SemaphoreType.DMA,
            pltpu.SemaphoreType.DMA,
        ],
    )
    def segsum(h_hbm, src_hbm, dst_hbm, z_hbm, out_hbm,
               sidx_v, didx_v, rows_v, stage_v, acc_sh, gsem, ssem):
        c = lax.axis_index("c")
        t = lax.axis_index("s")

        for r in range(_NQ // _NCORES):
            q = c * (_NQ // _NCORES) + r
            pltpu.sync_copy(z_hbm, stage_v)
            pltpu.sync_copy(stage_v, acc_sh.at[pl.ds(t * rows_tile, rows_tile), :])
            plsc.subcore_barrier()

            @pl.loop(0, n_win_tile // _GK)
            def _body(g):
                w0 = t * n_win_tile + g * _GK
                pltpu.sync_copy(src_hbm.at[pl.ds(w0, _GK), :], sidx_v)
                pltpu.sync_copy(dst_hbm.at[pl.ds(w0, _GK), :], didx_v)
                hs = [pltpu.async_copy(h_hbm.at[q].at[sidx_v.at[b]],
                                       rows_v.at[b], gsem)
                      for b in range(_GK)]
                for hd in hs:
                    hd.wait()
                ss = [pltpu.async_copy(rows_v.at[b], acc_sh.at[didx_v.at[b]],
                                       ssem, add=True)
                      for b in range(_GK)]
                for hd in ss:
                    hd.wait()
            plsc.subcore_barrier()
            sl = pl.ds(t * rows_tile, rows_tile)
            pltpu.sync_copy(acc_sh.at[sl, :], stage_v)
            pltpu.sync_copy(stage_v, out_hbm.at[q].at[sl, :])
            plsc.subcore_barrier()

    return segsum(h4, src2, dst2, zq)


def _to_quarters(h, n_pad):
    n = h.shape[0]
    h4 = h.reshape(n, _NQ, _QC).transpose(1, 0, 2)
    return jnp.pad(h4, ((0, 0), (0, n_pad - n), (0, 0)))


def _topk_mask(score, mask, batch, starts, ks_arr):
    n = score.shape[0]
    score = jnp.where(mask > 0, score, -jnp.inf)
    bits = jax.lax.bitcast_convert_type(score, jnp.uint32)
    key_up = bits ^ jnp.where(bits >> 31 != 0,
                              jnp.uint32(0xFFFFFFFF), jnp.uint32(0x80000000))
    key_desc = key_up ^ jnp.uint32(0xFFFFFFFF)
    hi = (batch.astype(jnp.uint32) << 29) | (key_desc >> 3)
    lo = ((key_desc & 7) << 17) | jnp.arange(n, dtype=jnp.uint32)
    shi, slo = jax.lax.sort((hi, lo), num_keys=2)
    pos = jnp.clip(starts + ks_arr - 1, 0, n - 1)
    thr_hi = jnp.take(shi, pos)
    thr_lo = jnp.take(slo, pos)
    bh = jnp.take(thr_hi, batch)
    bl = jnp.take(thr_lo, batch)
    sel = ((hi < bh) | ((hi == bh) & (lo <= bl))) & (jnp.take(ks_arr, batch) > 0)
    new_mask = sel.astype(mask.dtype)
    gate = jnp.tanh(jnp.where(mask > 0, score, 0.0))
    return gate, new_mask


def kernel(x, edge_index, batch, item_emb, cat_emb,
           W_rel1, b_rel1, W_root1, pw1,
           W_rel2, b_rel2, W_root2, pw2,
           W_rel3, b_rel3, W_root3, pw3,
           fc1_W, fc1_b, bn1_g, bn1_b, fc2_W, fc2_b, bn2_g, bn2_b):
    n = x.shape[0]
    e = edge_index.shape[1]

    rows_tile = _ceil_div(n, _NTILES * 8) * 8
    n_pad = rows_tile * _NTILES
    n_win_tile = _ceil_div(e, _NTILES * _WIN * _GK) * _GK
    e_pad = n_win_tile * _NTILES * _WIN

    src = edge_index[0].astype(jnp.int32)
    dst = edge_index[1].astype(jnp.int32)
    pad = e_pad - e
    src_pad = jnp.concatenate([src, jnp.zeros((pad,), jnp.int32)])
    dst_pad = jnp.concatenate(
        [dst, (n + (jnp.arange(pad, dtype=jnp.int32) % 8)) % n_pad])
    src2 = src_pad.reshape(_NTILES * n_win_tile, _WIN)
    dst2 = dst_pad.reshape(_NTILES * n_win_tile, _WIN)

    counts = jnp.sum(batch[:, None] == jnp.arange(_G)[None, :], axis=0)
    starts = jnp.cumsum(counts) - counts
    k1 = (9 * counts + 9) // 10
    k2 = (9 * k1 + 9) // 10
    k3 = (9 * k2 + 9) // 10

    item_id = x[:, 0, 0]
    cat_id = x[:, 0, 1]
    emb_item = jnp.take(item_emb, item_id, axis=0, mode="clip")
    emb_cat = jnp.take(cat_emb, cat_id, axis=0, mode="clip")
    h = jnp.concatenate([emb_item, emb_cat], axis=1)
    mask = jnp.ones((n,), dtype=h.dtype)

    onehot = (batch[:, None] == jnp.arange(_G)[None, :]).astype(jnp.float32)

    def gpool(h, mask, cnts):
        neg = jnp.where(mask[:, None] > 0, h, -jnp.inf)
        mx = jnp.stack([jnp.max(jnp.where(batch[:, None] == g, neg, -jnp.inf),
                                axis=0) for g in range(_G)])
        mx = jnp.where(jnp.isfinite(mx), mx, 0.0)
        sm = jnp.einsum("ng,nf->gf", onehot, h * mask[:, None])
        cn = jnp.maximum(jnp.asarray(cnts, dtype=h.dtype), 1.0)[:, None]
        return jnp.concatenate([mx, sm / cn], axis=1)

    def bn(z, g, b):
        mu = jnp.mean(z, axis=0)
        var = jnp.mean((z - mu) ** 2, axis=0)
        return (z - mu) / jnp.sqrt(var + 1e-5) * g + b

    xs = []
    for (W_rel, b_rel, W_root, pw, ks) in (
            (W_rel1, b_rel1, W_root1, pw1, k1),
            (W_rel2, b_rel2, W_root2, pw2, k2),
            (W_rel3, b_rel3, W_root3, pw3, k3)):
        h4 = _to_quarters(h, n_pad)
        agg4 = _sc_segment_sum(h4, src2, dst2, n_pad, n_win_tile, rows_tile)
        agg = agg4[:, :n].transpose(1, 0, 2).reshape(n, _F)
        hc = jax.nn.relu(agg @ W_rel.T + b_rel + h @ W_root.T)
        score = (hc @ pw) / jnp.linalg.norm(pw)
        gate, mask = _topk_mask(score, mask, batch, starts, ks)
        h = hc * gate[:, None] * mask[:, None]
        xs.append(gpool(h, mask, ks))

    xg = xs[0] + xs[1] + xs[2]
    z = jax.nn.relu(bn(xg @ fc1_W.T + fc1_b, bn1_g, bn1_b))
    z = jax.nn.relu(bn(z @ fc2_W.T + fc2_b, bn2_g, bn2_b))
    z = jax.nn.relu(z)
    per_node = jnp.take(z, batch, axis=0, mode="clip")
    out = jax.nn.sigmoid(jnp.sum(emb_item * per_node, axis=1))
    return out

# --- scband reference (transcript-rebuilt; emitter-appended) ---
"""Pipeline reference for scband-net-node-87866440941572 (READ-ONLY COPY).

The authoritative reference and input builder live on the scoring server;
editing this copy changes nothing except your own understanding.
"""

import jax, jax.numpy as jnp
import numpy as np
import math

N = 50000
E = 800000
G = 8
EMB = 64
NUM_ITEMS = 1000000
NUM_CATS = 1000
RATIO = 0.9


def setup_inputs(seed: int = 0) -> dict:
    key = jax.random.key(seed)
    ks = jax.random.split(key, 24)
    f = lambda k, shape, s=0.05: jax.random.normal(k, shape, dtype=jnp.float32) * s
    inp = {
        "x": jax.random.randint(ks[0], (N, 1, 2), 0, NUM_CATS),
        "edge_index": jax.random.randint(ks[1], (2, E), 0, N),
        "batch": jnp.sort(jax.random.randint(ks[2], (N,), 0, G)),
        "item_emb": f(ks[3], (NUM_ITEMS, EMB), 0.1),
        "cat_emb": f(ks[4], (NUM_CATS, EMB), 0.1),
        "W_rel1": f(ks[5], (128, 2 * EMB)), "b_rel1": f(ks[6], (128,)), "W_root1": f(ks[7], (128, 2 * EMB)), "pw1": f(ks[8], (128,), 1.0),
        "W_rel2": f(ks[9], (128, 128)), "b_rel2": f(ks[10], (128,)), "W_root2": f(ks[11], (128, 128)), "pw2": f(ks[12], (128,), 1.0),
        "W_rel3": f(ks[13], (128, 128)), "b_rel3": f(ks[14], (128,)), "W_root3": f(ks[15], (128, 128)), "pw3": f(ks[16], (128,), 1.0),
        "fc1_W": f(ks[17], (128, 256)), "fc1_b": f(ks[18], (128,)),
        "bn1_g": jnp.ones((128,), jnp.float32), "bn1_b": jnp.zeros((128,), jnp.float32),
        "fc2_W": f(ks[19], (64, 128)), "fc2_b": f(ks[20], (64,)),
        "bn2_g": jnp.ones((64,), jnp.float32), "bn2_b": jnp.zeros((64,), jnp.float32),
    }
    return inp


def _ceil_ratio(c):
    return (9 * c + 9) // 10


def reference(x, edge_index, batch, item_emb, cat_emb,
              W_rel1, b_rel1, W_root1, pw1,
              W_rel2, b_rel2, W_root2, pw2,
              W_rel3, b_rel3, W_root3, pw3,
              fc1_W, fc1_b, bn1_g, bn1_b, fc2_W, fc2_b, bn2_g, bn2_b):
    counts = jax.ops.segment_sum(jnp.ones_like(batch), batch, num_segments=G)
    starts = jnp.cumsum(counts) - counts
    k1 = _ceil_ratio(counts); k2 = _ceil_ratio(k1); k3 = _ceil_ratio(k2)
    src = edge_index[0]; dst = edge_index[1]

    item_id = x[:, :, 0][:, 0]
    cat_id = x[:, :, 1][:, 0]
    emb_item = jnp.take(item_emb, item_id, axis=0)
    emb_cat = jnp.take(cat_emb, cat_id, axis=0)
    h = jnp.concatenate([emb_item, emb_cat], axis=1)
    mask = jnp.ones((h.shape[0],), dtype=h.dtype)

    def graph_conv(h, mask, W_rel, b_rel, W_root):
        # PyG GraphConv: out = lin_rel(sum_{j->i} x_j) + lin_root(x_i)
        ev = mask[src] * mask[dst]
        msg = jnp.take(h, src, axis=0) * ev[:, None]
        agg = jax.ops.segment_sum(msg, dst, num_segments=h.shape[0])
        return agg @ W_rel.T + b_rel + h @ W_root.T

    def topk_pool(h, mask, w, ks_arr):
        # PyG TopKPooling emulated on fixed-size arrays via masks
        score = (h @ w) / jnp.linalg.norm(w)
        score = jnp.where(mask > 0, score, -jnp.inf)
        n = h.shape[0]
        idx = jnp.arange(n)
        order = jnp.lexsort((idx, -score, batch))
        grp = jnp.take(batch, order)
        rank = idx - jnp.take(starts, grp)
        sel = rank < jnp.take(ks_arr, grp)
        new_mask = jnp.zeros_like(mask).at[order].set(sel.astype(mask.dtype))
        gate = jnp.tanh(jnp.where(mask > 0, score, 0.0))
        return h * gate[:, None] * new_mask[:, None], new_mask

    def gpool(h, mask, cnts):
        neg = jnp.where(mask[:, None] > 0, h, -jnp.inf)
        mx = jax.ops.segment_max(neg, batch, num_segments=G)
        mx = jnp.where(jnp.isfinite(mx), mx, 0.0)
        sm = jax.ops.segment_sum(h * mask[:, None], batch, num_segments=G)
        cn = jnp.maximum(jnp.asarray(cnts, dtype=h.dtype), 1.0)[:, None]
        return jnp.concatenate([mx, sm / cn], axis=1)

    def bn(z, g, b):
        mu = jnp.mean(z, axis=0)
        var = jnp.mean((z - mu) ** 2, axis=0)
        return (z - mu) / jnp.sqrt(var + 1e-5) * g + b

    h = jax.nn.relu(graph_conv(h, mask, W_rel1, b_rel1, W_root1))
    h, mask = topk_pool(h, mask, pw1, k1)
    x1 = gpool(h, mask, k1)
    h = jax.nn.relu(graph_conv(h, mask, W_rel2, b_rel2, W_root2))
    h, mask = topk_pool(h, mask, pw2, k2)
    x2 = gpool(h, mask, k2)
    h = jax.nn.relu(graph_conv(h, mask, W_rel3, b_rel3, W_root3))
    h, mask = topk_pool(h, mask, pw3, k3)
    x3 = gpool(h, mask, k3)

    xg = x1 + x2 + x3
    z = jax.nn.relu(bn(xg @ fc1_W.T + fc1_b, bn1_g, bn1_b))
    z = jax.nn.relu(bn(z @ fc2_W.T + fc2_b, bn2_g, bn2_b))
    z = jax.nn.relu(z)  # dropout = identity in eval mode, then F.relu
    per_node = jnp.take(z, batch, axis=0)
    out = jax.nn.sigmoid(jnp.sum(emb_item * per_node, axis=1))
    return out

if __name__ == "__main__":
    import jax
    _d = setup_inputs()
    print(jax.jit(kernel)(*tuple(_d.values())))

</pallas_src>

<mosaic_0001>
#map = affine_map<(d0, d1) -> (0, 0, 0)>
#map1 = affine_map<(d0, d1) -> (0, 0)>
module attributes {stable_mosaic.version = 14 : i64} {
  func.func @segsum(%arg0: i32, %arg1: i32, %arg2: memref<8x50048x16xf32, #tpu.memory_space<hbm>>, %arg3: memref<6272x128xi32, #tpu.memory_space<hbm>>, %arg4: memref<6272x128xi32, #tpu.memory_space<hbm>>, %arg5: memref<3128x16xf32, #tpu.memory_space<hbm>>, %arg6: memref<8x50048x16xf32, #tpu.memory_space<hbm>>, %arg7: memref<8x128xi32, #tpu.memory_space<vmem>>, %arg8: memref<8x128xi32, #tpu.memory_space<vmem>>, %arg9: memref<8x128x16xf32, #tpu.memory_space<vmem>>, %arg10: memref<3128x16xf32, #tpu.memory_space<vmem>>, %arg11: memref<50048x16xf32, #tpu.memory_space<vmem_shared>>, %arg12: memref<!tpu.dma_semaphore, #tpu.memory_space<semaphore_mem>>, %arg13: memref<!tpu.dma_semaphore, #tpu.memory_space<semaphore_mem>>) attributes {dimension_semantics = [#tpu.dimension_semantics<core_parallel>, #tpu.dimension_semantics<subcore_parallel>], iteration_bounds = array<i64: 2, 16>, scalar_prefetch = 0 : i64, scratch_operands = 7 : i64, tpu.core_type = #tpu.core_type<sc_vector_subcore>, window_params = [{transform_indices = #map}, {transform_indices = #map1}, {transform_indices = #map1}, {transform_indices = #map1}, {transform_indices = #map}]} {
    %mul3A = arith.constant 4 : i32
    %mul3A_0 = arith.muli %arg0, %mul3A : i32
    %add3A = arith.constant 0 : i32
    %add3A_1 = arith.addi %mul3A_0, %add3A : i32
    "tpu.region"() ({
      %run_scoped3A = tpu.sem_alloc : memref<!tpu.dma_semaphore, #tpu.memory_space<semaphore_mem>>
      tpu.enqueue_dma source(%arg5 : memref<3128x16xf32, #tpu.memory_space<hbm>>) target(%arg10 : memref<3128x16xf32, #tpu.memory_space<vmem>>) target_semaphore(%run_scoped3A : memref<!tpu.dma_semaphore, #tpu.memory_space<semaphore_mem>>)
      tpu.wait_dma2 semaphore(%run_scoped3A : memref<!tpu.dma_semaphore, #tpu.memory_space<semaphore_mem>>) src(%arg5 : memref<3128x16xf32, #tpu.memory_space<hbm>>) dst(%arg10 : memref<3128x16xf32, #tpu.memory_space<vmem>>)
      tpu.yield
    }) : () -> ()
    %mul3A_2 = arith.constant 3128 : i32
    %mul3A_3 = arith.muli %arg1, %mul3A_2 : i32
    "tpu.region"() ({
      %run_scoped3A = tpu.sem_alloc : memref<!tpu.dma_semaphore, #tpu.memory_space<semaphore_mem>>
      %dma_start3A = arith.constant 0 : i32
      %dma_start3A_60 = tpu.memref_slice %arg11[%mul3A_3, %dma_start3A] : memref<50048x16xf32, #tpu.memory_space<vmem_shared>> -> memref<3128x16xf32, #tpu.memory_space<vmem_shared>>
      %dma_start3A_61 = arith.constant 0 : i32
      %dma_start3A_62 = tpu.memref_slice %arg11[%mul3A_3, %dma_start3A_61] : memref<50048x16xf32, #tpu.memory_space<vmem_shared>> -> memref<3128x16xf32, #tpu.memory_space<vmem_shared>>
      tpu.enqueue_dma source(%arg10 : memref<3128x16xf32, #tpu.memory_space<vmem>>) target(%dma_start3A_62 : memref<3128x16xf32, #tpu.memory_space<vmem_shared>>) target_semaphore(%run_scoped3A : memref<!tpu.dma_semaphore, #tpu.memory_space<semaphore_mem>>)
      %dma_wait3A = arith.constant 0 : i32
      %dma_wait3A_63 = tpu.memref_slice %arg11[%mul3A_3, %dma_wait3A] : memref<50048x16xf32, #tpu.memory_space<vmem_shared>> -> memref<3128x16xf32, #tpu.memory_space<vmem_shared>>
      %dma_wait3A_64 = arith.constant 0 : i32
      %dma_wait3A_65 = tpu.memref_slice %arg11[%mul3A_3, %dma_wait3A_64] : memref<50048x16xf32, #tpu.memory_space<vmem_shared>> -> memref<3128x16xf32, #tpu.memory_space<vmem_shared>>
      tpu.wait_dma2 semaphore(%run_scoped3A : memref<!tpu.dma_semaphore, #tpu.memory_space<semaphore_mem>>) src(%arg10 : memref<3128x16xf32, #tpu.memory_space<vmem>>) dst(%dma_wait3A_65 : memref<3128x16xf32, #tpu.memory_space<vmem_shared>>)
      tpu.yield
    }) : () -> ()
    %barrier3A = arith.constant 0 : index
    tpu.barrier barrier_id(%barrier3A)
    %scan3A = arith.constant 0 : i32
    %scan3A_4 = arith.constant 49 : i32
    %scan3A_5 = arith.addi %scan3A, %scan3A_4 : i32
    %scan3A_6 = arith.constant 1 : i32
    scf.for %scan3A_60 = %scan3A to %scan3A_5 step %scan3A_6  : i32 {
      %mul3A_61 = arith.constant 1 : i32
      %mul3A_62 = arith.muli %scan3A_60, %mul3A_61 : i32
      %add3A_63 = arith.constant 0 : i32
      %add3A_64 = arith.addi %add3A_63, %mul3A_62 : i32
      %mul3A_65 = arith.constant 392 : i32
      %mul3A_66 = arith.muli %arg1, %mul3A_65 : i32
      %mul3A_67 = arith.constant 8 : i32
      %mul3A_68 = arith.muli %add3A_64, %mul3A_67 : i32
      %add3A_69 = arith.addi %mul3A_66, %mul3A_68 : i32
      "tpu.region"() ({
        %run_scoped3A = tpu.sem_alloc : memref<!tpu.dma_semaphore, #tpu.memory_space<semaphore_mem>>
        %dma_start3A_516 = arith.constant 0 : i32
        %dma_start3A_517 = tpu.memref_slice %arg3[%add3A_69, %dma_start3A_516] : memref<6272x128xi32, #tpu.memory_space<hbm>> -> memref<8x128xi32, #tpu.memory_space<hbm>>
        %dma_start3A_518 = arith.constant 0 : i32
        %dma_start3A_519 = tpu.memref_slice %arg3[%add3A_69, %dma_start3A_518] : memref<6272x128xi32, #tpu.memory_space<hbm>> -> memref<8x128xi32, #tpu.memory_space<hbm>>
        tpu.enqueue_dma source(%dma_start3A_519 : memref<8x128xi32, #tpu.memory_space<hbm>>) target(%arg7 : memref<8x128xi32, #tpu.memory_space<vmem>>) target_semaphore(%run_scoped3A : memref<!tpu.dma_semaphore, #tpu.memory_space<semaphore_mem>>)
        %dma_wait3A_520 = arith.constant 0 : i32
        %dma_wait3A_521 = tpu.memref_slice %arg3[%add3A_69, %dma_wait3A_520] : memref<6272x128xi32, #tpu.memory_space<hbm>> -> memref<8x128xi32, #tpu.memory_space<hbm>>
        %dma_wait3A_522 = arith.constant 0 : i32
        %dma_wait3A_523 = tpu.memref_slice %arg3[%add3A_69, %dma_wait3A_522] : memref<6272x128xi32, #tpu.memory_space<hbm>> -> memref<8x128xi32, #tpu.memory_space<hbm>>
        tpu.wait_dma2 semaphore(%run_scoped3A : memref<!tpu.dma_semaphore, #tpu.memory_space<semaphore_mem>>) src(%dma_wait3A_523 : memref<8x128xi32, #tpu.memory_space<hbm>>) dst(%arg7 : memref<8x128xi32, #tpu.memory_space<vmem>>)
        tpu.yield
      }) : () -> ()
      "tpu.region"() ({
        %run_scoped3A = tpu.sem_alloc : memref<!tpu.dma_semaphore, #tpu.memory_space<semaphore_mem>>
        %dma_start3A_516 = arith.constant 0 : i32
        %dma_start3A_517 = tpu.memref_slice %arg4[%add3A_69, %dma_start3A_516] : memref<6272x128xi32, #tpu.memory_space<hbm>> -> memref<8x128xi32, #tpu.memory_space<hbm>>
        %dma_start3A_518 = arith.constant 0 : i32
        %dma_start3A_519 = tpu.memref_slice %arg4[%add3A_69, %dma_start3A_518] : memref<6272x128xi32, #tpu.memory_space<hbm>> -> memref<8x128xi32, #tpu.memory_space<hbm>>
        tpu.enqueue_dma source(%dma_start3A_519 : memref<8x128xi32, #tpu.memory_space<hbm>>) target(%arg8 : memref<8x128xi32, #tpu.memory_space<vmem>>) target_semaphore(%run_scoped3A : memref<!tpu.dma_semaphore, #tpu.memory_space<semaphore_mem>>)
        %dma_wait3A_520 = arith.constant 0 : i32
        %dma_wait3A_521 = tpu.memref_slice %arg4[%add3A_69, %dma_wait3A_520] : memref<6272x128xi32, #tpu.memory_space<hbm>> -> memref<8x128xi32, #tpu.memory_space<hbm>>
        %dma_wait3A_522 = arith.constant 0 : i32
        %dma_wait3A_523 = tpu.memref_slice %arg4[%add3A_69, %dma_wait3A_522] : memref<6272x128xi32, #tpu.memory_space<hbm>> -> memref<8x128xi32, #tpu.memory_space<hbm>>
        tpu.wait_dma2 semaphore(%run_scoped3A : memref<!tpu.dma_semaphore, #tpu.memory_space<semaphore_mem>>) src(%dma_wait3A_523 : memref<8x128xi32, #tpu.memory_space<hbm>>) dst(%arg8 : memref<8x128xi32, #tpu.memory_space<vmem>>)
        tpu.yield
      }) : () -> ()
      %dma_start3A = arith.constant 0 : i32
      %dma_start3A_70 = arith.constant 0 : i32
      %dma_start3A_71 = arith.constant 0 : i32
      %dma_start3A_72 = arith.constant 0 : i32
      %dma_start3A_73 = tpu.memref_slice %arg9[%dma_start3A_70, %dma_start3A_71, %dma_start3A_72] : memref<8x128x16xf32, #tpu.memory_space<vmem>> -> memref<1x128x16xf32, #tpu.memory_space<vmem>>
      %dma_start3A_74 = tpu.memref_squeeze %dma_start3A_73 : memref<1x128x16xf32, #tpu.memory_space<vmem>> -> memref<128x16xf32, #tpu.memory_space<vmem>>
      %dma_start3A_75 = arith.constant 0 : i32
      %dma_start3A_76 = tpu.memref_slice %arg7[%dma_start3A, %dma_start3A_75] : memref<8x128xi32, #tpu.memory_space<vmem>> -> memref<1x128xi32, #tpu.memory_space<vmem>>
      %dma_start3A_77 = tpu.memref_squeeze %dma_start3A_76 : memref<1x128xi32, #tpu.memory_space<vmem>> -> memref<128xi32, #tpu.memory_space<vmem>>
      %dma_start3A_78 = arith.constant 0 : i32
      %dma_start3A_79 = arith.constant 0 : i32
      %dma_start3A_80 = tpu.memref_slice %arg2[%add3A_1, %dma_start3A_78, %dma_start3A_79] : memref<8x50048x16xf32, #tpu.memory_space<hbm>> -> memref<1x50048x16xf32, #tpu.memory_space<hbm>>
      %dma_start3A_81 = tpu.memref_squeeze %dma_start3A_80 : memref<1x50048x16xf32, #tpu.memory_space<hbm>> -> memref<50048x16xf32, #tpu.memory_space<hbm>>
      %dma_start3A_82 = arith.constant 0 : i32
      %dma_start3A_83 = arith.constant 0 : i32
      %dma_start3A_84 = tpu.memref_slice %dma_start3A_81[%dma_start3A_82, %dma_start3A_83] : memref<50048x16xf32, #tpu.memory_space<hbm>> -> memref<50048x16xf32, #tpu.memory_space<hbm>>
      tpu.enqueue_indirect_dma source(%dma_start3A_84 : memref<50048x16xf32, #tpu.memory_space<hbm>>) target(%dma_start3A_74 : memref<128x16xf32, #tpu.memory_space<vmem>>) offsets(%dma_start3A_77 : memref<128xi32, #tpu.memory_space<vmem>>) semaphore(%arg12 : memref<!tpu.dma_semaphore, #tpu.memory_space<semaphore_mem>>)
      %dma_start3A_85 = arith.constant 1 : i32
      %dma_start3A_86 = arith.constant 1 : i32
      %dma_start3A_87 = arith.constant 0 : i32
      %dma_start3A_88 = arith.constant 0 : i32
      %dma_start3A_89 = tpu.memref_slice %arg9[%dma_start3A_86, %dma_start3A_87, %dma_start3A_88] : memref<8x128x16xf32, #tpu.memory_space<vmem>> -> memref<1x128x16xf32, #tpu.memory_space<vmem>>
      %dma_start3A_90 = tpu.memref_squeeze %dma_start3A_89 : memref<1x128x16xf32, #tpu.memory_space<vmem>> -> memref<128x16xf32, #tpu.memory_space<vmem>>
      %dma_start3A_91 = arith.constant 0 : i32
      %dma_start3A_92 = tpu.memref_slice %arg7[%dma_start3A_85, %dma_start3A_91] : memref<8x128xi32, #tpu.memory_space<vmem>> -> memref<1x128xi32, #tpu.memory_space<vmem>>
      %dma_start3A_93 = tpu.memref_squeeze %dma_start3A_92 : memref<1x128xi32, #tpu.memory_space<vmem>> -> memref<128xi32, #tpu.memory_space<vmem>>
      %dma_start3A_94 = arith.constant 0 : i32
      %dma_start3A_95 = arith.constant 0 : i32
      %dma_start3A_96 = tpu.memref_slice %arg2[%add3A_1, %dma_start3A_94, %dma_start3A_95] : memref<8x50048x16xf32, #tpu.memory_space<hbm>> -> memref<1x50048x16xf32, #tpu.memory_space<hbm>>
      %dma_start3A_97 = tpu.memref_squeeze %dma_start3A_96 : memref<1x50048x16xf32, #tpu.memory_space<hbm>> -> memref<50048x16xf32, #tpu.memory_space<hbm>>
      %dma_start3A_98 = arith.constant 0 : i32
      %dma_start3A_99 = arith.constant 0 : i32
      %dma_start3A_100 = tpu.memref_slice %dma_start3A_97[%dma_start3A_98, %dma_start3A_99] : memref<50048x16xf32, #tpu.memory_space<hbm>> -> memref<50048x16xf32, #tpu.memory_space<hbm>>
      tpu.enqueue_indirect_dma source(%dma_start3A_100 : memref<50048x16xf32, #tpu.memory_space<hbm>>) target(%dma_start3A_90 : memref<128x16xf32, #tpu.memory_space<vmem>>) offsets(%dma_start3A_93 : memref<128xi32, #tpu.memory_space<vmem>>) semaphore(%arg12 : memref<!tpu.dma_semaphore, #tpu.memory_space<semaphore_mem>>)
      %dma_start3A_101 = arith.constant 2 : i32
      %dma_start3A_102 = arith.constant 2 : i32
      %dma_start3A_103 = arith.constant 0 : i32
      %dma_start3A_104 = arith.constant 0 : i32
      %dma_start3A_105 = tpu.memref_slice %arg9[%dma_start3A_102, %dma_start3A_103, %dma_start3A_104] : memref<8x128x16xf32, #tpu.memory_space<vmem>> -> memref<1x128x16xf32, #tpu.memory_space<vmem>>
      %dma_start3A_106 = tpu.memref_squeeze %dma_start3A_105 : memref<1x128x16xf32, #tpu.memory_space<vmem>> -> memref<128x16xf32, #tpu.memory_space<vmem>>
      %dma_start3A_107 = arith.constant 0 : i32
      %dma_start3A_108 = tpu.memref_slice %arg7[%dma_start3A_101, %dma_start3A_107] : memref<8x128xi32, #tpu.memory_space<vmem>> -> memref<1x128xi32, #tpu.memory_space<vmem>>
      %dma_start3A_109 = tpu.memref_squeeze %dma_start3A_108 : memref<1x128xi32, #tpu.memory_space<vmem>> -> memref<128xi32, #tpu.memory_space<vmem>>
      %dma_start3A_110 = arith.constant 0 : i32
      %dma_start3A_111 = arith.constant 0 : i32
      %dma_start3A_112 = tpu.memref_slice %arg2[%add3A_1, %dma_start3A_110, %dma_start3A_111] : memref<8x50048x16xf32, #tpu.memory_space<hbm>> -> memref<1x50048x16xf32, #tpu.memory_space<hbm>>
      %dma_start3A_113 = tpu.memref_squeeze %dma_start3A_112 : memref<1x50048x16xf32, #tpu.memory_space<hbm>> -> memref<50048x16xf32, #tpu.memory_space<hbm>>
      %dma_start3A_114 = arith.constant 0 : i32
      %dma_start3A_115 = arith.constant 0 : i32
      %dma_start3A_116 = tpu.memref_slice %dma_start3A_113[%dma_start3A_114, %dma_start3A_115] : memref<50048x16xf32, #tpu.memory_space<hbm>> -> memref<50048x16xf32, #tpu.memory_space<hbm>>
      tpu.enqueue_indirect_dma source(%dma_start3A_116 : memref<50048x16xf32, #tpu.memory_space<hbm>>) target(%dma_start3A_106 : memref<128x16xf32, #tpu.memory_space<vmem>>) offsets(%dma_start3A_109 : memref<128xi32, #tpu.memory_space<vmem>>) semaphore(%arg12 : memref<!tpu.dma_semaphore, #tpu.memory_space<semaphore_mem>>)
      %dma_start3A_117 = arith.constant 3 : i32
      %dma_start3A_118 = arith.constant 3 : i32
      %dma_start3A_119 = arith.constant 0 : i32
      %dma_start3A_120 = arith.constant 0 : i32
      %dma_start3A_121 = tpu.memref_slice %arg9[%dma_start3A_118, %dma_start3A_119, %dma_start3A_120] : memref<8x128x16xf32, #tpu.memory_space<vmem>> -> memref<1x128x16xf32, #tpu.memory_space<vmem>>
      %dma_start3A_122 = tpu.memref_squeeze %dma_start3A_121 : memref<1x128x16xf32, #tpu.memory_space<vmem>> -> memref<128x16xf32, #tpu.memory_space<vmem>>
      %dma_start3A_123 = arith.constant 0 : i32
      %dma_start3A_124 = tpu.memref_slice %arg7[%dma_start3A_117, %dma_start3A_123] : memref<8x128xi32, #tpu.memory_space<vmem>> -> memref<1x128xi32, #tpu.memory_space<vmem>>
      %dma_start3A_125 = tpu.memref_squeeze %dma_start3A_124 : memref<1x128xi32, #tpu.memory_space<vmem>> -> memref<128xi32, #tpu.memory_space<vmem>>
      %dma_start3A_126 = arith.constant 0 : i32
      %dma_start3A_127 = arith.constant 0 : i32
      %dma_start3A_128 = tpu.memref_slice %arg2[%add3A_1, %dma_start3A_126, %dma_start3A_127] : memref<8x50048x16xf32, #tpu.memory_space<hbm>> -> memref<1x50048x16xf32, #tpu.memory_space<hbm>>
      %dma_start3A_129 = tpu.memref_squeeze %dma_start3A_128 : memref<1x50048x16xf32, #tpu.memory_space<hbm>> -> memref<50048x16xf32, #tpu.memory_space<hbm>>
      %dma_start3A_130 = arith.constant 0 : i32
      %dma_start3A_131 = arith.constant 0 : i32
      %dma_start3A_132 = tpu.memref_slice %dma_start3A_129[%dma_start3A_130, %dma_start3A_131] : memref<50048x16xf32, #tpu.memory_space<hbm>> -> memref<50048x16xf32, #tpu.memory_space<hbm>>
      tpu.enqueue_indirect_dma source(%dma_start3A_132 : memref<50048x16xf32, #tpu.memory_space<hbm>>) target(%dma_start3A_122 : memref<128x16xf32, #tpu.memory_space<vmem>>) offsets(%dma_start3A_125 : memref<128xi32, #tpu.memory_space<vmem>>) semaphore(%arg12 : memref<!tpu.dma_semaphore, #tpu.memory_space<semaphore_mem>>)
      %dma_start3A_133 = arith.constant 4 : i32
      %dma_start3A_134 = arith.constant 4 : i32
      %dma_start3A_135 = arith.constant 0 : i32
      %dma_start3A_136 = arith.constant 0 : i32
      %dma_start3A_137 = tpu.memref_slice %arg9[%dma_start3A_134, %dma_start3A_135, %dma_start3A_136] : memref<8x128x16xf32, #tpu.memory_space<vmem>> -> memref<1x128x16xf32, #tpu.memory_space<vmem>>
      %dma_start3A_138 = tpu.memref_squeeze %dma_start3A_137 : memref<1x128x16xf32, #tpu.memory_space<vmem>> -> memref<128x16xf32, #tpu.memory_space<vmem>>
      %dma_start3A_139 = arith.constant 0 : i32
      %dma_start3A_140 = tpu.memref_slice %arg7[%dma_start3A_133, %dma_start3A_139] : memref<8x128xi32, #tpu.memory_space<vmem>> -> memref<1x128xi32, #tpu.memory_space<vmem>>
      %dma_start3A_141 = tpu.memref_squeeze %dma_start3A_140 : memref<1x128xi32, #tpu.memory_space<vmem>> -> memref<128xi32, #tpu.memory_space<vmem>>
      %dma_start3A_142 = arith.constant 0 : i32
      %dma_start3A_143 = arith.constant 0 : i32
      %dma_start3A_144 = tpu.memref_slice %arg2[%add3A_1, %dma_start3A_142, %dma_start3A_143] : memref<8x50048x16xf32, #tpu.memory_space<hbm>> -> memref<1x50048x16xf32, #tpu.memory_space<hbm>>
      %dma_start3A_145 = tpu.memref_squeeze %dma_start3A_144 : memref<1x50048x16xf32, #tpu.memory_space<hbm>> -> memref<50048x16xf32, #tpu.memory_space<hbm>>
      %dma_start3A_146 = arith.constant 0 : i32
      %dma_start3A_147 = arith.constant 0 : i32
      %dma_start3A_148 = tpu.memref_slice %dma_start3A_145[%dma_start3A_146, %dma_start3A_147] : memref<50048x16xf32, #tpu.memory_space<hbm>> -> memref<50048x16xf32, #tpu.memory_space<hbm>>
      tpu.enqueue_indirect_dma source(%dma_start3A_148 : memref<50048x16xf32, #tpu.memory_space<hbm>>) target(%dma_start3A_138 : memref<128x16xf32, #tpu.memory_space<vmem>>) offsets(%dma_start3A_141 : memref<128xi32, #tpu.memory_space<vmem>>) semaphore(%arg12 : memref<!tpu.dma_semaphore, #tpu.memory_space<semaphore_mem>>)
      %dma_start3A_149 = arith.constant 5 : i32
      %dma_start3A_150 = arith.constant 5 : i32
      %dma_start3A_151 = arith.constant 0 : i32
      %dma_start3A_152 = arith.constant 0 : i32
      %dma_start3A_153 = tpu.memref_slice %arg9[%dma_start3A_150, %dma_start3A_151, %dma_start3A_152] : memref<8x128x16xf32, #tpu.memory_space<vmem>> -> memref<1x128x16xf32, #tpu.memory_space<vmem>>
      %dma_start3A_154 = tpu.memref_squeeze %dma_start3A_153 : memref<1x128x16xf32, #tpu.memory_space<vmem>> -> memref<128x16xf32, #tpu.memory_space<vmem>>
      %dma_start3A_155 = arith.constant 0 : i32
      %dma_start3A_156 = tpu.memref_slice %arg7[%dma_start3A_149, %dma_start3A_155] : memref<8x128xi32, #tpu.memory_space<vmem>> -> memref<1x128xi32, #tpu.memory_space<vmem>>
      %dma_start3A_157 = tpu.memref_squeeze %dma_start3A_156 : memref<1x128xi32, #tpu.memory_space<vmem>> -> memref<128xi32, #tpu.memory_space<vmem>>
      %dma_start3A_158 = arith.constant 0 : i32
      %dma_start3A_159 = arith.constant 0 : i32
      %dma_start3A_160 = tpu.memref_slice %arg2[%add3A_1, %dma_start3A_158, %dma_start3A_159] : memref<8x50048x16xf32, #tpu.memory_space<hbm>> -> memref<1x50048x16xf32, #tpu.memory_space<hbm>>
      %dma_start3A_161 = tpu.memref_squeeze %dma_start3A_160 : memref<1x50048x16xf32, #tpu.memory_space<hbm>> -> memref<50048x16xf32, #tpu.memory_space<hbm>>
      %dma_start3A_162 = arith.constant 0 : i32
      %dma_start3A_163 = arith.constant 0 : i32
      %dma_start3A_164 = tpu.memref_slice %dma_start3A_161[%dma_start3A_162, %dma_start3A_163] : memref<50048x16xf32, #tpu.memory_space<hbm>> -> memref<50048x16xf32, #tpu.memory_space<hbm>>
      tpu.enqueue_indirect_dma source(%dma_start3A_164 : memref<50048x16xf32, #tpu.memory_space<hbm>>) target(%dma_start3A_154 : memref<128x16xf32, #tpu.memory_space<vmem>>) offsets(%dma_start3A_157 : memref<128xi32, #tpu.memory_space<vmem>>) semaphore(%arg12 : memref<!tpu.dma_semaphore, #tpu.memory_space<semaphore_mem>>)
      %dma_start3A_165 = arith.constant 6 : i32
      %dma_start3A_166 = arith.constant 6 : i32
      %dma_start3A_167 = arith.constant 0 : i32
      %dma_start3A_168 = arith.constant 0 : i32
      %dma_start3A_169 = tpu.memref_slice %arg9[%dma_start3A_166, %dma_start3A_167, %dma_start3A_168] : memref<8x128x16xf32, #tpu.memory_space<vmem>> -> memref<1x128x16xf32, #tpu.memory_space<vmem>>
      %dma_start3A_170 = tpu.memref_squeeze %dma_start3A_169 : memref<1x128x16xf32, #tpu.memory_space<vmem>> -> memref<128x16xf32, #tpu.memory_space<vmem>>
      %dma_start3A_171 = arith.constant 0 : i32
      %dma_start3A_172 = tpu.memref_slice %arg7[%dma_start3A_165, %dma_start3A_171] : memref<8x128xi32, #tpu.memory_space<vmem>> -> memref<1x128xi32, #tpu.memory_space<vmem>>
      %dma_start3A_173 = tpu.memref_squeeze %dma_start3A_172 : memref<1x128xi32, #tpu.memory_space<vmem>> -> memref<128xi32, #tpu.memory_space<vmem>>
      %dma_start3A_174 = arith.constant 0 : i32
      %dma_start3A_175 = arith.constant 0 : i32
      %dma_start3A_176 = tpu.memref_slice %arg2[%add3A_1, %dma_start3A_174, %dma_start3A_175] : memref<8x50048x16xf32, #tpu.memory_space<hbm>> -> memref<1x50048x16xf32, #tpu.memory_space<hbm>>
      %dma_start3A_177 = tpu.memref_squeeze %dma_start3A_176 : memref<1x50048x16xf32, #tpu.memory_space<hbm>> -> memref<50048x16xf32, #tpu.memory_space<hbm>>
      %dma_start3A_178 = arith.constant 0 : i32
      %dma_start3A_179 = arith.constant 0 : i32
      %dma_start3A_180 = tpu.memref_slice %dma_start3A_177[%dma_start3A_178, %dma_start3A_179] : memref<50048x16xf32, #tpu.memory_space<hbm>> -> memref<50048x16xf32, #tpu.memory_space<hbm>>
      tpu.enqueue_indirect_dma source(%dma_start3A_180 : memref<50048x16xf32, #tpu.memory_space<hbm>>) target(%dma_start3A_170 : memref<128x16xf32, #tpu.memory_space<vmem>>) offsets(%dma_start3A_173 : memref<128xi32, #tpu.memory_space<vmem>>) semaphore(%arg12 : memref<!tpu.dma_semaphore, #tpu.memory_space<semaphore_mem>>)
      %dma_start3A_181 = arith.constant 7 : i32
      %dma_start3A_182 = arith.constant 7 : i32
      %dma_start3A_183 = arith.constant 0 : i32
      %dma_start3A_184 = arith.constant 0 : i32
      %dma_start3A_185 = tpu.memref_slice %arg9[%dma_start3A_182, %dma_start3A_183, %dma_start3A_184] : memref<8x128x16xf32, #tpu.memory_space<vmem>> -> memref<1x128x16xf32, #tpu.memory_space<vmem>>
      %dma_start3A_186 = tpu.memref_squeeze %dma_start3A_185 : memref<1x128x16xf32, #tpu.memory_space<vmem>> -> memref<128x16xf32, #tpu.memory_space<vmem>>
      %dma_start3A_187 = arith.constant 0 : i32
      %dma_start3A_188 = tpu.memref_slice %arg7[%dma_start3A_181, %dma_start3A_187] : memref<8x128xi32, #tpu.memory_space<vmem>> -> memref<1x128xi32, #tpu.memory_space<vmem>>
      %dma_start3A_189 = tpu.memref_squeeze %dma_start3A_188 : memref<1x128xi32, #tpu.memory_space<vmem>> -> memref<128xi32, #tpu.memory_space<vmem>>
      %dma_start3A_190 = arith.constant 0 : i32
      %dma_start3A_191 = arith.constant 0 : i32
      %dma_start3A_192 = tpu.memref_slice %arg2[%add3A_1, %dma_start3A_190, %dma_start3A_191] : memref<8x50048x16xf32, #tpu.memory_space<hbm>> -> memref<1x50048x16xf32, #tpu.memory_space<hbm>>
      %dma_start3A_193 = tpu.memref_squeeze %dma_start3A_192 : memref<1x50048x16xf32, #tpu.memory_space<hbm>> -> memref<50048x16xf32, #tpu.memory_space<hbm>>
      %dma_start3A_194 = arith.constant 0 : i32
      %dma_start3A_195 = arith.constant 0 : i32
      %dma_start3A_196 = tpu.memref_slice %dma_start3A_193[%dma_start3A_194, %dma_start3A_195] : memref<50048x16xf32, #tpu.memory_space<hbm>> -> memref<50048x16xf32, #tpu.memory_space<hbm>>
      tpu.enqueue_indirect_dma source(%dma_start3A_196 : memref<50048x16xf32, #tpu.memory_space<hbm>>) target(%dma_start3A_186 : memref<128x16xf32, #tpu.memory_space<vmem>>) offsets(%dma_start3A_189 : memref<128xi32, #tpu.memory_space<vmem>>) semaphore(%arg12 : memref<!tpu.dma_semaphore, #tpu.memory_space<semaphore_mem>>)
      %dma_wait3A = arith.constant 0 : i32
      %dma_wait3A_197 = arith.constant 0 : i32
      %dma_wait3A_198 = arith.constant 0 : i32
      %dma_wait3A_199 = arith.constant 0 : i32
      %dma_wait3A_200 = tpu.memref_slice %arg9[%dma_wait3A_197, %dma_wait3A_198, %dma_wait3A_199] : memref<8x128x16xf32, #tpu.memory_space<vmem>> -> memref<1x128x16xf32, #tpu.memory_space<vmem>>
      %dma_wait3A_201 = tpu.memref_squeeze %dma_wait3A_200 : memref<1x128x16xf32, #tpu.memory_space<vmem>> -> memref<128x16xf32, #tpu.memory_space<vmem>>
      %dma_wait3A_202 = arith.constant 0 : i32
      %dma_wait3A_203 = tpu.memref_slice %arg7[%dma_wait3A, %dma_wait3A_202] : memref<8x128xi32, #tpu.memory_space<vmem>> -> memref<1x128xi32, #tpu.memory_space<vmem>>
      %dma_wait3A_204 = tpu.memref_squeeze %dma_wait3A_203 : memref<1x128xi32, #tpu.memory_space<vmem>> -> memref<128xi32, #tpu.memory_space<vmem>>
      %dma_wait3A_205 = arith.constant 0 : i32
      %dma_wait3A_206 = arith.constant 0 : i32
      %dma_wait3A_207 = tpu.memref_slice %arg2[%add3A_1, %dma_wait3A_205, %dma_wait3A_206] : memref<8x50048x16xf32, #tpu.memory_space<hbm>> -> memref<1x50048x16xf32, #tpu.memory_space<hbm>>
      %dma_wait3A_208 = tpu.memref_squeeze %dma_wait3A_207 : memref<1x50048x16xf32, #tpu.memory_space<hbm>> -> memref<50048x16xf32, #tpu.memory_space<hbm>>
      %dma_wait3A_209 = arith.constant 0 : i32
      %dma_wait3A_210 = arith.constant 0 : i32
      %dma_wait3A_211 = tpu.memref_slice %dma_wait3A_208[%dma_wait3A_209, %dma_wait3A_210] : memref<50048x16xf32, #tpu.memory_space<hbm>> -> memref<50048x16xf32, #tpu.memory_space<hbm>>
      tpu.wait_indirect_dma semaphore(%arg12 : memref<!tpu.dma_semaphore, #tpu.memory_space<semaphore_mem>>) src(%dma_wait3A_211 : memref<50048x16xf32, #tpu.memory_space<hbm>>) dst(%dma_wait3A_201 : memref<128x16xf32, #tpu.memory_space<vmem>>)
      %dma_wait3A_212 = arith.constant 1 : i32
      %dma_wait3A_213 = arith.constant 1 : i32
      %dma_wait3A_214 = arith.constant 0 : i32
      %dma_wait3A_215 = arith.constant 0 : i32
      %dma_wait3A_216 = tpu.memref_slice %arg9[%dma_wait3A_213, %dma_wait3A_214, %dma_wait3A_215] : memref<8x128x16xf32, #tpu.memory_space<vmem>> -> memref<1x128x16xf32, #tpu.memory_space<vmem>>
      %dma_wait3A_217 = tpu.memref_squeeze %dma_wait3A_216 : memref<1x128x16xf32, #tpu.memory_space<vmem>> -> memref<128x16xf32, #tpu.memory_space<vmem>>
      %dma_wait3A_218 = arith.constant 0 : i32
      %dma_wait3A_219 = tpu.memref_slice %arg7[%dma_wait3A_212, %dma_wait3A_218] : memref<8x128xi32, #tpu.memory_space<vmem>> -> memref<1x128xi32, #tpu.memory_space<vmem>>
      %dma_wait3A_220 = tpu.memref_squeeze %dma_wait3A_219 : memref<1x128xi32, #tpu.memory_space<vmem>> -> memref<128xi32, #tpu.memory_space<vmem>>
      %dma_wait3A_221 = arith.constant 0 : i32
      %dma_wait3A_222 = arith.constant 0 : i32
      %dma_wait3A_223 = tpu.memref_slice %arg2[%add3A_1, %dma_wait3A_221, %dma_wait3A_222] : memref<8x50048x16xf32, #tpu.memory_space<hbm>> -> memref<1x50048x16xf32, #tpu.memory_space<hbm>>
      %dma_wait3A_224 = tpu.memref_squeeze %dma_wait3A_223 : memref<1x50048x16xf32, #tpu.memory_space<hbm>> -> memref<50048x16xf32, #tpu.memory_space<hbm>>
      %dma_wait3A_225 = arith.constant 0 : i32
      %dma_wait3A_226 = arith.constant 0 : i32
      %dma_wait3A_227 = tpu.memref_slice %dma_wait3A_224[%dma_wait3A_225, %dma_wait3A_226] : memref<50048x16xf32, #tpu.memory_space<hbm>> -> memref<50048x16xf32, #tpu.memory_space<hbm>>
      tpu.wait_indirect_dma semaphore(%arg12 : memref<!tpu.dma_semaphore, #tpu.memory_space<semaphore_mem>>) src(%dma_wait3A_227 : memref<50048x16xf32, #tpu.memory_space<hbm>>) dst(%dma_wait3A_217 : memref<128x16xf32, #tpu.memory_space<vmem>>)
      %dma_wait3A_228 = arith.constant 2 : i32
      %dma_wait3A_229 = arith.constant 2 : i32
      %dma_wait3A_230 = arith.constant 0 : i32
      %dma_wait3A_231 = arith.constant 0 : i32
      %dma_wait3A_232 = tpu.memref_slice %arg9[%dma_wait3A_229, %dma_wait3A_230, %dma_wait3A_231] : memref<8x128x16xf32, #tpu.memory_space<vmem>> -> memref<1x128x16xf32, #tpu.memory_space<vmem>>
      %dma_wait3A_233 = tpu.memref_squeeze %dma_wait3A_232 : memref<1x128x16xf32, #tpu.memory_space<vmem>> -> memref<128x16xf32, #tpu.memory_space<vmem>>
      %dma_wait3A_234 = arith.constant 0 : i32
      %dma_wait3A_235 = tpu.memref_slice %arg7[%dma_wait3A_228, %dma_wait3A_234] : memref<8x128xi32, #tpu.memory_space<vmem>> -> memref<1x128xi32, #tpu.memory_space<vmem>>
      %dma_wait3A_236 = tpu.memref_squeeze %dma_wait3A_235 : memref<1x128xi32, #tpu.memory_space<vmem>> -> memref<128xi32, #tpu.memory_space<vmem>>
      %dma_wait3A_237 = arith.constant 0 : i32
      %dma_wait3A_238 = arith.constant 0 : i32
      %dma_wait3A_239 = tpu.memref_slice %arg2[%add3A_1, %dma_wait3A_237, %dma_wait3A_238] : memref<8x50048x16xf32, #tpu.memory_space<hbm>> -> memref<1x50048x16xf32, #tpu.memory_space<hbm>>
      %dma_wait3A_240 = tpu.memref_squeeze %dma_wait3A_239 : memref<1x50048x16xf32, #tpu.memory_space<hbm>> -> memref<50048x16xf32, #tpu.memory_space<hbm>>
      %dma_wait3A_241 = arith.constant 0 : i32
      %dma_wait3A_242 = arith.constant 0 : i32
      %dma_wait3A_243 = tpu.memref_slice %dma_wait3A_240[%dma_wait3A_241, %dma_wait3A_242] : memref<50048x16xf32, #tpu.memory_space<hbm>> -> memref<50048x16xf32, #tpu.memory_space<hbm>>
      tpu.wait_indirect_dma semaphore(%arg12 : memref<!tpu.dma_semaphore, #tpu.memory_space<semaphore_mem>>) src(%dma_wait3A_243 : memref<50048x16xf32, #tpu.memory_space<hbm>>) dst(%dma_wait3A_233 : memref<128x16xf32, #tpu.memory_space<vmem>>)
      %dma_wait3A_244 = arith.constant 3 : i32
      %dma_wait3A_245 = arith.constant 3 : i32
      %dma_wait3A_246 = arith.constant 0 : i32
      %dma_wait3A_247 = arith.constant 0 : i32
      %dma_wait3A_248 = tpu.memref_slice %arg9[%dma_wait3A_245, %dma_wait3A_246, %dma_wait3A_247] : memref<8x128x16xf32, #tpu.memory_space<vmem>> -> memref<1x128x16xf32, #tpu.memory_space<vmem>>
      %dma_wait3A_249 = tpu.memref_squeeze %dma_wait3A_248 : memref<1x128x16xf32, #tpu.memory_space<vmem>> -> memref<128x16xf32, #tpu.memory_space<vmem>>
      %dma_wait3A_250 = arith.constant 0 : i32
      %dma_wait3A_251 = tpu.memref_slice %arg7[%dma_wait3A_244, %dma_wait3A_250] : memref<8x128xi32, #tpu.memory_space<vmem>> -> memref<1x128xi32, #tpu.memory_space<vmem>>
      %dma_wait3A_252 = tpu.memref_squeeze %dma_wait3A_251 : memref<1x128xi32, #tpu.memory_space<vmem>> -> memref<128xi32, #tpu.memory_space<vmem>>
      %dma_wait3A_253 = arith.constant 0 : i32
      %dma_wait3A_254 = arith.constant 0 : i32
      %dma_wait3A_255 = tpu.memref_slice %arg2[%add3A_1, %dma_wait3A_253, %dma_wait3A_254] : memref<8x50048x16xf32, #tpu.memory_space<hbm>> -> memref<1x50048x16xf32, #tpu.memory_space<hbm>>
      %dma_wait3A_256 = tpu.memref_squeeze %dma_wait3A_255 : memref<1x50048x16xf32, #tpu.memory_space<hbm>> -> memref<50048x16xf32, #tpu.memory_space<hbm>>
      %dma_wait3A_257 = arith.constant 0 : i32
      %dma_wait3A_258 = arith.constant 0 : i32
      %dma_wait3A_259 = tpu.memref_slice %dma_wait3A_256[%dma_wait3A_257, %dma_wait3A_258] : memref<50048x16xf32, #tpu.memory_space<hbm>> -> memref<50048x16xf32, #tpu.memory_space<hbm>>
      tpu.wait_indirect_dma semaphore(%arg12 : memref<!tpu.dma_semaphore, #tpu.memory_space<semaphore_mem>>) src(%dma_wait3A_259 : memref<50048x16xf32, #tpu.memory_space<hbm>>) dst(%dma_wait3A_249 : memref<128x16xf32, #tpu.memory_space<vmem>>)
      %dma_wait3A_260 = arith.constant 4 : i32
      %dma_wait3A_261 = arith.constant 4 : i32
      %dma_wait3A_262 = arith.constant 0 : i32
      %dma_wait3A_263 = arith.constant 0 : i32
      %dma_wait3A_264 = tpu.memref_slice %arg9[%dma_wait3A_261, %dma_wait3A_262, %dma_wait3A_263] : memref<8x128x16xf32, #tpu.memory_space<vmem>> -> memref<1x128x16xf32, #tpu.memory_space<vmem>>
      %dma_wait3A_265 = tpu.memref_squeeze %dma_wait3A_264 : memref<1x128x16xf32, #tpu.memory_space<vmem>> -> memref<128x16xf32, #tpu.memory_space<vmem>>
      %dma_wait3A_266 = arith.constant 0 : i32
      %dma_wait3A_267 = tpu.memref_slice %arg7[%dma_wait3A_260, %dma_wait3A_266] : memref<8x128xi32, #tpu.memory_space<vmem>> -> memref<1x128xi32, #tpu.memory_space<vmem>>
      %dma_wait3A_268 = tpu.memref_squeeze %dma_wait3A_267 : memref<1x128xi32, #tpu.memory_space<vmem>> -> memref<128xi32, #tpu.memory_space<vmem>>
      %dma_wait3A_269 = arith.constant 0 : i32
      %dma_wait3A_270 = arith.constant 0 : i32
      %dma_wait3A_271 = tpu.memref_slice %arg2[%add3A_1, %dma_wait3A_269, %dma_wait3A_270] : memref<8x50048x16xf32, #tpu.memory_space<hbm>> -> memref<1x50048x16xf32, #tpu.memory_space<hbm>>
      %dma_wait3A_272 = tpu.memref_squeeze %dma_wait3A_271 : memref<1x50048x16xf32, #tpu.memory_space<hbm>> -> memref<50048x16xf32, #tpu.memory_space<hbm>>
      %dma_wait3A_273 = arith.constant 0 : i32
      %dma_wait3A_274 = arith.constant 0 : i32
      %dma_wait3A_275 = tpu.memref_slice %dma_wait3A_272[%dma_wait3A_273, %dma_wait3A_274] : memref<50048x16xf32, #tpu.memory_space<hbm>> -> memref<50048x16xf32, #tpu.memory_space<hbm>>
      tpu.wait_indirect_dma semaphore(%arg12 : memref<!tpu.dma_semaphore, #tpu.memory_space<semaphore_mem>>) src(%dma_wait3A_275 : memref<50048x16xf32, #tpu.memory_space<hbm>>) dst(%dma_wait3A_265 : memref<128x16xf32, #tpu.memory_space<vmem>>)
      %dma_wait3A_276 = arith.constant 5 : i32
      %dma_wait3A_277 = arith.constant 5 : i32
      %dma_wait3A_278 = arith.constant 0 : i32
      %dma_wait3A_279 = arith.constant 0 : i32
      %dma_wait3A_280 = tpu.memref_slice %arg9[%dma_wait3A_277, %dma_wait3A_278, %dma_wait3A_279] : memref<8x128x16xf32, #tpu.memory_space<vmem>> -> memref<1x128x16xf32, #tpu.memory_space<vmem>>
      %dma_wait3A_281 = tpu.memref_squeeze %dma_wait3A_280 : memref<1x128x16xf32, #tpu.memory_space<vmem>> -> memref<128x16xf32, #tpu.memory_space<vmem>>
      %dma_wait3A_282 = arith.constant 0 : i32
      %dma_wait3A_283 = tpu.memref_slice %arg7[%dma_wait3A_276, %dma_wait3A_282] : memref<8x128xi32, #tpu.memory_space<vmem>> -> memref<1x128xi32, #tpu.memory_space<vmem>>
      %dma_wait3A_284 = tpu.memref_squeeze %dma_wait3A_283 : memref<1x128xi32, #tpu.memory_space<vmem>> -> memref<128xi32, #tpu.memory_space<vmem>>
      %dma_wait3A_285 = arith.constant 0 : i32
      %dma_wait3A_286 = arith.constant 0 : i32
      %dma_wait3A_287 = tpu.memref_slice %arg2[%add3A_1, %dma_wait3A_285, %dma_wait3A_286] : memref<8x50048x16xf32, #tpu.memory_space<hbm>> -> memref<1x50048x16xf32, #tpu.memory_space<hbm>>
      %dma_wait3A_288 = tpu.memref_squeeze %dma_wait3A_287 : memref<1x50048x16xf32, #tpu.memory_space<hbm>> -> memref<50048x16xf32, #tpu.memory_space<hbm>>
      %dma_wait3A_289 = arith.constant 0 : i32
      %dma_wait3A_290 = arith.constant 0 : i32
      %dma_wait3A_291 = tpu.memref_slice %dma_wait3A_288[%dma_wait3A_289, %dma_wait3A_290] : memref<50048x16xf32, #tpu.memory_space<hbm>> -> memref<50048x16xf32, #tpu.memory_space<hbm>>
      tpu.wait_indirect_dma semaphore(%arg12 : memref<!tpu.dma_semaphore, #tpu.memory_space<semaphore_mem>>) src(%dma_wait3A_291 : memref<50048x16xf32, #tpu.memory_space<hbm>>) dst(%dma_wait3A_281 : memref<128x16xf32, #tpu.memory_space<vmem>>)
      %dma_wait3A_292 = arith.constant 6 : i32
      %dma_wait3A_293 = arith.constant 6 : i32
      %dma_wait3A_294 = arith.constant 0 : i32
      %dma_wait3A_295 = arith.constant 0 : i32
      %dma_wait3A_296 = tpu.memref_slice %arg9[%dma_wait3A_293, %dma_wait3A_294, %dma_wait3A_295] : memref<8x128x16xf32, #tpu.memory_space<vmem>> -> memref<1x128x16xf32, #tpu.memory_space<vmem>>
      %dma_wait3A_297 = tpu.memref_squeeze %dma_wait3A_296 : memref<1x128x16xf32, #tpu.memory_space<vmem>> -> memref<128x16xf32, #tpu.memory_space<vmem>>
      %dma_wait3A_298 = arith.constant 0 : i32
      %dma_wait3A_299 = tpu.memref_slice %arg7[%dma_wait3A_292, %dma_wait3A_298] : memref<8x128xi32, #tpu.memory_space<vmem>> -> memref<1x128xi32, #tpu.memory_space<vmem>>
      %dma_wait3A_300 = tpu.memref_squeeze %dma_wait3A_299 : memref<1x128xi32, #tpu.memory_space<vmem>> -> memref<128xi32, #tpu.memory_space<vmem>>
      %dma_wait3A_301 = arith.constant 0 : i32
      %dma_wait3A_302 = arith.constant 0 : i32
      %dma_wait3A_303 = tpu.memref_slice %arg2[%add3A_1, %dma_wait3A_301, %dma_wait3A_302] : memref<8x50048x16xf32, #tpu.memory_space<hbm>> -> memref<1x50048x16xf32, #tpu.memory_space<hbm>>
      %dma_wait3A_304 = tpu.memref_squeeze %dma_wait3A_303 : memref<1x50048x16xf32, #tpu.memory_space<hbm>> -> memref<50048x16xf32, #tpu.memory_space<hbm>>
      %dma_wait3A_305 = arith.constant 0 : i32
      %dma_wait3A_306 = arith.constant 0 : i32
      %dma_wait3A_307 = tpu.memref_slice %dma_wait3A_304[%dma_wait3A_305, %dma_wait3A_306] : memref<50048x16xf32, #tpu.memory_space<hbm>> -> memref<50048x16xf32, #tpu.memory_space<hbm>>
      tpu.wait_indirect_dma semaphore(%arg12 : memref<!tpu.dma_semaphore, #tpu.memory_space<semaphore_mem>>) src(%dma_wait3A_307 : memref<50048x16xf32, #tpu.memory_space<hbm>>) dst(%dma_wait3A_297 : memref<128x16xf32, #tpu.memory_space<vmem>>)
      %dma_wait3A_308 = arith.constant 7 : i32
      %dma_wait3A_309 = arith.constant 7 : i32
      %dma_wait3A_310 = arith.constant 0 : i32
      %dma_wait3A_311 = arith.constant 0 : i32
      %dma_wait3A_312 = tpu.memref_slice %arg9[%dma_wait3A_309, %dma_wait3A_310, %dma_wait3A_311] : memref<8x128x16xf32, #tpu.memory_space<vmem>> -> memref<1x128x16xf32, #tpu.memory_space<vmem>>
      %dma_wait3A_313 = tpu.memref_squeeze %dma_wait3A_312 : memref<1x128x16xf32, #tpu.memory_space<vmem>> -> memref<128x16xf32, #tpu.memory_space<vmem>>
      %dma_wait3A_314 = arith.constant 0 : i32
      %dma_wait3A_315 = tpu.memref_slice %arg7[%dma_wait3A_308, %dma_wait3A_314] : memref<8x128xi32, #tpu.memory_space<vmem>> -> memref<1x128xi32, #tpu.memory_space<vmem>>
      %dma_wait3A_316 = tpu.memref_squeeze %dma_wait3A_315 : memref<1x128xi32, #tpu.memory_space<vmem>> -> memref<128xi32, #tpu.memory_space<vmem>>
      %dma_wait3A_317 = arith.constant 0 : i32
      %dma_wait3A_318 = arith.constant 0 : i32
      %dma_wait3A_319 = tpu.memref_slice %arg2[%add3A_1, %dma_wait3A_317, %dma_wait3A_318] : memref<8x50048x16xf32, #tpu.memory_space<hbm>> -> memref<1x50048x16xf32, #tpu.memory_space<hbm>>
      %dma_wait3A_320 = tpu.memref_squeeze %dma_wait3A_319 : memref<1x50048x16xf32, #tpu.memory_space<hbm>> -> memref<50048x16xf32, #tpu.memory_space<hbm>>
      %dma_wait3A_321 = arith.constant 0 : i32
      %dma_wait3A_322 = arith.constant 0 : i32
      %dma_wait3A_323 = tpu.memref_slice %dma_wait3A_320[%dma_wait3A_321, %dma_wait3A_322] : memref<50048x16xf32, #tpu.memory_space<hbm>> -> memref<50048x16xf32, #tpu.memory_space<hbm>>
      tpu.wait_indirect_dma semaphore(%arg12 : memref<!tpu.dma_semaphore, #tpu.memory_space<semaphore_mem>>) src(%dma_wait3A_323 : memref<50048x16xf32, #tpu.memory_space<hbm>>) dst(%dma_wait3A_313 : memref<128x16xf32, #tpu.memory_space<vmem>>)
      %dma_start3A_324 = arith.constant 0 : i32
      %dma_start3A_325 = arith.constant 0 : i32
      %dma_start3A_326 = arith.constant 0 : i32
      %dma_start3A_327 = arith.constant 0 : i32
      %dma_start3A_328 = tpu.memref_slice %arg9[%dma_start3A_324, %dma_start3A_326, %dma_start3A_327] : memref<8x128x16xf32, #tpu.memory_space<vmem>> -> memref<1x128x16xf32, #tpu.memory_space<vmem>>
      %dma_start3A_329 = tpu.memref_squeeze %dma_start3A_328 : memref<1x128x16xf32, #tpu.memory_space<vmem>> -> memref<128x16xf32, #tpu.memory_space<vmem>>
      %dma_start3A_330 = arith.constant 0 : i32
      %dma_start3A_331 = tpu.memref_slice %arg8[%dma_start3A_325, %dma_start3A_330] : memref<8x128xi32, #tpu.memory_space<vmem>> -> memref<1x128xi32, #tpu.memory_space<vmem>>
      %dma_start3A_332 = tpu.memref_squeeze %dma_start3A_331 : memref<1x128xi32, #tpu.memory_space<vmem>> -> memref<128xi32, #tpu.memory_space<vmem>>
      %dma_start3A_333 = arith.constant 0 : i32
      %dma_start3A_334 = arith.constant 0 : i32
      %dma_start3A_335 = tpu.memref_slice %arg11[%dma_start3A_333, %dma_start3A_334] : memref<50048x16xf32, #tpu.memory_space<vmem_shared>> -> memref<50048x16xf32, #tpu.memory_space<vmem_shared>>
      tpu.enqueue_indirect_dma source(%dma_start3A_329 : memref<128x16xf32, #tpu.memory_space<vmem>>) target(%dma_start3A_335 : memref<50048x16xf32, #tpu.memory_space<vmem_shared>>) offsets(%dma_start3A_332 : memref<128xi32, #tpu.memory_space<vmem>>) semaphore(%arg13 : memref<!tpu.dma_semaphore, #tpu.memory_space<semaphore_mem>>) {add = true}
      %dma_start3A_336 = arith.constant 1 : i32
      %dma_start3A_337 = arith.constant 1 : i32
      %dma_start3A_338 = arith.constant 0 : i32
      %dma_start3A_339 = arith.constant 0 : i32
      %dma_start3A_340 = tpu.memref_slice %arg9[%dma_start3A_336, %dma_start3A_338, %dma_start3A_339] : memref<8x128x16xf32, #tpu.memory_space<vmem>> -> memref<1x128x16xf32, #tpu.memory_space<vmem>>
      %dma_start3A_341 = tpu.memref_squeeze %dma_start3A_340 : memref<1x128x16xf32, #tpu.memory_space<vmem>> -> memref<128x16xf32, #tpu.memory_space<vmem>>
      %dma_start3A_342 = arith.constant 0 : i32
      %dma_start3A_343 = tpu.memref_slice %arg8[%dma_start3A_337, %dma_start3A_342] : memref<8x128xi32, #tpu.memory_space<vmem>> -> memref<1x128xi32, #tpu.memory_space<vmem>>
      %dma_start3A_344 = tpu.memref_squeeze %dma_start3A_343 : memref<1x128xi32, #tpu.memory_space<vmem>> -> memref<128xi32, #tpu.memory_space<vmem>>
      %dma_start3A_345 = arith.constant 0 : i32
      %dma_start3A_346 = arith.constant 0 : i32
      %dma_start3A_347 = tpu.memref_slice %arg11[%dma_start3A_345, %dma_start3A_346] : memref<50048x16xf32, #tpu.memory_space<vmem_shared>> -> memref<50048x16xf32, #tpu.memory_space<vmem_shared>>
      tpu.enqueue_indirect_dma source(%dma_start3A_341 : memref<128x16xf32, #tpu.memory_space<vmem>>) target(%dma_start3A_347 : memref<50048x16xf32, #tpu.memory_space<vmem_shared>>) offsets(%dma_start3A_344 : memref<128xi32, #tpu.memory_space<vmem>>) semaphore(%arg13 : memref<!tpu.dma_semaphore, #tpu.memory_space<semaphore_mem>>) {add = true}
      %dma_start3A_348 = arith.constant 2 : i32
      %dma_start3A_349 = arith.constant 2 : i32
      %dma_start3A_350 = arith.constant 0 : i32
      %dma_start3A_351 = arith.constant 0 : i32
      %dma_start3A_352 = tpu.memref_slice %arg9[%dma_start3A_348, %dma_start3A_350, %dma_start3A_351] : memref<8x128x16xf32, #tpu.memory_space<vmem>> -> memref<1x128x16xf32, #tpu.memory_space<vmem>>
      %dma_start3A_353 = tpu.memref_squeeze %dma_start3A_352 : memref<1x128x16xf32, #tpu.memory_space<vmem>> -> memref<128x16xf32, #tpu.memory_space<vmem>>
      %dma_start3A_354 = arith.constant 0 : i32
      %dma_start3A_355 = tpu.memref_slice %arg8[%dma_start3A_349, %dma_start3A_354] : memref<8x128xi32, #tpu.memory_space<vmem>> -> memref<1x128xi32, #tpu.memory_space<vmem>>
      %dma_start3A_356 = tpu.memref_squeeze %dma_start3A_355 : memref<1x128xi32, #tpu.memory_space<vmem>> -> memref<128xi32, #tpu.memory_space<vmem>>
      %dma_start3A_357 = arith.constant 0 : i32
      %dma_start3A_358 = arith.constant 0 : i32
      %dma_start3A_359 = tpu.memref_slice %arg11[%dma_start3A_357, %dma_start3A_358] : memref<50048x16xf32, #tpu.memory_space<vmem_shared>> -> memref<50048x16xf32, #tpu.memory_space<vmem_shared>>
      tpu.enqueue_indirect_dma source(%dma_start3A_353 : memref<128x16xf32, #tpu.memory_space<vmem>>) target(%dma_start3A_359 : memref<50048x16xf32, #tpu.memory_space<vmem_shared>>) offsets(%dma_start3A_356 : memref<128xi32, #tpu.memory_space<vmem>>) semaphore(%arg13 : memref<!tpu.dma_semaphore, #tpu.memory_space<semaphore_mem>>) {add = true}
      %dma_start3A_360 = arith.constant 3 : i32
      %dma_start3A_361 = arith.constant 3 : i32
      %dma_start3A_362 = arith.constant 0 : i32
      %dma_start3A_363 = arith.constant 0 : i32
      %dma_start3A_364 = tpu.memref_slice %arg9[%dma_start3A_360, %dma_start3A_362, %dma_start3A_363] : memref<8x128x16xf32, #tpu.memory_space<vmem>> -> memref<1x128x16xf32, #tpu.memory_space<vmem>>
      %dma_start3A_365 = tpu.memref_squeeze %dma_start3A_364 : memref<1x128x16xf32, #tpu.memory_space<vmem>> -> memref<128x16xf32, #tpu.memory_space<vmem>>
      %dma_start3A_366 = arith.constant 0 : i32
      %dma_start3A_367 = tpu.memref_slice %arg8[%dma_start3A_361, %dma_start3A_366] : memref<8x128xi32, #tpu.memory_space<vmem>> -> memref<1x128xi32, #tpu.memory_space<vmem>>
      %dma_start3A_368 = tpu.memref_squeeze %dma_start3A_367 : memref<1x128xi32, #tpu.memory_space<vmem>> -> memref<128xi32, #tpu.memory_space<vmem>>
      %dma_start3A_369 = arith.constant 0 : i32
      %dma_start3A_370 = arith.constant 0 : i32
      %dma_start3A_371 = tpu.memref_slice %arg11[%dma_start3A_369, %dma_start3A_370] : memref<50048x16xf32, #tpu.memory_space<vmem_shared>> -> memref<50048x16xf32, #tpu.memory_space<vmem_shared>>
      tpu.enqueue_indirect_dma source(%dma_start3A_365 : memref<128x16xf32, #tpu.memory_space<vmem>>) target(%dma_start3A_371 : memref<50048x16xf32, #tpu.memory_space<vmem_shared>>) offsets(%dma_start3A_368 : memref<128xi32, #tpu.memory_space<vmem>>) semaphore(%arg13 : memref<!tpu.dma_semaphore, #tpu.memory_space<semaphore_mem>>) {add = true}
      %dma_start3A_372 = arith.constant 4 : i32
      %dma_start3A_373 = arith.constant 4 : i32
      %dma_start3A_374 = arith.constant 0 : i32
      %dma_start3A_375 = arith.constant 0 : i32
      %dma_start3A_376 = tpu.memref_slice %arg9[%dma_start3A_372, %dma_start3A_374, %dma_start3A_375] : memref<8x128x16xf32, #tpu.memory_space<vmem>> -> memref<1x128x16xf32, #tpu.memory_space<vmem>>
      %dma_start3A_377 = tpu.memref_squeeze %dma_start3A_376 : memref<1x128x16xf32, #tpu.memory_space<vmem>> -> memref<128x16xf32, #tpu.memory_space<vmem>>
      %dma_start3A_378 = arith.constant 0 : i32
      %dma_start3A_379 = tpu.memref_slice %arg8[%dma_start3A_373, %dma_start3A_378] : memref<8x128xi32, #tpu.memory_space<vmem>> -> memref<1x128xi32, #tpu.memory_space<vmem>>
      %dma_start3A_380 = tpu.memref_squeeze %dma_start3A_379 : memref<1x128xi32, #tpu.memory_space<vmem>> -> memref<128xi32, #tpu.memory_space<vmem>>
      %dma_start3A_381 = arith.constant 0 : i32
      %dma_start3A_382 = arith.constant 0 : i32
      %dma_start3A_383 = tpu.memref_slice %arg11[%dma_start3A_381, %dma_start3A_382] : memref<50048x16xf32, #tpu.memory_space<vmem_shared>> -> memref<50048x16xf32, #tpu.memory_space<vmem_shared>>
      tpu.enqueue_indirect_dma source(%dma_start3A_377 : memref<128x16xf32, #tpu.memory_space<vmem>>) target(%dma_start3A_383 : memref<50048x16xf32, #tpu.memory_space<vmem_shared>>) offsets(%dma_start3A_380 : memref<128xi32, #tpu.memory_space<vmem>>) semaphore(%arg13 : memref<!tpu.dma_semaphore, #tpu.memory_space<semaphore_mem>>) {add = true}
      %dma_start3A_384 = arith.constant 5 : i32
      %dma_start3A_385 = arith.constant 5 : i32
      %dma_start3A_386 = arith.constant 0 : i32
      %dma_start3A_387 = arith.constant 0 : i32
      %dma_start3A_388 = tpu.memref_slice %arg9[%dma_start3A_384, %dma_start3A_386, %dma_start3A_387] : memref<8x128x16xf32, #tpu.memory_space<vmem>> -> memref<1x128x16xf32, #tpu.memory_space<vmem>>
      %dma_start3A_389 = tpu.memref_squeeze %dma_start3A_388 : memref<1x128x16xf32, #tpu.memory_space<vmem>> -> memref<128x16xf32, #tpu.memory_space<vmem>>
      %dma_start3A_390 = arith.constant 0 : i32
      %dma_start3A_391 = tpu.memref_slice %arg8[%dma_start3A_385, %dma_start3A_390] : memref<8x128xi32, #tpu.memory_space<vmem>> -> memref<1x128xi32, #tpu.memory_space<vmem>>
      %dma_start3A_392 = tpu.memref_squeeze %dma_start3A_391 : memref<1x128xi32, #tpu.memory_space<vmem>> -> memref<128xi32, #tpu.memory_space<vmem>>
      %dma_start3A_393 = arith.constant 0 : i32
      %dma_start3A_394 = arith.constant 0 : i32
      %dma_start3A_395 = tpu.memref_slice %arg11[%dma_start3A_393, %dma_start3A_394] : memref<50048x16xf32, #tpu.memory_space<vmem_shared>> -> memref<50048x16xf32, #tpu.memory_space<vmem_shared>>
      tpu.enqueue_indirect_dma source(%dma_start3A_389 : memref<128x16xf32, #tpu.memory_space<vmem>>) target(%dma_start3A_395 : memref<50048x16xf32, #tpu.memory_space<vmem_shared>>) offsets(%dma_start3A_392 : memref<128xi32, #tpu.memory_space<vmem>>) semaphore(%arg13 : memref<!tpu.dma_semaphore, #tpu.memory_space<semaphore_mem>>) {add = true}
      %dma_start3A_396 = arith.constant 6 : i32
      %dma_start3A_397 = arith.constant 6 : i32
      %dma_start3A_398 = arith.constant 0 : i32
      %dma_start3A_399 = arith.constant 0 : i32
      %dma_start3A_400 = tpu.memref_slice %arg9[%dma_start3A_396, %dma_start3A_398, %dma_start3A_399] : memref<8x128x16xf32, #tpu.memory_space<vmem>> -> memref<1x128x16xf32, #tpu.memory_space<vmem>>
      %dma_start3A_401 = tpu.memref_squeeze %dma_start3A_400 : memref<1x128x16xf32, #tpu.memory_space<vmem>> -> memref<128x16xf32, #tpu.memory_space<vmem>>
      %dma_start3A_402 = arith.constant 0 : i32
      %dma_start3A_403 = tpu.memref_slice %arg8[%dma_start3A_397, %dma_start3A_402] : memref<8x128xi32, #tpu.memory_space<vmem>> -> memref<1x128xi32, #tpu.memory_space<vmem>>
      %dma_start3A_404 = tpu.memref_squeeze %dma_start3A_403 : memref<1x128xi32, #tpu.memory_space<vmem>> -> memref<128xi32, #tpu.memory_space<vmem>>
      %dma_start3A_405 = arith.constant 0 : i32
      %dma_start3A_406 = arith.constant 0 : i32
      %dma_start3A_407 = tpu.memref_slice %arg11[%dma_start3A_405, %dma_start3A_406] : memref<50048x16xf32, #tpu.memory_space<vmem_shared>> -> memref<50048x16xf32, #tpu.memory_space<vmem_shared>>
      tpu.enqueue_indirect_dma source(%dma_start3A_401 : memref<128x16xf32, #tpu.memory_space<vmem>>) target(%dma_start3A_407 : memref<50048x16xf32, #tpu.memory_space<vmem_shared>>) offsets(%dma_start3A_404 : memref<128xi32, #tpu.memory_space<vmem>>) semaphore(%arg13 : memref<!tpu.dma_semaphore, #tpu.memory_space<semaphore_mem>>) {add = true}
      %dma_start3A_408 = arith.constant 7 : i32
      %dma_start3A_409 = arith.constant 7 : i32
      %dma_start3A_410 = arith.constant 0 : i32
      %dma_start3A_411 = arith.constant 0 : i32
      %dma_start3A_412 = tpu.memref_slice %arg9[%dma_start3A_408, %dma_start3A_410, %dma_start3A_411] : memref<8x128x16xf32, #tpu.memory_space<vmem>> -> memref<1x128x16xf32, #tpu.memory_space<vmem>>
      %dma_start3A_413 = tpu.memref_squeeze %dma_start3A_412 : memref<1x128x16xf32, #tpu.memory_space<vmem>> -> memref<128x16xf32, #tpu.memory_space<vmem>>
      %dma_start3A_414 = arith.constant 0 : i32
      %dma_start3A_415 = tpu.memref_slice %arg8[%dma_start3A_409, %dma_start3A_414] : memref<8x128xi32, #tpu.memory_space<vmem>> -> memref<1x128xi32, #tpu.memory_space<vmem>>
      %dma_start3A_416 = tpu.memref_squeeze %dma_start3A_415 : memref<1x128xi32, #tpu.memory_space<vmem>> -> memref<128xi32, #tpu.memory_space<vmem>>
      %dma_start3A_417 = arith.constant 0 : i32
      %dma_start3A_418 = arith.constant 0 : i32
      %dma_start3A_419 = tpu.memref_slice %arg11[%dma_start3A_417, %dma_start3A_418] : memref<50048x16xf32, #tpu.memory_space<vmem_shared>> -> memref<50048x16xf32, #tpu.memory_space<vmem_shared>>
      tpu.enqueue_indirect_dma source(%dma_start3A_413 : memref<128x16xf32, #tpu.memory_space<vmem>>) target(%dma_start3A_419 : memref<50048x16xf32, #tpu.memory_space<vmem_shared>>) offsets(%dma_start3A_416 : memref<128xi32, #tpu.memory_space<vmem>>) semaphore(%arg13 : memref<!tpu.dma_semaphore, #tpu.memory_space<semaphore_mem>>) {add = true}
      %dma_wait3A_420 = arith.constant 0 : i32
      %dma_wait3A_421 = arith.constant 0 : i32
      %dma_wait3A_422 = arith.constant 0 : i32
      %dma_wait3A_423 = arith.constant 0 : i32
      %dma_wait3A_424 = tpu.memref_slice %arg9[%dma_wait3A_420, %dma_wait3A_422, %dma_wait3A_423] : memref<8x128x16xf32, #tpu.memory_space<vmem>> -> memref<1x128x16xf32, #tpu.memory_space<vmem>>
      %dma_wait3A_425 = tpu.memref_squeeze %dma_wait3A_424 : memref<1x128x16xf32, #tpu.memory_space<vmem>> -> memref<128x16xf32, #tpu.memory_space<vmem>>
      %dma_wait3A_426 = arith.constant 0 : i32
      %dma_wait3A_427 = tpu.memref_slice %arg8[%dma_wait3A_421, %dma_wait3A_426] : memref<8x128xi32, #tpu.memory_space<vmem>> -> memref<1x128xi32, #tpu.memory_space<vmem>>
      %dma_wait3A_428 = tpu.memref_squeeze %dma_wait3A_427 : memref<1x128xi32, #tpu.memory_space<vmem>> -> memref<128xi32, #tpu.memory_space<vmem>>
      %dma_wait3A_429 = arith.constant 0 : i32
      %dma_wait3A_430 = arith.constant 0 : i32
      %dma_wait3A_431 = tpu.memref_slice %arg11[%dma_wait3A_429, %dma_wait3A_430] : memref<50048x16xf32, #tpu.memory_space<vmem_shared>> -> memref<50048x16xf32, #tpu.memory_space<vmem_shared>>
      tpu.wait_indirect_dma semaphore(%arg13 : memref<!tpu.dma_semaphore, #tpu.memory_space<semaphore_mem>>) src(%dma_wait3A_425 : memref<128x16xf32, #tpu.memory_space<vmem>>) dst(%dma_wait3A_431 : memref<50048x16xf32, #tpu.memory_space<vmem_shared>>)
      %dma_wait3A_432 = arith.constant 1 : i32
      %dma_wait3A_433 = arith.constant 1 : i32
      %dma_wait3A_434 = arith.constant 0 : i32
      %dma_wait3A_435 = arith.constant 0 : i32
      %dma_wait3A_436 = tpu.memref_slice %arg9[%dma_wait3A_432, %dma_wait3A_434, %dma_wait3A_435] : memref<8x128x16xf32, #tpu.memory_space<vmem>> -> memref<1x128x16xf32, #tpu.memory_space<vmem>>
      %dma_wait3A_437 = tpu.memref_squeeze %dma_wait3A_436 : memref<1x128x16xf32, #tpu.memory_space<vmem>> -> memref<128x16xf32, #tpu.memory_space<vmem>>
      %dma_wait3A_438 = arith.constant 0 : i32
      %dma_wait3A_439 = tpu.memref_slice %arg8[%dma_wait3A_433, %dma_wait3A_438] : memref<8x128xi32, #tpu.memory_space<vmem>> -> memref<1x128xi32, #tpu.memory_space<vmem>>
      %dma_wait3A_440 = tpu.memref_squeeze %dma_wait3A_439 : memref<1x128xi32, #tpu.memory_space<vmem>> -> memref<128xi32, #tpu.memory_space<vmem>>
      %dma_wait3A_441 = arith.constant 0 : i32
      %dma_wait3A_442 = arith.constant 0 : i32
      %dma_wait3A_443 = tpu.memref_slice %arg11[%dma_wait3A_441, %dma_wait3A_442] : memref<50048x16xf32, #tpu.memory_space<vmem_shared>> -> memref<50048x16xf32, #tpu.memory_space<vmem_shared>>
      tpu.wait_indirect_dma semaphore(%arg13 : memref<!tpu.dma_semaphore, #tpu.memory_space<semaphore_mem>>) src(%dma_wait3A_437 : memref<128x16xf32, #tpu.memory_space<vmem>>) dst(%dma_wait3A_443 : memref<50048x16xf32, #tpu.memory_space<vmem_shared>>)
      %dma_wait3A_444 = arith.constant 2 : i32
      %dma_wait3A_445 = arith.constant 2 : i32
      %dma_wait3A_446 = arith.constant 0 : i32
      %dma_wait3A_447 = arith.constant 0 : i32
      %dma_wait3A_448 = tpu.memref_slice %arg9[%dma_wait3A_444, %dma_wait3A_446, %dma_wait3A_447] : memref<8x128x16xf32, #tpu.memory_space<vmem>> -> memref<1x128x16xf32, #tpu.memory_space<vmem>>
      %dma_wait3A_449 = tpu.memref_squeeze %dma_wait3A_448 : memref<1x128x16xf32, #tpu.memory_space<vmem>> -> memref<128x16xf32, #tpu.memory_space<vmem>>
      %dma_wait3A_450 = arith.constant 0 : i32
      %dma_wait3A_451 = tpu.memref_slice %arg8[%dma_wait3A_445, %dma_wait3A_450] : memref<8x128xi32, #tpu.memory_space<vmem>> -> memref<1x128xi32, #tpu.memory_space<vmem>>
      %dma_wait3A_452 = tpu.memref_squeeze %dma_wait3A_451 : memref<1x128xi32, #tpu.memory_space<vmem>> -> memref<128xi32, #tpu.memory_space<vmem>>
      %dma_wait3A_453 = arith.constant 0 : i32
      %dma_wait3A_454 = arith.constant 0 : i32
      %dma_wait3A_455 = tpu.memref_slice %arg11[%dma_wait3A_453, %dma_wait3A_454] : memref<50048x16xf32, #tpu.memory_space<vmem_shared>> -> memref<50048x16xf32, #tpu.memory_space<vmem_shared>>
      tpu.wait_indirect_dma semaphore(%arg13 : memref<!tpu.dma_semaphore, #tpu.memory_space<semaphore_mem>>) src(%dma_wait3A_449 : memref<128x16xf32, #tpu.memory_space<vmem>>) dst(%dma_wait3A_455 : memref<50048x16xf32, #tpu.memory_space<vmem_shared>>)
      %dma_wait3A_456 = arith.constant 3 : i32
      %dma_wait3A_457 = arith.constant 3 : i32
      %dma_wait3A_458 = arith.constant 0 : i32
      %dma_wait3A_459 = arith.constant 0 : i32
      %dma_wait3A_460 = tpu.memref_slice %arg9[%dma_wait3A_456, %dma_wait3A_458, %dma_wait3A_459] : memref<8x128x16xf32, #tpu.memory_space<vmem>> -> memref<1x128x16xf32, #tpu.memory_space<vmem>>
      %dma_wait3A_461 = tpu.memref_squeeze %dma_wait3A_460 : memref<1x128x16xf32, #tpu.memory_space<vmem>> -> memref<128x16xf32, #tpu.memory_space<vmem>>
      %dma_wait3A_462 = arith.constant 0 : i32
      %dma_wait3A_463 = tpu.memref_slice %arg8[%dma_wait3A_457, %dma_wait3A_462] : memref<8x128xi32, #tpu.memory_space<vmem>> -> memref<1x128xi32, #tpu.memory_space<vmem>>
      %dma_wait3A_464 = tpu.memref_squeeze %dma_wait3A_463 : memref<1x128xi32, #tpu.memory_space<vmem>> -> memref<128xi32, #tpu.memory_space<vmem>>
      %dma_wait3A_465 = arith.constant 0 : i32
      %dma_wait3A_466 = arith.constant 0 : i32
      %dma_wait3A_467 = tpu.memref_slice %arg11[%dma_wait3A_465, %dma_wait3A_466] : memref<50048x16xf32, #tpu.memory_space<vmem_shared>> -> memref<50048x16xf32, #tpu.memory_space<vmem_shared>>
      tpu.wait_indirect_dma semaphore(%arg13 : memref<!tpu.dma_semaphore, #tpu.memory_space<semaphore_mem>>) src(%dma_wait3A_461 : memref<128x16xf32, #tpu.memory_space<vmem>>) dst(%dma_wait3A_467 : memref<50048x16xf32, #tpu.memory_space<vmem_shared>>)
      %dma_wait3A_468 = arith.constant 4 : i32
      %dma_wait3A_469 = arith.constant 4 : i32
      %dma_wait3A_470 = arith.constant 0 : i32
      %dma_wait3A_471 = arith.constant 0 : i32
      %dma_wait3A_472 = tpu.memref_slice %arg9[%dma_wait3A_468, %dma_wait3A_470, %dma_wait3A_471] : memref<8x128x16xf32, #tpu.memory_space<vmem>> -> memref<1x128x16xf32, #tpu.memory_space<vmem>>
      %dma_wait3A_473 = tpu.memref_squeeze %dma_wait3A_472 : memref<1x128x16xf32, #tpu.memory_space<vmem>> -> memref<128x16xf32, #tpu.memory_space<vmem>>
      %dma_wait3A_474 = arith.constant 0 : i32
      %dma_wait3A_475 = tpu.memref_slice %arg8[%dma_wait3A_469, %dma_wait3A_474] : memref<8x128xi32, #tpu.memory_space<vmem>> -> memref<1x128xi32, #tpu.memory_space<vmem>>
      %dma_wait3A_476 = tpu.memref_squeeze %dma_wait3A_475 : memref<1x128xi32, #tpu.memory_space<vmem>> -> memref<128xi32, #tpu.memory_space<vmem>>
      %dma_wait3A_477 = arith.constant 0 : i32
      %dma_wait3A_478 = arith.constant 0 : i32
      %dma_wait3A_479 = tpu.memref_slice %arg11[%dma_wait3A_477, %dma_wait3A_478] : memref<50048x16xf32, #tpu.memory_space<vmem_shared>> -> memref<50048x16xf32, #tpu.memory_space<vmem_shared>>
      tpu.wait_indirect_dma semaphore(%arg13 : memref<!tpu.dma_semaphore, #tpu.memory_space<semaphore_mem>>) src(%dma_wait3A_473 : memref<128x16xf32, #tpu.memory_space<vmem>>) dst(%dma_wait3A_479 : memref<50048x16xf32, #tpu.memory_space<vmem_shared>>)
      %dma_wait3A_480 = arith.constant 5 : i32
      %dma_wait3A_481 = arith.constant 5 : i32
      %dma_wait3A_482 = arith.constant 0 : i32
      %dma_wait3A_483 = arith.constant 0 : i32
      %dma_wait3A_484 = tpu.memref_slice %arg9[%dma_wait3A_480, %dma_wait3A_482, %dma_wait3A_483] : memref<8x128x16xf32, #tpu.memory_space<vmem>> -> memref<1x128x16xf32, #tpu.memory_space<vmem>>
      %dma_wait3A_485 = tpu.memref_squeeze %dma_wait3A_484 : memref<1x128x16xf32, #tpu.memory_space<vmem>> -> memref<128x16xf32, #tpu.memory_space<vmem>>
      %dma_wait3A_486 = arith.constant 0 : i32
      %dma_wait3A_487 = tpu.memref_slice %arg8[%dma_wait3A_481, %dma_wait3A_486] : memref<8x128xi32, #tpu.memory_space<vmem>> -> memref<1x128xi32, #tpu.memory_space<vmem>>
      %dma_wait3A_488 = tpu.memref_squeeze %dma_wait3A_487 : memref<1x128xi32, #tpu.memory_space<vmem>> -> memref<128xi32, #tpu.memory_space<vmem>>
      %dma_wait3A_489 = arith.constant 0 : i32
      %dma_wait3A_490 = arith.constant 0 : i32
      %dma_wait3A_491 = tpu.memref_slice %arg11[%dma_wait3A_489, %dma_wait3A_490] : memref<50048x16xf32, #tpu.memory_space<vmem_shared>> -> memref<50048x16xf32, #tpu.memory_space<vmem_shared>>
      tpu.wait_indirect_dma semaphore(%arg13 : memref<!tpu.dma_semaphore, #tpu.memory_space<semaphore_mem>>) src(%dma_wait3A_485 : memref<128x16xf32, #tpu.memory_space<vmem>>) dst(%dma_wait3A_491 : memref<50048x16xf32, #tpu.memory_space<vmem_shared>>)
      %dma_wait3A_492 = arith.constant 6 : i32
      %dma_wait3A_493 = arith.constant 6 : i32
      %dma_wait3A_494 = arith.constant 0 : i32
      %dma_wait3A_495 = arith.constant 0 : i32
      %dma_wait3A_496 = tpu.memref_slice %arg9[%dma_wait3A_492, %dma_wait3A_494, %dma_wait3A_495] : memref<8x128x16xf32, #tpu.memory_space<vmem>> -> memref<1x128x16xf32, #tpu.memory_space<vmem>>
      %dma_wait3A_497 = tpu.memref_squeeze %dma_wait3A_496 : memref<1x128x16xf32, #tpu.memory_space<vmem>> -> memref<128x16xf32, #tpu.memory_space<vmem>>
      %dma_wait3A_498 = arith.constant 0 : i32
      %dma_wait3A_499 = tpu.memref_slice %arg8[%dma_wait3A_493, %dma_wait3A_498] : memref<8x128xi32, #tpu.memory_space<vmem>> -> memref<1x128xi32, #tpu.memory_space<vmem>>
      %dma_wait3A_500 = tpu.memref_squeeze %dma_wait3A_499 : memref<1x128xi32, #tpu.memory_space<vmem>> -> memref<128xi32, #tpu.memory_space<vmem>>
      %dma_wait3A_501 = arith.constant 0 : i32
      %dma_wait3A_502 = arith.constant 0 : i32
      %dma_wait3A_503 = tpu.memref_slice %arg11[%dma_wait3A_501, %dma_wait3A_502] : memref<50048x16xf32, #tpu.memory_space<vmem_shared>> -> memref<50048x16xf32, #tpu.memory_space<vmem_shared>>
      tpu.wait_indirect_dma semaphore(%arg13 : memref<!tpu.dma_semaphore, #tpu.memory_space<semaphore_mem>>) src(%dma_wait3A_497 : memref<128x16xf32, #tpu.memory_space<vmem>>) dst(%dma_wait3A_503 : memref<50048x16xf32, #tpu.memory_space<vmem_shared>>)
      %dma_wait3A_504 = arith.constant 7 : i32
      %dma_wait3A_505 = arith.constant 7 : i32
      %dma_wait3A_506 = arith.constant 0 : i32
      %dma_wait3A_507 = arith.constant 0 : i32
      %dma_wait3A_508 = tpu.memref_slice %arg9[%dma_wait3A_504, %dma_wait3A_506, %dma_wait3A_507] : memref<8x128x16xf32, #tpu.memory_space<vmem>> -> memref<1x128x16xf32, #tpu.memory_space<vmem>>
      %dma_wait3A_509 = tpu.memref_squeeze %dma_wait3A_508 : memref<1x128x16xf32, #tpu.memory_space<vmem>> -> memref<128x16xf32, #tpu.memory_space<vmem>>
      %dma_wait3A_510 = arith.constant 0 : i32
      %dma_wait3A_511 = tpu.memref_slice %arg8[%dma_wait3A_505, %dma_wait3A_510] : memref<8x128xi32, #tpu.memory_space<vmem>> -> memref<1x128xi32, #tpu.memory_space<vmem>>
      %dma_wait3A_512 = tpu.memref_squeeze %dma_wait3A_511 : memref<1x128xi32, #tpu.memory_space<vmem>> -> memref<128xi32, #tpu.memory_space<vmem>>
      %dma_wait3A_513 = arith.constant 0 : i32
      %dma_wait3A_514 = arith.constant 0 : i32
      %dma_wait3A_515 = tpu.memref_slice %arg11[%dma_wait3A_513, %dma_wait3A_514] : memref<50048x16xf32, #tpu.memory_space<vmem_shared>> -> memref<50048x16xf32, #tpu.memory_space<vmem_shared>>
      tpu.wait_indirect_dma semaphore(%arg13 : memref<!tpu.dma_semaphore, #tpu.memory_space<semaphore_mem>>) src(%dma_wait3A_509 : memref<128x16xf32, #tpu.memory_space<vmem>>) dst(%dma_wait3A_515 : memref<50048x16xf32, #tpu.memory_space<vmem_shared>>)
    }
    %scan3A_7 = arith.constant 49 : i32
    %barrier3A_8 = arith.constant 0 : index
    tpu.barrier barrier_id(%barrier3A_8)
    %mul3A_9 = arith.constant 3128 : i32
    %mul3A_10 = arith.muli %arg1, %mul3A_9 : i32
    "tpu.region"() ({
      %run_scoped3A = tpu.sem_alloc : memref<!tpu.dma_semaphore, #tpu.memory_space<semaphore_mem>>
      %dma_start3A = arith.constant 0 : i32
      %dma_start3A_60 = tpu.memref_slice %arg11[%mul3A_10, %dma_start3A] : memref<50048x16xf32, #tpu.memory_space<vmem_shared>> -> memref<3128x16xf32, #tpu.memory_space<vmem_shared>>
      %dma_start3A_61 = arith.constant 0 : i32
      %dma_start3A_62 = tpu.memref_slice %arg11[%mul3A_10, %dma_start3A_61] : memref<50048x16xf32, #tpu.memory_space<vmem_shared>> -> memref<3128x16xf32, #tpu.memory_space<vmem_shared>>
      tpu.enqueue_dma source(%dma_start3A_62 : memref<3128x16xf32, #tpu.memory_space<vmem_shared>>) target(%arg10 : memref<3128x16xf32, #tpu.memory_space<vmem>>) target_semaphore(%run_scoped3A : memref<!tpu.dma_semaphore, #tpu.memory_space<semaphore_mem>>)
      %dma_wait3A = arith.constant 0 : i32
      %dma_wait3A_63 = tpu.memref_slice %arg11[%mul3A_10, %dma_wait3A] : memref<50048x16xf32, #tpu.memory_space<vmem_shared>> -> memref<3128x16xf32, #tpu.memory_space<vmem_shared>>
      %dma_wait3A_64 = arith.constant 0 : i32
      %dma_wait3A_65 = tpu.memref_slice %arg11[%mul3A_10, %dma_wait3A_64] : memref<50048x16xf32, #tpu.memory_space<vmem_shared>> -> memref<3128x16xf32, #tpu.memory_space<vmem_shared>>
      tpu.wait_dma2 semaphore(%run_scoped3A : memref<!tpu.dma_semaphore, #tpu.memory_space<semaphore_mem>>) src(%dma_wait3A_65 : memref<3128x16xf32, #tpu.memory_space<vmem_shared>>) dst(%arg10 : memref<3128x16xf32, #tpu.memory_space<vmem>>)
      tpu.yield
    }) : () -> ()
    "tpu.region"() ({
      %run_scoped3A = tpu.sem_alloc : memref<!tpu.dma_semaphore, #tpu.memory_space<semaphore_mem>>
      %dma_start3A = arith.constant 0 : i32
      %dma_start3A_60 = arith.constant 0 : i32
      %dma_start3A_61 = tpu.memref_slice %arg6[%add3A_1, %dma_start3A, %dma_start3A_60] : memref<8x50048x16xf32, #tpu.memory_space<hbm>> -> memref<1x50048x16xf32, #tpu.memory_space<hbm>>
      %dma_start3A_62 = tpu.memref_squeeze %dma_start3A_61 : memref<1x50048x16xf32, #tpu.memory_space<hbm>> -> memref<50048x16xf32, #tpu.memory_space<hbm>>
      %dma_start3A_63 = arith.constant 0 : i32
      %dma_start3A_64 = tpu.memref_slice %dma_start3A_62[%mul3A_10, %dma_start3A_63] : memref<50048x16xf32, #tpu.memory_space<hbm>> -> memref<3128x16xf32, #tpu.memory_space<hbm>>
      %dma_start3A_65 = arith.constant 0 : i32
      %dma_start3A_66 = arith.constant 0 : i32
      %dma_start3A_67 = tpu.memref_slice %arg6[%add3A_1, %dma_start3A_65, %dma_start3A_66] : memref<8x50048x16xf32, #tpu.memory_space<hbm>> -> memref<1x50048x16xf32, #tpu.memory_space<hbm>>
      %dma_start3A_68 = tpu.memref_squeeze %dma_start3A_67 : memref<1x50048x16xf32, #tpu.memory_space<hbm>> -> memref<50048x16xf32, #tpu.memory_space<hbm>>
      %dma_start3A_69 = arith.constant 0 : i32
      %dma_start3A_70 = tpu.memref_slice %dma_start3A_68[%mul3A_10, %dma_start3A_69] : memref<50048x16xf32, #tpu.memory_space<hbm>> -> memref<3128x16xf32, #tpu.memory_space<hbm>>
      tpu.enqueue_dma source(%arg10 : memref<3128x16xf32, #tpu.memory_space<vmem>>) target(%dma_start3A_70 : memref<3128x16xf32, #tpu.memory_space<hbm>>) target_semaphore(%run_scoped3A : memref<!tpu.dma_semaphore, #tpu.memory_space<semaphore_mem>>)
      %dma_wait3A = arith.constant 0 : i32
      %dma_wait3A_71 = arith.constant 0 : i32
      %dma_wait3A_72 = tpu.memref_slice %arg6[%add3A_1, %dma_wait3A, %dma_wait3A_71] : memref<8x50048x16xf32, #tpu.memory_space<hbm>> -> memref<1x50048x16xf32, #tpu.memory_space<hbm>>
      %dma_wait3A_73 = tpu.memref_squeeze %dma_wait3A_72 : memref<1x50048x16xf32, #tpu.memory_space<hbm>> -> memref<50048x16xf32, #tpu.memory_space<hbm>>
      %dma_wait3A_74 = arith.constant 0 : i32
      %dma_wait3A_75 = tpu.memref_slice %dma_wait3A_73[%mul3A_10, %dma_wait3A_74] : memref<50048x16xf32, #tpu.memory_space<hbm>> -> memref<3128x16xf32, #tpu.memory_space<hbm>>
      %dma_wait3A_76 = arith.constant 0 : i32
      %dma_wait3A_77 = arith.constant 0 : i32
      %dma_wait3A_78 = tpu.memref_slice %arg6[%add3A_1, %dma_wait3A_76, %dma_wait3A_77] : memref<8x50048x16xf32, #tpu.memory_space<hbm>> -> memref<1x50048x16xf32, #tpu.memory_space<hbm>>
      %dma_wait3A_79 = tpu.memref_squeeze %dma_wait3A_78 : memref<1x50048x16xf32, #tpu.memory_space<hbm>> -> memref<50048x16xf32, #tpu.memory_space<hbm>>
      %dma_wait3A_80 = arith.constant 0 : i32
      %dma_wait3A_81 = tpu.memref_slice %dma_wait3A_79[%mul3A_10, %dma_wait3A_80] : memref<50048x16xf32, #tpu.memory_space<hbm>> -> memref<3128x16xf32, #tpu.memory_space<hbm>>
      tpu.wait_dma2 semaphore(%run_scoped3A : memref<!tpu.dma_semaphore, #tpu.memory_space<semaphore_mem>>) src(%arg10 : memref<3128x16xf32, #tpu.memory_space<vmem>>) dst(%dma_wait3A_81 : memref<3128x16xf32, #tpu.memory_space<hbm>>)
      tpu.yield
    }) : () -> ()
    %barrier3A_11 = arith.constant 0 : index
    tpu.barrier barrier_id(%barrier3A_11)
    %mul3A_12 = arith.constant 4 : i32
    %mul3A_13 = arith.muli %arg0, %mul3A_12 : i32
    %add3A_14 = arith.constant 1 : i32
    %add3A_15 = arith.addi %mul3A_13, %add3A_14 : i32
    "tpu.region"() ({
      %run_scoped3A = tpu.sem_alloc : memref<!tpu.dma_semaphore, #tpu.memory_space<semaphore_mem>>
      tpu.enqueue_dma source(%arg5 : memref<3128x16xf32, #tpu.memory_space<hbm>>) target(%arg10 : memref<3128x16xf32, #tpu.memory_space<vmem>>) target_semaphore(%run_scoped3A : memref<!tpu.dma_semaphore, #tpu.memory_space<semaphore_mem>>)
      tpu.wait_dma2 semaphore(%run_scoped3A : memref<!tpu.dma_semaphore, #tpu.memory_space<semaphore_mem>>) src(%arg5 : memref<3128x16xf32, #tpu.memory_space<hbm>>) dst(%arg10 : memref<3128x16xf32, #tpu.memory_space<vmem>>)
      tpu.yield
    }) : () -> ()
    %mul3A_16 = arith.constant 3128 : i32
    %mul3A_17 = arith.muli %arg1, %mul3A_16 : i32
    "tpu.region"() ({
      %run_scoped3A = tpu.sem_alloc : memref<!tpu.dma_semaphore, #tpu.memory_space<semaphore_mem>>
      %dma_start3A = arith.constant 0 : i32
      %dma_start3A_60 = tpu.memref_slice %arg11[%mul3A_17, %dma_start3A] : memref<50048x16xf32, #tpu.memory_space<vmem_shared>> -> memref<3128x16xf32, #tpu.memory_space<vmem_shared>>
      %dma_start3A_61 = arith.constant 0 : i32
      %dma_start3A_62 = tpu.memref_slice %arg11[%mul3A_17, %dma_start3A_61] : memref<50048x16xf32, #tpu.memory_space<vmem_shared>> -> memref<3128x16xf32, #tpu.memory_space<vmem_shared>>
      tpu.enqueue_dma source(%arg10 : memref<3128x16xf32, #tpu.memory_space<vmem>>) target(%dma_start3A_62 : memref<3128x16xf32, #tpu.memory_space<vmem_shared>>) target_semaphore(%run_scoped3A : memref<!tpu.dma_semaphore, #tpu.memory_space<semaphore_mem>>)
      %dma_wait3A = arith.constant 0 : i32
      %dma_wait3A_63 = tpu.memref_slice %arg11[%mul3A_17, %dma_wait3A] : memref<50048x16xf32, #tpu.memory_space<vmem_shared>> -> memref<3128x16xf32, #tpu.memory_space<vmem_shared>>
      %dma_wait3A_64 = arith.constant 0 : i32
      %dma_wait3A_65 = tpu.memref_slice %arg11[%mul3A_17, %dma_wait3A_64] : memref<50048x16xf32, #tpu.memory_space<vmem_shared>> -> memref<3128x16xf32, #tpu.memory_space<vmem_shared>>
      tpu.wait_dma2 semaphore(%run_scoped3A : memref<!tpu.dma_semaphore, #tpu.memory_space<semaphore_mem>>) src(%arg10 : memref<3128x16xf32, #tpu.memory_space<vmem>>) dst(%dma_wait3A_65 : memref<3128x16xf32, #tpu.memory_space<vmem_shared>>)
      tpu.yield
    }) : () -> ()
    %barrier3A_18 = arith.constant 0 : index
    tpu.barrier barrier_id(%barrier3A_18)
    %scan3A_19 = arith.constant 0 : i32
    %scan3A_20 = arith.constant 49 : i32
    %scan3A_21 = arith.addi %scan3A_19, %scan3A_20 : i32
    %scan3A_22 = arith.constant 1 : i32
    scf.for %scan3A_60 = %scan3A_19 to %scan3A_21 step %scan3A_22  : i32 {
      %mul3A_61 = arith.constant 1 : i32
      %mul3A_62 = arith.muli %scan3A_60, %mul3A_61 : i32
      %add3A_63 = arith.constant 0 : i32
      %add3A_64 = arith.addi %add3A_63, %mul3A_62 : i32
      %mul3A_65 = arith.constant 392 : i32
      %mul3A_66 = arith.muli %arg1, %mul3A_65 : i32
      %mul3A_67 = arith.constant 8 : i32
      %mul3A_68 = arith.muli %add3A_64, %mul3A_67 : i32
      %add3A_69 = arith.addi %mul3A_66, %mul3A_68 : i32
      "tpu.region"() ({
        %run_scoped3A = tpu.sem_alloc : memref<!tpu.dma_semaphore, #tpu.memory_space<semaphore_mem>>
        %dma_start3A_516 = arith.constant 0 : i32
        %dma_start3A_517 = tpu.memref_slice %arg3[%add3A_69, %dma_start3A_516] : memref<6272x128xi32, #tpu.memory_space<hbm>> -> memref<8x128xi32, #tpu.memory_space<hbm>>
        %dma_start3A_518 = arith.constant 0 : i32
        %dma_start3A_519 = tpu.memref_slice %arg3[%add3A_69, %dma_start3A_518] : memref<6272x128xi32, #tpu.memory_space<hbm>> -> memref<8x128xi32, #tpu.memory_space<hbm>>
        tpu.enqueue_dma source(%dma_start3A_519 : memref<8x128xi32, #tpu.memory_space<hbm>>) target(%arg7 : memref<8x128xi32, #tpu.memory_space<vmem>>) target_semaphore(%run_scoped3A : memref<!tpu.dma_semaphore, #tpu.memory_space<semaphore_mem>>)
        %dma_wait3A_520 = arith.constant 0 : i32
        %dma_wait3A_521 = tpu.memref_slice %arg3[%add3A_69, %dma_wait3A_520] : memref<6272x128xi32, #tpu.memory_space<hbm>> -> memref<8x128xi32, #tpu.memory_space<hbm>>
        %dma_wait3A_522 = arith.constant 0 : i32
        %dma_wait3A_523 = tpu.memref_slice %arg3[%add3A_69, %dma_wait3A_522] : memref<6272x128xi32, #tpu.memory_space<hbm>> -> memref<8x128xi32, #tpu.memory_space<hbm>>
        tpu.wait_dma2 semaphore(%run_scoped3A : memref<!tpu.dma_semaphore, #tpu.memory_space<semaphore_mem>>) src(%dma_wait3A_523 : memref<8x128xi32, #tpu.memory_space<hbm>>) dst(%arg7 : memref<8x128xi32, #tpu.memory_space<vmem>>)
        tpu.yield
      }) : () -> ()
      "tpu.region"() ({
        %run_scoped3A = tpu.sem_alloc : memref<!tpu.dma_semaphore, #tpu.memory_space<semaphore_mem>>
        %dma_start3A_516 = arith.constant 0 : i32
        %dma_start3A_517 = tpu.memref_slice %arg4[%add3A_69, %dma_start3A_516] : memref<6272x128xi32, #tpu.memory_space<hbm>> -> memref<8x128xi32, #tpu.memory_space<hbm>>
        %dma_start3A_518 = arith.constant 0 : i32
        %dma_start3A_519 = tpu.memref_slice %arg4[%add3A_69, %dma_start3A_518] : memref<6272x128xi32, #tpu.memory_space<hbm>> -> memref<8x128xi32, #tpu.memory_space<hbm>>
        tpu.enqueue_dma source(%dma_start3A_519 : memref<8x128xi32, #tpu.memory_space<hbm>>) target(%arg8 : memref<8x128xi32, #tpu.memory_space<vmem>>) target_semaphore(%run_scoped3A : memref<!tpu.dma_semaphore, #tpu.memory_space<semaphore_mem>>)
        %dma_wait3A_520 = arith.constant 0 : i32
        %dma_wait3A_521 = tpu.memref_slice %arg4[%add3A_69, %dma_wait3A_520] : memref<6272x128xi32, #tpu.memory_space<hbm>> -> memref<8x128xi32, #tpu.memory_space<hbm>>
        %dma_wait3A_522 = arith.constant 0 : i32
        %dma_wait3A_523 = tpu.memref_slice %arg4[%add3A_69, %dma_wait3A_522] : memref<6272x128xi32, #tpu.memory_space<hbm>> -> memref<8x128xi32, #tpu.memory_space<hbm>>
        tpu.wait_dma2 semaphore(%run_scoped3A : memref<!tpu.dma_semaphore, #tpu.memory_space<semaphore_mem>>) src(%dma_wait3A_523 : memref<8x128xi32, #tpu.memory_space<hbm>>) dst(%arg8 : memref<8x128xi32, #tpu.memory_space<vmem>>)
        tpu.yield
      }) : () -> ()
      %dma_start3A = arith.constant 0 : i32
      %dma_start3A_70 = arith.constant 0 : i32
      %dma_start3A_71 = arith.constant 0 : i32
      %dma_start3A_72 = arith.constant 0 : i32
      %dma_start3A_73 = tpu.memref_slice %arg9[%dma_start3A_70, %dma_start3A_71, %dma_start3A_72] : memref<8x128x16xf32, #tpu.memory_space<vmem>> -> memref<1x128x16xf32, #tpu.memory_space<vmem>>
      %dma_start3A_74 = tpu.memref_squeeze %dma_start3A_73 : memref<1x128x16xf32, #tpu.memory_space<vmem>> -> memref<128x16xf32, #tpu.memory_space<vmem>>
      %dma_start3A_75 = arith.constant 0 : i32
      %dma_start3A_76 = tpu.memref_slice %arg7[%dma_start3A, %dma_start3A_75] : memref<8x128xi32, #tpu.memory_space<vmem>> -> memref<1x128xi32, #tpu.memory_space<vmem>>
      %dma_start3A_77 = tpu.memref_squeeze %dma_start3A_76 : memref<1x128xi32, #tpu.memory_space<vmem>> -> memref<128xi32, #tpu.memory_space<vmem>>
      %dma_start3A_78 = arith.constant 0 : i32
      %dma_start3A_79 = arith.constant 0 : i32
      %dma_start3A_80 = tpu.memref_slice %arg2[%add3A_15, %dma_start3A_78, %dma_start3A_79] : memref<8x50048x16xf32, #tpu.memory_space<hbm>> -> memref<1x50048x16xf32, #tpu.memory_space<hbm>>
      %dma_start3A_81 = tpu.memref_squeeze %dma_start3A_80 : memref<1x50048x16xf32, #tpu.memory_space<hbm>> -> memref<50048x16xf32, #tpu.memory_space<hbm>>
      %dma_start3A_82 = arith.constant 0 : i32
      %dma_start3A_83 = arith.constant 0 : i32
      %dma_start3A_84 = tpu.memref_slice %dma_start3A_81[%dma_start3A_82, %dma_start3A_83] : memref<50048x16xf32, #tpu.memory_space<hbm>> -> memref<50048x16xf32, #tpu.memory_space<hbm>>
      tpu.enqueue_indirect_dma source(%dma_start3A_84 : memref<50048x16xf32, #tpu.memory_space<hbm>>) target(%dma_start3A_74 : memref<128x16xf32, #tpu.memory_space<vmem>>) offsets(%dma_start3A_77 : memref<128xi32, #tpu.memory_space<vmem>>) semaphore(%arg12 : memref<!tpu.dma_semaphore, #tpu.memory_space<semaphore_mem>>)
      %dma_start3A_85 = arith.constant 1 : i32
      %dma_start3A_86 = arith.constant 1 : i32
      %dma_start3A_87 = arith.constant 0 : i32
      %dma_start3A_88 = arith.constant 0 : i32
      %dma_start3A_89 = tpu.memref_slice %arg9[%dma_start3A_86, %dma_start3A_87, %dma_start3A_88] : memref<8x128x16xf32, #tpu.memory_space<vmem>> -> memref<1x128x16xf32, #tpu.memory_space<vmem>>
      %dma_start3A_90 = tpu.memref_squeeze %dma_start3A_89 : memref<1x128x16xf32, #tpu.memory_space<vmem>> -> memref<128x16xf32, #tpu.memory_space<vmem>>
      %dma_start3A_91 = arith.constant 0 : i32
      %dma_start3A_92 = tpu.memref_slice %arg7[%dma_start3A_85, %dma_start3A_91] : memref<8x128xi32, #tpu.memory_space<vmem>> -> memref<1x128xi32, #tpu.memory_space<vmem>>
      %dma_start3A_93 = tpu.memref_squeeze %dma_start3A_92 : memref<1x128xi32, #tpu.memory_space<vmem>> -> memref<128xi32, #tpu.memory_space<vmem>>
      %dma_start3A_94 = arith.constant 0 : i32
      %dma_start3A_95 = arith.constant 0 : i32
      %dma_start3A_96 = tpu.memref_slice %arg2[%add3A_15, %dma_start3A_94, %dma_start3A_95] : memref<8x50048x16xf32, #tpu.memory_space<hbm>> -> memref<1x50048x16xf32, #tpu.memory_space<hbm>>
      %dma_start3A_97 = tpu.memref_squeeze %dma_start3A_96 : memref<1x50048x16xf32, #tpu.memory_space<hbm>> -> memref<50048x16xf32, #tpu.memory_space<hbm>>
      %dma_start3A_98 = arith.constant 0 : i32
      %dma_start3A_99 = arith.constant 0 : i32
      %dma_start3A_100 = tpu.memref_slice %dma_start3A_97[%dma_start3A_98, %dma_start3A_99] : memref<50048x16xf32, #tpu.memory_space<hbm>> -> memref<50048x16xf32, #tpu.memory_space<hbm>>
      tpu.enqueue_indirect_dma source(%dma_start3A_100 : memref<50048x16xf32, #tpu.memory_space<hbm>>) target(%dma_start3A_90 : memref<128x16xf32, #tpu.memory_space<vmem>>) offsets(%dma_start3A_93 : memref<128xi32, #tpu.memory_space<vmem>>) semaphore(%arg12 : memref<!tpu.dma_semaphore, #tpu.memory_space<semaphore_mem>>)
      %dma_start3A_101 = arith.constant 2 : i32
      %dma_start3A_102 = arith.constant 2 : i32
      %dma_start3A_103 = arith.constant 0 : i32
      %dma_start3A_104 = arith.constant 0 : i32
      %dma_start3A_105 = tpu.memref_slice %arg9[%dma_start3A_102, %dma_start3A_103, %dma_start3A_104] : memref<8x128x16xf32, #tpu.memory_space<vmem>> -> memref<1x128x16xf32, #tpu.memory_space<vmem>>
      %dma_start3A_106 = tpu.memref_squeeze %dma_start3A_105 : memref<1x128x16xf32, #tpu.memory_space<vmem>> -> memref<128x16xf32, #tpu.memory_space<vmem>>
      %dma_start3A_107 = arith.constant 0 : i32
      %dma_start3A_108 = tpu.memref_slice %arg7[%dma_start3A_101, %dma_start3A_107] : memref<8x128xi32, #tpu.memory_space<vmem>> -> memref<1x128xi32, #tpu.memory_space<vmem>>
      %dma_start3A_109 = tpu.memref_squeeze %dma_start3A_108 : memref<1x128xi32, #tpu.memory_space<vmem>> -> memref<128xi32, #tpu.memory_space<vmem>>
      %dma_start3A_110 = arith.constant 0 : i32
      %dma_start3A_111 = arith.constant 0 : i32
      %dma_start3A_112 = tpu.memref_slice %arg2[%add3A_15, %dma_start3A_110, %dma_start3A_111] : memref<8x50048x16xf32, #tpu.memory_space<hbm>> -> memref<1x50048x16xf32, #tpu.memory_space<hbm>>
      %dma_start3A_113 = tpu.memref_squeeze %dma_start3A_112 : memref<1x50048x16xf32, #tpu.memory_space<hbm>> -> memref<50048x16xf32, #tpu.memory_space<hbm>>
      %dma_start3A_114 = arith.constant 0 : i32
      %dma_start3A_115 = arith.constant 0 : i32
      %dma_start3A_116 = tpu.memref_slice %dma_start3A_113[%dma_start3A_114, %dma_start3A_115] : memref<50048x16xf32, #tpu.memory_space<hbm>> -> memref<50048x16xf32, #tpu.memory_space<hbm>>
      tpu.enqueue_indirect_dma source(%dma_start3A_116 : memref<50048x16xf32, #tpu.memory_space<hbm>>) target(%dma_start3A_106 : memref<128x16xf32, #tpu.memory_space<vmem>>) offsets(%dma_start3A_109 : memref<128xi32, #tpu.memory_space<vmem>>) semaphore(%arg12 : memref<!tpu.dma_semaphore, #tpu.memory_space<semaphore_mem>>)
      %dma_start3A_117 = arith.constant 3 : i32
      %dma_start3A_118 = arith.constant 3 : i32
      %dma_start3A_119 = arith.constant 0 : i32
      %dma_start3A_120 = arith.constant 0 : i32
      %dma_start3A_121 = tpu.memref_slice %arg9[%dma_start3A_118, %dma_start3A_119, %dma_start3A_120] : memref<8x128x16xf32, #tpu.memory_space<vmem>> -> memref<1x128x16xf32, #tpu.memory_space<vmem>>
      %dma_start3A_122 = tpu.memref_squeeze %dma_start3A_121 : memref<1x128x16xf32, #tpu.memory_space<vmem>> -> memref<128x16xf32, #tpu.memory_space<vmem>>
      %dma_start3A_123 = arith.constant 0 : i32
      %dma_start3A_124 = tpu.memref_slice %arg7[%dma_start3A_117, %dma_start3A_123] : memref<8x128xi32, #tpu.memory_space<vmem>> -> memref<1x128xi32, #tpu.memory_space<vmem>>
      %dma_start3A_125 = tpu.memref_squeeze %dma_start3A_124 : memref<1x128xi32, #tpu.memory_space<vmem>> -> memref<128xi32, #tpu.memory_space<vmem>>
      %dma_start3A_126 = arith.constant 0 : i32
      %dma_start3A_127 = arith.constant 0 : i32
      %dma_start3A_128 = tpu.memref_slice %arg2[%add3A_15, %dma_start3A_126, %dma_start3A_127] : memref<8x50048x16xf32, #tpu.memory_space<hbm>> -> memref<1x50048x16xf32, #tpu.memory_space<hbm>>
      %dma_start3A_129 = tpu.memref_squeeze %dma_start3A_128 : memref<1x50048x16xf32, #tpu.memory_space<hbm>> -> memref<50048x16xf32, #tpu.memory_space<hbm>>
      %dma_start3A_130 = arith.constant 0 : i32
      %dma_start3A_131 = arith.constant 0 : i32
      %dma_start3A_132 = tpu.memref_slice %dma_start3A_129[%dma_start3A_130, %dma_start3A_131] : memref<50048x16xf32, #tpu.memory_space<hbm>> -> memref<50048x16xf32, #tpu.memory_space<hbm>>
      tpu.enqueue_indirect_dma source(%dma_start3A_132 : memref<50048x16xf32, #tpu.memory_space<hbm>>) target(%dma_start3A_122 : memref<128x16xf32, #tpu.memory_space<vmem>>) offsets(%dma_start3A_125 : memref<128xi32, #tpu.memory_space<vmem>>) semaphore(%arg12 : memref<!tpu.dma_semaphore, #tpu.memory_space<semaphore_mem>>)
      %dma_start3A_133 = arith.constant 4 : i32
      %dma_start3A_134 = arith.constant 4 : i32
      %dma_start3A_135 = arith.constant 0 : i32
      %dma_start3A_136 = arith.constant 0 : i32
      %dma_start3A_137 = tpu.memref_slice %arg9[%dma_start3A_134, %dma_start3A_135, %dma_start3A_136] : memref<8x128x16xf32, #tpu.memory_space<vmem>> -> memref<1x128x16xf32, #tpu.memory_space<vmem>>
      %dma_start3A_138 = tpu.memref_squeeze %dma_start3A_137 : memref<1x128x16xf32, #tpu.memory_space<vmem>> -> memref<128x16xf32, #tpu.memory_space<vmem>>
      %dma_start3A_139 = arith.constant 0 : i32
      %dma_start3A_140 = tpu.memref_slice %arg7[%dma_start3A_133, %dma_start3A_139] : memref<8x128xi32, #tpu.memory_space<vmem>> -> memref<1x128xi32, #tpu.memory_space<vmem>>
      %dma_start3A_141 = tpu.memref_squeeze %dma_start3A_140 : memref<1x128xi32, #tpu.memory_space<vmem>> -> memref<128xi32, #tpu.memory_space<vmem>>
      %dma_start3A_142 = arith.constant 0 : i32
      %dma_start3A_143 = arith.constant 0 : i32
      %dma_start3A_144 = tpu.memref_slice %arg2[%add3A_15, %dma_start3A_142, %dma_start3A_143] : memref<8x50048x16xf32, #tpu.memory_space<hbm>> -> memref<1x50048x16xf32, #tpu.memory_space<hbm>>
      %dma_start3A_145 = tpu.memref_squeeze %dma_start3A_144 : memref<1x50048x16xf32, #tpu.memory_space<hbm>> -> memref<50048x16xf32, #tpu.memory_space<hbm>>
      %dma_start3A_146 = arith.constant 0 : i32
      %dma_start3A_147 = arith.constant 0 : i32
      %dma_start3A_148 = tpu.memref_slice %dma_start3A_145[%dma_start3A_146, %dma_start3A_147] : memref<50048x16xf32, #tpu.memory_space<hbm>> -> memref<50048x16xf32, #tpu.memory_space<hbm>>
      tpu.enqueue_indirect_dma source(%dma_start3A_148 : memref<50048x16xf32, #tpu.memory_space<hbm>>) target(%dma_start3A_138 : memref<128x16xf32, #tpu.memory_space<vmem>>) offsets(%dma_start3A_141 : memref<128xi32, #tpu.memory_space<vmem>>) semaphore(%arg12 : memref<!tpu.dma_semaphore, #tpu.memory_space<semaphore_mem>>)
      %dma_start3A_149 = arith.constant 5 : i32
      %dma_start3A_150 = arith.constant 5 : i32
      %dma_start3A_151 = arith.constant 0 : i32
      %dma_start3A_152 = arith.constant 0 : i32
      %dma_start3A_153 = tpu.memref_slice %arg9[%dma_start3A_150, %dma_start3A_151, %dma_start3A_152] : memref<8x128x16xf32, #tpu.memory_space<vmem>> -> memref<1x128x16xf32, #tpu.memory_space<vmem>>
      %dma_start3A_154 = tpu.memref_squeeze %dma_start3A_153 : memref<1x128x16xf32, #tpu.memory_space<vmem>> -> memref<128x16xf32, #tpu.memory_space<vmem>>
      %dma_start3A_155 = arith.constant 0 : i32
      %dma_start3A_156 = tpu.memref_slice %arg7[%dma_start3A_149, %dma_start3A_155] : memref<8x128xi32, #tpu.memory_space<vmem>> -> memref<1x128xi32, #tpu.memory_space<vmem>>
      %dma_start3A_157 = tpu.memref_squeeze %dma_start3A_156 : memref<1x128xi32, #tpu.memory_space<vmem>> -> memref<128xi32, #tpu.memory_space<vmem>>
      %dma_start3A_158 = arith.constant 0 : i32
      %dma_start3A_159 = arith.constant 0 : i32
      %dma_start3A_160 = tpu.memref_slice %arg2[%add3A_15, %dma_start3A_158, %dma_start3A_159] : memref<8x50048x16xf32, #tpu.memory_space<hbm>> -> memref<1x50048x16xf32, #tpu.memory_space<hbm>>
      %dma_start3A_161 = tpu.memref_squeeze %dma_start3A_160 : memref<1x50048x16xf32, #tpu.memory_space<hbm>> -> memref<50048x16xf32, #tpu.memory_space<hbm>>
      %dma_start3A_162 = arith.constant 0 : i32
      %dma_start3A_163 = arith.constant 0 : i32
      %dma_start3A_164 = tpu.memref_slice %dma_start3A_161[%dma_start3A_162, %dma_start3A_163] : memref<50048x16xf32, #tpu.memory_space<hbm>> -> memref<50048x16xf32, #tpu.memory_space<hbm>>
      tpu.enqueue_indirect_dma source(%dma_start3A_164 : memref<50048x16xf32, #tpu.memory_space<hbm>>) target(%dma_start3A_154 : memref<128x16xf32, #tpu.memory_space<vmem>>) offsets(%dma_start3A_157 : memref<128xi32, #tpu.memory_space<vmem>>) semaphore(%arg12 : memref<!tpu.dma_semaphore, #tpu.memory_space<semaphore_mem>>)
      %dma_start3A_165 = arith.constant 6 : i32
      %dma_start3A_166 = arith.constant 6 : i32
      %dma_start3A_167 = arith.constant 0 : i32
      %dma_start3A_168 = arith.constant 0 : i32
      %dma_start3A_169 = tpu.memref_slice %arg9[%dma_start3A_166, %dma_start3A_167, %dma_start3A_168] : memref<8x128x16xf32, #tpu.memory_space<vmem>> -> memref<1x128x16xf32, #tpu.memory_space<vmem>>
      %dma_start3A_170 = tpu.memref_squeeze %dma_start3A_169 : memref<1x128x16xf32, #tpu.memory_space<vmem>> -> memref<128x16xf32, #tpu.memory_space<vmem>>
      %dma_start3A_171 = arith.constant 0 : i32
      %dma_start3A_172 = tpu.memref_slice %arg7[%dma_start3A_165, %dma_start3A_171] : memref<8x128xi32, #tpu.memory_space<vmem>> -> memref<1x128xi32, #tpu.memory_space<vmem>>
      %dma_start3A_173 = tpu.memref_squeeze %dma_start3A_172 : memref<1x128xi32, #tpu.memory_space<vmem>> -> memref<128xi32, #tpu.memory_space<vmem>>
      %dma_start3A_174 = arith.constant 0 : i32
      %dma_start3A_175 = arith.constant 0 : i32
      %dma_start3A_176 = tpu.memref_slice %arg2[%add3A_15, %dma_start3A_174, %dma_start3A_175] : memref<8x50048x16xf32, #tpu.memory_space<hbm>> -> memref<1x50048x16xf32, #tpu.memory_space<hbm>>
      %dma_start3A_177 = tpu.memref_squeeze %dma_start3A_176 : memref<1x50048x16xf32, #tpu.memory_space<hbm>> -> memref<50048x16xf32, #tpu.memory_space<hbm>>
      %dma_start3A_178 = arith.constant 0 : i32
      %dma_start3A_179 = arith.constant 0 : i32
      %dma_start3A_180 = tpu.memref_slice %dma_start3A_177[%dma_start3A_178, %dma_start3A_179] : memref<50048x16xf32, #tpu.memory_space<hbm>> -> memref<50048x16xf32, #tpu.memory_space<hbm>>
      tpu.enqueue_indirect_dma source(%dma_start3A_180 : memref<50048x16xf32, #tpu.memory_space<hbm>>) target(%dma_start3A_170 : memref<128x16xf32, #tpu.memory_space<vmem>>) offsets(%dma_start3A_173 : memref<128xi32, #tpu.memory_space<vmem>>) semaphore(%arg12 : memref<!tpu.dma_semaphore, #tpu.memory_space<semaphore_mem>>)
      %dma_start3A_181 = arith.constant 7 : i32
      %dma_start3A_182 = arith.constant 7 : i32
      %dma_start3A_183 = arith.constant 0 : i32
      %dma_start3A_184 = arith.constant 0 : i32
      %dma_start3A_185 = tpu.memref_slice %arg9[%dma_start3A_182, %dma_start3A_183, %dma_start3A_184] : memref<8x128x16xf32, #tpu.memory_space<vmem>> -> memref<1x128x16xf32, #tpu.memory_space<vmem>>
      %dma_start3A_186 = tpu.memref_squeeze %dma_start3A_185 : memref<1x128x16xf32, #tpu.memory_space<vmem>> -> memref<128x16xf32, #tpu.memory_space<vmem>>
      %dma_start3A_187 = arith.constant 0 : i32
      %dma_start3A_188 = tpu.memref_slice %arg7[%dma_start3A_181, %dma_start3A_187] : memref<8x128xi32, #tpu.memory_space<vmem>> -> memref<1x128xi32, #tpu.memory_space<vmem>>
      %dma_start3A_189 = tpu.memref_squeeze %dma_start3A_188 : memref<1x128xi32, #tpu.memory_space<vmem>> -> memref<128xi32, #tpu.memory_space<vmem>>
      %dma_start3A_190 = arith.constant 0 : i32
      %dma_start3A_191 = arith.constant 0 : i32
      %dma_start3A_192 = tpu.memref_slice %arg2[%add3A_15, %dma_start3A_190, %dma_start3A_191] : memref<8x50048x16xf32, #tpu.memory_space<hbm>> -> memref<1x50048x16xf32, #tpu.memory_space<hbm>>
      %dma_start3A_193 = tpu.memref_squeeze %dma_start3A_192 : memref<1x50048x16xf32, #tpu.memory_space<hbm>> -> memref<50048x16xf32, #tpu.memory_space<hbm>>
      %dma_start3A_194 = arith.constant 0 : i32
      %dma_start3A_195 = arith.constant 0 : i32
      %dma_start3A_196 = tpu.memref_slice %dma_start3A_193[%dma_start3A_194, %dma_start3A_195] : memref<50048x16xf32, #tpu.memory_space<hbm>> -> memref<50048x16xf32, #tpu.memory_space<hbm>>
      tpu.enqueue_indirect_dma source(%dma_start3A_196 : memref<50048x16xf32, #tpu.memory_space<hbm>>) target(%dma_start3A_186 : memref<128x16xf32, #tpu.memory_space<vmem>>) offsets(%dma_start3A_189 : memref<128xi32, #tpu.memory_space<vmem>>) semaphore(%arg12 : memref<!tpu.dma_semaphore, #tpu.memory_space<semaphore_mem>>)
      %dma_wait3A = arith.constant 0 : i32
      %dma_wait3A_197 = arith.constant 0 : i32
      %dma_wait3A_198 = arith.constant 0 : i32
      %dma_wait3A_199 = arith.constant 0 : i32
      %dma_wait3A_200 = tpu.memref_slice %arg9[%dma_wait3A_197, %dma_wait3A_198, %dma_wait3A_199] : memref<8x128x16xf32, #tpu.memory_space<vmem>> -> memref<1x128x16xf32, #tpu.memory_space<vmem>>
      %dma_wait3A_201 = tpu.memref_squeeze %dma_wait3A_200 : memref<1x128x16xf32, #tpu.memory_space<vmem>> -> memref<128x16xf32, #tpu.memory_space<vmem>>
      %dma_wait3A_202 = arith.constant 0 : i32
      %dma_wait3A_203 = tpu.memref_slice %arg7[%dma_wait3A, %dma_wait3A_202] : memref<8x128xi32, #tpu.memory_space<vmem>> -> memref<1x128xi32, #tpu.memory_space<vmem>>
      %dma_wait3A_204 = tpu.memref_squeeze %dma_wait3A_203 : memref<1x128xi32, #tpu.memory_space<vmem>> -> memref<128xi32, #tpu.memory_space<vmem>>
      %dma_wait3A_205 = arith.constant 0 : i32
      %dma_wait3A_206 = arith.constant 0 : i32
      %dma_wait3A_207 = tpu.memref_slice %arg2[%add3A_15, %dma_wait3A_205, %dma_wait3A_206] : memref<8x50048x16xf32, #tpu.memory_space<hbm>> -> memref<1x50048x16xf32, #tpu.memory_space<hbm>>
      %dma_wait3A_208 = tpu.memref_squeeze %dma_wait3A_207 : memref<1x50048x16xf32, #tpu.memory_space<hbm>> -> memref<50048x16xf32, #tpu.memory_space<hbm>>
      %dma_wait3A_209 = arith.constant 0 : i32
      %dma_wait3A_210 = arith.constant 0 : i32
      %dma_wait3A_211 = tpu.memref_slice %dma_wait3A_208[%dma_wait3A_209, %dma_wait3A_210] : memref<50048x16xf32, #tpu.memory_space<hbm>> -> memref<50048x16xf32, #tpu.memory_space<hbm>>
      tpu.wait_indirect_dma semaphore(%arg12 : memref<!tpu.dma_semaphore, #tpu.memory_space<semaphore_mem>>) src(%dma_wait3A_211 : memref<50048x16xf32, #tpu.memory_space<hbm>>) dst(%dma_wait3A_201 : memref<128x16xf32, #tpu.memory_space<vmem>>)
      %dma_wait3A_212 = arith.constant 1 : i32
      %dma_wait3A_213 = arith.constant 1 : i32
      %dma_wait3A_214 = arith.constant 0 : i32
      %dma_wait3A_215 = arith.constant 0 : i32
      %dma_wait3A_216 = tpu.memref_slice %arg9[%dma_wait3A_213, %dma_wait3A_214, %dma_wait3A_215] : memref<8x128x16xf32, #tpu.memory_space<vmem>> -> memref<1x128x16xf32, #tpu.memory_space<vmem>>
      %dma_wait3A_217 = tpu.memref_squeeze %dma_wait3A_216 : memref<1x128x16xf32, #tpu.memory_space<vmem>> -> memref<128x16xf32, #tpu.memory_space<vmem>>
      %dma_wait3A_218 = arith.constant 0 : i32
      %dma_wait3A_219 = tpu.memref_slice %arg7[%dma_wait3A_212, %dma_wait3A_218] : memref<8x128xi32, #tpu.memory_space<vmem>> -> memref<1x128xi32, #tpu.memory_space<vmem>>
      %dma_wait3A_220 = tpu.memref_squeeze %dma_wait3A_219 : memref<1x128xi32, #tpu.memory_space<vmem>> -> memref<128xi32, #tpu.memory_space<vmem>>
      %dma_wait3A_221 = arith.constant 0 : i32
      %dma_wait3A_222 = arith.constant 0 : i32
      %dma_wait3A_223 = tpu.memref_slice %arg2[%add3A_15, %dma_wait3A_221, %dma_wait3A_222] : memref<8x50048x16xf32, #tpu.memory_space<hbm>> -> memref<1x50048x16xf32, #tpu.memory_space<hbm>>
      %dma_wait3A_224 = tpu.memref_squeeze %dma_wait3A_223 : memref<1x50048x16xf32, #tpu.memory_space<hbm>> -> memref<50048x16xf32, #tpu.memory_space<hbm>>
      %dma_wait3A_225 = arith.constant 0 : i32
      %dma_wait3A_226 = arith.constant 0 : i32
      %dma_wait3A_227 = tpu.memref_slice %dma_wait3A_224[%dma_wait3A_225, %dma_wait3A_226] : memref<50048x16xf32, #tpu.memory_space<hbm>> -> memref<50048x16xf32, #tpu.memory_space<hbm>>
      tpu.wait_indirect_dma semaphore(%arg12 : memref<!tpu.dma_semaphore, #tpu.memory_space<semaphore_mem>>) src(%dma_wait3A_227 : memref<50048x16xf32, #tpu.memory_space<hbm>>) dst(%dma_wait3A_217 : memref<128x16xf32, #tpu.memory_space<vmem>>)
      %dma_wait3A_228 = arith.constant 2 : i32
      %dma_wait3A_229 = arith.constant 2 : i32
      %dma_wait3A_230 = arith.constant 0 : i32
      %dma_wait3A_231 = arith.constant 0 : i32
      %dma_wait3A_232 = tpu.memref_slice %arg9[%dma_wait3A_229, %dma_wait3A_230, %dma_wait3A_231] : memref<8x128x16xf32, #tpu.memory_space<vmem>> -> memref<1x128x16xf32, #tpu.memory_space<vmem>>
      %dma_wait3A_233 = tpu.memref_squeeze %dma_wait3A_232 : memref<1x128x16xf32, #tpu.memory_space<vmem>> -> memref<128x16xf32, #tpu.memory_space<vmem>>
      %dma_wait3A_234 = arith.constant 0 : i32
      %dma_wait3A_235 = tpu.memref_slice %arg7[%dma_wait3A_228, %dma_wait3A_234] : memref<8x128xi32, #tpu.memory_space<vmem>> -> memref<1x128xi32, #tpu.memory_space<vmem>>
      %dma_wait3A_236 = tpu.memref_squeeze %dma_wait3A_235 : memref<1x128xi32, #tpu.memory_space<vmem>> -> memref<128xi32, #tpu.memory_space<vmem>>
      %dma_wait3A_237 = arith.constant 0 : i32
      %dma_wait3A_238 = arith.constant 0 : i32
      %dma_wait3A_239 = tpu.memref_slice %arg2[%add3A_15, %dma_wait3A_237, %dma_wait3A_238] : memref<8x50048x16xf32, #tpu.memory_space<hbm>> -> memref<1x50048x16xf32, #tpu.memory_space<hbm>>
      %dma_wait3A_240 = tpu.memref_squeeze %dma_wait3A_239 : memref<1x50048x16xf32, #tpu.memory_space<hbm>> -> memref<50048x16xf32, #tpu.memory_space<hbm>>
      %dma_wait3A_241 = arith.constant 0 : i32
      %dma_wait3A_242 = arith.constant 0 : i32
      %dma_wait3A_243 = tpu.memref_slice %dma_wait3A_240[%dma_wait3A_241, %dma_wait3A_242] : memref<50048x16xf32, #tpu.memory_space<hbm>> -> memref<50048x16xf32, #tpu.memory_space<hbm>>
      tpu.wait_indirect_dma semaphore(%arg12 : memref<!tpu.dma_semaphore, #tpu.memory_space<semaphore_mem>>) src(%dma_wait3A_243 : memref<50048x16xf32, #tpu.memory_space<hbm>>) dst(%dma_wait3A_233 : memref<128x16xf32, #tpu.memory_space<vmem>>)
      %dma_wait3A_244 = arith.constant 3 : i32
      %dma_wait3A_245 = arith.constant 3 : i32
      %dma_wait3A_246 = arith.constant 0 : i32
      %dma_wait3A_247 = arith.constant 0 : i32
      %dma_wait3A_248 = tpu.memref_slice %arg9[%dma_wait3A_245, %dma_wait3A_246, %dma_wait3A_247] : memref<8x128x16xf32, #tpu.memory_space<vmem>> -> memref<1x128x16xf32, #tpu.memory_space<vmem>>
      %dma_wait3A_249 = tpu.memref_squeeze %dma_wait3A_248 : memref<1x128x16xf32, #tpu.memory_space<vmem>> -> memref<128x16xf32, #tpu.memory_space<vmem>>
      %dma_wait3A_250 = arith.constant 0 : i32
      %dma_wait3A_251 = tpu.memref_slice %arg7[%dma_wait3A_244, %dma_wait3A_250] : memref<8x128xi32, #tpu.memory_space<vmem>> -> memref<1x128xi32, #tpu.memory_space<vmem>>
      %dma_wait3A_252 = tpu.memref_squeeze %dma_wait3A_251 : memref<1x128xi32, #tpu.memory_space<vmem>> -> memref<128xi32, #tpu.memory_space<vmem>>
      %dma_wait3A_253 = arith.constant 0 : i32
      %dma_wait3A_254 = arith.constant 0 : i32
      %dma_wait3A_255 = tpu.memref_slice %arg2[%add3A_15, %dma_wait3A_253, %dma_wait3A_254] : memref<8x50048x16xf32, #tpu.memory_space<hbm>> -> memref<1x50048x16xf32, #tpu.memory_space<hbm>>
      %dma_wait3A_256 = tpu.memref_squeeze %dma_wait3A_255 : memref<1x50048x16xf32, #tpu.memory_space<hbm>> -> memref<50048x16xf32, #tpu.memory_space<hbm>>
      %dma_wait3A_257 = arith.constant 0 : i32
      %dma_wait3A_258 = arith.constant 0 : i32
      %dma_wait3A_259 = tpu.memref_slice %dma_wait3A_256[%dma_wait3A_257, %dma_wait3A_258] : memref<50048x16xf32, #tpu.memory_space<hbm>> -> memref<50048x16xf32, #tpu.memory_space<hbm>>
      tpu.wait_indirect_dma semaphore(%arg12 : memref<!tpu.dma_semaphore, #tpu.memory_space<semaphore_mem>>) src(%dma_wait3A_259 : memref<50048x16xf32, #tpu.memory_space<hbm>>) dst(%dma_wait3A_249 : memref<128x16xf32, #tpu.memory_space<vmem>>)
      %dma_wait3A_260 = arith.constant 4 : i32
      %dma_wait3A_261 = arith.constant 4 : i32
      %dma_wait3A_262 = arith.constant 0 : i32
      %dma_wait3A_263 = arith.constant 0 : i32
      %dma_wait3A_264 = tpu.memref_slice %arg9[%dma_wait3A_261, %dma_wait3A_262, %dma_wait3A_263] : memref<8x128x16xf32, #tpu.memory_space<vmem>> -> memref<1x128x16xf32, #tpu.memory_space<vmem>>
      %dma_wait3A_265 = tpu.memref_squeeze %dma_wait3A_264 : memref<1x128x16xf32, #tpu.memory_space<vmem>> -> memref<128x16xf32, #tpu.memory_space<vmem>>
      %dma_wait3A_266 = arith.constant 0 : i32
      %dma_wait3A_267 = tpu.memref_slice %arg7[%dma_wait3A_260, %dma_wait3A_266] : memref<8x128xi32, #tpu.memory_space<vmem>> -> memref<1x128xi32, #tpu.memory_space<vmem>>
      %dma_wait3A_268 = tpu.memref_squeeze %dma_wait3A_267 : memref<1x128xi32, #tpu.memory_space<vmem>> -> memref<128xi32, #tpu.memory_space<vmem>>
      %dma_wait3A_269 = arith.constant 0 : i32
      %dma_wait3A_270 = arith.constant 0 : i32
      %dma_wait3A_271 = tpu.memref_slice %arg2[%add3A_15, %dma_wait3A_269, %dma_wait3A_270] : memref<8x50048x16xf32, #tpu.memory_space<hbm>> -> memref<1x50048x16xf32, #tpu.memory_space<hbm>>
      %dma_wait3A_272 = tpu.memref_squeeze %dma_wait3A_271 : memref<1x50048x16xf32, #tpu.memory_space<hbm>> -> memref<50048x16xf32, #tpu.memory_space<hbm>>
      %dma_wait3A_273 = arith.constant 0 : i32
      %dma_wait3A_274 = arith.constant 0 : i32
      %dma_wait3A_275 = tpu.memref_slice %dma_wait3A_272[%dma_wait3A_273, %dma_wait3A_274] : memref<50048x16xf32, #tpu.memory_space<hbm>> -> memref<50048x16xf32, #tpu.memory_space<hbm>>
      tpu.wait_indirect_dma semaphore(%arg12 : memref<!tpu.dma_semaphore, #tpu.memory_space<semaphore_mem>>) src(%dma_wait3A_275 : memref<50048x16xf32, #tpu.memory_space<hbm>>) dst(%dma_wait3A_265 : memref<128x16xf32, #tpu.memory_space<vmem>>)
      %dma_wait3A_276 = arith.constant 5 : i32
      %dma_wait3A_277 = arith.constant 5 : i32
      %dma_wait3A_278 = arith.constant 0 : i32
      %dma_wait3A_279 = arith.constant 0 : i32
      %dma_wait3A_280 = tpu.memref_slice %arg9[%dma_wait3A_277, %dma_wait3A_278, %dma_wait3A_279] : memref<8x128x16xf32, #tpu.memory_space<vmem>> -> memref<1x128x16xf32, #tpu.memory_space<vmem>>
      %dma_wait3A_281 = tpu.memref_squeeze %dma_wait3A_280 : memref<1x128x16xf32, #tpu.memory_space<vmem>> -> memref<128x16xf32, #tpu.memory_space<vmem>>
      %dma_wait3A_282 = arith.constant 0 : i32
      %dma_wait3A_283 = tpu.memref_slice %arg7[%dma_wait3A_276, %dma_wait3A_282] : memref<8x128xi32, #tpu.memory_space<vmem>> -> memref<1x128xi32, #tpu.memory_space<vmem>>
      %dma_wait3A_284 = tpu.memref_squeeze %dma_wait3A_283 : memref<1x128xi32, #tpu.memory_space<vmem>> -> memref<128xi32, #tpu.memory_space<vmem>>
      %dma_wait3A_285 = arith.constant 0 : i32
      %dma_wait3A_286 = arith.constant 0 : i32
      %dma_wait3A_287 = tpu.memref_slice %arg2[%add3A_15, %dma_wait3A_285, %dma_wait3A_286] : memref<8x50048x16xf32, #tpu.memory_space<hbm>> -> memref<1x50048x16xf32, #tpu.memory_space<hbm>>
      %dma_wait3A_288 = tpu.memref_squeeze %dma_wait3A_287 : memref<1x50048x16xf32, #tpu.memory_space<hbm>> -> memref<50048x16xf32, #tpu.memory_space<hbm>>
      %dma_wait3A_289 = arith.constant 0 : i32
      %dma_wait3A_290 = arith.constant 0 : i32
      %dma_wait3A_291 = tpu.memref_slice %dma_wait3A_288[%dma_wait3A_289, %dma_wait3A_290] : memref<50048x16xf32, #tpu.memory_space<hbm>> -> memref<50048x16xf32, #tpu.memory_space<hbm>>
      tpu.wait_indirect_dma semaphore(%arg12 : memref<!tpu.dma_semaphore, #tpu.memory_space<semaphore_mem>>) src(%dma_wait3A_291 : memref<50048x16xf32, #tpu.memory_space<hbm>>) dst(%dma_wait3A_281 : memref<128x16xf32, #tpu.memory_space<vmem>>)
      %dma_wait3A_292 = arith.constant 6 : i32
      %dma_wait3A_293 = arith.constant 6 : i32
      %dma_wait3A_294 = arith.constant 0 : i32
      %dma_wait3A_295 = arith.constant 0 : i32
      %dma_wait3A_296 = tpu.memref_slice %arg9[%dma_wait3A_293, %dma_wait3A_294, %dma_wait3A_295] : memref<8x128x16xf32, #tpu.memory_space<vmem>> -> memref<1x128x16xf32, #tpu.memory_space<vmem>>
      %dma_wait3A_297 = tpu.memref_squeeze %dma_wait3A_296 : memref<1x128x16xf32, #tpu.memory_space<vmem>> -> memref<128x16xf32, #tpu.memory_space<vmem>>
      %dma_wait3A_298 = arith.constant 0 : i32
      %dma_wait3A_299 = tpu.memref_slice %arg7[%dma_wait3A_292, %dma_wait3A_298] : memref<8x128xi32, #tpu.memory_space<vmem>> -> memref<1x128xi32, #tpu.memory_space<vmem>>
      %dma_wait3A_300 = tpu.memref_squeeze %dma_wait3A_299 : memref<1x128xi32, #tpu.memory_space<vmem>> -> memref<128xi32, #tpu.memory_space<vmem>>
      %dma_wait3A_301 = arith.constant 0 : i32
      %dma_wait3A_302 = arith.constant 0 : i32
      %dma_wait3A_303 = tpu.memref_slice %arg2[%add3A_15, %dma_wait3A_301, %dma_wait3A_302] : memref<8x50048x16xf32, #tpu.memory_space<hbm>> -> memref<1x50048x16xf32, #tpu.memory_space<hbm>>
      %dma_wait3A_304 = tpu.memref_squeeze %dma_wait3A_303 : memref<1x50048x16xf32, #tpu.memory_space<hbm>> -> memref<50048x16xf32, #tpu.memory_space<hbm>>
      %dma_wait3A_305 = arith.constant 0 : i32
      %dma_wait3A_306 = arith.constant 0 : i32
      %dma_wait3A_307 = tpu.memref_slice %dma_wait3A_304[%dma_wait3A_305, %dma_wait3A_306] : memref<50048x16xf32, #tpu.memory_space<hbm>> -> memref<50048x16xf32, #tpu.memory_space<hbm>>
      tpu.wait_indirect_dma semaphore(%arg12 : memref<!tpu.dma_semaphore, #tpu.memory_space<semaphore_mem>>) src(%dma_wait3A_307 : memref<50048x16xf32, #tpu.memory_space<hbm>>) dst(%dma_wait3A_297 : memref<128x16xf32, #tpu.memory_space<vmem>>)
      %dma_wait3A_308 = arith.constant 7 : i32
      %dma_wait3A_309 = arith.constant 7 : i32
      %dma_wait3A_310 = arith.constant 0 : i32
      %dma_wait3A_311 = arith.constant 0 : i32
      %dma_wait3A_312 = tpu.memref_slice %arg9[%dma_wait3A_309, %dma_wait3A_310, %dma_wait3A_311] : memref<8x128x16xf32, #tpu.memory_space<vmem>> -> memref<1x128x16xf32, #tpu.memory_space<vmem>>
      %dma_wait3A_313 = tpu.memref_squeeze %dma_wait3A_312 : memref<1x128x16xf32, #tpu.memory_space<vmem>> -> memref<128x16xf32, #tpu.memory_space<vmem>>
      %dma_wait3A_314 = arith.constant 0 : i32
      %dma_wait3A_315 = tpu.memref_slice %arg7[%dma_wait3A_308, %dma_wait3A_314] : memref<8x128xi32, #tpu.memory_space<vmem>> -> memref<1x128xi32, #tpu.memory_space<vmem>>
      %dma_wait3A_316 = tpu.memref_squeeze %dma_wait3A_315 : memref<1x128xi32, #tpu.memory_space<vmem>> -> memref<128xi32, #tpu.memory_space<vmem>>
      %dma_wait3A_317 = arith.constant 0 : i32
      %dma_wait3A_318 = arith.constant 0 : i32
      %dma_wait3A_319 = tpu.memref_slice %arg2[%add3A_15, %dma_wait3A_317, %dma_wait3A_318] : memref<8x50048x16xf32, #tpu.memory_space<hbm>> -> memref<1x50048x16xf32, #tpu.memory_space<hbm>>
      %dma_wait3A_320 = tpu.memref_squeeze %dma_wait3A_319 : memref<1x50048x16xf32, #tpu.memory_space<hbm>> -> memref<50048x16xf32, #tpu.memory_space<hbm>>
      %dma_wait3A_321 = arith.constant 0 : i32
      %dma_wait3A_322 = arith.constant 0 : i32
      %dma_wait3A_323 = tpu.memref_slice %dma_wait3A_320[%dma_wait3A_321, %dma_wait3A_322] : memref<50048x16xf32, #tpu.memory_space<hbm>> -> memref<50048x16xf32, #tpu.memory_space<hbm>>
      tpu.wait_indirect_dma semaphore(%arg12 : memref<!tpu.dma_semaphore, #tpu.memory_space<semaphore_mem>>) src(%dma_wait3A_323 : memref<50048x16xf32, #tpu.memory_space<hbm>>) dst(%dma_wait3A_313 : memref<128x16xf32, #tpu.memory_space<vmem>>)
      %dma_start3A_324 = arith.constant 0 : i32
      %dma_start3A_325 = arith.constant 0 : i32
      %dma_start3A_326 = arith.constant 0 : i32
      %dma_start3A_327 = arith.constant 0 : i32
      %dma_start3A_328 = tpu.memref_slice %arg9[%dma_start3A_324, %dma_start3A_326, %dma_start3A_327] : memref<8x128x16xf32, #tpu.memory_space<vmem>> -> memref<1x128x16xf32, #tpu.memory_space<vmem>>
      %dma_start3A_329 = tpu.memref_squeeze %dma_start3A_328 : memref<1x128x16xf32, #tpu.memory_space<vmem>> -> memref<128x16xf32, #tpu.memory_space<vmem>>
      %dma_start3A_330 = arith.constant 0 : i32
      %dma_start3A_331 = tpu.memref_slice %arg8[%dma_start3A_325, %dma_start3A_330] : memref<8x128xi32, #tpu.memory_space<vmem>> -> memref<1x128xi32, #tpu.memory_space<vmem>>
      %dma_start3A_332 = tpu.memref_squeeze %dma_start3A_331 : memref<1x128xi32, #tpu.memory_space<vmem>> -> memref<128xi32, #tpu.memory_space<vmem>>
      %dma_start3A_333 = arith.constant 0 : i32
      %dma_start3A_334 = arith.constant 0 : i32
      %dma_start3A_335 = tpu.memref_slice %arg11[%dma_start3A_333, %dma_start3A_334] : memref<50048x16xf32, #tpu.memory_space<vmem_shared>> -> memref<50048x16xf32, #tpu.memory_space<vmem_shared>>
      tpu.enqueue_indirect_dma source(%dma_start3A_329 : memref<128x16xf32, #tpu.memory_space<vmem>>) target(%dma_start3A_335 : memref<50048x16xf32, #tpu.memory_space<vmem_shared>>) offsets(%dma_start3A_332 : memref<128xi32, #tpu.memory_space<vmem>>) semaphore(%arg13 : memref<!tpu.dma_semaphore, #tpu.memory_space<semaphore_mem>>) {add = true}
      %dma_start3A_336 = arith.constant 1 : i32
      %dma_start3A_337 = arith.constant 1 : i32
      %dma_start3A_338 = arith.constant 0 : i32
      %dma_start3A_339 = arith.constant 0 : i32
      %dma_start3A_340 = tpu.memref_slice %arg9[%dma_start3A_336, %dma_start3A_338, %dma_start3A_339] : memref<8x128x16xf32, #tpu.memory_space<vmem>> -> memref<1x128x16xf32, #tpu.memory_space<vmem>>
      %dma_start3A_341 = tpu.memref_squeeze %dma_start3A_340 : memref<1x128x16xf32, #tpu.memory_space<vmem>> -> memref<128x16xf32, #tpu.memory_space<vmem>>
      %dma_start3A_342 = arith.constant 0 : i32
      %dma_start3A_343 = tpu.memref_slice %arg8[%dma_start3A_337, %dma_start3A_342] : memref<8x128xi32, #tpu.memory_space<vmem>> -> memref<1x128xi32, #tpu.memory_space<vmem>>
      %dma_start3A_344 = tpu.memref_squeeze %dma_start3A_343 : memref<1x128xi32, #tpu.memory_space<vmem>> -> memref<128xi32, #tpu.memory_space<vmem>>
      %dma_start3A_345 = arith.constant 0 : i32
      %dma_start3A_346 = arith.constant 0 : i32
      %dma_start3A_347 = tpu.memref_slice %arg11[%dma_start3A_345, %dma_start3A_346] : memref<50048x16xf32, #tpu.memory_space<vmem_shared>> -> memref<50048x16xf32, #tpu.memory_space<vmem_shared>>
      tpu.enqueue_indirect_dma source(%dma_start3A_341 : memref<128x16xf32, #tpu.memory_space<vmem>>) target(%dma_start3A_347 : memref<50048x16xf32, #tpu.memory_space<vmem_shared>>) offsets(%dma_start3A_344 : memref<128xi32, #tpu.memory_space<vmem>>) semaphore(%arg13 : memref<!tpu.dma_semaphore, #tpu.memory_space<semaphore_mem>>) {add = true}
      %dma_start3A_348 = arith.constant 2 : i32
      %dma_start3A_349 = arith.constant 2 : i32
      %dma_start3A_350 = arith.constant 0 : i32
      %dma_start3A_351 = arith.constant 0 : i32
      %dma_start3A_352 = tpu.memref_slice %arg9[%dma_start3A_348, %dma_start3A_350, %dma_start3A_351] : memref<8x128x16xf32, #tpu.memory_space<vmem>> -> memref<1x128x16xf32, #tpu.memory_space<vmem>>
      %dma_start3A_353 = tpu.memref_squeeze %dma_start3A_352 : memref<1x128x16xf32, #tpu.memory_space<vmem>> -> memref<128x16xf32, #tpu.memory_space<vmem>>
      %dma_start3A_354 = arith.constant 0 : i32
      %dma_start3A_355 = tpu.memref_slice %arg8[%dma_start3A_349, %dma_start3A_354] : memref<8x128xi32, #tpu.memory_space<vmem>> -> memref<1x128xi32, #tpu.memory_space<vmem>>
      %dma_start3A_356 = tpu.memref_squeeze %dma_start3A_355 : memref<1x128xi32, #tpu.memory_space<vmem>> -> memref<128xi32, #tpu.memory_space<vmem>>
      %dma_start3A_357 = arith.constant 0 : i32
      %dma_start3A_358 = arith.constant 0 : i32
      %dma_start3A_359 = tpu.memref_slice %arg11[%dma_start3A_357, %dma_start3A_358] : memref<50048x16xf32, #tpu.memory_space<vmem_shared>> -> memref<50048x16xf32, #tpu.memory_space<vmem_shared>>
      tpu.enqueue_indirect_dma source(%dma_start3A_353 : memref<128x16xf32, #tpu.memory_space<vmem>>) target(%dma_start3A_359 : memref<50048x16xf32, #tpu.memory_space<vmem_shared>>) offsets(%dma_start3A_356 : memref<128xi32, #tpu.memory_space<vmem>>) semaphore(%arg13 : memref<!tpu.dma_semaphore, #tpu.memory_space<semaphore_mem>>) {add = true}
      %dma_start3A_360 = arith.constant 3 : i32
      %dma_start3A_361 = arith.constant 3 : i32
      %dma_start3A_362 = arith.constant 0 : i32
      %dma_start3A_363 = arith.constant 0 : i32
      %dma_start3A_364 = tpu.memref_slice %arg9[%dma_start3A_360, %dma_start3A_362, %dma_start3A_363] : memref<8x128x16xf32, #tpu.memory_space<vmem>> -> memref<1x128x16xf32, #tpu.memory_space<vmem>>
      %dma_start3A_365 = tpu.memref_squeeze %dma_start3A_364 : memref<1x128x16xf32, #tpu.memory_space<vmem>> -> memref<128x16xf32, #tpu.memory_space<vmem>>
      %dma_start3A_366 = arith.constant 0 : i32
      %dma_start3A_367 = tpu.memref_slice %arg8[%dma_start3A_361, %dma_start3A_366] : memref<8x128xi32, #tpu.memory_space<vmem>> -> memref<1x128xi32, #tpu.memory_space<vmem>>
      %dma_start3A_368 = tpu.memref_squeeze %dma_start3A_367 : memref<1x128xi32, #tpu.memory_space<vmem>> -> memref<128xi32, #tpu.memory_space<vmem>>
      %dma_start3A_369 = arith.constant 0 : i32
      %dma_start3A_370 = arith.constant 0 : i32
      %dma_start3A_371 = tpu.memref_slice %arg11[%dma_start3A_369, %dma_start3A_370] : memref<50048x16xf32, #tpu.memory_space<vmem_shared>> -> memref<50048x16xf32, #tpu.memory_space<vmem_shared>>
      tpu.enqueue_indirect_dma source(%dma_start3A_365 : memref<128x16xf32, #tpu.memory_space<vmem>>) target(%dma_start3A_371 : memref<50048x16xf32, #tpu.memory_space<vmem_shared>>) offsets(%dma_start3A_368 : memref<128xi32, #tpu.memory_space<vmem>>) semaphore(%arg13 : memref<!tpu.dma_semaphore, #tpu.memory_space<semaphore_mem>>) {add = true}
      %dma_start3A_372 = arith.constant 4 : i32
      %dma_start3A_373 = arith.constant 4 : i32
      %dma_start3A_374 = arith.constant 0 : i32
      %dma_start3A_375 = arith.constant 0 : i32
      %dma_start3A_376 = tpu.memref_slice %arg9[%dma_start3A_372, %dma_start3A_374, %dma_start3A_375] : memref<8x128x16xf32, #tpu.memory_space<vmem>> -> memref<1x128x16xf32, #tpu.memory_space<vmem>>
      %dma_start3A_377 = tpu.memref_squeeze %dma_start3A_376 : memref<1x128x16xf32, #tpu.memory_space<vmem>> -> memref<128x16xf32, #tpu.memory_space<vmem>>
      %dma_start3A_378 = arith.constant 0 : i32
      %dma_start3A_379 = tpu.memref_slice %arg8[%dma_start3A_373, %dma_start3A_378] : memref<8x128xi32, #tpu.memory_space<vmem>> -> memref<1x128xi32, #tpu.memory_space<vmem>>
      %dma_start3A_380 = tpu.memref_squeeze %dma_start3A_379 : memref<1x128xi32, #tpu.memory_space<vmem>> -> memref<128xi32, #tpu.memory_space<vmem>>
      %dma_start3A_381 = arith.constant 0 : i32
      %dma_start3A_382 = arith.constant 0 : i32
      %dma_start3A_383 = tpu.memref_slice %arg11[%dma_start3A_381, %dma_start3A_382] : memref<50048x16xf32, #tpu.memory_space<vmem_shared>> -> memref<50048x16xf32, #tpu.memory_space<vmem_shared>>
      tpu.enqueue_indirect_dma source(%dma_start3A_377 : memref<128x16xf32, #tpu.memory_space<vmem>>) target(%dma_start3A_383 : memref<50048x16xf32, #tpu.memory_space<vmem_shared>>) offsets(%dma_start3A_380 : memref<128xi32, #tpu.memory_space<vmem>>) semaphore(%arg13 : memref<!tpu.dma_semaphore, #tpu.memory_space<semaphore_mem>>) {add = true}
      %dma_start3A_384 = arith.constant 5 : i32
      %dma_start3A_385 = arith.constant 5 : i32
      %dma_start3A_386 = arith.constant 0 : i32
      %dma_start3A_387 = arith.constant 0 : i32
      %dma_start3A_388 = tpu.memref_slice %arg9[%dma_start3A_384, %dma_start3A_386, %dma_start3A_387] : memref<8x128x16xf32, #tpu.memory_space<vmem>> -> memref<1x128x16xf32, #tpu.memory_space<vmem>>
      %dma_start3A_389 = tpu.memref_squeeze %dma_start3A_388 : memref<1x128x16xf32, #tpu.memory_space<vmem>> -> memref<128x16xf32, #tpu.memory_space<vmem>>
      %dma_start3A_390 = arith.constant 0 : i32
      %dma_start3A_391 = tpu.memref_slice %arg8[%dma_start3A_385, %dma_start3A_390] : memref<8x128xi32, #tpu.memory_space<vmem>> -> memref<1x128xi32, #tpu.memory_space<vmem>>
      %dma_start3A_392 = tpu.memref_squeeze %dma_start3A_391 : memref<1x128xi32, #tpu.memory_space<vmem>> -> memref<128xi32, #tpu.memory_space<vmem>>
      %dma_start3A_393 = arith.constant 0 : i32
      %dma_start3A_394 = arith.constant 0 : i32
      %dma_start3A_395 = tpu.memref_slice %arg11[%dma_start3A_393, %dma_start3A_394] : memref<50048x16xf32, #tpu.memory_space<vmem_shared>> -> memref<50048x16xf32, #tpu.memory_space<vmem_shared>>
      tpu.enqueue_indirect_dma source(%dma_start3A_389 : memref<128x16xf32, #tpu.memory_space<vmem>>) target(%dma_start3A_395 : memref<50048x16xf32, #tpu.memory_space<vmem_shared>>) offsets(%dma_start3A_392 : memref<128xi32, #tpu.memory_space<vmem>>) semaphore(%arg13 : memref<!tpu.dma_semaphore, #tpu.memory_space<semaphore_mem>>) {add = true}
      %dma_start3A_396 = arith.constant 6 : i32
      %dma_start3A_397 = arith.constant 6 : i32
      %dma_start3A_398 = arith.constant 0 : i32
      %dma_start3A_399 = arith.constant 0 : i32
      %dma_start3A_400 = tpu.memref_slice %arg9[%dma_start3A_396, %dma_start3A_398, %dma_start3A_399] : memref<8x128x16xf32, #tpu.memory_space<vmem>> -> memref<1x128x16xf32, #tpu.memory_space<vmem>>
      %dma_start3A_401 = tpu.memref_squeeze %dma_start3A_400 : memref<1x128x16xf32, #tpu.memory_space<vmem>> -> memref<128x16xf32, #tpu.memory_space<vmem>>
      %dma_start3A_402 = arith.constant 0 : i32
      %dma_start3A_403 = tpu.memref_slice %arg8[%dma_start3A_397, %dma_start3A_402] : memref<8x128xi32, #tpu.memory_space<vmem>> -> memref<1x128xi32, #tpu.memory_space<vmem>>
      %dma_start3A_404 = tpu.memref_squeeze %dma_start3A_403 : memref<1x128xi32, #tpu.memory_space<vmem>> -> memref<128xi32, #tpu.memory_space<vmem>>
      %dma_start3A_405 = arith.constant 0 : i32
      %dma_start3A_406 = arith.constant 0 : i32
      %dma_start3A_407 = tpu.memref_slice %arg11[%dma_start3A_405, %dma_start3A_406] : memref<50048x16xf32, #tpu.memory_space<vmem_shared>> -> memref<50048x16xf32, #tpu.memory_space<vmem_shared>>
      tpu.enqueue_indirect_dma source(%dma_start3A_401 : memref<128x16xf32, #tpu.memory_space<vmem>>) target(%dma_start3A_407 : memref<50048x16xf32, #tpu.memory_space<vmem_shared>>) offsets(%dma_start3A_404 : memref<128xi32, #tpu.memory_space<vmem>>) semaphore(%arg13 : memref<!tpu.dma_semaphore, #tpu.memory_space<semaphore_mem>>) {add = true}
      %dma_start3A_408 = arith.constant 7 : i32
      %dma_start3A_409 = arith.constant 7 : i32
      %dma_start3A_410 = arith.constant 0 : i32
      %dma_start3A_411 = arith.constant 0 : i32
      %dma_start3A_412 = tpu.memref_slice %arg9[%dma_start3A_408, %dma_start3A_410, %dma_start3A_411] : memref<8x128x16xf32, #tpu.memory_space<vmem>> -> memref<1x128x16xf32, #tpu.memory_space<vmem>>
      %dma_start3A_413 = tpu.memref_squeeze %dma_start3A_412 : memref<1x128x16xf32, #tpu.memory_space<vmem>> -> memref<128x16xf32, #tpu.memory_space<vmem>>
      %dma_start3A_414 = arith.constant 0 : i32
      %dma_start3A_415 = tpu.memref_slice %arg8[%dma_start3A_409, %dma_start3A_414] : memref<8x128xi32, #tpu.memory_space<vmem>> -> memref<1x128xi32, #tpu.memory_space<vmem>>
      %dma_start3A_416 = tpu.memref_squeeze %dma_start3A_415 : memref<1x128xi32, #tpu.memory_space<vmem>> -> memref<128xi32, #tpu.memory_space<vmem>>
      %dma_start3A_417 = arith.constant 0 : i32
      %dma_start3A_418 = arith.constant 0 : i32
      %dma_start3A_419 = tpu.memref_slice %arg11[%dma_start3A_417, %dma_start3A_418] : memref<50048x16xf32, #tpu.memory_space<vmem_shared>> -> memref<50048x16xf32, #tpu.memory_space<vmem_shared>>
      tpu.enqueue_indirect_dma source(%dma_start3A_413 : memref<128x16xf32, #tpu.memory_space<vmem>>) target(%dma_start3A_419 : memref<50048x16xf32, #tpu.memory_space<vmem_shared>>) offsets(%dma_start3A_416 : memref<128xi32, #tpu.memory_space<vmem>>) semaphore(%arg13 : memref<!tpu.dma_semaphore, #tpu.memory_space<semaphore_mem>>) {add = true}
      %dma_wait3A_420 = arith.constant 0 : i32
      %dma_wait3A_421 = arith.constant 0 : i32
      %dma_wait3A_422 = arith.constant 0 : i32
      %dma_wait3A_423 = arith.constant 0 : i32
      %dma_wait3A_424 = tpu.memref_slice %arg9[%dma_wait3A_420, %dma_wait3A_422, %dma_wait3A_423] : memref<8x128x16xf32, #tpu.memory_space<vmem>> -> memref<1x128x16xf32, #tpu.memory_space<vmem>>
      %dma_wait3A_425 = tpu.memref_squeeze %dma_wait3A_424 : memref<1x128x16xf32, #tpu.memory_space<vmem>> -> memref<128x16xf32, #tpu.memory_space<vmem>>
      %dma_wait3A_426 = arith.constant 0 : i32
      %dma_wait3A_427 = tpu.memref_slice %arg8[%dma_wait3A_421, %dma_wait3A_426] : memref<8x128xi32, #tpu.memory_space<vmem>> -> memref<1x128xi32, #tpu.memory_space<vmem>>
      %dma_wait3A_428 = tpu.memref_squeeze %dma_wait3A_427 : memref<1x128xi32, #tpu.memory_space<vmem>> -> memref<128xi32, #tpu.memory_space<vmem>>
      %dma_wait3A_429 = arith.constant 0 : i32
      %dma_wait3A_430 = arith.constant 0 : i32
      %dma_wait3A_431 = tpu.memref_slice %arg11[%dma_wait3A_429, %dma_wait3A_430] : memref<50048x16xf32, #tpu.memory_space<vmem_shared>> -> memref<50048x16xf32, #tpu.memory_space<vmem_shared>>
      tpu.wait_indirect_dma semaphore(%arg13 : memref<!tpu.dma_semaphore, #tpu.memory_space<semaphore_mem>>) src(%dma_wait3A_425 : memref<128x16xf32, #tpu.memory_space<vmem>>) dst(%dma_wait3A_431 : memref<50048x16xf32, #tpu.memory_space<vmem_shared>>)
      %dma_wait3A_432 = arith.constant 1 : i32
      %dma_wait3A_433 = arith.constant 1 : i32
      %dma_wait3A_434 = arith.constant 0 : i32
      %dma_wait3A_435 = arith.constant 0 : i32
      %dma_wait3A_436 = tpu.memref_slice %arg9[%dma_wait3A_432, %dma_wait3A_434, %dma_wait3A_435] : memref<8x128x16xf32, #tpu.memory_space<vmem>> -> memref<1x128x16xf32, #tpu.memory_space<vmem>>
      %dma_wait3A_437 = tpu.memref_squeeze %dma_wait3A_436 : memref<1x128x16xf32, #tpu.memory_space<vmem>> -> memref<128x16xf32, #tpu.memory_space<vmem>>
      %dma_wait3A_438 = arith.constant 0 : i32
      %dma_wait3A_439 = tpu.memref_slice %arg8[%dma_wait3A_433, %dma_wait3A_438] : memref<8x128xi32, #tpu.memory_space<vmem>> -> memref<1x128xi32, #tpu.memory_space<vmem>>
      %dma_wait3A_440 = tpu.memref_squeeze %dma_wait3A_439 : memref<1x128xi32, #tpu.memory_space<vmem>> -> memref<128xi32, #tpu.memory_space<vmem>>
      %dma_wait3A_441 = arith.constant 0 : i32
      %dma_wait3A_442 = arith.constant 0 : i32
      %dma_wait3A_443 = tpu.memref_slice %arg11[%dma_wait3A_441, %dma_wait3A_442] : memref<50048x16xf32, #tpu.memory_space<vmem_shared>> -> memref<50048x16xf32, #tpu.memory_space<vmem_shared>>
      tpu.wait_indirect_dma semaphore(%arg13 : memref<!tpu.dma_semaphore, #tpu.memory_space<semaphore_mem>>) src(%dma_wait3A_437 : memref<128x16xf32, #tpu.memory_space<vmem>>) dst(%dma_wait3A_443 : memref<50048x16xf32, #tpu.memory_space<vmem_shared>>)
      %dma_wait3A_444 = arith.constant 2 : i32
      %dma_wait3A_445 = arith.constant 2 : i32
      %dma_wait3A_446 = arith.constant 0 : i32
      %dma_wait3A_447 = arith.constant 0 : i32
      %dma_wait3A_448 = tpu.memref_slice %arg9[%dma_wait3A_444, %dma_wait3A_446, %dma_wait3A_447] : memref<8x128x16xf32, #tpu.memory_space<vmem>> -> memref<1x128x16xf32, #tpu.memory_space<vmem>>
      %dma_wait3A_449 = tpu.memref_squeeze %dma_wait3A_448 : memref<1x128x16xf32, #tpu.memory_space<vmem>> -> memref<128x16xf32, #tpu.memory_space<vmem>>
      %dma_wait3A_450 = arith.constant 0 : i32
      %dma_wait3A_451 = tpu.memref_slice %arg8[%dma_wait3A_445, %dma_wait3A_450] : memref<8x128xi32, #tpu.memory_space<vmem>> -> memref<1x128xi32, #tpu.memory_space<vmem>>
      %dma_wait3A_452 = tpu.memref_squeeze %dma_wait3A_451 : memref<1x128xi32, #tpu.memory_space<vmem>> -> memref<128xi32, #tpu.memory_space<vmem>>
      %dma_wait3A_453 = arith.constant 0 : i32
      %dma_wait3A_454 = arith.constant 0 : i32
      %dma_wait3A_455 = tpu.memref_slice %arg11[%dma_wait3A_453, %dma_wait3A_454] : memref<50048x16xf32, #tpu.memory_space<vmem_shared>> -> memref<50048x16xf32, #tpu.memory_space<vmem_shared>>
      tpu.wait_indirect_dma semaphore(%arg13 : memref<!tpu.dma_semaphore, #tpu.memory_space<semaphore_mem>>) src(%dma_wait3A_449 : memref<128x16xf32, #tpu.memory_space<vmem>>) dst(%dma_wait3A_455 : memref<50048x16xf32, #tpu.memory_space<vmem_shared>>)
      %dma_wait3A_456 = arith.constant 3 : i32
      %dma_wait3A_457 = arith.constant 3 : i32
      %dma_wait3A_458 = arith.constant 0 : i32
      %dma_wait3A_459 = arith.constant 0 : i32
      %dma_wait3A_460 = tpu.memref_slice %arg9[%dma_wait3A_456, %dma_wait3A_458, %dma_wait3A_459] : memref<8x128x16xf32, #tpu.memory_space<vmem>> -> memref<1x128x16xf32, #tpu.memory_space<vmem>>
      %dma_wait3A_461 = tpu.memref_squeeze %dma_wait3A_460 : memref<1x128x16xf32, #tpu.memory_space<vmem>> -> memref<128x16xf32, #tpu.memory_space<vmem>>
      %dma_wait3A_462 = arith.constant 0 : i32
      %dma_wait3A_463 = tpu.memref_slice %arg8[%dma_wait3A_457, %dma_wait3A_462] : memref<8x128xi32, #tpu.memory_space<vmem>> -> memref<1x128xi32, #tpu.memory_space<vmem>>
      %dma_wait3A_464 = tpu.memref_squeeze %dma_wait3A_463 : memref<1x128xi32, #tpu.memory_space<vmem>> -> memref<128xi32, #tpu.memory_space<vmem>>
      %dma_wait3A_465 = arith.constant 0 : i32
      %dma_wait3A_466 = arith.constant 0 : i32
      %dma_wait3A_467 = tpu.memref_slice %arg11[%dma_wait3A_465, %dma_wait3A_466] : memref<50048x16xf32, #tpu.memory_space<vmem_shared>> -> memref<50048x16xf32, #tpu.memory_space<vmem_shared>>
      tpu.wait_indirect_dma semaphore(%arg13 : memref<!tpu.dma_semaphore, #tpu.memory_space<semaphore_mem>>) src(%dma_wait3A_461 : memref<128x16xf32, #tpu.memory_space<vmem>>) dst(%dma_wait3A_467 : memref<50048x16xf32, #tpu.memory_space<vmem_shared>>)
      %dma_wait3A_468 = arith.constant 4 : i32
      %dma_wait3A_469 = arith.constant 4 : i32
      %dma_wait3A_470 = arith.constant 0 : i32
      %dma_wait3A_471 = arith.constant 0 : i32
      %dma_wait3A_472 = tpu.memref_slice %arg9[%dma_wait3A_468, %dma_wait3A_470, %dma_wait3A_471] : memref<8x128x16xf32, #tpu.memory_space<vmem>> -> memref<1x128x16xf32, #tpu.memory_space<vmem>>
      %dma_wait3A_473 = tpu.memref_squeeze %dma_wait3A_472 : memref<1x128x16xf32, #tpu.memory_space<vmem>> -> memref<128x16xf32, #tpu.memory_space<vmem>>
      %dma_wait3A_474 = arith.constant 0 : i32
      %dma_wait3A_475 = tpu.memref_slice %arg8[%dma_wait3A_469, %dma_wait3A_474] : memref<8x128xi32, #tpu.memory_space<vmem>> -> memref<1x128xi32, #tpu.memory_space<vmem>>
      %dma_wait3A_476 = tpu.memref_squeeze %dma_wait3A_475 : memref<1x128xi32, #tpu.memory_space<vmem>> -> memref<128xi32, #tpu.memory_space<vmem>>
      %dma_wait3A_477 = arith.constant 0 : i32
      %dma_wait3A_478 = arith.constant 0 : i32
      %dma_wait3A_479 = tpu.memref_slice %arg11[%dma_wait3A_477, %dma_wait3A_478] : memref<50048x16xf32, #tpu.memory_space<vmem_shared>> -> memref<50048x16xf32, #tpu.memory_space<vmem_shared>>
      tpu.wait_indirect_dma semaphore(%arg13 : memref<!tpu.dma_semaphore, #tpu.memory_space<semaphore_mem>>) src(%dma_wait3A_473 : memref<128x16xf32, #tpu.memory_space<vmem>>) dst(%dma_wait3A_479 : memref<50048x16xf32, #tpu.memory_space<vmem_shared>>)
      %dma_wait3A_480 = arith.constant 5 : i32
      %dma_wait3A_481 = arith.constant 5 : i32
      %dma_wait3A_482 = arith.constant 0 : i32
      %dma_wait3A_483 = arith.constant 0 : i32
      %dma_wait3A_484 = tpu.memref_slice %arg9[%dma_wait3A_480, %dma_wait3A_482, %dma_wait3A_483] : memref<8x128x16xf32, #tpu.memory_space<vmem>> -> memref<1x128x16xf32, #tpu.memory_space<vmem>>
      %dma_wait3A_485 = tpu.memref_squeeze %dma_wait3A_484 : memref<1x128x16xf32, #tpu.memory_space<vmem>> -> memref<128x16xf32, #tpu.memory_space<vmem>>
      %dma_wait3A_486 = arith.constant 0 : i32
      %dma_wait3A_487 = tpu.memref_slice %arg8[%dma_wait3A_481, %dma_wait3A_486] : memref<8x128xi32, #tpu.memory_space<vmem>> -> memref<1x128xi32, #tpu.memory_space<vmem>>
      %dma_wait3A_488 = tpu.memref_squeeze %dma_wait3A_487 : memref<1x128xi32, #tpu.memory_space<vmem>> -> memref<128xi32, #tpu.memory_space<vmem>>
      %dma_wait3A_489 = arith.constant 0 : i32
      %dma_wait3A_490 = arith.constant 0 : i32
      %dma_wait3A_491 = tpu.memref_slice %arg11[%dma_wait3A_489, %dma_wait3A_490] : memref<50048x16xf32, #tpu.memory_space<vmem_shared>> -> memref<50048x16xf32, #tpu.memory_space<vmem_shared>>
      tpu.wait_indirect_dma semaphore(%arg13 : memref<!tpu.dma_semaphore, #tpu.memory_space<semaphore_mem>>) src(%dma_wait3A_485 : memref<128x16xf32, #tpu.memory_space<vmem>>) dst(%dma_wait3A_491 : memref<50048x16xf32, #tpu.memory_space<vmem_shared>>)
      %dma_wait3A_492 = arith.constant 6 : i32
      %dma_wait3A_493 = arith.constant 6 : i32
      %dma_wait3A_494 = arith.constant 0 : i32
      %dma_wait3A_495 = arith.constant 0 : i32
      %dma_wait3A_496 = tpu.memref_slice %arg9[%dma_wait3A_492, %dma_wait3A_494, %dma_wait3A_495] : memref<8x128x16xf32, #tpu.memory_space<vmem>> -> memref<1x128x16xf32, #tpu.memory_space<vmem>>
      %dma_wait3A_497 = tpu.memref_squeeze %dma_wait3A_496 : memref<1x128x16xf32, #tpu.memory_space<vmem>> -> memref<128x16xf32, #tpu.memory_space<vmem>>
      %dma_wait3A_498 = arith.constant 0 : i32
      %dma_wait3A_499 = tpu.memref_slice %arg8[%dma_wait3A_493, %dma_wait3A_498] : memref<8x128xi32, #tpu.memory_space<vmem>> -> memref<1x128xi32, #tpu.memory_space<vmem>>
      %dma_wait3A_500 = tpu.memref_squeeze %dma_wait3A_499 : memref<1x128xi32, #tpu.memory_space<vmem>> -> memref<128xi32, #tpu.memory_space<vmem>>
      %dma_wait3A_501 = arith.constant 0 : i32
      %dma_wait3A_502 = arith.constant 0 : i32
      %dma_wait3A_503 = tpu.memref_slice %arg11[%dma_wait3A_501, %dma_wait3A_502] : memref<50048x16xf32, #tpu.memory_space<vmem_shared>> -> memref<50048x16xf32, #tpu.memory_space<vmem_shared>>
      tpu.wait_indirect_dma semaphore(%arg13 : memref<!tpu.dma_semaphore, #tpu.memory_space<semaphore_mem>>) src(%dma_wait3A_497 : memref<128x16xf32, #tpu.memory_space<vmem>>) dst(%dma_wait3A_503 : memref<50048x16xf32, #tpu.memory_space<vmem_shared>>)
      %dma_wait3A_504 = arith.constant 7 : i32
      %dma_wait3A_505 = arith.constant 7 : i32
      %dma_wait3A_506 = arith.constant 0 : i32
      %dma_wait3A_507 = arith.constant 0 : i32
      %dma_wait3A_508 = tpu.memref_slice %arg9[%dma_wait3A_504, %dma_wait3A_506, %dma_wait3A_507] : memref<8x128x16xf32, #tpu.memory_space<vmem>> -> memref<1x128x16xf32, #tpu.memory_space<vmem>>
      %dma_wait3A_509 = tpu.memref_squeeze %dma_wait3A_508 : memref<1x128x16xf32, #tpu.memory_space<vmem>> -> memref<128x16xf32, #tpu.memory_space<vmem>>
      %dma_wait3A_510 = arith.constant 0 : i32
      %dma_wait3A_511 = tpu.memref_slice %arg8[%dma_wait3A_505, %dma_wait3A_510] : memref<8x128xi32, #tpu.memory_space<vmem>> -> memref<1x128xi32, #tpu.memory_space<vmem>>
      %dma_wait3A_512 = tpu.memref_squeeze %dma_wait3A_511 : memref<1x128xi32, #tpu.memory_space<vmem>> -> memref<128xi32, #tpu.memory_space<vmem>>
      %dma_wait3A_513 = arith.constant 0 : i32
      %dma_wait3A_514 = arith.constant 0 : i32
      %dma_wait3A_515 = tpu.memref_slice %arg11[%dma_wait3A_513, %dma_wait3A_514] : memref<50048x16xf32, #tpu.memory_space<vmem_shared>> -> memref<50048x16xf32, #tpu.memory_space<vmem_shared>>
      tpu.wait_indirect_dma semaphore(%arg13 : memref<!tpu.dma_semaphore, #tpu.memory_space<semaphore_mem>>) src(%dma_wait3A_509 : memref<128x16xf32, #tpu.memory_space<vmem>>) dst(%dma_wait3A_515 : memref<50048x16xf32, #tpu.memory_space<vmem_shared>>)
    }
    %scan3A_23 = arith.constant 49 : i32
    %barrier3A_24 = arith.constant 0 : index
    tpu.barrier barrier_id(%barrier3A_24)
    %mul3A_25 = arith.constant 3128 : i32
    %mul3A_26 = arith.muli %arg1, %mul3A_25 : i32
    "tpu.region"() ({
      %run_scoped3A = tpu.sem_alloc : memref<!tpu.dma_semaphore, #tpu.memory_space<semaphore_mem>>
      %dma_start3A = arith.constant 0 : i32
      %dma_start3A_60 = tpu.memref_slice %arg11[%mul3A_26, %dma_start3A] : memref<50048x16xf32, #tpu.memory_space<vmem_shared>> -> memref<3128x16xf32, #tpu.memory_space<vmem_shared>>
      %dma_start3A_61 = arith.constant 0 : i32
      %dma_start3A_62 = tpu.memref_slice %arg11[%mul3A_26, %dma_start3A_61] : memref<50048x16xf32, #tpu.memory_space<vmem_shared>> -> memref<3128x16xf32, #tpu.memory_space<vmem_shared>>
      tpu.enqueue_dma source(%dma_start3A_62 : memref<3128x16xf32, #tpu.memory_space<vmem_shared>>) target(%arg10 : memref<3128x16xf32, #tpu.memory_space<vmem>>) target_semaphore(%run_scoped3A : memref<!tpu.dma_semaphore, #tpu.memory_space<semaphore_mem>>)
      %dma_wait3A = arith.constant 0 : i32
      %dma_wait3A_63 = tpu.memref_slice %arg11[%mul3A_26, %dma_wait3A] : memref<50048x16xf32, #tpu.memory_space<vmem_shared>> -> memref<3128x16xf32, #tpu.memory_space<vmem_shared>>
      %dma_wait3A_64 = arith.constant 0 : i32
      %dma_wait3A_65 = tpu.memref_slice %arg11[%mul3A_26, %dma_wait3A_64] : memref<50048x16xf32, #tpu.memory_space<vmem_shared>> -> memref<3128x16xf32, #tpu.memory_space<vmem_shared>>
      tpu.wait_dma2 semaphore(%run_scoped3A : memref<!tpu.dma_semaphore, #tpu.memory_space<semaphore_mem>>) src(%dma_wait3A_65 : memref<3128x16xf32, #tpu.memory_space<vmem_shared>>) dst(%arg10 : memref<3128x16xf32, #tpu.memory_space<vmem>>)
      tpu.yield
    }) : () -> ()
    "tpu.region"() ({
      %run_scoped3A = tpu.sem_alloc : memref<!tpu.dma_semaphore, #tpu.memory_space<semaphore_mem>>
      %dma_start3A = arith.constant 0 : i32
      %dma_start3A_60 = arith.constant 0 : i32
      %dma_start3A_61 = tpu.memref_slice %arg6[%add3A_15, %dma_start3A, %dma_start3A_60] : memref<8x50048x16xf32, #tpu.memory_space<hbm>> -> memref<1x50048x16xf32, #tpu.memory_space<hbm>>
      %dma_start3A_62 = tpu.memref_squeeze %dma_start3A_61 : memref<1x50048x16xf32, #tpu.memory_space<hbm>> -> memref<50048x16xf32, #tpu.memory_space<hbm>>
      %dma_start3A_63 = arith.constant 0 : i32
      %dma_start3A_64 = tpu.memref_slice %dma_start3A_62[%mul3A_26, %dma_start3A_63] : memref<50048x16xf32, #tpu.memory_space<hbm>> -> memref<3128x16xf32, #tpu.memory_space<hbm>>
      %dma_start3A_65 = arith.constant 0 : i32
      %dma_start3A_66 = arith.constant 0 : i32
      %dma_start3A_67 = tpu.memref_slice %arg6[%add3A_15, %dma_start3A_65, %dma_start3A_66] : memref<8x50048x16xf32, #tpu.memory_space<hbm>> -> memref<1x50048x16xf32, #tpu.memory_space<hbm>>
      %dma_start3A_68 = tpu.memref_squeeze %dma_start3A_67 : memref<1x50048x16xf32, #tpu.memory_space<hbm>> -> memref<50048x16xf32, #tpu.memory_space<hbm>>
      %dma_start3A_69 = arith.constant 0 : i32
      %dma_start3A_70 = tpu.memref_slice %dma_start3A_68[%mul3A_26, %dma_start3A_69] : memref<50048x16xf32, #tpu.memory_space<hbm>> -> memref<3128x16xf32, #tpu.memory_space<hbm>>
      tpu.enqueue_dma source(%arg10 : memref<3128x16xf32, #tpu.memory_space<vmem>>) target(%dma_start3A_70 : memref<3128x16xf32, #tpu.memory_space<hbm>>) target_semaphore(%run_scoped3A : memref<!tpu.dma_semaphore, #tpu.memory_space<semaphore_mem>>)
      %dma_wait3A = arith.constant 0 : i32
      %dma_wait3A_71 = arith.constant 0 : i32
      %dma_wait3A_72 = tpu.memref_slice %arg6[%add3A_15, %dma_wait3A, %dma_wait3A_71] : memref<8x50048x16xf32, #tpu.memory_space<hbm>> -> memref<1x50048x16xf32, #tpu.memory_space<hbm>>
      %dma_wait3A_73 = tpu.memref_squeeze %dma_wait3A_72 : memref<1x50048x16xf32, #tpu.memory_space<hbm>> -> memref<50048x16xf32, #tpu.memory_space<hbm>>
      %dma_wait3A_74 = arith.constant 0 : i32
      %dma_wait3A_75 = tpu.memref_slice %dma_wait3A_73[%mul3A_26, %dma_wait3A_74] : memref<50048x16xf32, #tpu.memory_space<hbm>> -> memref<3128x16xf32, #tpu.memory_space<hbm>>
      %dma_wait3A_76 = arith.constant 0 : i32
      %dma_wait3A_77 = arith.constant 0 : i32
      %dma_wait3A_78 = tpu.memref_slice %arg6[%add3A_15, %dma_wait3A_76, %dma_wait3A_77] : memref<8x50048x16xf32, #tpu.memory_space<hbm>> -> memref<1x50048x16xf32, #tpu.memory_space<hbm>>
      %dma_wait3A_79 = tpu.memref_squeeze %dma_wait3A_78 : memref<1x50048x16xf32, #tpu.memory_space<hbm>> -> memref<50048x16xf32, #tpu.memory_space<hbm>>
      %dma_wait3A_80 = arith.constant 0 : i32
      %dma_wait3A_81 = tpu.memref_slice %dma_wait3A_79[%mul3A_26, %dma_wait3A_80] : memref<50048x16xf32, #tpu.memory_space<hbm>> -> memref<3128x16xf32, #tpu.memory_space<hbm>>
      tpu.wait_dma2 semaphore(%run_scoped3A : memref<!tpu.dma_semaphore, #tpu.memory_space<semaphore_mem>>) src(%arg10 : memref<3128x16xf32, #tpu.memory_space<vmem>>) dst(%dma_wait3A_81 : memref<3128x16xf32, #tpu.memory_space<hbm>>)
      tpu.yield
    }) : () -> ()
    %barrier3A_27 = arith.constant 0 : index
    tpu.barrier barrier_id(%barrier3A_27)
    %mul3A_28 = arith.constant 4 : i32
    %mul3A_29 = arith.muli %arg0, %mul3A_28 : i32
    %add3A_30 = arith.constant 2 : i32
    %add3A_31 = arith.addi %mul3A_29, %add3A_30 : i32
    "tpu.region"() ({
      %run_scoped3A = tpu.sem_alloc : memref<!tpu.dma_semaphore, #tpu.memory_space<semaphore_mem>>
      tpu.enqueue_dma source(%arg5 : memref<3128x16xf32, #tpu.memory_space<hbm>>) target(%arg10 : memref<3128x16xf32, #tpu.memory_space<vmem>>) target_semaphore(%run_scoped3A : memref<!tpu.dma_semaphore, #tpu.memory_space<semaphore_mem>>)
      tpu.wait_dma2 semaphore(%run_scoped3A : memref<!tpu.dma_semaphore, #tpu.memory_space<semaphore_mem>>) src(%arg5 : memref<3128x16xf32, #tpu.memory_space<hbm>>) dst(%arg10 : memref<3128x16xf32, #tpu.memory_space<vmem>>)
      tpu.yield
    }) : () -> ()
    %mul3A_32 = arith.constant 3128 : i32
    %mul3A_33 = arith.muli %arg1, %mul3A_32 : i32
    "tpu.region"() ({
      %run_scoped3A = tpu.sem_alloc : memref<!tpu.dma_semaphore, #tpu.memory_space<semaphore_mem>>
      %dma_start3A = arith.constant 0 : i32
      %dma_start3A_60 = tpu.memref_slice %arg11[%mul3A_33, %dma_start3A] : memref<50048x16xf32, #tpu.memory_space<vmem_shared>> -> memref<3128x16xf32, #tpu.memory_space<vmem_shared>>
      %dma_start3A_61 = arith.constant 0 : i32
      %dma_start3A_62 = tpu.memref_slice %arg11[%mul3A_33, %dma_start3A_61] : memref<50048x16xf32, #tpu.memory_space<vmem_shared>> -> memref<3128x16xf32, #tpu.memory_space<vmem_shared>>
      tpu.enqueue_dma source(%arg10 : memref<3128x16xf32, #tpu.memory_space<vmem>>) target(%dma_start3A_62 : memref<3128x16xf32, #tpu.memory_space<vmem_shared>>) target_semaphore(%run_scoped3A : memref<!tpu.dma_semaphore, #tpu.memory_space<semaphore_mem>>)
      %dma_wait3A = arith.constant 0 : i32
      %dma_wait3A_63 = tpu.memref_slice %arg11[%mul3A_33, %dma_wait3A] : memref<50048x16xf32, #tpu.memory_space<vmem_shared>> -> memref<3128x16xf32, #tpu.memory_space<vmem_shared>>
      %dma_wait3A_64 = arith.constant 0 : i32
      %dma_wait3A_65 = tpu.memref_slice %arg11[%mul3A_33, %dma_wait3A_64] : memref<50048x16xf32, #tpu.memory_space<vmem_shared>> -> memref<3128x16xf32, #tpu.memory_space<vmem_shared>>
      tpu.wait_dma2 semaphore(%run_scoped3A : memref<!tpu.dma_semaphore, #tpu.memory_space<semaphore_mem>>) src(%arg10 : memref<3128x16xf32, #tpu.memory_space<vmem>>) dst(%dma_wait3A_65 : memref<3128x16xf32, #tpu.memory_space<vmem_shared>>)
      tpu.yield
    }) : () -> ()
    %barrier3A_34 = arith.constant 0 : index
    tpu.barrier barrier_id(%barrier3A_34)
    %scan3A_35 = arith.constant 0 : i32
    %scan3A_36 = arith.constant 49 : i32
    %scan3A_37 = arith.addi %scan3A_35, %scan3A_36 : i32
    %scan3A_38 = arith.constant 1 : i32
    scf.for %scan3A_60 = %scan3A_35 to %scan3A_37 step %scan3A_38  : i32 {
      %mul3A_61 = arith.constant 1 : i32
      %mul3A_62 = arith.muli %scan3A_60, %mul3A_61 : i32
      %add3A_63 = arith.constant 0 : i32
      %add3A_64 = arith.addi %add3A_63, %mul3A_62 : i32
      %mul3A_65 = arith.constant 392 : i32
      %mul3A_66 = arith.muli %arg1, %mul3A_65 : i32
      %mul3A_67 = arith.constant 8 : i32
      %mul3A_68 = arith.muli %add3A_64, %mul3A_67 : i32
      %add3A_69 = arith.addi %mul3A_66, %mul3A_68 : i32
      "tpu.region"() ({
        %run_scoped3A = tpu.sem_alloc : memref<!tpu.dma_semaphore, #tpu.memory_space<semaphore_mem>>
        %dma_start3A_516 = arith.constant 0 : i32
        %dma_start3A_517 = tpu.memref_slice %arg3[%add3A_69, %dma_start3A_516] : memref<6272x128xi32, #tpu.memory_space<hbm>> -> memref<8x128xi32, #tpu.memory_space<hbm>>
        %dma_start3A_518 = arith.constant 0 : i32
        %dma_start3A_519 = tpu.memref_slice %arg3[%add3A_69, %dma_start3A_518] : memref<6272x128xi32, #tpu.memory_space<hbm>> -> memref<8x128xi32, #tpu.memory_space<hbm>>
        tpu.enqueue_dma source(%dma_start3A_519 : memref<8x128xi32, #tpu.memory_space<hbm>>) target(%arg7 : memref<8x128xi32, #tpu.memory_space<vmem>>) target_semaphore(%run_scoped3A : memref<!tpu.dma_semaphore, #tpu.memory_space<semaphore_mem>>)
        %dma_wait3A_520 = arith.constant 0 : i32
        %dma_wait3A_521 = tpu.memref_slice %arg3[%add3A_69, %dma_wait3A_520] : memref<6272x128xi32, #tpu.memory_space<hbm>> -> memref<8x128xi32, #tpu.memory_space<hbm>>
        %dma_wait3A_522 = arith.constant 0 : i32
        %dma_wait3A_523 = tpu.memref_slice %arg3[%add3A_69, %dma_wait3A_522] : memref<6272x128xi32, #tpu.memory_space<hbm>> -> memref<8x128xi32, #tpu.memory_space<hbm>>
        tpu.wait_dma2 semaphore(%run_scoped3A : memref<!tpu.dma_semaphore, #tpu.memory_space<semaphore_mem>>) src(%dma_wait3A_523 : memref<8x128xi32, #tpu.memory_space<hbm>>) dst(%arg7 : memref<8x128xi32, #tpu.memory_space<vmem>>)
        tpu.yield
      }) : () -> ()
      "tpu.region"() ({
        %run_scoped3A = tpu.sem_alloc : memref<!tpu.dma_semaphore, #tpu.memory_space<semaphore_mem>>
        %dma_start3A_516 = arith.constant 0 : i32
        %dma_start3A_517 = tpu.memref_slice %arg4[%add3A_69, %dma_start3A_516] : memref<6272x128xi32, #tpu.memory_space<hbm>> -> memref<8x128xi32, #tpu.memory_space<hbm>>
        %dma_start3A_518 = arith.constant 0 : i32
        %dma_start3A_519 = tpu.memref_slice %arg4[%add3A_69, %dma_start3A_518] : memref<6272x128xi32, #tpu.memory_space<hbm>> -> memref<8x128xi32, #tpu.memory_space<hbm>>
        tpu.enqueue_dma source(%dma_start3A_519 : memref<8x128xi32, #tpu.memory_space<hbm>>) target(%arg8 : memref<8x128xi32, #tpu.memory_space<vmem>>) target_semaphore(%run_scoped3A : memref<!tpu.dma_semaphore, #tpu.memory_space<semaphore_mem>>)
        %dma_wait3A_520 = arith.constant 0 : i32
        %dma_wait3A_521 = tpu.memref_slice %arg4[%add3A_69, %dma_wait3A_520] : memref<6272x128xi32, #tpu.memory_space<hbm>> -> memref<8x128xi32, #tpu.memory_space<hbm>>
        %dma_wait3A_522 = arith.constant 0 : i32
        %dma_wait3A_523 = tpu.memref_slice %arg4[%add3A_69, %dma_wait3A_522] : memref<6272x128xi32, #tpu.memory_space<hbm>> -> memref<8x128xi32, #tpu.memory_space<hbm>>
        tpu.wait_dma2 semaphore(%run_scoped3A : memref<!tpu.dma_semaphore, #tpu.memory_space<semaphore_mem>>) src(%dma_wait3A_523 : memref<8x128xi32, #tpu.memory_space<hbm>>) dst(%arg8 : memref<8x128xi32, #tpu.memory_space<vmem>>)
        tpu.yield
      }) : () -> ()
      %dma_start3A = arith.constant 0 : i32
      %dma_start3A_70 = arith.constant 0 : i32
      %dma_start3A_71 = arith.constant 0 : i32
      %dma_start3A_72 = arith.constant 0 : i32
      %dma_start3A_73 = tpu.memref_slice %arg9[%dma_start3A_70, %dma_start3A_71, %dma_start3A_72] : memref<8x128x16xf32, #tpu.memory_space<vmem>> -> memref<1x128x16xf32, #tpu.memory_space<vmem>>
      %dma_start3A_74 = tpu.memref_squeeze %dma_start3A_73 : memref<1x128x16xf32, #tpu.memory_space<vmem>> -> memref<128x16xf32, #tpu.memory_space<vmem>>
      %dma_start3A_75 = arith.constant 0 : i32
      %dma_start3A_76 = tpu.memref_slice %arg7[%dma_start3A, %dma_start3A_75] : memref<8x128xi32, #tpu.memory_space<vmem>> -> memref<1x128xi32, #tpu.memory_space<vmem>>
      %dma_start3A_77 = tpu.memref_squeeze %dma_start3A_76 : memref<1x128xi32, #tpu.memory_space<vmem>> -> memref<128xi32, #tpu.memory_space<vmem>>
      %dma_start3A_78 = arith.constant 0 : i32
      %dma_start3A_79 = arith.constant 0 : i32
      %dma_start3A_80 = tpu.memref_slice %arg2[%add3A_31, %dma_start3A_78, %dma_start3A_79] : memref<8x50048x16xf32, #tpu.memory_space<hbm>> -> memref<1x50048x16xf32, #tpu.memory_space<hbm>>
      %dma_start3A_81 = tpu.memref_squeeze %dma_start3A_80 : memref<1x50048x16xf32, #tpu.memory_space<hbm>> -> memref<50048x16xf32, #tpu.memory_space<hbm>>
      %dma_start3A_82 = arith.constant 0 : i32
      %dma_start3A_83 = arith.constant 0 : i32
      %dma_start3A_84 = tpu.memref_slice %dma_start3A_81[%dma_start3A_82, %dma_start3A_83] : memref<50048x16xf32, #tpu.memory_space<hbm>> -> memref<50048x16xf32, #tpu.memory_space<hbm>>
      tpu.enqueue_indirect_dma source(%dma_start3A_84 : memref<50048x16xf32, #tpu.memory_space<hbm>>) target(%dma_start3A_74 : memref<128x16xf32, #tpu.memory_space<vmem>>) offsets(%dma_start3A_77 : memref<128xi32, #tpu.memory_space<vmem>>) semaphore(%arg12 : memref<!tpu.dma_semaphore, #tpu.memory_space<semaphore_mem>>)
      %dma_start3A_85 = arith.constant 1 : i32
      %dma_start3A_86 = arith.constant 1 : i32
      %dma_start3A_87 = arith.constant 0 : i32
      %dma_start3A_88 = arith.constant 0 : i32
      %dma_start3A_89 = tpu.memref_slice %arg9[%dma_start3A_86, %dma_start3A_87, %dma_start3A_88] : memref<8x128x16xf32, #tpu.memory_space<vmem>> -> memref<1x128x16xf32, #tpu.memory_space<vmem>>
      %dma_start3A_90 = tpu.memref_squeeze %dma_start3A_89 : memref<1x128x16xf32, #tpu.memory_space<vmem>> -> memref<128x16xf32, #tpu.memory_space<vmem>>
      %dma_start3A_91 = arith.constant 0 : i32
      %dma_start3A_92 = tpu.memref_slice %arg7[%dma_start3A_85, %dma_start3A_91] : memref<8x128xi32, #tpu.memory_space<vmem>> -> memref<1x128xi32, #tpu.memory_space<vmem>>
      %dma_start3A_93 = tpu.memref_squeeze %dma_start3A_92 : memref<1x128xi32, #tpu.memory_space<vmem>> -> memref<128xi32, #tpu.memory_space<vmem>>
      %dma_start3A_94 = arith.constant 0 : i32
      %dma_start3A_95 = arith.constant 0 : i32
      %dma_start3A_96 = tpu.memref_slice %arg2[%add3A_31, %dma_start3A_94, %dma_start3A_95] : memref<8x50048x16xf32, #tpu.memory_space<hbm>> -> memref<1x50048x16xf32, #tpu.memory_space<hbm>>
      %dma_start3A_97 = tpu.memref_squeeze %dma_start3A_96 : memref<1x50048x16xf32, #tpu.memory_space<hbm>> -> memref<50048x16xf32, #tpu.memory_space<hbm>>
      %dma_start3A_98 = arith.constant 0 : i32
      %dma_start3A_99 = arith.constant 0 : i32
      %dma_start3A_100 = tpu.memref_slice %dma_start3A_97[%dma_start3A_98, %dma_start3A_99] : memref<50048x16xf32, #tpu.memory_space<hbm>> -> memref<50048x16xf32, #tpu.memory_space<hbm>>
      tpu.enqueue_indirect_dma source(%dma_start3A_100 : memref<50048x16xf32, #tpu.memory_space<hbm>>) target(%dma_start3A_90 : memref<128x16xf32, #tpu.memory_space<vmem>>) offsets(%dma_start3A_93 : memref<128xi32, #tpu.memory_space<vmem>>) semaphore(%arg12 : memref<!tpu.dma_semaphore, #tpu.memory_space<semaphore_mem>>)
      %dma_start3A_101 = arith.constant 2 : i32
      %dma_start3A_102 = arith.constant 2 : i32
      %dma_start3A_103 = arith.constant 0 : i32
      %dma_start3A_104 = arith.constant 0 : i32
      %dma_start3A_105 = tpu.memref_slice %arg9[%dma_start3A_102, %dma_start3A_103, %dma_start3A_104] : memref<8x128x16xf32, #tpu.memory_space<vmem>> -> memref<1x128x16xf32, #tpu.memory_space<vmem>>
      %dma_start3A_106 = tpu.memref_squeeze %dma_start3A_105 : memref<1x128x16xf32, #tpu.memory_space<vmem>> -> memref<128x16xf32, #tpu.memory_space<vmem>>
      %dma_start3A_107 = arith.constant 0 : i32
      %dma_start3A_108 = tpu.memref_slice %arg7[%dma_start3A_101, %dma_start3A_107] : memref<8x128xi32, #tpu.memory_space<vmem>> -> memref<1x128xi32, #tpu.memory_space<vmem>>
      %dma_start3A_109 = tpu.memref_squeeze %dma_start3A_108 : memref<1x128xi32, #tpu.memory_space<vmem>> -> memref<128xi32, #tpu.memory_space<vmem>>
      %dma_start3A_110 = arith.constant 0 : i32
      %dma_start3A_111 = arith.constant 0 : i32
      %dma_start3A_112 = tpu.memref_slice %arg2[%add3A_31, %dma_start3A_110, %dma_start3A_111] : memref<8x50048x16xf32, #tpu.memory_space<hbm>> -> memref<1x50048x16xf32, #tpu.memory_space<hbm>>
      %dma_start3A_113 = tpu.memref_squeeze %dma_start3A_112 : memref<1x50048x16xf32, #tpu.memory_space<hbm>> -> memref<50048x16xf32, #tpu.memory_space<hbm>>
      %dma_start3A_114 = arith.constant 0 : i32
      %dma_start3A_115 = arith.constant 0 : i32
      %dma_start3A_116 = tpu.memref_slice %dma_start3A_113[%dma_start3A_114, %dma_start3A_115] : memref<50048x16xf32, #tpu.memory_space<hbm>> -> memref<50048x16xf32, #tpu.memory_space<hbm>>
      tpu.enqueue_indirect_dma source(%dma_start3A_116 : memref<50048x16xf32, #tpu.memory_space<hbm>>) target(%dma_start3A_106 : memref<128x16xf32, #tpu.memory_space<vmem>>) offsets(%dma_start3A_109 : memref<128xi32, #tpu.memory_space<vmem>>) semaphore(%arg12 : memref<!tpu.dma_semaphore, #tpu.memory_space<semaphore_mem>>)
      %dma_start3A_117 = arith.constant 3 : i32
      %dma_start3A_118 = arith.constant 3 : i32
      %dma_start3A_119 = arith.constant 0 : i32
      %dma_start3A_120 = arith.constant 0 : i32
      %dma_start3A_121 = tpu.memref_slice %arg9[%dma_start3A_118, %dma_start3A_119, %dma_start3A_120] : memref<8x128x16xf32, #tpu.memory_space<vmem>> -> memref<1x128x16xf32, #tpu.memory_space<vmem>>
      %dma_start3A_122 = tpu.memref_squeeze %dma_start3A_121 : memref<1x128x16xf32, #tpu.memory_space<vmem>> -> memref<128x16xf32, #tpu.memory_space<vmem>>
      %dma_start3A_123 = arith.constant 0 : i32
      %dma_start3A_124 = tpu.memref_slice %arg7[%dma_start3A_117, %dma_start3A_123] : memref<8x128xi32, #tpu.memory_space<vmem>> -> memref<1x128xi32, #tpu.memory_space<vmem>>
      %dma_start3A_125 = tpu.memref_squeeze %dma_start3A_124 : memref<1x128xi32, #tpu.memory_space<vmem>> -> memref<128xi32, #tpu.memory_space<vmem>>
      %dma_start3A_126 = arith.constant 0 : i32
      %dma_start3A_127 = arith.constant 0 : i32
      %dma_start3A_128 = tpu.memref_slice %arg2[%add3A_31, %dma_start3A_126, %dma_start3A_127] : memref<8x50048x16xf32, #tpu.memory_space<hbm>> -> memref<1x50048x16xf32, #tpu.memory_space<hbm>>
      %dma_start3A_129 = tpu.memref_squeeze %dma_start3A_128 : memref<1x50048x16xf32, #tpu.memory_space<hbm>> -> memref<50048x16xf32, #tpu.memory_space<hbm>>
      %dma_start3A_130 = arith.constant 0 : i32
      %dma_start3A_131 = arith.constant 0 : i32
      %dma_start3A_132 = tpu.memref_slice %dma_start3A_129[%dma_start3A_130, %dma_start3A_131] : memref<50048x16xf32, #tpu.memory_space<hbm>> -> memref<50048x16xf32, #tpu.memory_space<hbm>>
      tpu.enqueue_indirect_dma source(%dma_start3A_132 : memref<50048x16xf32, #tpu.memory_space<hbm>>) target(%dma_start3A_122 : memref<128x16xf32, #tpu.memory_space<vmem>>) offsets(%dma_start3A_125 : memref<128xi32, #tpu.memory_space<vmem>>) semaphore(%arg12 : memref<!tpu.dma_semaphore, #tpu.memory_space<semaphore_mem>>)
      %dma_start3A_133 = arith.constant 4 : i32
      %dma_start3A_134 = arith.constant 4 : i32
      %dma_start3A_135 = arith.constant 0 : i32
      %dma_start3A_136 = arith.constant 0 : i32
      %dma_start3A_137 = tpu.memref_slice %arg9[%dma_start3A_134, %dma_start3A_135, %dma_start3A_136] : memref<8x128x16xf32, #tpu.memory_space<vmem>> -> memref<1x128x16xf32, #tpu.memory_space<vmem>>
      %dma_start3A_138 = tpu.memref_squeeze %dma_start3A_137 : memref<1x128x16xf32, #tpu.memory_space<vmem>> -> memref<128x16xf32, #tpu.memory_space<vmem>>
      %dma_start3A_139 = arith.constant 0 : i32
      %dma_start3A_140 = tpu.memref_slice %arg7[%dma_start3A_133, %dma_start3A_139] : memref<8x128xi32, #tpu.memory_space<vmem>> -> memref<1x128xi32, #tpu.memory_space<vmem>>
      %dma_start3A_141 = tpu.memref_squeeze %dma_start3A_140 : memref<1x128xi32, #tpu.memory_space<vmem>> -> memref<128xi32, #tpu.memory_space<vmem>>
      %dma_start3A_142 = arith.constant 0 : i32
      %dma_start3A_143 = arith.constant 0 : i32
      %dma_start3A_144 = tpu.memref_slice %arg2[%add3A_31, %dma_start3A_142, %dma_start3A_143] : memref<8x50048x16xf32, #tpu.memory_space<hbm>> -> memref<1x50048x16xf32, #tpu.memory_space<hbm>>
      %dma_start3A_145 = tpu.memref_squeeze %dma_start3A_144 : memref<1x50048x16xf32, #tpu.memory_space<hbm>> -> memref<50048x16xf32, #tpu.memory_space<hbm>>
      %dma_start3A_146 = arith.constant 0 : i32
      %dma_start3A_147 = arith.constant 0 : i32
      %dma_start3A_148 = tpu.memref_slice %dma_start3A_145[%dma_start3A_146, %dma_start3A_147] : memref<50048x16xf32, #tpu.memory_space<hbm>> -> memref<50048x16xf32, #tpu.memory_space<hbm>>
      tpu.enqueue_indirect_dma source(%dma_start3A_148 : memref<50048x16xf32, #tpu.memory_space<hbm>>) target(%dma_start3A_138 : memref<128x16xf32, #tpu.memory_space<vmem>>) offsets(%dma_start3A_141 : memref<128xi32, #tpu.memory_space<vmem>>) semaphore(%arg12 : memref<!tpu.dma_semaphore, #tpu.memory_space<semaphore_mem>>)
      %dma_start3A_149 = arith.constant 5 : i32
      %dma_start3A_150 = arith.constant 5 : i32
      %dma_start3A_151 = arith.constant 0 : i32
      %dma_start3A_152 = arith.constant 0 : i32
      %dma_start3A_153 = tpu.memref_slice %arg9[%dma_start3A_150, %dma_start3A_151, %dma_start3A_152] : memref<8x128x16xf32, #tpu.memory_space<vmem>> -> memref<1x128x16xf32, #tpu.memory_space<vmem>>
      %dma_start3A_154 = tpu.memref_squeeze %dma_start3A_153 : memref<1x128x16xf32, #tpu.memory_space<vmem>> -> memref<128x16xf32, #tpu.memory_space<vmem>>
      %dma_start3A_155 = arith.constant 0 : i32
      %dma_start3A_156 = tpu.memref_slice %arg7[%dma_start3A_149, %dma_start3A_155] : memref<8x128xi32, #tpu.memory_space<vmem>> -> memref<1x128xi32, #tpu.memory_space<vmem>>
      %dma_start3A_157 = tpu.memref_squeeze %dma_start3A_156 : memref<1x128xi32, #tpu.memory_space<vmem>> -> memref<128xi32, #tpu.memory_space<vmem>>
      %dma_start3A_158 = arith.constant 0 : i32
      %dma_start3A_159 = arith.constant 0 : i32
      %dma_start3A_160 = tpu.memref_slice %arg2[%add3A_31, %dma_start3A_158, %dma_start3A_159] : memref<8x50048x16xf32, #tpu.memory_space<hbm>> -> memref<1x50048x16xf32, #tpu.memory_space<hbm>>
      %dma_start3A_161 = tpu.memref_squeeze %dma_start3A_160 : memref<1x50048x16xf32, #tpu.memory_space<hbm>> -> memref<50048x16xf32, #tpu.memory_space<hbm>>
      %dma_start3A_162 = arith.constant 0 : i32
      %dma_start3A_163 = arith.constant 0 : i32
      %dma_start3A_164 = tpu.memref_slice %dma_start3A_161[%dma_start3A_162, %dma_start3A_163] : memref<50048x16xf32, #tpu.memory_space<hbm>> -> memref<50048x16xf32, #tpu.memory_space<hbm>>
      tpu.enqueue_indirect_dma source(%dma_start3A_164 : memref<50048x16xf32, #tpu.memory_space<hbm>>) target(%dma_start3A_154 : memref<128x16xf32, #tpu.memory_space<vmem>>) offsets(%dma_start3A_157 : memref<128xi32, #tpu.memory_space<vmem>>) semaphore(%arg12 : memref<!tpu.dma_semaphore, #tpu.memory_space<semaphore_mem>>)
      %dma_start3A_165 = arith.constant 6 : i32
      %dma_start3A_166 = arith.constant 6 : i32
      %dma_start3A_167 = arith.constant 0 : i32
      %dma_start3A_168 = arith.constant 0 : i32
      %dma_start3A_169 = tpu.memref_slice %arg9[%dma_start3A_166, %dma_start3A_167, %dma_start3A_168] : memref<8x128x16xf32, #tpu.memory_space<vmem>> -> memref<1x128x16xf32, #tpu.memory_space<vmem>>
      %dma_start3A_170 = tpu.memref_squeeze %dma_start3A_169 : memref<1x128x16xf32, #tpu.memory_space<vmem>> -> memref<128x16xf32, #tpu.memory_space<vmem>>
      %dma_start3A_171 = arith.constant 0 : i32
      %dma_start3A_172 = tpu.memref_slice %arg7[%dma_start3A_165, %dma_start3A_171] : memref<8x128xi32, #tpu.memory_space<vmem>> -> memref<1x128xi32, #tpu.memory_space<vmem>>
      %dma_start3A_173 = tpu.memref_squeeze %dma_start3A_172 : memref<1x128xi32, #tpu.memory_space<vmem>> -> memref<128xi32, #tpu.memory_space<vmem>>
      %dma_start3A_174 = arith.constant 0 : i32
      %dma_start3A_175 = arith.constant 0 : i32
      %dma_start3A_176 = tpu.memref_slice %arg2[%add3A_31, %dma_start3A_174, %dma_start3A_175] : memref<8x50048x16xf32, #tpu.memory_space<hbm>> -> memref<1x50048x16xf32, #tpu.memory_space<hbm>>
      %dma_start3A_177 = tpu.memref_squeeze %dma_start3A_176 : memref<1x50048x16xf32, #tpu.memory_space<hbm>> -> memref<50048x16xf32, #tpu.memory_space<hbm>>
      %dma_start3A_178 = arith.constant 0 : i32
      %dma_start3A_179 = arith.constant 0 : i32
      %dma_start3A_180 = tpu.memref_slice %dma_start3A_177[%dma_start3A_178, %dma_start3A_179] : memref<50048x16xf32, #tpu.memory_space<hbm>> -> memref<50048x16xf32, #tpu.memory_space<hbm>>
      tpu.enqueue_indirect_dma source(%dma_start3A_180 : memref<50048x16xf32, #tpu.memory_space<hbm>>) target(%dma_start3A_170 : memref<128x16xf32, #tpu.memory_space<vmem>>) offsets(%dma_start3A_173 : memref<128xi32, #tpu.memory_space<vmem>>) semaphore(%arg12 : memref<!tpu.dma_semaphore, #tpu.memory_space<semaphore_mem>>)
      %dma_start3A_181 = arith.constant 7 : i32
      %dma_start3A_182 = arith.constant 7 : i32
      %dma_start3A_183 = arith.constant 0 : i32
      %dma_start3A_184 = arith.constant 0 : i32
      %dma_start3A_185 = tpu.memref_slice %arg9[%dma_start3A_182, %dma_start3A_183, %dma_start3A_184] : memref<8x128x16xf32, #tpu.memory_space<vmem>> -> memref<1x128x16xf32, #tpu.memory_space<vmem>>
      %dma_start3A_186 = tpu.memref_squeeze %dma_start3A_185 : memref<1x128x16xf32, #tpu.memory_space<vmem>> -> memref<128x16xf32, #tpu.memory_space<vmem>>
      %dma_start3A_187 = arith.constant 0 : i32
      %dma_start3A_188 = tpu.memref_slice %arg7[%dma_start3A_181, %dma_start3A_187] : memref<8x128xi32, #tpu.memory_space<vmem>> -> memref<1x128xi32, #tpu.memory_space<vmem>>
      %dma_start3A_189 = tpu.memref_squeeze %dma_start3A_188 : memref<1x128xi32, #tpu.memory_space<vmem>> -> memref<128xi32, #tpu.memory_space<vmem>>
      %dma_start3A_190 = arith.constant 0 : i32
      %dma_start3A_191 = arith.constant 0 : i32
      %dma_start3A_192 = tpu.memref_slice %arg2[%add3A_31, %dma_start3A_190, %dma_start3A_191] : memref<8x50048x16xf32, #tpu.memory_space<hbm>> -> memref<1x50048x16xf32, #tpu.memory_space<hbm>>
      %dma_start3A_193 = tpu.memref_squeeze %dma_start3A_192 : memref<1x50048x16xf32, #tpu.memory_space<hbm>> -> memref<50048x16xf32, #tpu.memory_space<hbm>>
      %dma_start3A_194 = arith.constant 0 : i32
      %dma_start3A_195 = arith.constant 0 : i32
      %dma_start3A_196 = tpu.memref_slice %dma_start3A_193[%dma_start3A_194, %dma_start3A_195] : memref<50048x16xf32, #tpu.memory_space<hbm>> -> memref<50048x16xf32, #tpu.memory_space<hbm>>
      tpu.enqueue_indirect_dma source(%dma_start3A_196 : memref<50048x16xf32, #tpu.memory_space<hbm>>) target(%dma_start3A_186 : memref<128x16xf32, #tpu.memory_space<vmem>>) offsets(%dma_start3A_189 : memref<128xi32, #tpu.memory_space<vmem>>) semaphore(%arg12 : memref<!tpu.dma_semaphore, #tpu.memory_space<semaphore_mem>>)
      %dma_wait3A = arith.constant 0 : i32
      %dma_wait3A_197 = arith.constant 0 : i32
      %dma_wait3A_198 = arith.constant 0 : i32
      %dma_wait3A_199 = arith.constant 0 : i32
      %dma_wait3A_200 = tpu.memref_slice %arg9[%dma_wait3A_197, %dma_wait3A_198, %dma_wait3A_199] : memref<8x128x16xf32, #tpu.memory_space<vmem>> -> memref<1x128x16xf32, #tpu.memory_space<vmem>>
      %dma_wait3A_201 = tpu.memref_squeeze %dma_wait3A_200 : memref<1x128x16xf32, #tpu.memory_space<vmem>> -> memref<128x16xf32, #tpu.memory_space<vmem>>
      %dma_wait3A_202 = arith.constant 0 : i32
      %dma_wait3A_203 = tpu.memref_slice %arg7[%dma_wait3A, %dma_wait3A_202] : memref<8x128xi32, #tpu.memory_space<vmem>> -> memref<1x128xi32, #tpu.memory_space<vmem>>
      %dma_wait3A_204 = tpu.memref_squeeze %dma_wait3A_203 : memref<1x128xi32, #tpu.memory_space<vmem>> -> memref<128xi32, #tpu.memory_space<vmem>>
      %dma_wait3A_205 = arith.constant 0 : i32
      %dma_wait3A_206 = arith.constant 0 : i32
      %dma_wait3A_207 = tpu.memref_slice %arg2[%add3A_31, %dma_wait3A_205, %dma_wait3A_206] : memref<8x50048x16xf32, #tpu.memory_space<hbm>> -> memref<1x50048x16xf32, #tpu.memory_space<hbm>>
      %dma_wait3A_208 = tpu.memref_squeeze %dma_wait3A_207 : memref<1x50048x16xf32, #tpu.memory_space<hbm>> -> memref<50048x16xf32, #tpu.memory_space<hbm>>
      %dma_wait3A_209 = arith.constant 0 : i32
      %dma_wait3A_210 = arith.constant 0 : i32
      %dma_wait3A_211 = tpu.memref_slice %dma_wait3A_208[%dma_wait3A_209, %dma_wait3A_210] : memref<50048x16xf32, #tpu.memory_space<hbm>> -> memref<50048x16xf32, #tpu.memory_space<hbm>>
      tpu.wait_indirect_dma semaphore(%arg12 : memref<!tpu.dma_semaphore, #tpu.memory_space<semaphore_mem>>) src(%dma_wait3A_211 : memref<50048x16xf32, #tpu.memory_space<hbm>>) dst(%dma_wait3A_201 : memref<128x16xf32, #tpu.memory_space<vmem>>)
      %dma_wait3A_212 = arith.constant 1 : i32
      %dma_wait3A_213 = arith.constant 1 : i32
      %dma_wait3A_214 = arith.constant 0 : i32
      %dma_wait3A_215 = arith.constant 0 : i32
      %dma_wait3A_216 = tpu.memref_slice %arg9[%dma_wait3A_213, %dma_wait3A_214, %dma_wait3A_215] : memref<8x128x16xf32, #tpu.memory_space<vmem>> -> memref<1x128x16xf32, #tpu.memory_space<vmem>>
      %dma_wait3A_217 = tpu.memref_squeeze %dma_wait3A_216 : memref<1x128x16xf32, #tpu.memory_space<vmem>> -> memref<128x16xf32, #tpu.memory_space<vmem>>
      %dma_wait3A_218 = arith.constant 0 : i32
      %dma_wait3A_219 = tpu.memref_slice %arg7[%dma_wait3A_212, %dma_wait3A_218] : memref<8x128xi32, #tpu.memory_space<vmem>> -> memref<1x128xi32, #tpu.memory_space<vmem>>
      %dma_wait3A_220 = tpu.memref_squeeze %dma_wait3A_219 : memref<1x128xi32, #tpu.memory_space<vmem>> -> memref<128xi32, #tpu.memory_space<vmem>>
      %dma_wait3A_221 = arith.constant 0 : i32
      %dma_wait3A_222 = arith.constant 0 : i32
      %dma_wait3A_223 = tpu.memref_slice %arg2[%add3A_31, %dma_wait3A_221, %dma_wait3A_222] : memref<8x50048x16xf32, #tpu.memory_space<hbm>> -> memref<1x50048x16xf32, #tpu.memory_space<hbm>>
      %dma_wait3A_224 = tpu.memref_squeeze %dma_wait3A_223 : memref<1x50048x16xf32, #tpu.memory_space<hbm>> -> memref<50048x16xf32, #tpu.memory_space<hbm>>
      %dma_wait3A_225 = arith.constant 0 : i32
      %dma_wait3A_226 = arith.constant 0 : i32
      %dma_wait3A_227 = tpu.memref_slice %dma_wait3A_224[%dma_wait3A_225, %dma_wait3A_226] : memref<50048x16xf32, #tpu.memory_space<hbm>> -> memref<50048x16xf32, #tpu.memory_space<hbm>>
      tpu.wait_indirect_dma semaphore(%arg12 : memref<!tpu.dma_semaphore, #tpu.memory_space<semaphore_mem>>) src(%dma_wait3A_227 : memref<50048x16xf32, #tpu.memory_space<hbm>>) dst(%dma_wait3A_217 : memref<128x16xf32, #tpu.memory_space<vmem>>)
      %dma_wait3A_228 = arith.constant 2 : i32
      %dma_wait3A_229 = arith.constant 2 : i32
      %dma_wait3A_230 = arith.constant 0 : i32
      %dma_wait3A_231 = arith.constant 0 : i32
      %dma_wait3A_232 = tpu.memref_slice %arg9[%dma_wait3A_229, %dma_wait3A_230, %dma_wait3A_231] : memref<8x128x16xf32, #tpu.memory_space<vmem>> -> memref<1x128x16xf32, #tpu.memory_space<vmem>>
      %dma_wait3A_233 = tpu.memref_squeeze %dma_wait3A_232 : memref<1x128x16xf32, #tpu.memory_space<vmem>> -> memref<128x16xf32, #tpu.memory_space<vmem>>
      %dma_wait3A_234 = arith.constant 0 : i32
      %dma_wait3A_235 = tpu.memref_slice %arg7[%dma_wait3A_228, %dma_wait3A_234] : memref<8x128xi32, #tpu.memory_space<vmem>> -> memref<1x128xi32, #tpu.memory_space<vmem>>
      %dma_wait3A_236 = tpu.memref_squeeze %dma_wait3A_235 : memref<1x128xi32, #tpu.memory_space<vmem>> -> memref<128xi32, #tpu.memory_space<vmem>>
      %dma_wait3A_237 = arith.constant 0 : i32
      %dma_wait3A_238 = arith.constant 0 : i32
      %dma_wait3A_239 = tpu.memref_slice %arg2[%add3A_31, %dma_wait3A_237, %dma_wait3A_238] : memref<8x50048x16xf32, #tpu.memory_space<hbm>> -> memref<1x50048x16xf32, #tpu.memory_space<hbm>>
      %dma_wait3A_240 = tpu.memref_squeeze %dma_wait3A_239 : memref<1x50048x16xf32, #tpu.memory_space<hbm>> -> memref<50048x16xf32, #tpu.memory_space<hbm>>
      %dma_wait3A_241 = arith.constant 0 : i32
      %dma_wait3A_242 = arith.constant 0 : i32
      %dma_wait3A_243 = tpu.memref_slice %dma_wait3A_240[%dma_wait3A_241, %dma_wait3A_242] : memref<50048x16xf32, #tpu.memory_space<hbm>> -> memref<50048x16xf32, #tpu.memory_space<hbm>>
      tpu.wait_indirect_dma semaphore(%arg12 : memref<!tpu.dma_semaphore, #tpu.memory_space<semaphore_mem>>) src(%dma_wait3A_243 : memref<50048x16xf32, #tpu.memory_space<hbm>>) dst(%dma_wait3A_233 : memref<128x16xf32, #tpu.memory_space<vmem>>)
      %dma_wait3A_244 = arith.constant 3 : i32
      %dma_wait3A_245 = arith.constant 3 : i32
      %dma_wait3A_246 = arith.constant 0 : i32
      %dma_wait3A_247 = arith.constant 0 : i32
      %dma_wait3A_248 = tpu.memref_slice %arg9[%dma_wait3A_245, %dma_wait3A_246, %dma_wait3A_247] : memref<8x128x16xf32, #tpu.memory_space<vmem>> -> memref<1x128x16xf32, #tpu.memory_space<vmem>>
      %dma_wait3A_249 = tpu.memref_squeeze %dma_wait3A_248 : memref<1x128x16xf32, #tpu.memory_space<vmem>> -> memref<128x16xf32, #tpu.memory_space<vmem>>
      %dma_wait3A_250 = arith.constant 0 : i32
      %dma_wait3A_251 = tpu.memref_slice %arg7[%dma_wait3A_244, %dma_wait3A_250] : memref<8x128xi32, #tpu.memory_space<vmem>> -> memref<1x128xi32, #tpu.memory_space<vmem>>
      %dma_wait3A_252 = tpu.memref_squeeze %dma_wait3A_251 : memref<1x128xi32, #tpu.memory_space<vmem>> -> memref<128xi32, #tpu.memory_space<vmem>>
      %dma_wait3A_253 = arith.constant 0 : i32
      %dma_wait3A_254 = arith.constant 0 : i32
      %dma_wait3A_255 = tpu.memref_slice %arg2[%add3A_31, %dma_wait3A_253, %dma_wait3A_254] : memref<8x50048x16xf32, #tpu.memory_space<hbm>> -> memref<1x50048x16xf32, #tpu.memory_space<hbm>>
      %dma_wait3A_256 = tpu.memref_squeeze %dma_wait3A_255 : memref<1x50048x16xf32, #tpu.memory_space<hbm>> -> memref<50048x16xf32, #tpu.memory_space<hbm>>
      %dma_wait3A_257 = arith.constant 0 : i32
      %dma_wait3A_258 = arith.constant 0 : i32
      %dma_wait3A_259 = tpu.memref_slice %dma_wait3A_256[%dma_wait3A_257, %dma_wait3A_258] : memref<50048x16xf32, #tpu.memory_space<hbm>> -> memref<50048x16xf32, #tpu.memory_space<hbm>>
      tpu.wait_indirect_dma semaphore(%arg12 : memref<!tpu.dma_semaphore, #tpu.memory_space<semaphore_mem>>) src(%dma_wait3A_259 : memref<50048x16xf32, #tpu.memory_space<hbm>>) dst(%dma_wait3A_249 : memref<128x16xf32, #tpu.memory_space<vmem>>)
      %dma_wait3A_260 = arith.constant 4 : i32
      %dma_wait3A_261 = arith.constant 4 : i32
      %dma_wait3A_262 = arith.constant 0 : i32
      %dma_wait3A_263 = arith.constant 0 : i32
      %dma_wait3A_264 = tpu.memref_slice %arg9[%dma_wait3A_261, %dma_wait3A_262, %dma_wait3A_263] : memref<8x128x16xf32, #tpu.memory_space<vmem>> -> memref<1x128x16xf32, #tpu.memory_space<vmem>>
      %dma_wait3A_265 = tpu.memref_squeeze %dma_wait3A_264 : memref<1x128x16xf32, #tpu.memory_space<vmem>> -> memref<128x16xf32, #tpu.memory_space<vmem>>
      %dma_wait3A_266 = arith.constant 0 : i32
      %dma_wait3A_267 = tpu.memref_slice %arg7[%dma_wait3A_260, %dma_wait3A_266] : memref<8x128xi32, #tpu.memory_space<vmem>> -> memref<1x128xi32, #tpu.memory_space<vmem>>
      %dma_wait3A_268 = tpu.memref_squeeze %dma_wait3A_267 : memref<1x128xi32, #tpu.memory_space<vmem>> -> memref<128xi32, #tpu.memory_space<vmem>>
      %dma_wait3A_269 = arith.constant 0 : i32
      %dma_wait3A_270 = arith.constant 0 : i32
      %dma_wait3A_271 = tpu.memref_slice %arg2[%add3A_31, %dma_wait3A_269, %dma_wait3A_270] : memref<8x50048x16xf32, #tpu.memory_space<hbm>> -> memref<1x50048x16xf32, #tpu.memory_space<hbm>>
      %dma_wait3A_272 = tpu.memref_squeeze %dma_wait3A_271 : memref<1x50048x16xf32, #tpu.memory_space<hbm>> -> memref<50048x16xf32, #tpu.memory_space<hbm>>
      %dma_wait3A_273 = arith.constant 0 : i32
      %dma_wait3A_274 = arith.constant 0 : i32
      %dma_wait3A_275 = tpu.memref_slice %dma_wait3A_272[%dma_wait3A_273, %dma_wait3A_274] : memref<50048x16xf32, #tpu.memory_space<hbm>> -> memref<50048x16xf32, #tpu.memory_space<hbm>>
      tpu.wait_indirect_dma semaphore(%arg12 : memref<!tpu.dma_semaphore, #tpu.memory_space<semaphore_mem>>) src(%dma_wait3A_275 : memref<50048x16xf32, #tpu.memory_space<hbm>>) dst(%dma_wait3A_265 : memref<128x16xf32, #tpu.memory_space<vmem>>)
      %dma_wait3A_276 = arith.constant 5 : i32
      %dma_wait3A_277 = arith.constant 5 : i32
      %dma_wait3A_278 = arith.constant 0 : i32
      %dma_wait3A_279 = arith.constant 0 : i32
      %dma_wait3A_280 = tpu.memref_slice %arg9[%dma_wait3A_277, %dma_wait3A_278, %dma_wait3A_279] : memref<8x128x16xf32, #tpu.memory_space<vmem>> -> memref<1x128x16xf32, #tpu.memory_space<vmem>>
      %dma_wait3A_281 = tpu.memref_squeeze %dma_wait3A_280 : memref<1x128x16xf32, #tpu.memory_space<vmem>> -> memref<128x16xf32, #tpu.memory_space<vmem>>
      %dma_wait3A_282 = arith.constant 0 : i32
      %dma_wait3A_283 = tpu.memref_slice %arg7[%dma_wait3A_276, %dma_wait3A_282] : memref<8x128xi32, #tpu.memory_space<vmem>> -> memref<1x128xi32, #tpu.memory_space<vmem>>
      %dma_wait3A_284 = tpu.memref_squeeze %dma_wait3A_283 : memref<1x128xi32, #tpu.memory_space<vmem>> -> memref<128xi32, #tpu.memory_space<vmem>>
      %dma_wait3A_285 = arith.constant 0 : i32
      %dma_wait3A_286 = arith.constant 0 : i32
      %dma_wait3A_287 = tpu.memref_slice %arg2[%add3A_31, %dma_wait3A_285, %dma_wait3A_286] : memref<8x50048x16xf32, #tpu.memory_space<hbm>> -> memref<1x50048x16xf32, #tpu.memory_space<hbm>>
      %dma_wait3A_288 = tpu.memref_squeeze %dma_wait3A_287 : memref<1x50048x16xf32, #tpu.memory_space<hbm>> -> memref<50048x16xf32, #tpu.memory_space<hbm>>
      %dma_wait3A_289 = arith.constant 0 : i32
      %dma_wait3A_290 = arith.constant 0 : i32
      %dma_wait3A_291 = tpu.memref_slice %dma_wait3A_288[%dma_wait3A_289, %dma_wait3A_290] : memref<50048x16xf32, #tpu.memory_space<hbm>> -> memref<50048x16xf32, #tpu.memory_space<hbm>>
      tpu.wait_indirect_dma semaphore(%arg12 : memref<!tpu.dma_semaphore, #tpu.memory_space<semaphore_mem>>) src(%dma_wait3A_291 : memref<50048x16xf32, #tpu.memory_space<hbm>>) dst(%dma_wait3A_281 : memref<128x16xf32, #tpu.memory_space<vmem>>)
      %dma_wait3A_292 = arith.constant 6 : i32
      %dma_wait3A_293 = arith.constant 6 : i32
      %dma_wait3A_294 = arith.constant 0 : i32
      %dma_wait3A_295 = arith.constant 0 : i32
      %dma_wait3A_296 = tpu.memref_slice %arg9[%dma_wait3A_293, %dma_wait3A_294, %dma_wait3A_295] : memref<8x128x16xf32, #tpu.memory_space<vmem>> -> memref<1x128x16xf32, #tpu.memory_space<vmem>>
      %dma_wait3A_297 = tpu.memref_squeeze %dma_wait3A_296 : memref<1x128x16xf32, #tpu.memory_space<vmem>> -> memref<128x16xf32, #tpu.memory_space<vmem>>
      %dma_wait3A_298 = arith.constant 0 : i32
      %dma_wait3A_299 = tpu.memref_slice %arg7[%dma_wait3A_292, %dma_wait3A_298] : memref<8x128xi32, #tpu.memory_space<vmem>> -> memref<1x128xi32, #tpu.memory_space<vmem>>
      %dma_wait3A_300 = tpu.memref_squeeze %dma_wait3A_299 : memref<1x128xi32, #tpu.memory_space<vmem>> -> memref<128xi32, #tpu.memory_space<vmem>>
      %dma_wait3A_301 = arith.constant 0 : i32
      %dma_wait3A_302 = arith.constant 0 : i32
      %dma_wait3A_303 = tpu.memref_slice %arg2[%add3A_31, %dma_wait3A_301, %dma_wait3A_302] : memref<8x50048x16xf32, #tpu.memory_space<hbm>> -> memref<1x50048x16xf32, #tpu.memory_space<hbm>>
      %dma_wait3A_304 = tpu.memref_squeeze %dma_wait3A_303 : memref<1x50048x16xf32, #tpu.memory_space<hbm>> -> memref<50048x16xf32, #tpu.memory_space<hbm>>
      %dma_wait3A_305 = arith.constant 0 : i32
      %dma_wait3A_306 = arith.constant 0 : i32
      %dma_wait3A_307 = tpu.memref_slice %dma_wait3A_304[%dma_wait3A_305, %dma_wait3A_306] : memref<50048x16xf32, #tpu.memory_space<hbm>> -> memref<50048x16xf32, #tpu.memory_space<hbm>>
      tpu.wait_indirect_dma semaphore(%arg12 : memref<!tpu.dma_semaphore, #tpu.memory_space<semaphore_mem>>) src(%dma_wait3A_307 : memref<50048x16xf32, #tpu.memory_space<hbm>>) dst(%dma_wait3A_297 : memref<128x16xf32, #tpu.memory_space<vmem>>)
      %dma_wait3A_308 = arith.constant 7 : i32
      %dma_wait3A_309 = arith.constant 7 : i32
      %dma_wait3A_310 = arith.constant 0 : i32
      %dma_wait3A_311 = arith.constant 0 : i32
      %dma_wait3A_312 = tpu.memref_slice %arg9[%dma_wait3A_309, %dma_wait3A_310, %dma_wait3A_311] : memref<8x128x16xf32, #tpu.memory_space<vmem>> -> memref<1x128x16xf32, #tpu.memory_space<vmem>>
      %dma_wait3A_313 = tpu.memref_squeeze %dma_wait3A_312 : memref<1x128x16xf32, #tpu.memory_space<vmem>> -> memref<128x16xf32, #tpu.memory_space<vmem>>
      %dma_wait3A_314 = arith.constant 0 : i32
      %dma_wait3A_315 = tpu.memref_slice %arg7[%dma_wait3A_308, %dma_wait3A_314] : memref<8x128xi32, #tpu.memory_space<vmem>> -> memref<1x128xi32, #tpu.memory_space<vmem>>
      %dma_wait3A_316 = tpu.memref_squeeze %dma_wait3A_315 : memref<1x128xi32, #tpu.memory_space<vmem>> -> memref<128xi32, #tpu.memory_space<vmem>>
      %dma_wait3A_317 = arith.constant 0 : i32
      %dma_wait3A_318 = arith.constant 0 : i32
      %dma_wait3A_319 = tpu.memref_slice %arg2[%add3A_31, %dma_wait3A_317, %dma_wait3A_318] : memref<8x50048x16xf32, #tpu.memory_space<hbm>> -> memref<1x50048x16xf32, #tpu.memory_space<hbm>>
      %dma_wait3A_320 = tpu.memref_squeeze %dma_wait3A_319 : memref<1x50048x16xf32, #tpu.memory_space<hbm>> -> memref<50048x16xf32, #tpu.memory_space<hbm>>
      %dma_wait3A_321 = arith.constant 0 : i32
      %dma_wait3A_322 = arith.constant 0 : i32
      %dma_wait3A_323 = tpu.memref_slice %dma_wait3A_320[%dma_wait3A_321, %dma_wait3A_322] : memref<50048x16xf32, #tpu.memory_space<hbm>> -> memref<50048x16xf32, #tpu.memory_space<hbm>>
      tpu.wait_indirect_dma semaphore(%arg12 : memref<!tpu.dma_semaphore, #tpu.memory_space<semaphore_mem>>) src(%dma_wait3A_323 : memref<50048x16xf32, #tpu.memory_space<hbm>>) dst(%dma_wait3A_313 : memref<128x16xf32, #tpu.memory_space<vmem>>)
      %dma_start3A_324 = arith.constant 0 : i32
      %dma_start3A_325 = arith.constant 0 : i32
      %dma_start3A_326 = arith.constant 0 : i32
      %dma_start3A_327 = arith.constant 0 : i32
      %dma_start3A_328 = tpu.memref_slice %arg9[%dma_start3A_324, %dma_start3A_326, %dma_start3A_327] : memref<8x128x16xf32, #tpu.memory_space<vmem>> -> memref<1x128x16xf32, #tpu.memory_space<vmem>>
      %dma_start3A_329 = tpu.memref_squeeze %dma_start3A_328 : memref<1x128x16xf32, #tpu.memory_space<vmem>> -> memref<128x16xf32, #tpu.memory_space<vmem>>
      %dma_start3A_330 = arith.constant 0 : i32
      %dma_start3A_331 = tpu.memref_slice %arg8[%dma_start3A_325, %dma_start3A_330] : memref<8x128xi32, #tpu.memory_space<vmem>> -> memref<1x128xi32, #tpu.memory_space<vmem>>
      %dma_start3A_332 = tpu.memref_squeeze %dma_start3A_331 : memref<1x128xi32, #tpu.memory_space<vmem>> -> memref<128xi32, #tpu.memory_space<vmem>>
      %dma_start3A_333 = arith.constant 0 : i32
      %dma_start3A_334 = arith.constant 0 : i32
      %dma_start3A_335 = tpu.memref_slice %arg11[%dma_start3A_333, %dma_start3A_334] : memref<50048x16xf32, #tpu.memory_space<vmem_shared>> -> memref<50048x16xf32, #tpu.memory_space<vmem_shared>>
      tpu.enqueue_indirect_dma source(%dma_start3A_329 : memref<128x16xf32, #tpu.memory_space<vmem>>) target(%dma_start3A_335 : memref<50048x16xf32, #tpu.memory_space<vmem_shared>>) offsets(%dma_start3A_332 : memref<128xi32, #tpu.memory_space<vmem>>) semaphore(%arg13 : memref<!tpu.dma_semaphore, #tpu.memory_space<semaphore_mem>>) {add = true}
      %dma_start3A_336 = arith.constant 1 : i32
      %dma_start3A_337 = arith.constant 1 : i32
      %dma_start3A_338 = arith.constant 0 : i32
      %dma_start3A_339 = arith.constant 0 : i32
      %dma_start3A_340 = tpu.memref_slice %arg9[%dma_start3A_336, %dma_start3A_338, %dma_start3A_339] : memref<8x128x16xf32, #tpu.memory_space<vmem>> -> memref<1x128x16xf32, #tpu.memory_space<vmem>>
      %dma_start3A_341 = tpu.memref_squeeze %dma_start3A_340 : memref<1x128x16xf32, #tpu.memory_space<vmem>> -> memref<128x16xf32, #tpu.memory_space<vmem>>
      %dma_start3A_342 = arith.constant 0 : i32
      %dma_start3A_343 = tpu.memref_slice %arg8[%dma_start3A_337, %dma_start3A_342] : memref<8x128xi32, #tpu.memory_space<vmem>> -> memref<1x128xi32, #tpu.memory_space<vmem>>
      %dma_start3A_344 = tpu.memref_squeeze %dma_start3A_343 : memref<1x128xi32, #tpu.memory_space<vmem>> -> memref<128xi32, #tpu.memory_space<vmem>>
      %dma_start3A_345 = arith.constant 0 : i32
      %dma_start3A_346 = arith.constant 0 : i32
      %dma_start3A_347 = tpu.memref_slice %arg11[%dma_start3A_345, %dma_start3A_346] : memref<50048x16xf32, #tpu.memory_space<vmem_shared>> -> memref<50048x16xf32, #tpu.memory_space<vmem_shared>>
      tpu.enqueue_indirect_dma source(%dma_start3A_341 : memref<128x16xf32, #tpu.memory_space<vmem>>) target(%dma_start3A_347 : memref<50048x16xf32, #tpu.memory_space<vmem_shared>>) offsets(%dma_start3A_344 : memref<128xi32, #tpu.memory_space<vmem>>) semaphore(%arg13 : memref<!tpu.dma_semaphore, #tpu.memory_space<semaphore_mem>>) {add = true}
      %dma_start3A_348 = arith.constant 2 : i32
      %dma_start3A_349 = arith.constant 2 : i32
      %dma_start3A_350 = arith.constant 0 : i32
      %dma_start3A_351 = arith.constant 0 : i32
      %dma_start3A_352 = tpu.memref_slice %arg9[%dma_start3A_348, %dma_start3A_350, %dma_start3A_351] : memref<8x128x16xf32, #tpu.memory_space<vmem>> -> memref<1x128x16xf32, #tpu.memory_space<vmem>>
      %dma_start3A_353 = tpu.memref_squeeze %dma_start3A_352 : memref<1x128x16xf32, #tpu.memory_space<vmem>> -> memref<128x16xf32, #tpu.memory_space<vmem>>
      %dma_start3A_354 = arith.constant 0 : i32
      %dma_start3A_355 = tpu.memref_slice %arg8[%dma_start3A_349, %dma_start3A_354] : memref<8x128xi32, #tpu.memory_space<vmem>> -> memref<1x128xi32, #tpu.memory_space<vmem>>
      %dma_start3A_356 = tpu.memref_squeeze %dma_start3A_355 : memref<1x128xi32, #tpu.memory_space<vmem>> -> memref<128xi32, #tpu.memory_space<vmem>>
      %dma_start3A_357 = arith.constant 0 : i32
      %dma_start3A_358 = arith.constant 0 : i32
      %dma_start3A_359 = tpu.memref_slice %arg11[%dma_start3A_357, %dma_start3A_358] : memref<50048x16xf32, #tpu.memory_space<vmem_shared>> -> memref<50048x16xf32, #tpu.memory_space<vmem_shared>>
      tpu.enqueue_indirect_dma source(%dma_start3A_353 : memref<128x16xf32, #tpu.memory_space<vmem>>) target(%dma_start3A_359 : memref<50048x16xf32, #tpu.memory_space<vmem_shared>>) offsets(%dma_start3A_356 : memref<128xi32, #tpu.memory_space<vmem>>) semaphore(%arg13 : memref<!tpu.dma_semaphore, #tpu.memory_space<semaphore_mem>>) {add = true}
      %dma_start3A_360 = arith.constant 3 : i32
      %dma_start3A_361 = arith.constant 3 : i32
      %dma_start3A_362 = arith.constant 0 : i32
      %dma_start3A_363 = arith.constant 0 : i32
      %dma_start3A_364 = tpu.memref_slice %arg9[%dma_start3A_360, %dma_start3A_362, %dma_start3A_363] : memref<8x128x16xf32, #tpu.memory_space<vmem>> -> memref<1x128x16xf32, #tpu.memory_space<vmem>>
      %dma_start3A_365 = tpu.memref_squeeze %dma_start3A_364 : memref<1x128x16xf32, #tpu.memory_space<vmem>> -> memref<128x16xf32, #tpu.memory_space<vmem>>
      %dma_start3A_366 = arith.constant 0 : i32
      %dma_start3A_367 = tpu.memref_slice %arg8[%dma_start3A_361, %dma_start3A_366] : memref<8x128xi32, #tpu.memory_space<vmem>> -> memref<1x128xi32, #tpu.memory_space<vmem>>
      %dma_start3A_368 = tpu.memref_squeeze %dma_start3A_367 : memref<1x128xi32, #tpu.memory_space<vmem>> -> memref<128xi32, #tpu.memory_space<vmem>>
      %dma_start3A_369 = arith.constant 0 : i32
      %dma_start3A_370 = arith.constant 0 : i32
      %dma_start3A_371 = tpu.memref_slice %arg11[%dma_start3A_369, %dma_start3A_370] : memref<50048x16xf32, #tpu.memory_space<vmem_shared>> -> memref<50048x16xf32, #tpu.memory_space<vmem_shared>>
      tpu.enqueue_indirect_dma source(%dma_start3A_365 : memref<128x16xf32, #tpu.memory_space<vmem>>) target(%dma_start3A_371 : memref<50048x16xf32, #tpu.memory_space<vmem_shared>>) offsets(%dma_start3A_368 : memref<128xi32, #tpu.memory_space<vmem>>) semaphore(%arg13 : memref<!tpu.dma_semaphore, #tpu.memory_space<semaphore_mem>>) {add = true}
      %dma_start3A_372 = arith.constant 4 : i32
      %dma_start3A_373 = arith.constant 4 : i32
      %dma_start3A_374 = arith.constant 0 : i32
      %dma_start3A_375 = arith.constant 0 : i32
      %dma_start3A_376 = tpu.memref_slice %arg9[%dma_start3A_372, %dma_start3A_374, %dma_start3A_375] : memref<8x128x16xf32, #tpu.memory_space<vmem>> -> memref<1x128x16xf32, #tpu.memory_space<vmem>>
      %dma_start3A_377 = tpu.memref_squeeze %dma_start3A_376 : memref<1x128x16xf32, #tpu.memory_space<vmem>> -> memref<128x16xf32, #tpu.memory_space<vmem>>
      %dma_start3A_378 = arith.constant 0 : i32
      %dma_start3A_379 = tpu.memref_slice %arg8[%dma_start3A_373, %dma_start3A_378] : memref<8x128xi32, #tpu.memory_space<vmem>> -> memref<1x128xi32, #tpu.memory_space<vmem>>
      %dma_start3A_380 = tpu.memref_squeeze %dma_start3A_379 : memref<1x128xi32, #tpu.memory_space<vmem>> -> memref<128xi32, #tpu.memory_space<vmem>>
      %dma_start3A_381 = arith.constant 0 : i32
      %dma_start3A_382 = arith.constant 0 : i32
      %dma_start3A_383 = tpu.memref_slice %arg11[%dma_start3A_381, %dma_start3A_382] : memref<50048x16xf32, #tpu.memory_space<vmem_shared>> -> memref<50048x16xf32, #tpu.memory_space<vmem_shared>>
      tpu.enqueue_indirect_dma source(%dma_start3A_377 : memref<128x16xf32, #tpu.memory_space<vmem>>) target(%dma_start3A_383 : memref<50048x16xf32, #tpu.memory_space<vmem_shared>>) offsets(%dma_start3A_380 : memref<128xi32, #tpu.memory_space<vmem>>) semaphore(%arg13 : memref<!tpu.dma_semaphore, #tpu.memory_space<semaphore_mem>>) {add = true}
      %dma_start3A_384 = arith.constant 5 : i32
      %dma_start3A_385 = arith.constant 5 : i32
      %dma_start3A_386 = arith.constant 0 : i32
      %dma_start3A_387 = arith.constant 0 : i32
      %dma_start3A_388 = tpu.memref_slice %arg9[%dma_start3A_384, %dma_start3A_386, %dma_start3A_387] : memref<8x128x16xf32, #tpu.memory_space<vmem>> -> memref<1x128x16xf32, #tpu.memory_space<vmem>>
      %dma_start3A_389 = tpu.memref_squeeze %dma_start3A_388 : memref<1x128x16xf32, #tpu.memory_space<vmem>> -> memref<128x16xf32, #tpu.memory_space<vmem>>
      %dma_start3A_390 = arith.constant 0 : i32
      %dma_start3A_391 = tpu.memref_slice %arg8[%dma_start3A_385, %dma_start3A_390] : memref<8x128xi32, #tpu.memory_space<vmem>> -> memref<1x128xi32, #tpu.memory_space<vmem>>
      %dma_start3A_392 = tpu.memref_squeeze %dma_start3A_391 : memref<1x128xi32, #tpu.memory_space<vmem>> -> memref<128xi32, #tpu.memory_space<vmem>>
      %dma_start3A_393 = arith.constant 0 : i32
      %dma_start3A_394 = arith.constant 0 : i32
      %dma_start3A_395 = tpu.memref_slice %arg11[%dma_start3A_393, %dma_start3A_394] : memref<50048x16xf32, #tpu.memory_space<vmem_shared>> -> memref<50048x16xf32, #tpu.memory_space<vmem_shared>>
      tpu.enqueue_indirect_dma source(%dma_start3A_389 : memref<128x16xf32, #tpu.memory_space<vmem>>) target(%dma_start3A_395 : memref<50048x16xf32, #tpu.memory_space<vmem_shared>>) offsets(%dma_start3A_392 : memref<128xi32, #tpu.memory_space<vmem>>) semaphore(%arg13 : memref<!tpu.dma_semaphore, #tpu.memory_space<semaphore_mem>>) {add = true}
      %dma_start3A_396 = arith.constant 6 : i32
      %dma_start3A_397 = arith.constant 6 : i32
      %dma_start3A_398 = arith.constant 0 : i32
      %dma_start3A_399 = arith.constant 0 : i32
      %dma_start3A_400 = tpu.memref_slice %arg9[%dma_start3A_396, %dma_start3A_398, %dma_start3A_399] : memref<8x128x16xf32, #tpu.memory_space<vmem>> -> memref<1x128x16xf32, #tpu.memory_space<vmem>>
      %dma_start3A_401 = tpu.memref_squeeze %dma_start3A_400 : memref<1x128x16xf32, #tpu.memory_space<vmem>> -> memref<128x16xf32, #tpu.memory_space<vmem>>
      %dma_start3A_402 = arith.constant 0 : i32
      %dma_start3A_403 = tpu.memref_slice %arg8[%dma_start3A_397, %dma_start3A_402] : memref<8x128xi32, #tpu.memory_space<vmem>> -> memref<1x128xi32, #tpu.memory_space<vmem>>
      %dma_start3A_404 = tpu.memref_squeeze %dma_start3A_403 : memref<1x128xi32, #tpu.memory_space<vmem>> -> memref<128xi32, #tpu.memory_space<vmem>>
      %dma_start3A_405 = arith.constant 0 : i32
      %dma_start3A_406 = arith.constant 0 : i32
      %dma_start3A_407 = tpu.memref_slice %arg11[%dma_start3A_405, %dma_start3A_406] : memref<50048x16xf32, #tpu.memory_space<vmem_shared>> -> memref<50048x16xf32, #tpu.memory_space<vmem_shared>>
      tpu.enqueue_indirect_dma source(%dma_start3A_401 : memref<128x16xf32, #tpu.memory_space<vmem>>) target(%dma_start3A_407 : memref<50048x16xf32, #tpu.memory_space<vmem_shared>>) offsets(%dma_start3A_404 : memref<128xi32, #tpu.memory_space<vmem>>) semaphore(%arg13 : memref<!tpu.dma_semaphore, #tpu.memory_space<semaphore_mem>>) {add = true}
      %dma_start3A_408 = arith.constant 7 : i32
      %dma_start3A_409 = arith.constant 7 : i32
      %dma_start3A_410 = arith.constant 0 : i32
      %dma_start3A_411 = arith.constant 0 : i32
      %dma_start3A_412 = tpu.memref_slice %arg9[%dma_start3A_408, %dma_start3A_410, %dma_start3A_411] : memref<8x128x16xf32, #tpu.memory_space<vmem>> -> memref<1x128x16xf32, #tpu.memory_space<vmem>>
      %dma_start3A_413 = tpu.memref_squeeze %dma_start3A_412 : memref<1x128x16xf32, #tpu.memory_space<vmem>> -> memref<128x16xf32, #tpu.memory_space<vmem>>
      %dma_start3A_414 = arith.constant 0 : i32
      %dma_start3A_415 = tpu.memref_slice %arg8[%dma_start3A_409, %dma_start3A_414] : memref<8x128xi32, #tpu.memory_space<vmem>> -> memref<1x128xi32, #tpu.memory_space<vmem>>
      %dma_start3A_416 = tpu.memref_squeeze %dma_start3A_415 : memref<1x128xi32, #tpu.memory_space<vmem>> -> memref<128xi32, #tpu.memory_space<vmem>>
      %dma_start3A_417 = arith.constant 0 : i32
      %dma_start3A_418 = arith.constant 0 : i32
      %dma_start3A_419 = tpu.memref_slice %arg11[%dma_start3A_417, %dma_start3A_418] : memref<50048x16xf32, #tpu.memory_space<vmem_shared>> -> memref<50048x16xf32, #tpu.memory_space<vmem_shared>>
      tpu.enqueue_indirect_dma source(%dma_start3A_413 : memref<128x16xf32, #tpu.memory_space<vmem>>) target(%dma_start3A_419 : memref<50048x16xf32, #tpu.memory_space<vmem_shared>>) offsets(%dma_start3A_416 : memref<128xi32, #tpu.memory_space<vmem>>) semaphore(%arg13 : memref<!tpu.dma_semaphore, #tpu.memory_space<semaphore_mem>>) {add = true}
      %dma_wait3A_420 = arith.constant 0 : i32
      %dma_wait3A_421 = arith.constant 0 : i32
      %dma_wait3A_422 = arith.constant 0 : i32
      %dma_wait3A_423 = arith.constant 0 : i32
      %dma_wait3A_424 = tpu.memref_slice %arg9[%dma_wait3A_420, %dma_wait3A_422, %dma_wait3A_423] : memref<8x128x16xf32, #tpu.memory_space<vmem>> -> memref<1x128x16xf32, #tpu.memory_space<vmem>>
      %dma_wait3A_425 = tpu.memref_squeeze %dma_wait3A_424 : memref<1x128x16xf32, #tpu.memory_space<vmem>> -> memref<128x16xf32, #tpu.memory_space<vmem>>
      %dma_wait3A_426 = arith.constant 0 : i32
      %dma_wait3A_427 = tpu.memref_slice %arg8[%dma_wait3A_421, %dma_wait3A_426] : memref<8x128xi32, #tpu.memory_space<vmem>> -> memref<1x128xi32, #tpu.memory_space<vmem>>
      %dma_wait3A_428 = tpu.memref_squeeze %dma_wait3A_427 : memref<1x128xi32, #tpu.memory_space<vmem>> -> memref<128xi32, #tpu.memory_space<vmem>>
      %dma_wait3A_429 = arith.constant 0 : i32
      %dma_wait3A_430 = arith.constant 0 : i32
      %dma_wait3A_431 = tpu.memref_slice %arg11[%dma_wait3A_429, %dma_wait3A_430] : memref<50048x16xf32, #tpu.memory_space<vmem_shared>> -> memref<50048x16xf32, #tpu.memory_space<vmem_shared>>
      tpu.wait_indirect_dma semaphore(%arg13 : memref<!tpu.dma_semaphore, #tpu.memory_space<semaphore_mem>>) src(%dma_wait3A_425 : memref<128x16xf32, #tpu.memory_space<vmem>>) dst(%dma_wait3A_431 : memref<50048x16xf32, #tpu.memory_space<vmem_shared>>)
      %dma_wait3A_432 = arith.constant 1 : i32
      %dma_wait3A_433 = arith.constant 1 : i32
      %dma_wait3A_434 = arith.constant 0 : i32
      %dma_wait3A_435 = arith.constant 0 : i32
      %dma_wait3A_436 = tpu.memref_slice %arg9[%dma_wait3A_432, %dma_wait3A_434, %dma_wait3A_435] : memref<8x128x16xf32, #tpu.memory_space<vmem>> -> memref<1x128x16xf32, #tpu.memory_space<vmem>>
      %dma_wait3A_437 = tpu.memref_squeeze %dma_wait3A_436 : memref<1x128x16xf32, #tpu.memory_space<vmem>> -> memref<128x16xf32, #tpu.memory_space<vmem>>
      %dma_wait3A_438 = arith.constant 0 : i32
      %dma_wait3A_439 = tpu.memref_slice %arg8[%dma_wait3A_433, %dma_wait3A_438] : memref<8x128xi32, #tpu.memory_space<vmem>> -> memref<1x128xi32, #tpu.memory_space<vmem>>
      %dma_wait3A_440 = tpu.memref_squeeze %dma_wait3A_439 : memref<1x128xi32, #tpu.memory_space<vmem>> -> memref<128xi32, #tpu.memory_space<vmem>>
      %dma_wait3A_441 = arith.constant 0 : i32
      %dma_wait3A_442 = arith.constant 0 : i32
      %dma_wait3A_443 = tpu.memref_slice %arg11[%dma_wait3A_441, %dma_wait3A_442] : memref<50048x16xf32, #tpu.memory_space<vmem_shared>> -> memref<50048x16xf32, #tpu.memory_space<vmem_shared>>
      tpu.wait_indirect_dma semaphore(%arg13 : memref<!tpu.dma_semaphore, #tpu.memory_space<semaphore_mem>>) src(%dma_wait3A_437 : memref<128x16xf32, #tpu.memory_space<vmem>>) dst(%dma_wait3A_443 : memref<50048x16xf32, #tpu.memory_space<vmem_shared>>)
      %dma_wait3A_444 = arith.constant 2 : i32
      %dma_wait3A_445 = arith.constant 2 : i32
      %dma_wait3A_446 = arith.constant 0 : i32
      %dma_wait3A_447 = arith.constant 0 : i32
      %dma_wait3A_448 = tpu.memref_slice %arg9[%dma_wait3A_444, %dma_wait3A_446, %dma_wait3A_447] : memref<8x128x16xf32, #tpu.memory_space<vmem>> -> memref<1x128x16xf32, #tpu.memory_space<vmem>>
      %dma_wait3A_449 = tpu.memref_squeeze %dma_wait3A_448 : memref<1x128x16xf32, #tpu.memory_space<vmem>> -> memref<128x16xf32, #tpu.memory_space<vmem>>
      %dma_wait3A_450 = arith.constant 0 : i32
      %dma_wait3A_451 = tpu.memref_slice %arg8[%dma_wait3A_445, %dma_wait3A_450] : memref<8x128xi32, #tpu.memory_space<vmem>> -> memref<1x128xi32, #tpu.memory_space<vmem>>
      %dma_wait3A_452 = tpu.memref_squeeze %dma_wait3A_451 : memref<1x128xi32, #tpu.memory_space<vmem>> -> memref<128xi32, #tpu.memory_space<vmem>>
      %dma_wait3A_453 = arith.constant 0 : i32
      %dma_wait3A_454 = arith.constant 0 : i32
      %dma_wait3A_455 = tpu.memref_slice %arg11[%dma_wait3A_453, %dma_wait3A_454] : memref<50048x16xf32, #tpu.memory_space<vmem_shared>> -> memref<50048x16xf32, #tpu.memory_space<vmem_shared>>
      tpu.wait_indirect_dma semaphore(%arg13 : memref<!tpu.dma_semaphore, #tpu.memory_space<semaphore_mem>>) src(%dma_wait3A_449 : memref<128x16xf32, #tpu.memory_space<vmem>>) dst(%dma_wait3A_455 : memref<50048x16xf32, #tpu.memory_space<vmem_shared>>)
      %dma_wait3A_456 = arith.constant 3 : i32
      %dma_wait3A_457 = arith.constant 3 : i32
      %dma_wait3A_458 = arith.constant 0 : i32
      %dma_wait3A_459 = arith.constant 0 : i32
      %dma_wait3A_460 = tpu.memref_slice %arg9[%dma_wait3A_456, %dma_wait3A_458, %dma_wait3A_459] : memref<8x128x16xf32, #tpu.memory_space<vmem>> -> memref<1x128x16xf32, #tpu.memory_space<vmem>>
      %dma_wait3A_461 = tpu.memref_squeeze %dma_wait3A_460 : memref<1x128x16xf32, #tpu.memory_space<vmem>> -> memref<128x16xf32, #tpu.memory_space<vmem>>
      %dma_wait3A_462 = arith.constant 0 : i32
      %dma_wait3A_463 = tpu.memref_slice %arg8[%dma_wait3A_457, %dma_wait3A_462] : memref<8x128xi32, #tpu.memory_space<vmem>> -> memref<1x128xi32, #tpu.memory_space<vmem>>
      %dma_wait3A_464 = tpu.memref_squeeze %dma_wait3A_463 : memref<1x128xi32, #tpu.memory_space<vmem>> -> memref<128xi32, #tpu.memory_space<vmem>>
      %dma_wait3A_465 = arith.constant 0 : i32
      %dma_wait3A_466 = arith.constant 0 : i32
      %dma_wait3A_467 = tpu.memref_slice %arg11[%dma_wait3A_465, %dma_wait3A_466] : memref<50048x16xf32, #tpu.memory_space<vmem_shared>> -> memref<50048x16xf32, #tpu.memory_space<vmem_shared>>
      tpu.wait_indirect_dma semaphore(%arg13 : memref<!tpu.dma_semaphore, #tpu.memory_space<semaphore_mem>>) src(%dma_wait3A_461 : memref<128x16xf32, #tpu.memory_space<vmem>>) dst(%dma_wait3A_467 : memref<50048x16xf32, #tpu.memory_space<vmem_shared>>)
      %dma_wait3A_468 = arith.constant 4 : i32
      %dma_wait3A_469 = arith.constant 4 : i32
      %dma_wait3A_470 = arith.constant 0 : i32
      %dma_wait3A_471 = arith.constant 0 : i32
      %dma_wait3A_472 = tpu.memref_slice %arg9[%dma_wait3A_468, %dma_wait3A_470, %dma_wait3A_471] : memref<8x128x16xf32, #tpu.memory_space<vmem>> -> memref<1x128x16xf32, #tpu.memory_space<vmem>>
      %dma_wait3A_473 = tpu.memref_squeeze %dma_wait3A_472 : memref<1x128x16xf32, #tpu.memory_space<vmem>> -> memref<128x16xf32, #tpu.memory_space<vmem>>
      %dma_wait3A_474 = arith.constant 0 : i32
      %dma_wait3A_475 = tpu.memref_slice %arg8[%dma_wait3A_469, %dma_wait3A_474] : memref<8x128xi32, #tpu.memory_space<vmem>> -> memref<1x128xi32, #tpu.memory_space<vmem>>
      %dma_wait3A_476 = tpu.memref_squeeze %dma_wait3A_475 : memref<1x128xi32, #tpu.memory_space<vmem>> -> memref<128xi32, #tpu.memory_space<vmem>>
      %dma_wait3A_477 = arith.constant 0 : i32
      %dma_wait3A_478 = arith.constant 0 : i32
      %dma_wait3A_479 = tpu.memref_slice %arg11[%dma_wait3A_477, %dma_wait3A_478] : memref<50048x16xf32, #tpu.memory_space<vmem_shared>> -> memref<50048x16xf32, #tpu.memory_space<vmem_shared>>
      tpu.wait_indirect_dma semaphore(%arg13 : memref<!tpu.dma_semaphore, #tpu.memory_space<semaphore_mem>>) src(%dma_wait3A_473 : memref<128x16xf32, #tpu.memory_space<vmem>>) dst(%dma_wait3A_479 : memref<50048x16xf32, #tpu.memory_space<vmem_shared>>)
      %dma_wait3A_480 = arith.constant 5 : i32
      %dma_wait3A_481 = arith.constant 5 : i32
      %dma_wait3A_482 = arith.constant 0 : i32
      %dma_wait3A_483 = arith.constant 0 : i32
      %dma_wait3A_484 = tpu.memref_slice %arg9[%dma_wait3A_480, %dma_wait3A_482, %dma_wait3A_483] : memref<8x128x16xf32, #tpu.memory_space<vmem>> -> memref<1x128x16xf32, #tpu.memory_space<vmem>>
      %dma_wait3A_485 = tpu.memref_squeeze %dma_wait3A_484 : memref<1x128x16xf32, #tpu.memory_space<vmem>> -> memref<128x16xf32, #tpu.memory_space<vmem>>
      %dma_wait3A_486 = arith.constant 0 : i32
      %dma_wait3A_487 = tpu.memref_slice %arg8[%dma_wait3A_481, %dma_wait3A_486] : memref<8x128xi32, #tpu.memory_space<vmem>> -> memref<1x128xi32, #tpu.memory_space<vmem>>
      %dma_wait3A_488 = tpu.memref_squeeze %dma_wait3A_487 : memref<1x128xi32, #tpu.memory_space<vmem>> -> memref<128xi32, #tpu.memory_space<vmem>>
      %dma_wait3A_489 = arith.constant 0 : i32
      %dma_wait3A_490 = arith.constant 0 : i32
      %dma_wait3A_491 = tpu.memref_slice %arg11[%dma_wait3A_489, %dma_wait3A_490] : memref<50048x16xf32, #tpu.memory_space<vmem_shared>> -> memref<50048x16xf32, #tpu.memory_space<vmem_shared>>
      tpu.wait_indirect_dma semaphore(%arg13 : memref<!tpu.dma_semaphore, #tpu.memory_space<semaphore_mem>>) src(%dma_wait3A_485 : memref<128x16xf32, #tpu.memory_space<vmem>>) dst(%dma_wait3A_491 : memref<50048x16xf32, #tpu.memory_space<vmem_shared>>)
      %dma_wait3A_492 = arith.constant 6 : i32
      %dma_wait3A_493 = arith.constant 6 : i32
      %dma_wait3A_494 = arith.constant 0 : i32
      %dma_wait3A_495 = arith.constant 0 : i32
      %dma_wait3A_496 = tpu.memref_slice %arg9[%dma_wait3A_492, %dma_wait3A_494, %dma_wait3A_495] : memref<8x128x16xf32, #tpu.memory_space<vmem>> -> memref<1x128x16xf32, #tpu.memory_space<vmem>>
      %dma_wait3A_497 = tpu.memref_squeeze %dma_wait3A_496 : memref<1x128x16xf32, #tpu.memory_space<vmem>> -> memref<128x16xf32, #tpu.memory_space<vmem>>
      %dma_wait3A_498 = arith.constant 0 : i32
      %dma_wait3A_499 = tpu.memref_slice %arg8[%dma_wait3A_493, %dma_wait3A_498] : memref<8x128xi32, #tpu.memory_space<vmem>> -> memref<1x128xi32, #tpu.memory_space<vmem>>
      %dma_wait3A_500 = tpu.memref_squeeze %dma_wait3A_499 : memref<1x128xi32, #tpu.memory_space<vmem>> -> memref<128xi32, #tpu.memory_space<vmem>>
      %dma_wait3A_501 = arith.constant 0 : i32
      %dma_wait3A_502 = arith.constant 0 : i32
      %dma_wait3A_503 = tpu.memref_slice %arg11[%dma_wait3A_501, %dma_wait3A_502] : memref<50048x16xf32, #tpu.memory_space<vmem_shared>> -> memref<50048x16xf32, #tpu.memory_space<vmem_shared>>
      tpu.wait_indirect_dma semaphore(%arg13 : memref<!tpu.dma_semaphore, #tpu.memory_space<semaphore_mem>>) src(%dma_wait3A_497 : memref<128x16xf32, #tpu.memory_space<vmem>>) dst(%dma_wait3A_503 : memref<50048x16xf32, #tpu.memory_space<vmem_shared>>)
      %dma_wait3A_504 = arith.constant 7 : i32
      %dma_wait3A_505 = arith.constant 7 : i32
      %dma_wait3A_506 = arith.constant 0 : i32
      %dma_wait3A_507 = arith.constant 0 : i32
      %dma_wait3A_508 = tpu.memref_slice %arg9[%dma_wait3A_504, %dma_wait3A_506, %dma_wait3A_507] : memref<8x128x16xf32, #tpu.memory_space<vmem>> -> memref<1x128x16xf32, #tpu.memory_space<vmem>>
      %dma_wait3A_509 = tpu.memref_squeeze %dma_wait3A_508 : memref<1x128x16xf32, #tpu.memory_space<vmem>> -> memref<128x16xf32, #tpu.memory_space<vmem>>
      %dma_wait3A_510 = arith.constant 0 : i32
      %dma_wait3A_511 = tpu.memref_slice %arg8[%dma_wait3A_505, %dma_wait3A_510] : memref<8x128xi32, #tpu.memory_space<vmem>> -> memref<1x128xi32, #tpu.memory_space<vmem>>
      %dma_wait3A_512 = tpu.memref_squeeze %dma_wait3A_511 : memref<1x128xi32, #tpu.memory_space<vmem>> -> memref<128xi32, #tpu.memory_space<vmem>>
      %dma_wait3A_513 = arith.constant 0 : i32
      %dma_wait3A_514 = arith.constant 0 : i32
      %dma_wait3A_515 = tpu.memref_slice %arg11[%dma_wait3A_513, %dma_wait3A_514] : memref<50048x16xf32, #tpu.memory_space<vmem_shared>> -> memref<50048x16xf32, #tpu.memory_space<vmem_shared>>
      tpu.wait_indirect_dma semaphore(%arg13 : memref<!tpu.dma_semaphore, #tpu.memory_space<semaphore_mem>>) src(%dma_wait3A_509 : memref<128x16xf32, #tpu.memory_space<vmem>>) dst(%dma_wait3A_515 : memref<50048x16xf32, #tpu.memory_space<vmem_shared>>)
    }
    %scan3A_39 = arith.constant 49 : i32
    %barrier3A_40 = arith.constant 0 : index
    tpu.barrier barrier_id(%barrier3A_40)
    %mul3A_41 = arith.constant 3128 : i32
    %mul3A_42 = arith.muli %arg1, %mul3A_41 : i32
    "tpu.region"() ({
      %run_scoped3A = tpu.sem_alloc : memref<!tpu.dma_semaphore, #tpu.memory_space<semaphore_mem>>
      %dma_start3A = arith.constant 0 : i32
      %dma_start3A_60 = tpu.memref_slice %arg11[%mul3A_42, %dma_start3A] : memref<50048x16xf32, #tpu.memory_space<vmem_shared>> -> memref<3128x16xf32, #tpu.memory_space<vmem_shared>>
      %dma_start3A_61 = arith.constant 0 : i32
      %dma_start3A_62 = tpu.memref_slice %arg11[%mul3A_42, %dma_start3A_61] : memref<50048x16xf32, #tpu.memory_space<vmem_shared>> -> memref<3128x16xf32, #tpu.memory_space<vmem_shared>>
      tpu.enqueue_dma source(%dma_start3A_62 : memref<3128x16xf32, #tpu.memory_space<vmem_shared>>) target(%arg10 : memref<3128x16xf32, #tpu.memory_space<vmem>>) target_semaphore(%run_scoped3A : memref<!tpu.dma_semaphore, #tpu.memory_space<semaphore_mem>>)
      %dma_wait3A = arith.constant 0 : i32
      %dma_wait3A_63 = tpu.memref_slice %arg11[%mul3A_42, %dma_wait3A] : memref<50048x16xf32, #tpu.memory_space<vmem_shared>> -> memref<3128x16xf32, #tpu.memory_space<vmem_shared>>
      %dma_wait3A_64 = arith.constant 0 : i32
      %dma_wait3A_65 = tpu.memref_slice %arg11[%mul3A_42, %dma_wait3A_64] : memref<50048x16xf32, #tpu.memory_space<vmem_shared>> -> memref<3128x16xf32, #tpu.memory_space<vmem_shared>>
      tpu.wait_dma2 semaphore(%run_scoped3A : memref<!tpu.dma_semaphore, #tpu.memory_space<semaphore_mem>>) src(%dma_wait3A_65 : memref<3128x16xf32, #tpu.memory_space<vmem_shared>>) dst(%arg10 : memref<3128x16xf32, #tpu.memory_space<vmem>>)
      tpu.yield
    }) : () -> ()
    "tpu.region"() ({
      %run_scoped3A = tpu.sem_alloc : memref<!tpu.dma_semaphore, #tpu.memory_space<semaphore_mem>>
      %dma_start3A = arith.constant 0 : i32
      %dma_start3A_60 = arith.constant 0 : i32
      %dma_start3A_61 = tpu.memref_slice %arg6[%add3A_31, %dma_start3A, %dma_start3A_60] : memref<8x50048x16xf32, #tpu.memory_space<hbm>> -> memref<1x50048x16xf32, #tpu.memory_space<hbm>>
      %dma_start3A_62 = tpu.memref_squeeze %dma_start3A_61 : memref<1x50048x16xf32, #tpu.memory_space<hbm>> -> memref<50048x16xf32, #tpu.memory_space<hbm>>
      %dma_start3A_63 = arith.constant 0 : i32
      %dma_start3A_64 = tpu.memref_slice %dma_start3A_62[%mul3A_42, %dma_start3A_63] : memref<50048x16xf32, #tpu.memory_space<hbm>> -> memref<3128x16xf32, #tpu.memory_space<hbm>>
      %dma_start3A_65 = arith.constant 0 : i32
      %dma_start3A_66 = arith.constant 0 : i32
      %dma_start3A_67 = tpu.memref_slice %arg6[%add3A_31, %dma_start3A_65, %dma_start3A_66] : memref<8x50048x16xf32, #tpu.memory_space<hbm>> -> memref<1x50048x16xf32, #tpu.memory_space<hbm>>
      %dma_start3A_68 = tpu.memref_squeeze %dma_start3A_67 : memref<1x50048x16xf32, #tpu.memory_space<hbm>> -> memref<50048x16xf32, #tpu.memory_space<hbm>>
      %dma_start3A_69 = arith.constant 0 : i32
      %dma_start3A_70 = tpu.memref_slice %dma_start3A_68[%mul3A_42, %dma_start3A_69] : memref<50048x16xf32, #tpu.memory_space<hbm>> -> memref<3128x16xf32, #tpu.memory_space<hbm>>
      tpu.enqueue_dma source(%arg10 : memref<3128x16xf32, #tpu.memory_space<vmem>>) target(%dma_start3A_70 : memref<3128x16xf32, #tpu.memory_space<hbm>>) target_semaphore(%run_scoped3A : memref<!tpu.dma_semaphore, #tpu.memory_space<semaphore_mem>>)
      %dma_wait3A = arith.constant 0 : i32
      %dma_wait3A_71 = arith.constant 0 : i32
      %dma_wait3A_72 = tpu.memref_slice %arg6[%add3A_31, %dma_wait3A, %dma_wait3A_71] : memref<8x50048x16xf32, #tpu.memory_space<hbm>> -> memref<1x50048x16xf32, #tpu.memory_space<hbm>>
      %dma_wait3A_73 = tpu.memref_squeeze %dma_wait3A_72 : memref<1x50048x16xf32, #tpu.memory_space<hbm>> -> memref<50048x16xf32, #tpu.memory_space<hbm>>
      %dma_wait3A_74 = arith.constant 0 : i32
      %dma_wait3A_75 = tpu.memref_slice %dma_wait3A_73[%mul3A_42, %dma_wait3A_74] : memref<50048x16xf32, #tpu.memory_space<hbm>> -> memref<3128x16xf32, #tpu.memory_space<hbm>>
      %dma_wait3A_76 = arith.constant 0 : i32
      %dma_wait3A_77 = arith.constant 0 : i32
      %dma_wait3A_78 = tpu.memref_slice %arg6[%add3A_31, %dma_wait3A_76, %dma_wait3A_77] : memref<8x50048x16xf32, #tpu.memory_space<hbm>> -> memref<1x50048x16xf32, #tpu.memory_space<hbm>>
      %dma_wait3A_79 = tpu.memref_squeeze %dma_wait3A_78 : memref<1x50048x16xf32, #tpu.memory_space<hbm>> -> memref<50048x16xf32, #tpu.memory_space<hbm>>
      %dma_wait3A_80 = arith.constant 0 : i32
      %dma_wait3A_81 = tpu.memref_slice %dma_wait3A_79[%mul3A_42, %dma_wait3A_80] : memref<50048x16xf32, #tpu.memory_space<hbm>> -> memref<3128x16xf32, #tpu.memory_space<hbm>>
      tpu.wait_dma2 semaphore(%run_scoped3A : memref<!tpu.dma_semaphore, #tpu.memory_space<semaphore_mem>>) src(%arg10 : memref<3128x16xf32, #tpu.memory_space<vmem>>) dst(%dma_wait3A_81 : memref<3128x16xf32, #tpu.memory_space<hbm>>)
      tpu.yield
    }) : () -> ()
    %barrier3A_43 = arith.constant 0 : index
    tpu.barrier barrier_id(%barrier3A_43)
    %mul3A_44 = arith.constant 4 : i32
    %mul3A_45 = arith.muli %arg0, %mul3A_44 : i32
    %add3A_46 = arith.constant 3 : i32
    %add3A_47 = arith.addi %mul3A_45, %add3A_46 : i32
    "tpu.region"() ({
      %run_scoped3A = tpu.sem_alloc : memref<!tpu.dma_semaphore, #tpu.memory_space<semaphore_mem>>
      tpu.enqueue_dma source(%arg5 : memref<3128x16xf32, #tpu.memory_space<hbm>>) target(%arg10 : memref<3128x16xf32, #tpu.memory_space<vmem>>) target_semaphore(%run_scoped3A : memref<!tpu.dma_semaphore, #tpu.memory_space<semaphore_mem>>)
      tpu.wait_dma2 semaphore(%run_scoped3A : memref<!tpu.dma_semaphore, #tpu.memory_space<semaphore_mem>>) src(%arg5 : memref<3128x16xf32, #tpu.memory_space<hbm>>) dst(%arg10 : memref<3128x16xf32, #tpu.memory_space<vmem>>)
      tpu.yield
    }) : () -> ()
    %mul3A_48 = arith.constant 3128 : i32
    %mul3A_49 = arith.muli %arg1, %mul3A_48 : i32
    "tpu.region"() ({
      %run_scoped3A = tpu.sem_alloc : memref<!tpu.dma_semaphore, #tpu.memory_space<semaphore_mem>>
      %dma_start3A = arith.constant 0 : i32
      %dma_start3A_60 = tpu.memref_slice %arg11[%mul3A_49, %dma_start3A] : memref<50048x16xf32, #tpu.memory_space<vmem_shared>> -> memref<3128x16xf32, #tpu.memory_space<vmem_shared>>
      %dma_start3A_61 = arith.constant 0 : i32
      %dma_start3A_62 = tpu.memref_slice %arg11[%mul3A_49, %dma_start3A_61] : memref<50048x16xf32, #tpu.memory_space<vmem_shared>> -> memref<3128x16xf32, #tpu.memory_space<vmem_shared>>
      tpu.enqueue_dma source(%arg10 : memref<3128x16xf32, #tpu.memory_space<vmem>>) target(%dma_start3A_62 : memref<3128x16xf32, #tpu.memory_space<vmem_shared>>) target_semaphore(%run_scoped3A : memref<!tpu.dma_semaphore, #tpu.memory_space<semaphore_mem>>)
      %dma_wait3A = arith.constant 0 : i32
      %dma_wait3A_63 = tpu.memref_slice %arg11[%mul3A_49, %dma_wait3A] : memref<50048x16xf32, #tpu.memory_space<vmem_shared>> -> memref<3128x16xf32, #tpu.memory_space<vmem_shared>>
      %dma_wait3A_64 = arith.constant 0 : i32
      %dma_wait3A_65 = tpu.memref_slice %arg11[%mul3A_49, %dma_wait3A_64] : memref<50048x16xf32, #tpu.memory_space<vmem_shared>> -> memref<3128x16xf32, #tpu.memory_space<vmem_shared>>
      tpu.wait_dma2 semaphore(%run_scoped3A : memref<!tpu.dma_semaphore, #tpu.memory_space<semaphore_mem>>) src(%arg10 : memref<3128x16xf32, #tpu.memory_space<vmem>>) dst(%dma_wait3A_65 : memref<3128x16xf32, #tpu.memory_space<vmem_shared>>)
      tpu.yield
    }) : () -> ()
    %barrier3A_50 = arith.constant 0 : index
    tpu.barrier barrier_id(%barrier3A_50)
    %scan3A_51 = arith.constant 0 : i32
    %scan3A_52 = arith.constant 49 : i32
    %scan3A_53 = arith.addi %scan3A_51, %scan3A_52 : i32
    %scan3A_54 = arith.constant 1 : i32
    scf.for %scan3A_60 = %scan3A_51 to %scan3A_53 step %scan3A_54  : i32 {
      %mul3A_61 = arith.constant 1 : i32
      %mul3A_62 = arith.muli %scan3A_60, %mul3A_61 : i32
      %add3A_63 = arith.constant 0 : i32
      %add3A_64 = arith.addi %add3A_63, %mul3A_62 : i32
      %mul3A_65 = arith.constant 392 : i32
      %mul3A_66 = arith.muli %arg1, %mul3A_65 : i32
      %mul3A_67 = arith.constant 8 : i32
      %mul3A_68 = arith.muli %add3A_64, %mul3A_67 : i32
      %add3A_69 = arith.addi %mul3A_66, %mul3A_68 : i32
      "tpu.region"() ({
        %run_scoped3A = tpu.sem_alloc : memref<!tpu.dma_semaphore, #tpu.memory_space<semaphore_mem>>
        %dma_start3A_516 = arith.constant 0 : i32
        %dma_start3A_517 = tpu.memref_slice %arg3[%add3A_69, %dma_start3A_516] : memref<6272x128xi32, #tpu.memory_space<hbm>> -> memref<8x128xi32, #tpu.memory_space<hbm>>
        %dma_start3A_518 = arith.constant 0 : i32
        %dma_start3A_519 = tpu.memref_slice %arg3[%add3A_69, %dma_start3A_518] : memref<6272x128xi32, #tpu.memory_space<hbm>> -> memref<8x128xi32, #tpu.memory_space<hbm>>
        tpu.enqueue_dma source(%dma_start3A_519 : memref<8x128xi32, #tpu.memory_space<hbm>>) target(%arg7 : memref<8x128xi32, #tpu.memory_space<vmem>>) target_semaphore(%run_scoped3A : memref<!tpu.dma_semaphore, #tpu.memory_space<semaphore_mem>>)
        %dma_wait3A_520 = arith.constant 0 : i32
        %dma_wait3A_521 = tpu.memref_slice %arg3[%add3A_69, %dma_wait3A_520] : memref<6272x128xi32, #tpu.memory_space<hbm>> -> memref<8x128xi32, #tpu.memory_space<hbm>>
        %dma_wait3A_522 = arith.constant 0 : i32
        %dma_wait3A_523 = tpu.memref_slice %arg3[%add3A_69, %dma_wait3A_522] : memref<6272x128xi32, #tpu.memory_space<hbm>> -> memref<8x128xi32, #tpu.memory_space<hbm>>
        tpu.wait_dma2 semaphore(%run_scoped3A : memref<!tpu.dma_semaphore, #tpu.memory_space<semaphore_mem>>) src(%dma_wait3A_523 : memref<8x128xi32, #tpu.memory_space<hbm>>) dst(%arg7 : memref<8x128xi32, #tpu.memory_space<vmem>>)
        tpu.yield
      }) : () -> ()
      "tpu.region"() ({
        %run_scoped3A = tpu.sem_alloc : memref<!tpu.dma_semaphore, #tpu.memory_space<semaphore_mem>>
        %dma_start3A_516 = arith.constant 0 : i32
        %dma_start3A_517 = tpu.memref_slice %arg4[%add3A_69, %dma_start3A_516] : memref<6272x128xi32, #tpu.memory_space<hbm>> -> memref<8x128xi32, #tpu.memory_space<hbm>>
        %dma_start3A_518 = arith.constant 0 : i32
        %dma_start3A_519 = tpu.memref_slice %arg4[%add3A_69, %dma_start3A_518] : memref<6272x128xi32, #tpu.memory_space<hbm>> -> memref<8x128xi32, #tpu.memory_space<hbm>>
        tpu.enqueue_dma source(%dma_start3A_519 : memref<8x128xi32, #tpu.memory_space<hbm>>) target(%arg8 : memref<8x128xi32, #tpu.memory_space<vmem>>) target_semaphore(%run_scoped3A : memref<!tpu.dma_semaphore, #tpu.memory_space<semaphore_mem>>)
        %dma_wait3A_520 = arith.constant 0 : i32
        %dma_wait3A_521 = tpu.memref_slice %arg4[%add3A_69, %dma_wait3A_520] : memref<6272x128xi32, #tpu.memory_space<hbm>> -> memref<8x128xi32, #tpu.memory_space<hbm>>
        %dma_wait3A_522 = arith.constant 0 : i32
        %dma_wait3A_523 = tpu.memref_slice %arg4[%add3A_69, %dma_wait3A_522] : memref<6272x128xi32, #tpu.memory_space<hbm>> -> memref<8x128xi32, #tpu.memory_space<hbm>>
        tpu.wait_dma2 semaphore(%run_scoped3A : memref<!tpu.dma_semaphore, #tpu.memory_space<semaphore_mem>>) src(%dma_wait3A_523 : memref<8x128xi32, #tpu.memory_space<hbm>>) dst(%arg8 : memref<8x128xi32, #tpu.memory_space<vmem>>)
        tpu.yield
      }) : () -> ()
      %dma_start3A = arith.constant 0 : i32
      %dma_start3A_70 = arith.constant 0 : i32
      %dma_start3A_71 = arith.constant 0 : i32
      %dma_start3A_72 = arith.constant 0 : i32
      %dma_start3A_73 = tpu.memref_slice %arg9[%dma_start3A_70, %dma_start3A_71, %dma_start3A_72] : memref<8x128x16xf32, #tpu.memory_space<vmem>> -> memref<1x128x16xf32, #tpu.memory_space<vmem>>
      %dma_start3A_74 = tpu.memref_squeeze %dma_start3A_73 : memref<1x128x16xf32, #tpu.memory_space<vmem>> -> memref<128x16xf32, #tpu.memory_space<vmem>>
      %dma_start3A_75 = arith.constant 0 : i32
      %dma_start3A_76 = tpu.memref_slice %arg7[%dma_start3A, %dma_start3A_75] : memref<8x128xi32, #tpu.memory_space<vmem>> -> memref<1x128xi32, #tpu.memory_space<vmem>>
      %dma_start3A_77 = tpu.memref_squeeze %dma_start3A_76 : memref<1x128xi32, #tpu.memory_space<vmem>> -> memref<128xi32, #tpu.memory_space<vmem>>
      %dma_start3A_78 = arith.constant 0 : i32
      %dma_start3A_79 = arith.constant 0 : i32
      %dma_start3A_80 = tpu.memref_slice %arg2[%add3A_47, %dma_start3A_78, %dma_start3A_79] : memref<8x50048x16xf32, #tpu.memory_space<hbm>> -> memref<1x50048x16xf32, #tpu.memory_space<hbm>>
      %dma_start3A_81 = tpu.memref_squeeze %dma_start3A_80 : memref<1x50048x16xf32, #tpu.memory_space<hbm>> -> memref<50048x16xf32, #tpu.memory_space<hbm>>
      %dma_start3A_82 = arith.constant 0 : i32
      %dma_start3A_83 = arith.constant 0 : i32
      %dma_start3A_84 = tpu.memref_slice %dma_start3A_81[%dma_start3A_82, %dma_start3A_83] : memref<50048x16xf32, #tpu.memory_space<hbm>> -> memref<50048x16xf32, #tpu.memory_space<hbm>>
      tpu.enqueue_indirect_dma source(%dma_start3A_84 : memref<50048x16xf32, #tpu.memory_space<hbm>>) target(%dma_start3A_74 : memref<128x16xf32, #tpu.memory_space<vmem>>) offsets(%dma_start3A_77 : memref<128xi32, #tpu.memory_space<vmem>>) semaphore(%arg12 : memref<!tpu.dma_semaphore, #tpu.memory_space<semaphore_mem>>)
      %dma_start3A_85 = arith.constant 1 : i32
      %dma_start3A_86 = arith.constant 1 : i32
      %dma_start3A_87 = arith.constant 0 : i32
      %dma_start3A_88 = arith.constant 0 : i32
      %dma_start3A_89 = tpu.memref_slice %arg9[%dma_start3A_86, %dma_start3A_87, %dma_start3A_88] : memref<8x128x16xf32, #tpu.memory_space<vmem>> -> memref<1x128x16xf32, #tpu.memory_space<vmem>>
      %dma_start3A_90 = tpu.memref_squeeze %dma_start3A_89 : memref<1x128x16xf32, #tpu.memory_space<vmem>> -> memref<128x16xf32, #tpu.memory_space<vmem>>
      %dma_start3A_91 = arith.constant 0 : i32
      %dma_start3A_92 = tpu.memref_slice %arg7[%dma_start3A_85, %dma_start3A_91] : memref<8x128xi32, #tpu.memory_space<vmem>> -> memref<1x128xi32, #tpu.memory_space<vmem>>
      %dma_start3A_93 = tpu.memref_squeeze %dma_start3A_92 : memref<1x128xi32, #tpu.memory_space<vmem>> -> memref<128xi32, #tpu.memory_space<vmem>>
      %dma_start3A_94 = arith.constant 0 : i32
      %dma_start3A_95 = arith.constant 0 : i32
      %dma_start3A_96 = tpu.memref_slice %arg2[%add3A_47, %dma_start3A_94, %dma_start3A_95] : memref<8x50048x16xf32, #tpu.memory_space<hbm>> -> memref<1x50048x16xf32, #tpu.memory_space<hbm>>
      %dma_start3A_97 = tpu.memref_squeeze %dma_start3A_96 : memref<1x50048x16xf32, #tpu.memory_space<hbm>> -> memref<50048x16xf32, #tpu.memory_space<hbm>>
      %dma_start3A_98 = arith.constant 0 : i32
      %dma_start3A_99 = arith.constant 0 : i32
      %dma_start3A_100 = tpu.memref_slice %dma_start3A_97[%dma_start3A_98, %dma_start3A_99] : memref<50048x16xf32, #tpu.memory_space<hbm>> -> memref<50048x16xf32, #tpu.memory_space<hbm>>
      tpu.enqueue_indirect_dma source(%dma_start3A_100 : memref<50048x16xf32, #tpu.memory_space<hbm>>) target(%dma_start3A_90 : memref<128x16xf32, #tpu.memory_space<vmem>>) offsets(%dma_start3A_93 : memref<128xi32, #tpu.memory_space<vmem>>) semaphore(%arg12 : memref<!tpu.dma_semaphore, #tpu.memory_space<semaphore_mem>>)
      %dma_start3A_101 = arith.constant 2 : i32
      %dma_start3A_102 = arith.constant 2 : i32
      %dma_start3A_103 = arith.constant 0 : i32
      %dma_start3A_104 = arith.constant 0 : i32
      %dma_start3A_105 = tpu.memref_slice %arg9[%dma_start3A_102, %dma_start3A_103, %dma_start3A_104] : memref<8x128x16xf32, #tpu.memory_space<vmem>> -> memref<1x128x16xf32, #tpu.memory_space<vmem>>
      %dma_start3A_106 = tpu.memref_squeeze %dma_start3A_105 : memref<1x128x16xf32, #tpu.memory_space<vmem>> -> memref<128x16xf32, #tpu.memory_space<vmem>>
      %dma_start3A_107 = arith.constant 0 : i32
      %dma_start3A_108 = tpu.memref_slice %arg7[%dma_start3A_101, %dma_start3A_107] : memref<8x128xi32, #tpu.memory_space<vmem>> -> memref<1x128xi32, #tpu.memory_space<vmem>>
      %dma_start3A_109 = tpu.memref_squeeze %dma_start3A_108 : memref<1x128xi32, #tpu.memory_space<vmem>> -> memref<128xi32, #tpu.memory_space<vmem>>
      %dma_start3A_110 = arith.constant 0 : i32
      %dma_start3A_111 = arith.constant 0 : i32
      %dma_start3A_112 = tpu.memref_slice %arg2[%add3A_47, %dma_start3A_110, %dma_start3A_111] : memref<8x50048x16xf32, #tpu.memory_space<hbm>> -> memref<1x50048x16xf32, #tpu.memory_space<hbm>>
      %dma_start3A_113 = tpu.memref_squeeze %dma_start3A_112 : memref<1x50048x16xf32, #tpu.memory_space<hbm>> -> memref<50048x16xf32, #tpu.memory_space<hbm>>
      %dma_start3A_114 = arith.constant 0 : i32
      %dma_start3A_115 = arith.constant 0 : i32
      %dma_start3A_116 = tpu.memref_slice %dma_start3A_113[%dma_start3A_114, %dma_start3A_115] : memref<50048x16xf32, #tpu.memory_space<hbm>> -> memref<50048x16xf32, #tpu.memory_space<hbm>>
      tpu.enqueue_indirect_dma source(%dma_start3A_116 : memref<50048x16xf32, #tpu.memory_space<hbm>>) target(%dma_start3A_106 : memref<128x16xf32, #tpu.memory_space<vmem>>) offsets(%dma_start3A_109 : memref<128xi32, #tpu.memory_space<vmem>>) semaphore(%arg12 : memref<!tpu.dma_semaphore, #tpu.memory_space<semaphore_mem>>)
      %dma_start3A_117 = arith.constant 3 : i32
      %dma_start3A_118 = arith.constant 3 : i32
      %dma_start3A_119 = arith.constant 0 : i32
      %dma_start3A_120 = arith.constant 0 : i32
      %dma_start3A_121 = tpu.memref_slice %arg9[%dma_start3A_118, %dma_start3A_119, %dma_start3A_120] : memref<8x128x16xf32, #tpu.memory_space<vmem>> -> memref<1x128x16xf32, #tpu.memory_space<vmem>>
      %dma_start3A_122 = tpu.memref_squeeze %dma_start3A_121 : memref<1x128x16xf32, #tpu.memory_space<vmem>> -> memref<128x16xf32, #tpu.memory_space<vmem>>
      %dma_start3A_123 = arith.constant 0 : i32
      %dma_start3A_124 = tpu.memref_slice %arg7[%dma_start3A_117, %dma_start3A_123] : memref<8x128xi32, #tpu.memory_space<vmem>> -> memref<1x128xi32, #tpu.memory_space<vmem>>
      %dma_start3A_125 = tpu.memref_squeeze %dma_start3A_124 : memref<1x128xi32, #tpu.memory_space<vmem>> -> memref<128xi32, #tpu.memory_space<vmem>>
      %dma_start3A_126 = arith.constant 0 : i32
      %dma_start3A_127 = arith.constant 0 : i32
      %dma_start3A_128 = tpu.memref_slice %arg2[%add3A_47, %dma_start3A_126, %dma_start3A_127] : memref<8x50048x16xf32, #tpu.memory_space<hbm>> -> memref<1x50048x16xf32, #tpu.memory_space<hbm>>
      %dma_start3A_129 = tpu.memref_squeeze %dma_start3A_128 : memref<1x50048x16xf32, #tpu.memory_space<hbm>> -> memref<50048x16xf32, #tpu.memory_space<hbm>>
      %dma_start3A_130 = arith.constant 0 : i32
      %dma_start3A_131 = arith.constant 0 : i32
      %dma_start3A_132 = tpu.memref_slice %dma_start3A_129[%dma_start3A_130, %dma_start3A_131] : memref<50048x16xf32, #tpu.memory_space<hbm>> -> memref<50048x16xf32, #tpu.memory_space<hbm>>
      tpu.enqueue_indirect_dma source(%dma_start3A_132 : memref<50048x16xf32, #tpu.memory_space<hbm>>) target(%dma_start3A_122 : memref<128x16xf32, #tpu.memory_space<vmem>>) offsets(%dma_start3A_125 : memref<128xi32, #tpu.memory_space<vmem>>) semaphore(%arg12 : memref<!tpu.dma_semaphore, #tpu.memory_space<semaphore_mem>>)
      %dma_start3A_133 = arith.constant 4 : i32
      %dma_start3A_134 = arith.constant 4 : i32
      %dma_start3A_135 = arith.constant 0 : i32
      %dma_start3A_136 = arith.constant 0 : i32
      %dma_start3A_137 = tpu.memref_slice %arg9[%dma_start3A_134, %dma_start3A_135, %dma_start3A_136] : memref<8x128x16xf32, #tpu.memory_space<vmem>> -> memref<1x128x16xf32, #tpu.memory_space<vmem>>
      %dma_start3A_138 = tpu.memref_squeeze %dma_start3A_137 : memref<1x128x16xf32, #tpu.memory_space<vmem>> -> memref<128x16xf32, #tpu.memory_space<vmem>>
      %dma_start3A_139 = arith.constant 0 : i32
      %dma_start3A_140 = tpu.memref_slice %arg7[%dma_start3A_133, %dma_start3A_139] : memref<8x128xi32, #tpu.memory_space<vmem>> -> memref<1x128xi32, #tpu.memory_space<vmem>>
      %dma_start3A_141 = tpu.memref_squeeze %dma_start3A_140 : memref<1x128xi32, #tpu.memory_space<vmem>> -> memref<128xi32, #tpu.memory_space<vmem>>
      %dma_start3A_142 = arith.constant 0 : i32
      %dma_start3A_143 = arith.constant 0 : i32
      %dma_start3A_144 = tpu.memref_slice %arg2[%add3A_47, %dma_start3A_142, %dma_start3A_143] : memref<8x50048x16xf32, #tpu.memory_space<hbm>> -> memref<1x50048x16xf32, #tpu.memory_space<hbm>>
      %dma_start3A_145 = tpu.memref_squeeze %dma_start3A_144 : memref<1x50048x16xf32, #tpu.memory_space<hbm>> -> memref<50048x16xf32, #tpu.memory_space<hbm>>
      %dma_start3A_146 = arith.constant 0 : i32
      %dma_start3A_147 = arith.constant 0 : i32
      %dma_start3A_148 = tpu.memref_slice %dma_start3A_145[%dma_start3A_146, %dma_start3A_147] : memref<50048x16xf32, #tpu.memory_space<hbm>> -> memref<50048x16xf32, #tpu.memory_space<hbm>>
      tpu.enqueue_indirect_dma source(%dma_start3A_148 : memref<50048x16xf32, #tpu.memory_space<hbm>>) target(%dma_start3A_138 : memref<128x16xf32, #tpu.memory_space<vmem>>) offsets(%dma_start3A_141 : memref<128xi32, #tpu.memory_space<vmem>>) semaphore(%arg12 : memref<!tpu.dma_semaphore, #tpu.memory_space<semaphore_mem>>)
      %dma_start3A_149 = arith.constant 5 : i32
      %dma_start3A_150 = arith.constant 5 : i32
      %dma_start3A_151 = arith.constant 0 : i32
      %dma_start3A_152 = arith.constant 0 : i32
      %dma_start3A_153 = tpu.memref_slice %arg9[%dma_start3A_150, %dma_start3A_151, %dma_start3A_152] : memref<8x128x16xf32, #tpu.memory_space<vmem>> -> memref<1x128x16xf32, #tpu.memory_space<vmem>>
      %dma_start3A_154 = tpu.memref_squeeze %dma_start3A_153 : memref<1x128x16xf32, #tpu.memory_space<vmem>> -> memref<128x16xf32, #tpu.memory_space<vmem>>
      %dma_start3A_155 = arith.constant 0 : i32
      %dma_start3A_156 = tpu.memref_slice %arg7[%dma_start3A_149, %dma_start3A_155] : memref<8x128xi32, #tpu.memory_space<vmem>> -> memref<1x128xi32, #tpu.memory_space<vmem>>
      %dma_start3A_157 = tpu.memref_squeeze %dma_start3A_156 : memref<1x128xi32, #tpu.memory_space<vmem>> -> memref<128xi32, #tpu.memory_space<vmem>>
      %dma_start3A_158 = arith.constant 0 : i32
      %dma_start3A_159 = arith.constant 0 : i32
      %dma_start3A_160 = tpu.memref_slice %arg2[%add3A_47, %dma_start3A_158, %dma_start3A_159] : memref<8x50048x16xf32, #tpu.memory_space<hbm>> -> memref<1x50048x16xf32, #tpu.memory_space<hbm>>
      %dma_start3A_161 = tpu.memref_squeeze %dma_start3A_160 : memref<1x50048x16xf32, #tpu.memory_space<hbm>> -> memref<50048x16xf32, #tpu.memory_space<hbm>>
      %dma_start3A_162 = arith.constant 0 : i32
      %dma_start3A_163 = arith.constant 0 : i32
      %dma_start3A_164 = tpu.memref_slice %dma_start3A_161[%dma_start3A_162, %dma_start3A_163] : memref<50048x16xf32, #tpu.memory_space<hbm>> -> memref<50048x16xf32, #tpu.memory_space<hbm>>
      tpu.enqueue_indirect_dma source(%dma_start3A_164 : memref<50048x16xf32, #tpu.memory_space<hbm>>) target(%dma_start3A_154 : memref<128x16xf32, #tpu.memory_space<vmem>>) offsets(%dma_start3A_157 : memref<128xi32, #tpu.memory_space<vmem>>) semaphore(%arg12 : memref<!tpu.dma_semaphore, #tpu.memory_space<semaphore_mem>>)
      %dma_start3A_165 = arith.constant 6 : i32
      %dma_start3A_166 = arith.constant 6 : i32
      %dma_start3A_167 = arith.constant 0 : i32
      %dma_start3A_168 = arith.constant 0 : i32
      %dma_start3A_169 = tpu.memref_slice %arg9[%dma_start3A_166, %dma_start3A_167, %dma_start3A_168] : memref<8x128x16xf32, #tpu.memory_space<vmem>> -> memref<1x128x16xf32, #tpu.memory_space<vmem>>
      %dma_start3A_170 = tpu.memref_squeeze %dma_start3A_169 : memref<1x128x16xf32, #tpu.memory_space<vmem>> -> memref<128x16xf32, #tpu.memory_space<vmem>>
      %dma_start3A_171 = arith.constant 0 : i32
      %dma_start3A_172 = tpu.memref_slice %arg7[%dma_start3A_165, %dma_start3A_171] : memref<8x128xi32, #tpu.memory_space<vmem>> -> memref<1x128xi32, #tpu.memory_space<vmem>>
      %dma_start3A_173 = tpu.memref_squeeze %dma_start3A_172 : memref<1x128xi32, #tpu.memory_space<vmem>> -> memref<128xi32, #tpu.memory_space<vmem>>
      %dma_start3A_174 = arith.constant 0 : i32
      %dma_start3A_175 = arith.constant 0 : i32
      %dma_start3A_176 = tpu.memref_slice %arg2[%add3A_47, %dma_start3A_174, %dma_start3A_175] : memref<8x50048x16xf32, #tpu.memory_space<hbm>> -> memref<1x50048x16xf32, #tpu.memory_space<hbm>>
      %dma_start3A_177 = tpu.memref_squeeze %dma_start3A_176 : memref<1x50048x16xf32, #tpu.memory_space<hbm>> -> memref<50048x16xf32, #tpu.memory_space<hbm>>
      %dma_start3A_178 = arith.constant 0 : i32
      %dma_start3A_179 = arith.constant 0 : i32
      %dma_start3A_180 = tpu.memref_slice %dma_start3A_177[%dma_start3A_178, %dma_start3A_179] : memref<50048x16xf32, #tpu.memory_space<hbm>> -> memref<50048x16xf32, #tpu.memory_space<hbm>>
      tpu.enqueue_indirect_dma source(%dma_start3A_180 : memref<50048x16xf32, #tpu.memory_space<hbm>>) target(%dma_start3A_170 : memref<128x16xf32, #tpu.memory_space<vmem>>) offsets(%dma_start3A_173 : memref<128xi32, #tpu.memory_space<vmem>>) semaphore(%arg12 : memref<!tpu.dma_semaphore, #tpu.memory_space<semaphore_mem>>)
      %dma_start3A_181 = arith.constant 7 : i32
      %dma_start3A_182 = arith.constant 7 : i32
      %dma_start3A_183 = arith.constant 0 : i32
      %dma_start3A_184 = arith.constant 0 : i32
      %dma_start3A_185 = tpu.memref_slice %arg9[%dma_start3A_182, %dma_start3A_183, %dma_start3A_184] : memref<8x128x16xf32, #tpu.memory_space<vmem>> -> memref<1x128x16xf32, #tpu.memory_space<vmem>>
      %dma_start3A_186 = tpu.memref_squeeze %dma_start3A_185 : memref<1x128x16xf32, #tpu.memory_space<vmem>> -> memref<128x16xf32, #tpu.memory_space<vmem>>
      %dma_start3A_187 = arith.constant 0 : i32
      %dma_start3A_188 = tpu.memref_slice %arg7[%dma_start3A_181, %dma_start3A_187] : memref<8x128xi32, #tpu.memory_space<vmem>> -> memref<1x128xi32, #tpu.memory_space<vmem>>
      %dma_start3A_189 = tpu.memref_squeeze %dma_start3A_188 : memref<1x128xi32, #tpu.memory_space<vmem>> -> memref<128xi32, #tpu.memory_space<vmem>>
      %dma_start3A_190 = arith.constant 0 : i32
      %dma_start3A_191 = arith.constant 0 : i32
      %dma_start3A_192 = tpu.memref_slice %arg2[%add3A_47, %dma_start3A_190, %dma_start3A_191] : memref<8x50048x16xf32, #tpu.memory_space<hbm>> -> memref<1x50048x16xf32, #tpu.memory_space<hbm>>
      %dma_start3A_193 = tpu.memref_squeeze %dma_start3A_192 : memref<1x50048x16xf32, #tpu.memory_space<hbm>> -> memref<50048x16xf32, #tpu.memory_space<hbm>>
      %dma_start3A_194 = arith.constant 0 : i32
      %dma_start3A_195 = arith.constant 0 : i32
      %dma_start3A_196 = tpu.memref_slice %dma_start3A_193[%dma_start3A_194, %dma_start3A_195] : memref<50048x16xf32, #tpu.memory_space<hbm>> -> memref<50048x16xf32, #tpu.memory_space<hbm>>
      tpu.enqueue_indirect_dma source(%dma_start3A_196 : memref<50048x16xf32, #tpu.memory_space<hbm>>) target(%dma_start3A_186 : memref<128x16xf32, #tpu.memory_space<vmem>>) offsets(%dma_start3A_189 : memref<128xi32, #tpu.memory_space<vmem>>) semaphore(%arg12 : memref<!tpu.dma_semaphore, #tpu.memory_space<semaphore_mem>>)
      %dma_wait3A = arith.constant 0 : i32
      %dma_wait3A_197 = arith.constant 0 : i32
      %dma_wait3A_198 = arith.constant 0 : i32
      %dma_wait3A_199 = arith.constant 0 : i32
      %dma_wait3A_200 = tpu.memref_slice %arg9[%dma_wait3A_197, %dma_wait3A_198, %dma_wait3A_199] : memref<8x128x16xf32, #tpu.memory_space<vmem>> -> memref<1x128x16xf32, #tpu.memory_space<vmem>>
      %dma_wait3A_201 = tpu.memref_squeeze %dma_wait3A_200 : memref<1x128x16xf32, #tpu.memory_space<vmem>> -> memref<128x16xf32, #tpu.memory_space<vmem>>
      %dma_wait3A_202 = arith.constant 0 : i32
      %dma_wait3A_203 = tpu.memref_slice %arg7[%dma_wait3A, %dma_wait3A_202] : memref<8x128xi32, #tpu.memory_space<vmem>> -> memref<1x128xi32, #tpu.memory_space<vmem>>
      %dma_wait3A_204 = tpu.memref_squeeze %dma_wait3A_203 : memref<1x128xi32, #tpu.memory_space<vmem>> -> memref<128xi32, #tpu.memory_space<vmem>>
      %dma_wait3A_205 = arith.constant 0 : i32
      %dma_wait3A_206 = arith.constant 0 : i32
      %dma_wait3A_207 = tpu.memref_slice %arg2[%add3A_47, %dma_wait3A_205, %dma_wait3A_206] : memref<8x50048x16xf32, #tpu.memory_space<hbm>> -> memref<1x50048x16xf32, #tpu.memory_space<hbm>>
      %dma_wait3A_208 = tpu.memref_squeeze %dma_wait3A_207 : memref<1x50048x16xf32, #tpu.memory_space<hbm>> -> memref<50048x16xf32, #tpu.memory_space<hbm>>
      %dma_wait3A_209 = arith.constant 0 : i32
      %dma_wait3A_210 = arith.constant 0 : i32
      %dma_wait3A_211 = tpu.memref_slice %dma_wait3A_208[%dma_wait3A_209, %dma_wait3A_210] : memref<50048x16xf32, #tpu.memory_space<hbm>> -> memref<50048x16xf32, #tpu.memory_space<hbm>>
      tpu.wait_indirect_dma semaphore(%arg12 : memref<!tpu.dma_semaphore, #tpu.memory_space<semaphore_mem>>) src(%dma_wait3A_211 : memref<50048x16xf32, #tpu.memory_space<hbm>>) dst(%dma_wait3A_201 : memref<128x16xf32, #tpu.memory_space<vmem>>)
      %dma_wait3A_212 = arith.constant 1 : i32
      %dma_wait3A_213 = arith.constant 1 : i32
      %dma_wait3A_214 = arith.constant 0 : i32
      %dma_wait3A_215 = arith.constant 0 : i32
      %dma_wait3A_216 = tpu.memref_slice %arg9[%dma_wait3A_213, %dma_wait3A_214, %dma_wait3A_215] : memref<8x128x16xf32, #tpu.memory_space<vmem>> -> memref<1x128x16xf32, #tpu.memory_space<vmem>>
      %dma_wait3A_217 = tpu.memref_squeeze %dma_wait3A_216 : memref<1x128x16xf32, #tpu.memory_space<vmem>> -> memref<128x16xf32, #tpu.memory_space<vmem>>
      %dma_wait3A_218 = arith.constant 0 : i32
      %dma_wait3A_219 = tpu.memref_slice %arg7[%dma_wait3A_212, %dma_wait3A_218] : memref<8x128xi32, #tpu.memory_space<vmem>> -> memref<1x128xi32, #tpu.memory_space<vmem>>
      %dma_wait3A_220 = tpu.memref_squeeze %dma_wait3A_219 : memref<1x128xi32, #tpu.memory_space<vmem>> -> memref<128xi32, #tpu.memory_space<vmem>>
      %dma_wait3A_221 = arith.constant 0 : i32
      %dma_wait3A_222 = arith.constant 0 : i32
      %dma_wait3A_223 = tpu.memref_slice %arg2[%add3A_47, %dma_wait3A_221, %dma_wait3A_222] : memref<8x50048x16xf32, #tpu.memory_space<hbm>> -> memref<1x50048x16xf32, #tpu.memory_space<hbm>>
      %dma_wait3A_224 = tpu.memref_squeeze %dma_wait3A_223 : memref<1x50048x16xf32, #tpu.memory_space<hbm>> -> memref<50048x16xf32, #tpu.memory_space<hbm>>
      %dma_wait3A_225 = arith.constant 0 : i32
      %dma_wait3A_226 = arith.constant 0 : i32
      %dma_wait3A_227 = tpu.memref_slice %dma_wait3A_224[%dma_wait3A_225, %dma_wait3A_226] : memref<50048x16xf32, #tpu.memory_space<hbm>> -> memref<50048x16xf32, #tpu.memory_space<hbm>>
      tpu.wait_indirect_dma semaphore(%arg12 : memref<!tpu.dma_semaphore, #tpu.memory_space<semaphore_mem>>) src(%dma_wait3A_227 : memref<50048x16xf32, #tpu.memory_space<hbm>>) dst(%dma_wait3A_217 : memref<128x16xf32, #tpu.memory_space<vmem>>)
      %dma_wait3A_228 = arith.constant 2 : i32
      %dma_wait3A_229 = arith.constant 2 : i32
      %dma_wait3A_230 = arith.constant 0 : i32
      %dma_wait3A_231 = arith.constant 0 : i32
      %dma_wait3A_232 = tpu.memref_slice %arg9[%dma_wait3A_229, %dma_wait3A_230, %dma_wait3A_231] : memref<8x128x16xf32, #tpu.memory_space<vmem>> -> memref<1x128x16xf32, #tpu.memory_space<vmem>>
      %dma_wait3A_233 = tpu.memref_squeeze %dma_wait3A_232 : memref<1x128x16xf32, #tpu.memory_space<vmem>> -> memref<128x16xf32, #tpu.memory_space<vmem>>
      %dma_wait3A_234 = arith.constant 0 : i32
      %dma_wait3A_235 = tpu.memref_slice %arg7[%dma_wait3A_228, %dma_wait3A_234] : memref<8x128xi32, #tpu.memory_space<vmem>> -> memref<1x128xi32, #tpu.memory_space<vmem>>
      %dma_wait3A_236 = tpu.memref_squeeze %dma_wait3A_235 : memref<1x128xi32, #tpu.memory_space<vmem>> -> memref<128xi32, #tpu.memory_space<vmem>>
      %dma_wait3A_237 = arith.constant 0 : i32
      %dma_wait3A_238 = arith.constant 0 : i32
      %dma_wait3A_239 = tpu.memref_slice %arg2[%add3A_47, %dma_wait3A_237, %dma_wait3A_238] : memref<8x50048x16xf32, #tpu.memory_space<hbm>> -> memref<1x50048x16xf32, #tpu.memory_space<hbm>>
      %dma_wait3A_240 = tpu.memref_squeeze %dma_wait3A_239 : memref<1x50048x16xf32, #tpu.memory_space<hbm>> -> memref<50048x16xf32, #tpu.memory_space<hbm>>
      %dma_wait3A_241 = arith.constant 0 : i32
      %dma_wait3A_242 = arith.constant 0 : i32
      %dma_wait3A_243 = tpu.memref_slice %dma_wait3A_240[%dma_wait3A_241, %dma_wait3A_242] : memref<50048x16xf32, #tpu.memory_space<hbm>> -> memref<50048x16xf32, #tpu.memory_space<hbm>>
      tpu.wait_indirect_dma semaphore(%arg12 : memref<!tpu.dma_semaphore, #tpu.memory_space<semaphore_mem>>) src(%dma_wait3A_243 : memref<50048x16xf32, #tpu.memory_space<hbm>>) dst(%dma_wait3A_233 : memref<128x16xf32, #tpu.memory_space<vmem>>)
      %dma_wait3A_244 = arith.constant 3 : i32
      %dma_wait3A_245 = arith.constant 3 : i32
      %dma_wait3A_246 = arith.constant 0 : i32
      %dma_wait3A_247 = arith.constant 0 : i32
      %dma_wait3A_248 = tpu.memref_slice %arg9[%dma_wait3A_245, %dma_wait3A_246, %dma_wait3A_247] : memref<8x128x16xf32, #tpu.memory_space<vmem>> -> memref<1x128x16xf32, #tpu.memory_space<vmem>>
      %dma_wait3A_249 = tpu.memref_squeeze %dma_wait3A_248 : memref<1x128x16xf32, #tpu.memory_space<vmem>> -> memref<128x16xf32, #tpu.memory_space<vmem>>
      %dma_wait3A_250 = arith.constant 0 : i32
      %dma_wait3A_251 = tpu.memref_slice %arg7[%dma_wait3A_244, %dma_wait3A_250] : memref<8x128xi32, #tpu.memory_space<vmem>> -> memref<1x128xi32, #tpu.memory_space<vmem>>
      %dma_wait3A_252 = tpu.memref_squeeze %dma_wait3A_251 : memref<1x128xi32, #tpu.memory_space<vmem>> -> memref<128xi32, #tpu.memory_space<vmem>>
      %dma_wait3A_253 = arith.constant 0 : i32
      %dma_wait3A_254 = arith.constant 0 : i32
      %dma_wait3A_255 = tpu.memref_slice %arg2[%add3A_47, %dma_wait3A_253, %dma_wait3A_254] : memref<8x50048x16xf32, #tpu.memory_space<hbm>> -> memref<1x50048x16xf32, #tpu.memory_space<hbm>>
      %dma_wait3A_256 = tpu.memref_squeeze %dma_wait3A_255 : memref<1x50048x16xf32, #tpu.memory_space<hbm>> -> memref<50048x16xf32, #tpu.memory_space<hbm>>
      %dma_wait3A_257 = arith.constant 0 : i32
      %dma_wait3A_258 = arith.constant 0 : i32
      %dma_wait3A_259 = tpu.memref_slice %dma_wait3A_256[%dma_wait3A_257, %dma_wait3A_258] : memref<50048x16xf32, #tpu.memory_space<hbm>> -> memref<50048x16xf32, #tpu.memory_space<hbm>>
      tpu.wait_indirect_dma semaphore(%arg12 : memref<!tpu.dma_semaphore, #tpu.memory_space<semaphore_mem>>) src(%dma_wait3A_259 : memref<50048x16xf32, #tpu.memory_space<hbm>>) dst(%dma_wait3A_249 : memref<128x16xf32, #tpu.memory_space<vmem>>)
      %dma_wait3A_260 = arith.constant 4 : i32
      %dma_wait3A_261 = arith.constant 4 : i32
      %dma_wait3A_262 = arith.constant 0 : i32
      %dma_wait3A_263 = arith.constant 0 : i32
      %dma_wait3A_264 = tpu.memref_slice %arg9[%dma_wait3A_261, %dma_wait3A_262, %dma_wait3A_263] : memref<8x128x16xf32, #tpu.memory_space<vmem>> -> memref<1x128x16xf32, #tpu.memory_space<vmem>>
      %dma_wait3A_265 = tpu.memref_squeeze %dma_wait3A_264 : memref<1x128x16xf32, #tpu.memory_space<vmem>> -> memref<128x16xf32, #tpu.memory_space<vmem>>
      %dma_wait3A_266 = arith.constant 0 : i32
      %dma_wait3A_267 = tpu.memref_slice %arg7[%dma_wait3A_260, %dma_wait3A_266] : memref<8x128xi32, #tpu.memory_space<vmem>> -> memref<1x128xi32, #tpu.memory_space<vmem>>
      %dma_wait3A_268 = tpu.memref_squeeze %dma_wait3A_267 : memref<1x128xi32, #tpu.memory_space<vmem>> -> memref<128xi32, #tpu.memory_space<vmem>>
      %dma_wait3A_269 = arith.constant 0 : i32
      %dma_wait3A_270 = arith.constant 0 : i32
      %dma_wait3A_271 = tpu.memref_slice %arg2[%add3A_47, %dma_wait3A_269, %dma_wait3A_270] : memref<8x50048x16xf32, #tpu.memory_space<hbm>> -> memref<1x50048x16xf32, #tpu.memory_space<hbm>>
      %dma_wait3A_272 = tpu.memref_squeeze %dma_wait3A_271 : memref<1x50048x16xf32, #tpu.memory_space<hbm>> -> memref<50048x16xf32, #tpu.memory_space<hbm>>
      %dma_wait3A_273 = arith.constant 0 : i32
      %dma_wait3A_274 = arith.constant 0 : i32
      %dma_wait3A_275 = tpu.memref_slice %dma_wait3A_272[%dma_wait3A_273, %dma_wait3A_274] : memref<50048x16xf32, #tpu.memory_space<hbm>> -> memref<50048x16xf32, #tpu.memory_space<hbm>>
      tpu.wait_indirect_dma semaphore(%arg12 : memref<!tpu.dma_semaphore, #tpu.memory_space<semaphore_mem>>) src(%dma_wait3A_275 : memref<50048x16xf32, #tpu.memory_space<hbm>>) dst(%dma_wait3A_265 : memref<128x16xf32, #tpu.memory_space<vmem>>)
      %dma_wait3A_276 = arith.constant 5 : i32
      %dma_wait3A_277 = arith.constant 5 : i32
      %dma_wait3A_278 = arith.constant 0 : i32
      %dma_wait3A_279 = arith.constant 0 : i32
      %dma_wait3A_280 = tpu.memref_slice %arg9[%dma_wait3A_277, %dma_wait3A_278, %dma_wait3A_279] : memref<8x128x16xf32, #tpu.memory_space<vmem>> -> memref<1x128x16xf32, #tpu.memory_space<vmem>>
      %dma_wait3A_281 = tpu.memref_squeeze %dma_wait3A_280 : memref<1x128x16xf32, #tpu.memory_space<vmem>> -> memref<128x16xf32, #tpu.memory_space<vmem>>
      %dma_wait3A_282 = arith.constant 0 : i32
      %dma_wait3A_283 = tpu.memref_slice %arg7[%dma_wait3A_276, %dma_wait3A_282] : memref<8x128xi32, #tpu.memory_space<vmem>> -> memref<1x128xi32, #tpu.memory_space<vmem>>
      %dma_wait3A_284 = tpu.memref_squeeze %dma_wait3A_283 : memref<1x128xi32, #tpu.memory_space<vmem>> -> memref<128xi32, #tpu.memory_space<vmem>>
      %dma_wait3A_285 = arith.constant 0 : i32
      %dma_wait3A_286 = arith.constant 0 : i32
      %dma_wait3A_287 = tpu.memref_slice %arg2[%add3A_47, %dma_wait3A_285, %dma_wait3A_286] : memref<8x50048x16xf32, #tpu.memory_space<hbm>> -> memref<1x50048x16xf32, #tpu.memory_space<hbm>>
      %dma_wait3A_288 = tpu.memref_squeeze %dma_wait3A_287 : memref<1x50048x16xf32, #tpu.memory_space<hbm>> -> memref<50048x16xf32, #tpu.memory_space<hbm>>
      %dma_wait3A_289 = arith.constant 0 : i32
      %dma_wait3A_290 = arith.constant 0 : i32
      %dma_wait3A_291 = tpu.memref_slice %dma_wait3A_288[%dma_wait3A_289, %dma_wait3A_290] : memref<50048x16xf32, #tpu.memory_space<hbm>> -> memref<50048x16xf32, #tpu.memory_space<hbm>>
      tpu.wait_indirect_dma semaphore(%arg12 : memref<!tpu.dma_semaphore, #tpu.memory_space<semaphore_mem>>) src(%dma_wait3A_291 : memref<50048x16xf32, #tpu.memory_space<hbm>>) dst(%dma_wait3A_281 : memref<128x16xf32, #tpu.memory_space<vmem>>)
      %dma_wait3A_292 = arith.constant 6 : i32
      %dma_wait3A_293 = arith.constant 6 : i32
      %dma_wait3A_294 = arith.constant 0 : i32
      %dma_wait3A_295 = arith.constant 0 : i32
      %dma_wait3A_296 = tpu.memref_slice %arg9[%dma_wait3A_293, %dma_wait3A_294, %dma_wait3A_295] : memref<8x128x16xf32, #tpu.memory_space<vmem>> -> memref<1x128x16xf32, #tpu.memory_space<vmem>>
      %dma_wait3A_297 = tpu.memref_squeeze %dma_wait3A_296 : memref<1x128x16xf32, #tpu.memory_space<vmem>> -> memref<128x16xf32, #tpu.memory_space<vmem>>
      %dma_wait3A_298 = arith.constant 0 : i32
      %dma_wait3A_299 = tpu.memref_slice %arg7[%dma_wait3A_292, %dma_wait3A_298] : memref<8x128xi32, #tpu.memory_space<vmem>> -> memref<1x128xi32, #tpu.memory_space<vmem>>
      %dma_wait3A_300 = tpu.memref_squeeze %dma_wait3A_299 : memref<1x128xi32, #tpu.memory_space<vmem>> -> memref<128xi32, #tpu.memory_space<vmem>>
      %dma_wait3A_301 = arith.constant 0 : i32
      %dma_wait3A_302 = arith.constant 0 : i32
      %dma_wait3A_303 = tpu.memref_slice %arg2[%add3A_47, %dma_wait3A_301, %dma_wait3A_302] : memref<8x50048x16xf32, #tpu.memory_space<hbm>> -> memref<1x50048x16xf32, #tpu.memory_space<hbm>>
      %dma_wait3A_304 = tpu.memref_squeeze %dma_wait3A_303 : memref<1x50048x16xf32, #tpu.memory_space<hbm>> -> memref<50048x16xf32, #tpu.memory_space<hbm>>
      %dma_wait3A_305 = arith.constant 0 : i32
      %dma_wait3A_306 = arith.constant 0 : i32
      %dma_wait3A_307 = tpu.memref_slice %dma_wait3A_304[%dma_wait3A_305, %dma_wait3A_306] : memref<50048x16xf32, #tpu.memory_space<hbm>> -> memref<50048x16xf32, #tpu.memory_space<hbm>>
      tpu.wait_indirect_dma semaphore(%arg12 : memref<!tpu.dma_semaphore, #tpu.memory_space<semaphore_mem>>) src(%dma_wait3A_307 : memref<50048x16xf32, #tpu.memory_space<hbm>>) dst(%dma_wait3A_297 : memref<128x16xf32, #tpu.memory_space<vmem>>)
      %dma_wait3A_308 = arith.constant 7 : i32
      %dma_wait3A_309 = arith.constant 7 : i32
      %dma_wait3A_310 = arith.constant 0 : i32
      %dma_wait3A_311 = arith.constant 0 : i32
      %dma_wait3A_312 = tpu.memref_slice %arg9[%dma_wait3A_309, %dma_wait3A_310, %dma_wait3A_311] : memref<8x128x16xf32, #tpu.memory_space<vmem>> -> memref<1x128x16xf32, #tpu.memory_space<vmem>>
      %dma_wait3A_313 = tpu.memref_squeeze %dma_wait3A_312 : memref<1x128x16xf32, #tpu.memory_space<vmem>> -> memref<128x16xf32, #tpu.memory_space<vmem>>
      %dma_wait3A_314 = arith.constant 0 : i32
      %dma_wait3A_315 = tpu.memref_slice %arg7[%dma_wait3A_308, %dma_wait3A_314] : memref<8x128xi32, #tpu.memory_space<vmem>> -> memref<1x128xi32, #tpu.memory_space<vmem>>
      %dma_wait3A_316 = tpu.memref_squeeze %dma_wait3A_315 : memref<1x128xi32, #tpu.memory_space<vmem>> -> memref<128xi32, #tpu.memory_space<vmem>>
      %dma_wait3A_317 = arith.constant 0 : i32
      %dma_wait3A_318 = arith.constant 0 : i32
      %dma_wait3A_319 = tpu.memref_slice %arg2[%add3A_47, %dma_wait3A_317, %dma_wait3A_318] : memref<8x50048x16xf32, #tpu.memory_space<hbm>> -> memref<1x50048x16xf32, #tpu.memory_space<hbm>>
      %dma_wait3A_320 = tpu.memref_squeeze %dma_wait3A_319 : memref<1x50048x16xf32, #tpu.memory_space<hbm>> -> memref<50048x16xf32, #tpu.memory_space<hbm>>
      %dma_wait3A_321 = arith.constant 0 : i32
      %dma_wait3A_322 = arith.constant 0 : i32
      %dma_wait3A_323 = tpu.memref_slice %dma_wait3A_320[%dma_wait3A_321, %dma_wait3A_322] : memref<50048x16xf32, #tpu.memory_space<hbm>> -> memref<50048x16xf32, #tpu.memory_space<hbm>>
      tpu.wait_indirect_dma semaphore(%arg12 : memref<!tpu.dma_semaphore, #tpu.memory_space<semaphore_mem>>) src(%dma_wait3A_323 : memref<50048x16xf32, #tpu.memory_space<hbm>>) dst(%dma_wait3A_313 : memref<128x16xf32, #tpu.memory_space<vmem>>)
      %dma_start3A_324 = arith.constant 0 : i32
      %dma_start3A_325 = arith.constant 0 : i32
      %dma_start3A_326 = arith.constant 0 : i32
      %dma_start3A_327 = arith.constant 0 : i32
      %dma_start3A_328 = tpu.memref_slice %arg9[%dma_start3A_324, %dma_start3A_326, %dma_start3A_327] : memref<8x128x16xf32, #tpu.memory_space<vmem>> -> memref<1x128x16xf32, #tpu.memory_space<vmem>>
      %dma_start3A_329 = tpu.memref_squeeze %dma_start3A_328 : memref<1x128x16xf32, #tpu.memory_space<vmem>> -> memref<128x16xf32, #tpu.memory_space<vmem>>
      %dma_start3A_330 = arith.constant 0 : i32
      %dma_start3A_331 = tpu.memref_slice %arg8[%dma_start3A_325, %dma_start3A_330] : memref<8x128xi32, #tpu.memory_space<vmem>> -> memref<1x128xi32, #tpu.memory_space<vmem>>
      %dma_start3A_332 = tpu.memref_squeeze %dma_start3A_331 : memref<1x128xi32, #tpu.memory_space<vmem>> -> memref<128xi32, #tpu.memory_space<vmem>>
      %dma_start3A_333 = arith.constant 0 : i32
      %dma_start3A_334 = arith.constant 0 : i32
      %dma_start3A_335 = tpu.memref_slice %arg11[%dma_start3A_333, %dma_start3A_334] : memref<50048x16xf32, #tpu.memory_space<vmem_shared>> -> memref<50048x16xf32, #tpu.memory_space<vmem_shared>>
      tpu.enqueue_indirect_dma source(%dma_start3A_329 : memref<128x16xf32, #tpu.memory_space<vmem>>) target(%dma_start3A_335 : memref<50048x16xf32, #tpu.memory_space<vmem_shared>>) offsets(%dma_start3A_332 : memref<128xi32, #tpu.memory_space<vmem>>) semaphore(%arg13 : memref<!tpu.dma_semaphore, #tpu.memory_space<semaphore_mem>>) {add = true}
      %dma_start3A_336 = arith.constant 1 : i32
      %dma_start3A_337 = arith.constant 1 : i32
      %dma_start3A_338 = arith.constant 0 : i32
      %dma_start3A_339 = arith.constant 0 : i32
      %dma_start3A_340 = tpu.memref_slice %arg9[%dma_start3A_336, %dma_start3A_338, %dma_start3A_339] : memref<8x128x16xf32, #tpu.memory_space<vmem>> -> memref<1x128x16xf32, #tpu.memory_space<vmem>>
      %dma_start3A_341 = tpu.memref_squeeze %dma_start3A_340 : memref<1x128x16xf32, #tpu.memory_space<vmem>> -> memref<128x16xf32, #tpu.memory_space<vmem>>
      %dma_start3A_342 = arith.constant 0 : i32
      %dma_start3A_343 = tpu.memref_slice %arg8[%dma_start3A_337, %dma_start3A_342] : memref<8x128xi32, #tpu.memory_space<vmem>> -> memref<1x128xi32, #tpu.memory_space<vmem>>
      %dma_start3A_344 = tpu.memref_squeeze %dma_start3A_343 : memref<1x128xi32, #tpu.memory_space<vmem>> -> memref<128xi32, #tpu.memory_space<vmem>>
      %dma_start3A_345 = arith.constant 0 : i32
      %dma_start3A_346 = arith.constant 0 : i32
      %dma_start3A_347 = tpu.memref_slice %arg11[%dma_start3A_345, %dma_start3A_346] : memref<50048x16xf32, #tpu.memory_space<vmem_shared>> -> memref<50048x16xf32, #tpu.memory_space<vmem_shared>>
      tpu.enqueue_indirect_dma source(%dma_start3A_341 : memref<128x16xf32, #tpu.memory_space<vmem>>) target(%dma_start3A_347 : memref<50048x16xf32, #tpu.memory_space<vmem_shared>>) offsets(%dma_start3A_344 : memref<128xi32, #tpu.memory_space<vmem>>) semaphore(%arg13 : memref<!tpu.dma_semaphore, #tpu.memory_space<semaphore_mem>>) {add = true}
      %dma_start3A_348 = arith.constant 2 : i32
      %dma_start3A_349 = arith.constant 2 : i32
      %dma_start3A_350 = arith.constant 0 : i32
      %dma_start3A_351 = arith.constant 0 : i32
      %dma_start3A_352 = tpu.memref_slice %arg9[%dma_start3A_348, %dma_start3A_350, %dma_start3A_351] : memref<8x128x16xf32, #tpu.memory_space<vmem>> -> memref<1x128x16xf32, #tpu.memory_space<vmem>>
      %dma_start3A_353 = tpu.memref_squeeze %dma_start3A_352 : memref<1x128x16xf32, #tpu.memory_space<vmem>> -> memref<128x16xf32, #tpu.memory_space<vmem>>
      %dma_start3A_354 = arith.constant 0 : i32
      %dma_start3A_355 = tpu.memref_slice %arg8[%dma_start3A_349, %dma_start3A_354] : memref<8x128xi32, #tpu.memory_space<vmem>> -> memref<1x128xi32, #tpu.memory_space<vmem>>
      %dma_start3A_356 = tpu.memref_squeeze %dma_start3A_355 : memref<1x128xi32, #tpu.memory_space<vmem>> -> memref<128xi32, #tpu.memory_space<vmem>>
      %dma_start3A_357 = arith.constant 0 : i32
      %dma_start3A_358 = arith.constant 0 : i32
      %dma_start3A_359 = tpu.memref_slice %arg11[%dma_start3A_357, %dma_start3A_358] : memref<50048x16xf32, #tpu.memory_space<vmem_shared>> -> memref<50048x16xf32, #tpu.memory_space<vmem_shared>>
      tpu.enqueue_indirect_dma source(%dma_start3A_353 : memref<128x16xf32, #tpu.memory_space<vmem>>) target(%dma_start3A_359 : memref<50048x16xf32, #tpu.memory_space<vmem_shared>>) offsets(%dma_start3A_356 : memref<128xi32, #tpu.memory_space<vmem>>) semaphore(%arg13 : memref<!tpu.dma_semaphore, #tpu.memory_space<semaphore_mem>>) {add = true}
      %dma_start3A_360 = arith.constant 3 : i32
      %dma_start3A_361 = arith.constant 3 : i32
      %dma_start3A_362 = arith.constant 0 : i32
      %dma_start3A_363 = arith.constant 0 : i32
      %dma_start3A_364 = tpu.memref_slice %arg9[%dma_start3A_360, %dma_start3A_362, %dma_start3A_363] : memref<8x128x16xf32, #tpu.memory_space<vmem>> -> memref<1x128x16xf32, #tpu.memory_space<vmem>>
      %dma_start3A_365 = tpu.memref_squeeze %dma_start3A_364 : memref<1x128x16xf32, #tpu.memory_space<vmem>> -> memref<128x16xf32, #tpu.memory_space<vmem>>
      %dma_start3A_366 = arith.constant 0 : i32
      %dma_start3A_367 = tpu.memref_slice %arg8[%dma_start3A_361, %dma_start3A_366] : memref<8x128xi32, #tpu.memory_space<vmem>> -> memref<1x128xi32, #tpu.memory_space<vmem>>
      %dma_start3A_368 = tpu.memref_squeeze %dma_start3A_367 : memref<1x128xi32, #tpu.memory_space<vmem>> -> memref<128xi32, #tpu.memory_space<vmem>>
      %dma_start3A_369 = arith.constant 0 : i32
      %dma_start3A_370 = arith.constant 0 : i32
      %dma_start3A_371 = tpu.memref_slice %arg11[%dma_start3A_369, %dma_start3A_370] : memref<50048x16xf32, #tpu.memory_space<vmem_shared>> -> memref<50048x16xf32, #tpu.memory_space<vmem_shared>>
      tpu.enqueue_indirect_dma source(%dma_start3A_365 : memref<128x16xf32, #tpu.memory_space<vmem>>) target(%dma_start3A_371 : memref<50048x16xf32, #tpu.memory_space<vmem_shared>>) offsets(%dma_start3A_368 : memref<128xi32, #tpu.memory_space<vmem>>) semaphore(%arg13 : memref<!tpu.dma_semaphore, #tpu.memory_space<semaphore_mem>>) {add = true}
      %dma_start3A_372 = arith.constant 4 : i32
      %dma_start3A_373 = arith.constant 4 : i32
      %dma_start3A_374 = arith.constant 0 : i32
      %dma_start3A_375 = arith.constant 0 : i32
      %dma_start3A_376 = tpu.memref_slice %arg9[%dma_start3A_372, %dma_start3A_374, %dma_start3A_375] : memref<8x128x16xf32, #tpu.memory_space<vmem>> -> memref<1x128x16xf32, #tpu.memory_space<vmem>>
      %dma_start3A_377 = tpu.memref_squeeze %dma_start3A_376 : memref<1x128x16xf32, #tpu.memory_space<vmem>> -> memref<128x16xf32, #tpu.memory_space<vmem>>
      %dma_start3A_378 = arith.constant 0 : i32
      %dma_start3A_379 = tpu.memref_slice %arg8[%dma_start3A_373, %dma_start3A_378] : memref<8x128xi32, #tpu.memory_space<vmem>> -> memref<1x128xi32, #tpu.memory_space<vmem>>
      %dma_start3A_380 = tpu.memref_squeeze %dma_start3A_379 : memref<1x128xi32, #tpu.memory_space<vmem>> -> memref<128xi32, #tpu.memory_space<vmem>>
      %dma_start3A_381 = arith.constant 0 : i32
      %dma_start3A_382 = arith.constant 0 : i32
      %dma_start3A_383 = tpu.memref_slice %arg11[%dma_start3A_381, %dma_start3A_382] : memref<50048x16xf32, #tpu.memory_space<vmem_shared>> -> memref<50048x16xf32, #tpu.memory_space<vmem_shared>>
      tpu.enqueue_indirect_dma source(%dma_start3A_377 : memref<128x16xf32, #tpu.memory_space<vmem>>) target(%dma_start3A_383 : memref<50048x16xf32, #tpu.memory_space<vmem_shared>>) offsets(%dma_start3A_380 : memref<128xi32, #tpu.memory_space<vmem>>) semaphore(%arg13 : memref<!tpu.dma_semaphore, #tpu.memory_space<semaphore_mem>>) {add = true}
      %dma_start3A_384 = arith.constant 5 : i32
      %dma_start3A_385 = arith.constant 5 : i32
      %dma_start3A_386 = arith.constant 0 : i32
      %dma_start3A_387 = arith.constant 0 : i32
      %dma_start3A_388 = tpu.memref_slice %arg9[%dma_start3A_384, %dma_start3A_386, %dma_start3A_387] : memref<8x128x16xf32, #tpu.memory_space<vmem>> -> memref<1x128x16xf32, #tpu.memory_space<vmem>>
      %dma_start3A_389 = tpu.memref_squeeze %dma_start3A_388 : memref<1x128x16xf32, #tpu.memory_space<vmem>> -> memref<128x16xf32, #tpu.memory_space<vmem>>
      %dma_start3A_390 = arith.constant 0 : i32
      %dma_start3A_391 = tpu.memref_slice %arg8[%dma_start3A_385, %dma_start3A_390] : memref<8x128xi32, #tpu.memory_space<vmem>> -> memref<1x128xi32, #tpu.memory_space<vmem>>
      %dma_start3A_392 = tpu.memref_squeeze %dma_start3A_391 : memref<1x128xi32, #tpu.memory_space<vmem>> -> memref<128xi32, #tpu.memory_space<vmem>>
      %dma_start3A_393 = arith.constant 0 : i32
      %dma_start3A_394 = arith.constant 0 : i32
      %dma_start3A_395 = tpu.memref_slice %arg11[%dma_start3A_393, %dma_start3A_394] : memref<50048x16xf32, #tpu.memory_space<vmem_shared>> -> memref<50048x16xf32, #tpu.memory_space<vmem_shared>>
      tpu.enqueue_indirect_dma source(%dma_start3A_389 : memref<128x16xf32, #tpu.memory_space<vmem>>) target(%dma_start3A_395 : memref<50048x16xf32, #tpu.memory_space<vmem_shared>>) offsets(%dma_start3A_392 : memref<128xi32, #tpu.memory_space<vmem>>) semaphore(%arg13 : memref<!tpu.dma_semaphore, #tpu.memory_space<semaphore_mem>>) {add = true}
      %dma_start3A_396 = arith.constant 6 : i32
      %dma_start3A_397 = arith.constant 6 : i32
      %dma_start3A_398 = arith.constant 0 : i32
      %dma_start3A_399 = arith.constant 0 : i32
      %dma_start3A_400 = tpu.memref_slice %arg9[%dma_start3A_396, %dma_start3A_398, %dma_start3A_399] : memref<8x128x16xf32, #tpu.memory_space<vmem>> -> memref<1x128x16xf32, #tpu.memory_space<vmem>>
      %dma_start3A_401 = tpu.memref_squeeze %dma_start3A_400 : memref<1x128x16xf32, #tpu.memory_space<vmem>> -> memref<128x16xf32, #tpu.memory_space<vmem>>
      %dma_start3A_402 = arith.constant 0 : i32
      %dma_start3A_403 = tpu.memref_slice %arg8[%dma_start3A_397, %dma_start3A_402] : memref<8x128xi32, #tpu.memory_space<vmem>> -> memref<1x128xi32, #tpu.memory_space<vmem>>
      %dma_start3A_404 = tpu.memref_squeeze %dma_start3A_403 : memref<1x128xi32, #tpu.memory_space<vmem>> -> memref<128xi32, #tpu.memory_space<vmem>>
      %dma_start3A_405 = arith.constant 0 : i32
      %dma_start3A_406 = arith.constant 0 : i32
      %dma_start3A_407 = tpu.memref_slice %arg11[%dma_start3A_405, %dma_start3A_406] : memref<50048x16xf32, #tpu.memory_space<vmem_shared>> -> memref<50048x16xf32, #tpu.memory_space<vmem_shared>>
      tpu.enqueue_indirect_dma source(%dma_start3A_401 : memref<128x16xf32, #tpu.memory_space<vmem>>) target(%dma_start3A_407 : memref<50048x16xf32, #tpu.memory_space<vmem_shared>>) offsets(%dma_start3A_404 : memref<128xi32, #tpu.memory_space<vmem>>) semaphore(%arg13 : memref<!tpu.dma_semaphore, #tpu.memory_space<semaphore_mem>>) {add = true}
      %dma_start3A_408 = arith.constant 7 : i32
      %dma_start3A_409 = arith.constant 7 : i32
      %dma_start3A_410 = arith.constant 0 : i32
      %dma_start3A_411 = arith.constant 0 : i32
      %dma_start3A_412 = tpu.memref_slice %arg9[%dma_start3A_408, %dma_start3A_410, %dma_start3A_411] : memref<8x128x16xf32, #tpu.memory_space<vmem>> -> memref<1x128x16xf32, #tpu.memory_space<vmem>>
      %dma_start3A_413 = tpu.memref_squeeze %dma_start3A_412 : memref<1x128x16xf32, #tpu.memory_space<vmem>> -> memref<128x16xf32, #tpu.memory_space<vmem>>
      %dma_start3A_414 = arith.constant 0 : i32
      %dma_start3A_415 = tpu.memref_slice %arg8[%dma_start3A_409, %dma_start3A_414] : memref<8x128xi32, #tpu.memory_space<vmem>> -> memref<1x128xi32, #tpu.memory_space<vmem>>
      %dma_start3A_416 = tpu.memref_squeeze %dma_start3A_415 : memref<1x128xi32, #tpu.memory_space<vmem>> -> memref<128xi32, #tpu.memory_space<vmem>>
      %dma_start3A_417 = arith.constant 0 : i32
      %dma_start3A_418 = arith.constant 0 : i32
      %dma_start3A_419 = tpu.memref_slice %arg11[%dma_start3A_417, %dma_start3A_418] : memref<50048x16xf32, #tpu.memory_space<vmem_shared>> -> memref<50048x16xf32, #tpu.memory_space<vmem_shared>>
      tpu.enqueue_indirect_dma source(%dma_start3A_413 : memref<128x16xf32, #tpu.memory_space<vmem>>) target(%dma_start3A_419 : memref<50048x16xf32, #tpu.memory_space<vmem_shared>>) offsets(%dma_start3A_416 : memref<128xi32, #tpu.memory_space<vmem>>) semaphore(%arg13 : memref<!tpu.dma_semaphore, #tpu.memory_space<semaphore_mem>>) {add = true}
      %dma_wait3A_420 = arith.constant 0 : i32
      %dma_wait3A_421 = arith.constant 0 : i32
      %dma_wait3A_422 = arith.constant 0 : i32
      %dma_wait3A_423 = arith.constant 0 : i32
      %dma_wait3A_424 = tpu.memref_slice %arg9[%dma_wait3A_420, %dma_wait3A_422, %dma_wait3A_423] : memref<8x128x16xf32, #tpu.memory_space<vmem>> -> memref<1x128x16xf32, #tpu.memory_space<vmem>>
      %dma_wait3A_425 = tpu.memref_squeeze %dma_wait3A_424 : memref<1x128x16xf32, #tpu.memory_space<vmem>> -> memref<128x16xf32, #tpu.memory_space<vmem>>
      %dma_wait3A_426 = arith.constant 0 : i32
      %dma_wait3A_427 = tpu.memref_slice %arg8[%dma_wait3A_421, %dma_wait3A_426] : memref<8x128xi32, #tpu.memory_space<vmem>> -> memref<1x128xi32, #tpu.memory_space<vmem>>
      %dma_wait3A_428 = tpu.memref_squeeze %dma_wait3A_427 : memref<1x128xi32, #tpu.memory_space<vmem>> -> memref<128xi32, #tpu.memory_space<vmem>>
      %dma_wait3A_429 = arith.constant 0 : i32
      %dma_wait3A_430 = arith.constant 0 : i32
      %dma_wait3A_431 = tpu.memref_slice %arg11[%dma_wait3A_429, %dma_wait3A_430] : memref<50048x16xf32, #tpu.memory_space<vmem_shared>> -> memref<50048x16xf32, #tpu.memory_space<vmem_shared>>
      tpu.wait_indirect_dma semaphore(%arg13 : memref<!tpu.dma_semaphore, #tpu.memory_space<semaphore_mem>>) src(%dma_wait3A_425 : memref<128x16xf32, #tpu.memory_space<vmem>>) dst(%dma_wait3A_431 : memref<50048x16xf32, #tpu.memory_space<vmem_shared>>)
      %dma_wait3A_432 = arith.constant 1 : i32
      %dma_wait3A_433 = arith.constant 1 : i32
      %dma_wait3A_434 = arith.constant 0 : i32
      %dma_wait3A_435 = arith.constant 0 : i32
      %dma_wait3A_436 = tpu.memref_slice %arg9[%dma_wait3A_432, %dma_wait3A_434, %dma_wait3A_435] : memref<8x128x16xf32, #tpu.memory_space<vmem>> -> memref<1x128x16xf32, #tpu.memory_space<vmem>>
      %dma_wait3A_437 = tpu.memref_squeeze %dma_wait3A_436 : memref<1x128x16xf32, #tpu.memory_space<vmem>> -> memref<128x16xf32, #tpu.memory_space<vmem>>
      %dma_wait3A_438 = arith.constant 0 : i32
      %dma_wait3A_439 = tpu.memref_slice %arg8[%dma_wait3A_433, %dma_wait3A_438] : memref<8x128xi32, #tpu.memory_space<vmem>> -> memref<1x128xi32, #tpu.memory_space<vmem>>
      %dma_wait3A_440 = tpu.memref_squeeze %dma_wait3A_439 : memref<1x128xi32, #tpu.memory_space<vmem>> -> memref<128xi32, #tpu.memory_space<vmem>>
      %dma_wait3A_441 = arith.constant 0 : i32
      %dma_wait3A_442 = arith.constant 0 : i32
      %dma_wait3A_443 = tpu.memref_slice %arg11[%dma_wait3A_441, %dma_wait3A_442] : memref<50048x16xf32, #tpu.memory_space<vmem_shared>> -> memref<50048x16xf32, #tpu.memory_space<vmem_shared>>
      tpu.wait_indirect_dma semaphore(%arg13 : memref<!tpu.dma_semaphore, #tpu.memory_space<semaphore_mem>>) src(%dma_wait3A_437 : memref<128x16xf32, #tpu.memory_space<vmem>>) dst(%dma_wait3A_443 : memref<50048x16xf32, #tpu.memory_space<vmem_shared>>)
      %dma_wait3A_444 = arith.constant 2 : i32
      %dma_wait3A_445 = arith.constant 2 : i32
      %dma_wait3A_446 = arith.constant 0 : i32
      %dma_wait3A_447 = arith.constant 0 : i32
      %dma_wait3A_448 = tpu.memref_slice %arg9[%dma_wait3A_444, %dma_wait3A_446, %dma_wait3A_447] : memref<8x128x16xf32, #tpu.memory_space<vmem>> -> memref<1x128x16xf32, #tpu.memory_space<vmem>>
      %dma_wait3A_449 = tpu.memref_squeeze %dma_wait3A_448 : memref<1x128x16xf32, #tpu.memory_space<vmem>> -> memref<128x16xf32, #tpu.memory_space<vmem>>
      %dma_wait3A_450 = arith.constant 0 : i32
      %dma_wait3A_451 = tpu.memref_slice %arg8[%dma_wait3A_445, %dma_wait3A_450] : memref<8x128xi32, #tpu.memory_space<vmem>> -> memref<1x128xi32, #tpu.memory_space<vmem>>
      %dma_wait3A_452 = tpu.memref_squeeze %dma_wait3A_451 : memref<1x128xi32, #tpu.memory_space<vmem>> -> memref<128xi32, #tpu.memory_space<vmem>>
      %dma_wait3A_453 = arith.constant 0 : i32
      %dma_wait3A_454 = arith.constant 0 : i32
      %dma_wait3A_455 = tpu.memref_slice %arg11[%dma_wait3A_453, %dma_wait3A_454] : memref<50048x16xf32, #tpu.memory_space<vmem_shared>> -> memref<50048x16xf32, #tpu.memory_space<vmem_shared>>
      tpu.wait_indirect_dma semaphore(%arg13 : memref<!tpu.dma_semaphore, #tpu.memory_space<semaphore_mem>>) src(%dma_wait3A_449 : memref<128x16xf32, #tpu.memory_space<vmem>>) dst(%dma_wait3A_455 : memref<50048x16xf32, #tpu.memory_space<vmem_shared>>)
      %dma_wait3A_456 = arith.constant 3 : i32
      %dma_wait3A_457 = arith.constant 3 : i32
      %dma_wait3A_458 = arith.constant 0 : i32
      %dma_wait3A_459 = arith.constant 0 : i32
      %dma_wait3A_460 = tpu.memref_slice %arg9[%dma_wait3A_456, %dma_wait3A_458, %dma_wait3A_459] : memref<8x128x16xf32, #tpu.memory_space<vmem>> -> memref<1x128x16xf32, #tpu.memory_space<vmem>>
      %dma_wait3A_461 = tpu.memref_squeeze %dma_wait3A_460 : memref<1x128x16xf32, #tpu.memory_space<vmem>> -> memref<128x16xf32, #tpu.memory_space<vmem>>
      %dma_wait3A_462 = arith.constant 0 : i32
      %dma_wait3A_463 = tpu.memref_slice %arg8[%dma_wait3A_457, %dma_wait3A_462] : memref<8x128xi32, #tpu.memory_space<vmem>> -> memref<1x128xi32, #tpu.memory_space<vmem>>
      %dma_wait3A_464 = tpu.memref_squeeze %dma_wait3A_463 : memref<1x128xi32, #tpu.memory_space<vmem>> -> memref<128xi32, #tpu.memory_space<vmem>>
      %dma_wait3A_465 = arith.constant 0 : i32
      %dma_wait3A_466 = arith.constant 0 : i32
      %dma_wait3A_467 = tpu.memref_slice %arg11[%dma_wait3A_465, %dma_wait3A_466] : memref<50048x16xf32, #tpu.memory_space<vmem_shared>> -> memref<50048x16xf32, #tpu.memory_space<vmem_shared>>
      tpu.wait_indirect_dma semaphore(%arg13 : memref<!tpu.dma_semaphore, #tpu.memory_space<semaphore_mem>>) src(%dma_wait3A_461 : memref<128x16xf32, #tpu.memory_space<vmem>>) dst(%dma_wait3A_467 : memref<50048x16xf32, #tpu.memory_space<vmem_shared>>)
      %dma_wait3A_468 = arith.constant 4 : i32
      %dma_wait3A_469 = arith.constant 4 : i32
      %dma_wait3A_470 = arith.constant 0 : i32
      %dma_wait3A_471 = arith.constant 0 : i32
      %dma_wait3A_472 = tpu.memref_slice %arg9[%dma_wait3A_468, %dma_wait3A_470, %dma_wait3A_471] : memref<8x128x16xf32, #tpu.memory_space<vmem>> -> memref<1x128x16xf32, #tpu.memory_space<vmem>>
      %dma_wait3A_473 = tpu.memref_squeeze %dma_wait3A_472 : memref<1x128x16xf32, #tpu.memory_space<vmem>> -> memref<128x16xf32, #tpu.memory_space<vmem>>
      %dma_wait3A_474 = arith.constant 0 : i32
      %dma_wait3A_475 = tpu.memref_slice %arg8[%dma_wait3A_469, %dma_wait3A_474] : memref<8x128xi32, #tpu.memory_space<vmem>> -> memref<1x128xi32, #tpu.memory_space<vmem>>
      %dma_wait3A_476 = tpu.memref_squeeze %dma_wait3A_475 : memref<1x128xi32, #tpu.memory_space<vmem>> -> memref<128xi32, #tpu.memory_space<vmem>>
      %dma_wait3A_477 = arith.constant 0 : i32
      %dma_wait3A_478 = arith.constant 0 : i32
      %dma_wait3A_479 = tpu.memref_slice %arg11[%dma_wait3A_477, %dma_wait3A_478] : memref<50048x16xf32, #tpu.memory_space<vmem_shared>> -> memref<50048x16xf32, #tpu.memory_space<vmem_shared>>
      tpu.wait_indirect_dma semaphore(%arg13 : memref<!tpu.dma_semaphore, #tpu.memory_space<semaphore_mem>>) src(%dma_wait3A_473 : memref<128x16xf32, #tpu.memory_space<vmem>>) dst(%dma_wait3A_479 : memref<50048x16xf32, #tpu.memory_space<vmem_shared>>)
      %dma_wait3A_480 = arith.constant 5 : i32
      %dma_wait3A_481 = arith.constant 5 : i32
      %dma_wait3A_482 = arith.constant 0 : i32
      %dma_wait3A_483 = arith.constant 0 : i32
      %dma_wait3A_484 = tpu.memref_slice %arg9[%dma_wait3A_480, %dma_wait3A_482, %dma_wait3A_483] : memref<8x128x16xf32, #tpu.memory_space<vmem>> -> memref<1x128x16xf32, #tpu.memory_space<vmem>>
      %dma_wait3A_485 = tpu.memref_squeeze %dma_wait3A_484 : memref<1x128x16xf32, #tpu.memory_space<vmem>> -> memref<128x16xf32, #tpu.memory_space<vmem>>
      %dma_wait3A_486 = arith.constant 0 : i32
      %dma_wait3A_487 = tpu.memref_slice %arg8[%dma_wait3A_481, %dma_wait3A_486] : memref<8x128xi32, #tpu.memory_space<vmem>> -> memref<1x128xi32, #tpu.memory_space<vmem>>
      %dma_wait3A_488 = tpu.memref_squeeze %dma_wait3A_487 : memref<1x128xi32, #tpu.memory_space<vmem>> -> memref<128xi32, #tpu.memory_space<vmem>>
      %dma_wait3A_489 = arith.constant 0 : i32
      %dma_wait3A_490 = arith.constant 0 : i32
      %dma_wait3A_491 = tpu.memref_slice %arg11[%dma_wait3A_489, %dma_wait3A_490] : memref<50048x16xf32, #tpu.memory_space<vmem_shared>> -> memref<50048x16xf32, #tpu.memory_space<vmem_shared>>
      tpu.wait_indirect_dma semaphore(%arg13 : memref<!tpu.dma_semaphore, #tpu.memory_space<semaphore_mem>>) src(%dma_wait3A_485 : memref<128x16xf32, #tpu.memory_space<vmem>>) dst(%dma_wait3A_491 : memref<50048x16xf32, #tpu.memory_space<vmem_shared>>)
      %dma_wait3A_492 = arith.constant 6 : i32
      %dma_wait3A_493 = arith.constant 6 : i32
      %dma_wait3A_494 = arith.constant 0 : i32
      %dma_wait3A_495 = arith.constant 0 : i32
      %dma_wait3A_496 = tpu.memref_slice %arg9[%dma_wait3A_492, %dma_wait3A_494, %dma_wait3A_495] : memref<8x128x16xf32, #tpu.memory_space<vmem>> -> memref<1x128x16xf32, #tpu.memory_space<vmem>>
      %dma_wait3A_497 = tpu.memref_squeeze %dma_wait3A_496 : memref<1x128x16xf32, #tpu.memory_space<vmem>> -> memref<128x16xf32, #tpu.memory_space<vmem>>
      %dma_wait3A_498 = arith.constant 0 : i32
      %dma_wait3A_499 = tpu.memref_slice %arg8[%dma_wait3A_493, %dma_wait3A_498] : memref<8x128xi32, #tpu.memory_space<vmem>> -> memref<1x128xi32, #tpu.memory_space<vmem>>
      %dma_wait3A_500 = tpu.memref_squeeze %dma_wait3A_499 : memref<1x128xi32, #tpu.memory_space<vmem>> -> memref<128xi32, #tpu.memory_space<vmem>>
      %dma_wait3A_501 = arith.constant 0 : i32
      %dma_wait3A_502 = arith.constant 0 : i32
      %dma_wait3A_503 = tpu.memref_slice %arg11[%dma_wait3A_501, %dma_wait3A_502] : memref<50048x16xf32, #tpu.memory_space<vmem_shared>> -> memref<50048x16xf32, #tpu.memory_space<vmem_shared>>
      tpu.wait_indirect_dma semaphore(%arg13 : memref<!tpu.dma_semaphore, #tpu.memory_space<semaphore_mem>>) src(%dma_wait3A_497 : memref<128x16xf32, #tpu.memory_space<vmem>>) dst(%dma_wait3A_503 : memref<50048x16xf32, #tpu.memory_space<vmem_shared>>)
      %dma_wait3A_504 = arith.constant 7 : i32
      %dma_wait3A_505 = arith.constant 7 : i32
      %dma_wait3A_506 = arith.constant 0 : i32
      %dma_wait3A_507 = arith.constant 0 : i32
      %dma_wait3A_508 = tpu.memref_slice %arg9[%dma_wait3A_504, %dma_wait3A_506, %dma_wait3A_507] : memref<8x128x16xf32, #tpu.memory_space<vmem>> -> memref<1x128x16xf32, #tpu.memory_space<vmem>>
      %dma_wait3A_509 = tpu.memref_squeeze %dma_wait3A_508 : memref<1x128x16xf32, #tpu.memory_space<vmem>> -> memref<128x16xf32, #tpu.memory_space<vmem>>
      %dma_wait3A_510 = arith.constant 0 : i32
      %dma_wait3A_511 = tpu.memref_slice %arg8[%dma_wait3A_505, %dma_wait3A_510] : memref<8x128xi32, #tpu.memory_space<vmem>> -> memref<1x128xi32, #tpu.memory_space<vmem>>
      %dma_wait3A_512 = tpu.memref_squeeze %dma_wait3A_511 : memref<1x128xi32, #tpu.memory_space<vmem>> -> memref<128xi32, #tpu.memory_space<vmem>>
      %dma_wait3A_513 = arith.constant 0 : i32
      %dma_wait3A_514 = arith.constant 0 : i32
      %dma_wait3A_515 = tpu.memref_slice %arg11[%dma_wait3A_513, %dma_wait3A_514] : memref<50048x16xf32, #tpu.memory_space<vmem_shared>> -> memref<50048x16xf32, #tpu.memory_space<vmem_shared>>
      tpu.wait_indirect_dma semaphore(%arg13 : memref<!tpu.dma_semaphore, #tpu.memory_space<semaphore_mem>>) src(%dma_wait3A_509 : memref<128x16xf32, #tpu.memory_space<vmem>>) dst(%dma_wait3A_515 : memref<50048x16xf32, #tpu.memory_space<vmem_shared>>)
    }
    %scan3A_55 = arith.constant 49 : i32
    %barrier3A_56 = arith.constant 0 : index
    tpu.barrier barrier_id(%barrier3A_56)
    %mul3A_57 = arith.constant 3128 : i32
    %mul3A_58 = arith.muli %arg1, %mul3A_57 : i32
    "tpu.region"() ({
      %run_scoped3A = tpu.sem_alloc : memref<!tpu.dma_semaphore, #tpu.memory_space<semaphore_mem>>
      %dma_start3A = arith.constant 0 : i32
      %dma_start3A_60 = tpu.memref_slice %arg11[%mul3A_58, %dma_start3A] : memref<50048x16xf32, #tpu.memory_space<vmem_shared>> -> memref<3128x16xf32, #tpu.memory_space<vmem_shared>>
      %dma_start3A_61 = arith.constant 0 : i32
      %dma_start3A_62 = tpu.memref_slice %arg11[%mul3A_58, %dma_start3A_61] : memref<50048x16xf32, #tpu.memory_space<vmem_shared>> -> memref<3128x16xf32, #tpu.memory_space<vmem_shared>>
      tpu.enqueue_dma source(%dma_start3A_62 : memref<3128x16xf32, #tpu.memory_space<vmem_shared>>) target(%arg10 : memref<3128x16xf32, #tpu.memory_space<vmem>>) target_semaphore(%run_scoped3A : memref<!tpu.dma_semaphore, #tpu.memory_space<semaphore_mem>>)
      %dma_wait3A = arith.constant 0 : i32
      %dma_wait3A_63 = tpu.memref_slice %arg11[%mul3A_58, %dma_wait3A] : memref<50048x16xf32, #tpu.memory_space<vmem_shared>> -> memref<3128x16xf32, #tpu.memory_space<vmem_shared>>
      %dma_wait3A_64 = arith.constant 0 : i32
      %dma_wait3A_65 = tpu.memref_slice %arg11[%mul3A_58, %dma_wait3A_64] : memref<50048x16xf32, #tpu.memory_space<vmem_shared>> -> memref<3128x16xf32, #tpu.memory_space<vmem_shared>>
      tpu.wait_dma2 semaphore(%run_scoped3A : memref<!tpu.dma_semaphore, #tpu.memory_space<semaphore_mem>>) src(%dma_wait3A_65 : memref<3128x16xf32, #tpu.memory_space<vmem_shared>>) dst(%arg10 : memref<3128x16xf32, #tpu.memory_space<vmem>>)
      tpu.yield
    }) : () -> ()
    "tpu.region"() ({
      %run_scoped3A = tpu.sem_alloc : memref<!tpu.dma_semaphore, #tpu.memory_space<semaphore_mem>>
      %dma_start3A = arith.constant 0 : i32
      %dma_start3A_60 = arith.constant 0 : i32
      %dma_start3A_61 = tpu.memref_slice %arg6[%add3A_47, %dma_start3A, %dma_start3A_60] : memref<8x50048x16xf32, #tpu.memory_space<hbm>> -> memref<1x50048x16xf32, #tpu.memory_space<hbm>>
      %dma_start3A_62 = tpu.memref_squeeze %dma_start3A_61 : memref<1x50048x16xf32, #tpu.memory_space<hbm>> -> memref<50048x16xf32, #tpu.memory_space<hbm>>
      %dma_start3A_63 = arith.constant 0 : i32
      %dma_start3A_64 = tpu.memref_slice %dma_start3A_62[%mul3A_58, %dma_start3A_63] : memref<50048x16xf32, #tpu.memory_space<hbm>> -> memref<3128x16xf32, #tpu.memory_space<hbm>>
      %dma_start3A_65 = arith.constant 0 : i32
      %dma_start3A_66 = arith.constant 0 : i32
      %dma_start3A_67 = tpu.memref_slice %arg6[%add3A_47, %dma_start3A_65, %dma_start3A_66] : memref<8x50048x16xf32, #tpu.memory_space<hbm>> -> memref<1x50048x16xf32, #tpu.memory_space<hbm>>
      %dma_start3A_68 = tpu.memref_squeeze %dma_start3A_67 : memref<1x50048x16xf32, #tpu.memory_space<hbm>> -> memref<50048x16xf32, #tpu.memory_space<hbm>>
      %dma_start3A_69 = arith.constant 0 : i32
      %dma_start3A_70 = tpu.memref_slice %dma_start3A_68[%mul3A_58, %dma_start3A_69] : memref<50048x16xf32, #tpu.memory_space<hbm>> -> memref<3128x16xf32, #tpu.memory_space<hbm>>
      tpu.enqueue_dma source(%arg10 : memref<3128x16xf32, #tpu.memory_space<vmem>>) target(%dma_start3A_70 : memref<3128x16xf32, #tpu.memory_space<hbm>>) target_semaphore(%run_scoped3A : memref<!tpu.dma_semaphore, #tpu.memory_space<semaphore_mem>>)
      %dma_wait3A = arith.constant 0 : i32
      %dma_wait3A_71 = arith.constant 0 : i32
      %dma_wait3A_72 = tpu.memref_slice %arg6[%add3A_47, %dma_wait3A, %dma_wait3A_71] : memref<8x50048x16xf32, #tpu.memory_space<hbm>> -> memref<1x50048x16xf32, #tpu.memory_space<hbm>>
      %dma_wait3A_73 = tpu.memref_squeeze %dma_wait3A_72 : memref<1x50048x16xf32, #tpu.memory_space<hbm>> -> memref<50048x16xf32, #tpu.memory_space<hbm>>
      %dma_wait3A_74 = arith.constant 0 : i32
      %dma_wait3A_75 = tpu.memref_slice %dma_wait3A_73[%mul3A_58, %dma_wait3A_74] : memref<50048x16xf32, #tpu.memory_space<hbm>> -> memref<3128x16xf32, #tpu.memory_space<hbm>>
      %dma_wait3A_76 = arith.constant 0 : i32
      %dma_wait3A_77 = arith.constant 0 : i32
      %dma_wait3A_78 = tpu.memref_slice %arg6[%add3A_47, %dma_wait3A_76, %dma_wait3A_77] : memref<8x50048x16xf32, #tpu.memory_space<hbm>> -> memref<1x50048x16xf32, #tpu.memory_space<hbm>>
      %dma_wait3A_79 = tpu.memref_squeeze %dma_wait3A_78 : memref<1x50048x16xf32, #tpu.memory_space<hbm>> -> memref<50048x16xf32, #tpu.memory_space<hbm>>
      %dma_wait3A_80 = arith.constant 0 : i32
      %dma_wait3A_81 = tpu.memref_slice %dma_wait3A_79[%mul3A_58, %dma_wait3A_80] : memref<50048x16xf32, #tpu.memory_space<hbm>> -> memref<3128x16xf32, #tpu.memory_space<hbm>>
      tpu.wait_dma2 semaphore(%run_scoped3A : memref<!tpu.dma_semaphore, #tpu.memory_space<semaphore_mem>>) src(%arg10 : memref<3128x16xf32, #tpu.memory_space<vmem>>) dst(%dma_wait3A_81 : memref<3128x16xf32, #tpu.memory_space<hbm>>)
      tpu.yield
    }) : () -> ()
    %barrier3A_59 = arith.constant 0 : index
    tpu.barrier barrier_id(%barrier3A_59)
    return
  }
}

</mosaic_0001>

<sc_bundles>
// kernel: _sc_segment_sum.3.cloned.1.call-start
scs
__scs_entry_jumppad:
0x0: {  	(pc) =	sbr.rel $0x88, $3  }
0x1: {  	(tag) =	ssettag $0x0;
	lr =	simm.s32 $0x1  }
0x2: {  	[smem:$0x3F9E] =	sst lr;
	_ =	strace $0xD0000000  }
0x3: {  	_ = 	snop  }
0x4: {  	_ = 	snop  }
0x5: {  	_ = 	snop  }
0x6: {  	_ = 	snop  }
0x7: {  	_ = 	snop  }
__scs_overlays_trampoline_lowered:
0x8: {  	[smem:$0x3FAD] =	sst s0  }
0x9: {  	[smem:$0x3FAE] =	sst s1  }
0xa: {  	[smem:$0x3FAF] =	sst s2  }
0xb: {  	[smem:$0x3FB0] =	sst s3  }
0xc: {  	[smem:$0x3FB1] =	sst s4  }
0xd: {  	[smem:$0x3FB2] =	sst s5  }
0xe: {  	[smem:$0x3FB3] =	sst s6  }
0xf: {  	[smem:$0x3FB4] =	sst s7  }
0x10: {  	[smem:$0x3FB5] =	sst s8  }
0x11: {  	[smem:$0x3FB6] =	sst s9;
	s0 =	simm.s32 @!p0 $0x0  }
0x12: {  	s1 =	sld [smem:$0x3F9C];
	s0 =	simm.s32 @p0 $0x1  }
0x13: {  	[smem:$0x3FB7] =	sst s0;
	s0 =	simm.s32 @!p1 $0x0  }
0x14: {  	s2 =	sld [smem:$0x3F9B];
	s0 =	simm.s32 @p1 $0x1  }
0x15: {  	[smem:$0x3FB8] =	sst s0;
	s0 =	simm.s32 @!p2 $0x0  }
0x16: {  	s3 =	sld [smem:$0x3FDB];
	s0 =	simm.s32 @p2 $0x1  }
0x17: {  	s4 =	simm.s32 $0x1BF5;
	[smem:$0x3FBA] =	sst s0  }
0x18: {  	s0 =	sld [smem:$0x3F9D];
	_ =	swait.ge [sflag:s4], $0x0  }
0x19: {  	s7 =	sld [smem:$0x3F9E]  }
0x1a: {  	s8 =	sadd.s32 $0xFFFFE003, lr  }
0x1b: {  	s9 =	sadd.s32 $0xFFFFFEF7, lr;
	s5 =	simm.s32 $0xFFFFFFFF;
	p2 =	slt.u32 s8, $0xFFFFF086  }
0x1c: {  	p1 =	slt.u32 s9, $0xF7A;
	s5 =	simm.s32 @!p2 $0x0  }
0x1d: {  	s5 =	simm.s32 @p1 $0x1;
	p0 =	seq.s32 s7, s2  }
0x1e: {  	s7 =	smul.u32 @!p0 $0xF7A, s2;
	p2 =	seq.s32 @!p0 s5, $0x0  }
0x1f: {  	s9 =	smul.u32 $0xF7A, s1;
	s8 =	simm.s32 @!p0 $0x1BF5;
	p2 =	por !p2, p0  }
0x20: {  	[sflag:s8] =	ssyncset.s32 @!p0 $0xFFFFF086;
	s6 =	sadd.s32 @!p0 s3, s7;
	s7 =	simm.s32 @!p0 $0x108  }
0x21: {  	s3 =	sadd.s32 s3, s9;
	s6 =	sadd.s32 @!p0 $0x88, s6;
	s7 =	simm.s32 @p2 $0x1082  }
0x22: {  	[simem:s7], [sflag:s8] =	dma.local @!p0 [hbm:s6], $0xF7A  }
0x23: {  	s9 =	sor.u32 $0xD0000000, s2;
	s6 =	simm.s32 $0x108;
	_ =	swait.ge @!p0 [sflag:s8], $0x0  }
0x24: {  	s3 =	sadd.s32 $0x88, s3;
	s6 =	simm.s32 @!p1 $0x1082;
	[sflag:s4] =	ssyncset.s32 $0xFFFFF086  }
0x25: {  	[simem:s6], [sflag:s4] =	dma.local [hbm:s3], $0xF7A  }
0x26: {  	[smem:$0x3F9E] =	sst s1;
	(tag) =	ssettag s2;
	_ =	strace s9  }
0x27: {  	s1 =	sld [smem:$0x3FAE]  }
0x28: {  	s2 =	sld [smem:$0x3FAF]  }
0x29: {  	s4 =	sld [smem:$0x3FB1]  }
0x2a: {  	p0 =	seq.s32 s5, $0x0;
	s5 =	sld [smem:$0x3FB2]  }
0x2b: {  	s6 =	sld [smem:$0x3FB3]  }
0x2c: {  	s7 =	sld [smem:$0x3FB4]  }
0x2d: {  	s3 =	simm.s32 $0x108;
	s8 =	sld [smem:$0x3FB5]  }
0x2e: {  	s3 =	simm.s32 @!p0 $0x1082;
	s9 =	sld [smem:$0x3FB6]  }
0x2f: {  	lr =	sadd.s32 s0, s3;
	s0 =	sld [smem:$0x3FAD]  }
0x30: {  	s3 =	sld [smem:$0x3FB0]  }
0x31: {  	[smem:$0x3FB9] =	sst s10  }
0x32: {  	s10 =	sld [smem:$0x3FB7];
	_ =	sdelay $0x3  }
0x33: {  	p0 =	seq.s32 s10, $0x1;
	s10 =	sld [smem:$0x3FB9];
	_ =	sdelay $0x3  }
0x34: {  	[smem:$0x3FB9] =	sst s10  }
0x35: {  	s10 =	sld [smem:$0x3FB8];
	_ =	sdelay $0x3  }
0x36: {  	p1 =	seq.s32 s10, $0x1;
	s10 =	sld [smem:$0x3FB9];
	_ =	sdelay $0x3  }
0x37: {  	[smem:$0x3FB9] =	sst s10  }
0x38: {  	s10 =	sld [smem:$0x3FBA]  }
0x39: {  	_ = 	snop;
	(pc) =	sbr.ind lr, $3  }
0x3a: {  	_ = 	snop  }
0x3b: {  	_ = 	snop  }
0x3c: {  	p2 =	seq.s32 s10, $0x1;
	s10 =	sld [smem:$0x3FB9]  }
0x3d: {  	_ =	shalt  }
0x3e: {  	_ =	shalt  }
0x3f: {  	_ =	shalt  }
0x40: {  	_ =	shalt  }
0x41: {  	_ =	shalt  }
0x42: {  	_ =	shalt  }
0x43: {  	_ =	shalt  }
0x44: {  	_ =	shalt  }
0x45: {  	_ =	shalt  }
0x46: {  	_ =	shalt  }
0x47: {  	_ =	shalt  }
0x48: {  	_ =	shalt  }
0x49: {  	_ =	shalt  }
0x4a: {  	_ =	shalt  }
0x4b: {  	_ =	shalt  }
0x4c: {  	_ =	shalt  }
0x4d: {  	_ =	shalt  }
0x4e: {  	_ =	shalt  }
0x4f: {  	_ =	shalt  }
0x50: {  	_ =	shalt  }
0x51: {  	_ =	shalt  }
0x52: {  	_ =	shalt  }
0x53: {  	_ =	shalt  }
0x54: {  	_ =	shalt  }
0x55: {  	_ =	shalt  }
0x56: {  	_ =	shalt  }
0x57: {  	_ =	shalt  }
0x58: {  	_ =	shalt  }
0x59: {  	_ =	shalt  }
0x5a: {  	_ =	shalt  }
0x5b: {  	_ =	shalt  }
0x5c: {  	_ =	shalt  }
0x5d: {  	_ =	shalt  }
0x5e: {  	_ =	shalt  }
0x5f: {  	_ =	shalt  }
0x60: {  	_ =	shalt  }
0x61: {  	_ =	shalt  }
0x62: {  	_ =	shalt  }
0x63: {  	_ =	shalt  }
0x64: {  	_ =	shalt  }
0x65: {  	_ =	shalt  }
0x66: {  	_ =	shalt  }
0x67: {  	_ =	shalt  }
0x68: {  	_ =	shalt  }
0x69: {  	_ =	shalt  }
0x6a: {  	_ =	shalt  }
0x6b: {  	_ =	shalt  }
0x6c: {  	_ =	shalt  }
0x6d: {  	_ =	shalt  }
0x6e: {  	_ =	shalt  }
0x6f: {  	_ =	shalt  }
0x70: {  	_ =	shalt  }
0x71: {  	_ =	shalt  }
0x72: {  	_ =	shalt  }
0x73: {  	_ =	shalt  }
0x74: {  	_ =	shalt  }
0x75: {  	_ =	shalt  }
0x76: {  	_ =	shalt  }
0x77: {  	_ =	shalt  }
0x78: {  	_ =	shalt  }
0x79: {  	_ =	shalt  }
0x7a: {  	_ =	shalt  }
0x7b: {  	_ =	shalt  }
0x7c: {  	_ =	shalt  }
0x7d: {  	_ =	shalt  }
0x7e: {  	_ =	shalt  }
0x7f: {  	_ =	shalt  }
0x80: {  	_ =	shalt  }
0x81: {  	_ =	shalt  }
0x82: {  	_ =	shalt  }
0x83: {  	_ =	shalt  }
0x84: {  	_ =	shalt  }
0x85: {  	_ =	shalt  }
0x86: {  	_ =	shalt  }
0x87: {  	_ =	shalt  }
.Lfunc_end0:
.L_simem_size_0:
called_computation_lowered:
.L_overlay_start_0:
0x88: {  	s2 =	sld [smem:$0x3FD9]  }
0x89: {  	s3 =	sld [smem:$0x3FFE];
	_ =	sdelay $0x1  }
0x8a: {  	s1 =	srdreg.scid  }
0x8b: {  	s0 =	sand.u32 $0x1, s1  }
0x8c: {  	s17 =	sshll.u32 s0, $0xA;
	s2 =	sadd.s32 s3, s2  }
0x8d: {  	s2 =	sadd.s32 s2, s17  }
0x8e: {  	[smem:$0x3FC5] =	sst s2  }
0x8f: {  	_ = 	snop  }
0x90: {  	s2 =	sld [smem:$0x3FC8]  }
0x91: {  	s18 =	sld [smem:$0x3FC7]  }
0x92: {  	s4 =	sld [smem:$0x3FD0];
	(tm) =	ssettm $0x1  }
0x93: {  	s5 =	sld [smem:$0x3FFB];
	_ =	sdelay $0x3  }
0x94: {  	_ =	strace s5  }
0x95: {  	s5 =	sld [smem:$0x3FFC];
	_ =	sdelay $0x3  }
0x96: {  	_ =	strace s5  }
0x97: {  	s5 =	sld [smem:$0x3FFD];
	_ =	sdelay $0x3  }
0x98: {  	_ =	strace s5  }
0x99: {  	_ =	strace $0x8FFFFFFF  }
0x9a: {  	s19 =	sld [smem:$0x3FDB];
	_ =	sdelay $0x1  }
0x9b: {  	s6 =	simm.s32 $_scs_section_size  }
0x9c: {  	s7 =	simm.s32 $_size__tile_overlayer_lowered;
	s8 =	simm.s32 $_tile_overlayer_lowered  }
0x9d: {  	s22 =	simm.s32 $0x1BFF;
	s21 =	sshll.u32 s8, $0x1;
	s5 =	sadd.s32 s6, s19  }
0x9e: {  	s9 =	simm.s32 $0x0;
	s20 =	sshll.u32 s7, $0x1;
	s7 =	sadd.s32 s21, s5  }
0x9f: {  	[timem:s9], [sflag:s22] =	dma.local [hbm:s7], s20  }
0xa0: {  	_ =	swait.ge [sflag:s22], s20  }
0xa1: {  	s6 =	ssub.s32 $0x0, s20;
	[sflag:s22] =	ssyncset.done $0x0  }
0xa2: {  	[sflag:s22] =	ssyncadd.s32 s6;
	_ =	sdelay $0x1  }
0xa3: {  	s23 =	simm.s32 $0x1B8B  }
0xa4: {  	_ =	swait.ge [sflag:s23], $0x1  }
0xa5: {  	[sflag:s23] =	ssyncset.done $0x0  }
0xa6: {  	s25 =	simm.s32 $0x1B8E;
	s24 =	sld [smem:$0x3FFE];
	[sflag:s23] =	ssyncadd.s32 $0xFFFFFFFF  }
0xa7: {  	s26 =	simm.s32 $execute0_lowered;
	[smem:$0x3FD2] =	sst s25  }
0xa8: {  	s7 =	sshll.u32 s26, $0x1;
	_ =	strace $0x80000046;
	[dreg:$0x1] =	wrdreg $0xFFFFFFFF  }
0xa9: {  	s28 =	simm.s32 $_size_execute0_lowered;
	s5 =	sadd.s32 s5, s7;
	[dreg:$0x0] =	wrdreg $0x0  }
0xaa: {  	s7 =	sshll.u32 s28, $0x1;
	[dreg:$0x2] =	wrdreg s5  }
0xab: {  	[dreg:$0x3] =	wrdreg s7  }
0xac: {  	[dreg:$0x4] =	wrdreg $0xC0  }
0xad: {  	_ =	task [dreg:s9], $0x5FFFF  }
0xae: {  	[dreg:$0x1] =	wrdreg $0xFFFFFFFF  }
0xaf: {  	[dreg:$0x0] =	wrdreg $0x60  }
0xb0: {  	[dreg:$0x2] =	wrdreg s4  }
0xb1: {  	[dreg:$0x3] =	wrdreg s2  }
0xb2: {  	[dreg:$0x4] =	wrdreg s18  }
0xb3: {  	[dreg:$0x5] =	wrdreg s24  }
0xb4: {  	[dreg:$0x6] =	wrdreg $0x10B800  }
0xb5: {  	[dreg:$0x7] =	wrdreg $0x9  }
0xb6: {  	_ =	task.clear_ibuf [dreg:s9], $0x8FFFF;
	_ =	strace $0x90000046  }
0xb7: {  	s29 =	simm.s32 $0x9;
	_ =	strace $0x80000048  }
0xb8: {  	_ =	swait.ge [sflag:s29], $0x1  }
0xb9: {  	[sflag:s29] =	ssyncadd.s32 $0xFFFFFFFF  }
0xba: {  	_ =	strace $0x90000048  }
0xbb: {  	_ =	sfence  }
0xbc: {  	s30 =	sld [smem:$0x0];
	_ =	sdelay $0x2  }
0xbd: {  	s31 =	sshll.u32 s1, $0xD;
	s1 =	sshrl.u32 s1, $0x2  }
0xbe: {  	s3 =	sand.u32 $0x4000, s31;
	s1 =	sadd.s32 s1, s30  }
0xbf: {  	s0 =	sor.u32 s3, s0;
	s1 =	sshll.u32 s1, $0x11  }
0xc0: {  	s0 =	sor.u32 s1, s0  }
0xc1: {  	s0 =	sadd.s32 $0x8F2B, s0  }
0xc2: {  	[sflag:s0] =	ssyncadd.remote.s32 $0x1  }
0xc3: {  	_ =	sfence.sel $0xFFFF  }
0xc4: {  	[dreg:$0x0] =	wrdreg $0xFFFFFFFF;
	(pc) =	sbr.abs _section_cstart, $3  }
0xc5: {  	[dreg:$0x1] =	wrdreg $0xFFFFFFFF  }
0xc6: {  	_ =	task.clear_ibuf [dreg:s9], $0x2FFFF;
	_ =	strace $0x9FFFFFFF  }
0xc7: {  	(tm) =	ssettm $0x7FFFFFFF  }
tec
execute0_lowered:
.L_overlay_start_1:
0x0: {  	(tag) =	ssettag $0x1  }
0x1: {  	s0 =	rddreg [dreg:$0x0]  }
0x2: {  	s2 =	rddreg [dreg:$0x1]  }
0x3: {  	s4 =	rddreg [dreg:$0x2]  }
0x4: {  	s5 =	rddreg [dreg:$0x3]  }
0x5: {  	s1 =	rddreg [dreg:$0x4];
	s3 =	simm.s32 $0x0;
	s6 =	srdreg.scid  }
0x6: {  	s12 =	stileid.u32;
	s16 =	simm.s32 $0x80;
	s17 =	simm.s32 $0x480  }
0x7: {  	s18 =	simm.s32 $0x500;
	s20 =	simm.s32 $0x580;
	s15 =	simm.s32 $0x600  }
0x8: {  	s28 =	simm.s32 $0x2;
	[smem:$0x7FF] =	sst s3;
	s6 =	sand.u32 $0x1, s6  }
0x9: {  	s8 =	smul.u32 $0xC380, s12;
	s9 =	sadd.s32 $0x400, s5;
	s5 =	sadd.s32 $0x1E00, s5  }
0xa: {  	s14 =	smul.u32 $0x1880, s12;
	_ =	strace $0x80000047;
	s7 =	ssub.s32 $0x2, s6  }
0xb: {  	[dreg:$0x8] =	wrdreg s9;
	s10 =	smul.u32 $0x61C00, s6;
	s21 =	sshrl.u32 s7, $0x1  }
0xc: {  	s23 =	sadd.s32 s8, s1;
	s19 =	sshrl.u32 s8, $0x3;
	s4 =	sadd.s32 s14, s4  }
0xd: {  	s2 =	sadd.s32 s14, s2;
	s14 =	simm.s32 $0x3;
	s11 =	ssub.s32 s7, s21  }
0xe: {  	s6 =	sadd.s32 s0, s10;
	s13 =	sadd.s32 s5, s10;
	[dreg:$0x6] =	wrdreg s4  }
0xf: {  	s22 =	sadd.s32 $0x18700, s10;
	s24 =	sadd.s32 $0x30E00, s10;
	[dreg:$0x7] =	wrdreg s2  }
0x10: {  	s10 =	sadd.s32 $0x49500, s10;
	s2 =	simm.s32 $0x0;
	[dreg:$0x9] =	wrdreg s23  }
0x11: {  	s7 =	sadd.s32 s0, s22;
	s21 =	sadd.s32 s5, s22;
	s8 =	sadd.s32 s0, s24  }
0x12: {  	s22 =	sadd.s32 s5, s24;
	s9 =	sadd.s32 s0, s10;
	s25 =	sadd.s32 s5, s10  }
0x13: {  	s26 =	smax.u32 s11, $0x1;
	s10 =	simm.s32 $0x4800;
	s29 =	sadd.s32 s19, s13  }
0x14: {  	s11 =	simm.s32 $0x380;
	s5 =	simm.s32 $0x700;
	[dreg:$0xa] =	wrdreg s26  }
0x15: {  	s13 =	simm.s32 $0x780;
	[dreg:$0xb] =	wrdreg s29;
	s30 =	sadd.s32 s19, s21  }
0x16: {  	s31 =	sadd.s32 s19, s22;
	s0 =	sadd.s32 s19, s25;
	[dreg:$0xc] =	wrdreg s30  }
0x17: {  	s19 =	simm.s32 $0x280;
	s25 =	simm.s32 $0x300;
	[dreg:$0xd] =	wrdreg s31  }
0x18: {  	s22 =	simm.s32 $0x1;
	s26 =	simm.s32 $0x680;
	[dreg:$0xe] =	wrdreg s0  }
.LBB2_1:
0x19: {  	[dreg:$0xf] =	wrdreg s2  }
0x1a: {  	s0 =	rddreg [dreg:$0x8]  }
0x1b: {  	[tilespmem:s10], [sflag:$0x3] =	stream.linear.gather [hbm4b:s0+s3], $0xC380, $0x38;
	[tilespmem:$0x1CF00] =	vst v63  }
0x1c: {  	_ =	swait.ge [sflag:s14], $0xC380  }
0x1d: {  	[sflag:s14] =	ssyncset.done $0x0  }
0x1e: {  	[sflag:s14] =	ssyncadd.s32 $0xFFFF3C80  }
0x1f: {  	[spmem:s23] =	stream.linear.scatter [tilespmem:s10], [sflag:$0x3], $0xC380, $0x38;
	[tilespmem:$0x1CF00] =	vst v63  }
0x20: {  	_ =	swait.ge [sflag:s14], $0xC380  }
0x21: {  	[sflag:s14] =	ssyncset.done $0x0  }
0x22: {  	[sflag:s14] =	ssyncadd.s32 $0xFFFF3C80  }
0x23: {  	[bflag:$0x0] =	sbarrier.arrive $0xFFFF  }
0x24: {  	s24 =	rddreg [dreg:$0x7]  }
0x25: {  	s0 =	sadd.s32 $0x0, s24  }
0x26: {  	[tilespmem:s3], [sflag:$0x3] =	stream.linear.gather [hbm4b:s0+s3], $0x400, $0x38;
	[tilespmem:$0x1CF00] =	vst v63  }
0x27: {  	_ =	swait.ge [sflag:s14], $0x400  }
0x28: {  	[sflag:s14] =	ssyncset.done $0x0;
	s29 =	rddreg [dreg:$0x6]  }
0x29: {  	s10 =	simm.s32 $0x400;
	[sflag:s14] =	ssyncadd.s32 $0xFFFFFC00;
	s0 =	sadd.s32 $0x0, s29  }
0x2a: {  	[tilespmem:s10], [sflag:$0x3] =	stream.linear.gather [hbm4b:s0+s3], $0x400, $0x38;
	[tilespmem:$0x1CF00] =	vst v63  }
0x2b: {  	_ =	swait.ge [sflag:s14], $0x400  }
0x2c: {  	[sflag:s14] =	ssyncset.done $0x0  }
0x2d: {  	s0 =	simm.s32 $0x800;
	[sflag:s14] =	ssyncadd.s32 $0xFFFFFC00  }
0x2e: {  	[tilespmem:s0], [sflag:$0x1] =	stream.indirect.gather [hbm4b:s6+s16], $0x10, s3, s16, $0xb8;
	[tilespmem:$0x1CF00] =	vst v63  }
0x2f: {  	s23 =	simm.s32 $0x1000  }
0x30: {  	[tilespmem:s23], [sflag:$0x1] =	stream.indirect.gather [hbm4b:s6+s16], $0x10, s16, s16, $0xb8;
	[tilespmem:$0x1CF00] =	vst v63  }
0x31: {  	s12 =	simm.s32 $0x1800;
	s31 =	simm.s32 $0x100  }
0x32: {  	[tilespmem:s12], [sflag:$0x1] =	stream.indirect.gather [hbm4b:s6+s16], $0x10, s31, s16, $0xb8;
	[tilespmem:$0x1CF00] =	vst v63  }
0x33: {  	s4 =	simm.s32 $0x180;
	s24 =	simm.s32 $0x2000  }
0x34: {  	[tilespmem:s24], [sflag:$0x1] =	stream.indirect.gather [hbm4b:s6+s16], $0x10, s4, s16, $0xb8;
	[tilespmem:$0x1CF00] =	vst v63  }
0x35: {  	s21 =	simm.s32 $0x200;
	s29 =	simm.s32 $0x2800  }
0x36: {  	[tilespmem:s29], [sflag:$0x1] =	stream.indirect.gather [hbm4b:s6+s16], $0x10, s21, s16, $0xb8;
	[tilespmem:$0x1CF00] =	vst v63  }
0x37: {  	s31 =	simm.s32 $0x3000  }
0x38: {  	[tilespmem:s31], [sflag:$0x1] =	stream.indirect.gather [hbm4b:s6+s16], $0x10, s19, s16, $0xb8;
	[tilespmem:$0x1CF00] =	vst v63  }
0x39: {  	s21 =	simm.s32 $0x3800  }
0x3a: {  	[tilespmem:s21], [sflag:$0x1] =	stream.indirect.gather [hbm4b:s6+s16], $0x10, s25, s16, $0xb8;
	[tilespmem:$0x1CF00] =	vst v63  }
0x3b: {  	s4 =	simm.s32 $0x4000  }
0x3c: {  	[tilespmem:s4], [sflag:$0x1] =	stream.indirect.gather [hbm4b:s6+s16], $0x10, s11, s16, $0xb8;
	[tilespmem:$0x1CF00] =	vst v63  }
0x3d: {  	_ =	swait.ge [sflag:s22], $0x800  }
0x3e: {  	[sflag:s22] =	ssyncset.done $0x0  }
0x3f: {  	[sflag:s22] =	ssyncadd.s32 $0xFFFFF800  }
0x40: {  	_ =	swait.ge [sflag:s22], $0x800  }
0x41: {  	[sflag:s22] =	ssyncset.done $0x0  }
0x42: {  	[sflag:s22] =	ssyncadd.s32 $0xFFFFF800  }
0x43: {  	_ =	swait.ge [sflag:s22], $0x800  }
0x44: {  	[sflag:s22] =	ssyncset.done $0x0  }
0x45: {  	[sflag:s22] =	ssyncadd.s32 $0xFFFFF800  }
0x46: {  	_ =	swait.ge [sflag:s22], $0x800  }
0x47: {  	[sflag:s22] =	ssyncset.done $0x0  }
0x48: {  	[sflag:s22] =	ssyncadd.s32 $0xFFFFF800  }
0x49: {  	_ =	swait.ge [sflag:s22], $0x800  }
0x4a: {  	[sflag:s22] =	ssyncset.done $0x0  }
0x4b: {  	[sflag:s22] =	ssyncadd.s32 $0xFFFFF800  }
0x4c: {  	_ =	swait.ge [sflag:s22], $0x800  }
0x4d: {  	[sflag:s22] =	ssyncset.done $0x0  }
0x4e: {  	[sflag:s22] =	ssyncadd.s32 $0xFFFFF800  }
0x4f: {  	_ =	swait.ge [sflag:s22], $0x800  }
0x50: {  	[sflag:s22] =	ssyncset.done $0x0  }
0x51: {  	[sflag:s22] =	ssyncadd.s32 $0xFFFFF800  }
0x52: {  	_ =	swait.ge [sflag:s22], $0x800  }
0x53: {  	[sflag:s22] =	ssyncset.done $0x0  }
0x54: {  	[sflag:s22] =	ssyncadd.s32 $0xFFFFF800  }
0x55: {  	[spmem:s1] =	stream.indirect.scatter.add.f32 [tilespmem:s0], [sflag:$0x2], $0x10, s10, s16, $0xb8;
	[tilespmem:$0x1CF00] =	vst v63  }
0x56: {  	_ = 	snop  }
0x57: {  	[spmem:s1] =	stream.indirect.scatter.add.f32 [tilespmem:s23], [sflag:$0x2], $0x10, s17, s16, $0xb8;
	[tilespmem:$0x1CF00] =	vst v63  }
0x58: {  	_ = 	snop  }
0x59: {  	[spmem:s1] =	stream.indirect.scatter.add.f32 [tilespmem:s12], [sflag:$0x2], $0x10, s18, s16, $0xb8;
	[tilespmem:$0x1CF00] =	vst v63  }
0x5a: {  	_ = 	snop  }
0x5b: {  	[spmem:s1] =	stream.indirect.scatter.add.f32 [tilespmem:s24], [sflag:$0x2], $0x10, s20, s16, $0xb8;
	[tilespmem:$0x1CF00] =	vst v63  }
0x5c: {  	_ = 	snop  }
0x5d: {  	[spmem:s1] =	stream.indirect.scatter.add.f32 [tilespmem:s29], [sflag:$0x2], $0x10, s15, s16, $0xb8;
	[tilespmem:$0x1CF00] =	vst v63  }
0x5e: {  	_ = 	snop  }
0x5f: {  	[spmem:s1] =	stream.indirect.scatter.add.f32 [tilespmem:s31], [sflag:$0x2], $0x10, s26, s16, $0xb8;
	[tilespmem:$0x1CF00] =	vst v63  }
0x60: {  	_ = 	snop  }
0x61: {  	[spmem:s1] =	stream.indirect.scatter.add.f32 [tilespmem:s21], [sflag:$0x2], $0x10, s5, s16, $0xb8;
	[tilespmem:$0x1CF00] =	vst v63  }
0x62: {  	_ = 	snop  }
0x63: {  	[spmem:s1] =	stream.indirect.scatter.add.f32 [tilespmem:s4], [sflag:$0x2], $0x10, s13, s16, $0xb8;
	[tilespmem:$0x1CF00] =	vst v63  }
0x64: {  	_ =	swait.ge [sflag:s28], $0x800  }
0x65: {  	[sflag:s28] =	ssyncset.done $0x0  }
0x66: {  	[sflag:s28] =	ssyncadd.s32 $0xFFFFF800  }
0x67: {  	_ =	swait.ge [sflag:s28], $0x800  }
0x68: {  	[sflag:s28] =	ssyncset.done $0x0  }
0x69: {  	[sflag:s28] =	ssyncadd.s32 $0xFFFFF800  }
0x6a: {  	_ =	swait.ge [sflag:s28], $0x800  }
0x6b: {  	[sflag:s28] =	ssyncset.done $0x0  }
0x6c: {  	[sflag:s28] =	ssyncadd.s32 $0xFFFFF800  }
0x6d: {  	_ =	swait.ge [sflag:s28], $0x800  }
0x6e: {  	[sflag:s28] =	ssyncset.done $0x0  }
0x6f: {  	[sflag:s28] =	ssyncadd.s32 $0xFFFFF800  }
0x70: {  	_ =	swait.ge [sflag:s28], $0x800  }
0x71: {  	[sflag:s28] =	ssyncset.done $0x0  }
0x72: {  	[sflag:s28] =	ssyncadd.s32 $0xFFFFF800  }
0x73: {  	_ =	swait.ge [sflag:s28], $0x800  }
0x74: {  	[sflag:s28] =	ssyncset.done $0x0  }
0x75: {  	[sflag:s28] =	ssyncadd.s32 $0xFFFFF800  }
0x76: {  	_ =	swait.ge [sflag:s28], $0x800  }
0x77: {  	[sflag:s28] =	ssyncset.done $0x0  }
0x78: {  	[sflag:s28] =	ssyncadd.s32 $0xFFFFF800  }
0x79: {  	_ =	swait.ge [sflag:s28], $0x800  }
0x7a: {  	s30 =	simm.s32 $0x80;
	s0 =	simm.s32 $0x100;
	[sflag:s28] =	ssyncset.done $0x0  }
.LBB2_2:
0x7b: {  	s10 =	rddreg [dreg:$0x7]  }
0x7c: {  	[sflag:s28] =	ssyncadd.s32 $0xFFFFF800;
	s23 =	sadd.s32 s30, s10  }
0x7d: {  	[tilespmem:s3], [sflag:$0x3] =	stream.linear.gather [hbm4b:s23+s3], $0x400, $0x38;
	[tilespmem:$0x1CF00] =	vst v63  }
0x7e: {  	s24 =	smov.u32 s0;
	p0 =	sne.s32 s0, $0x1800;
	_ =	swait.ge [sflag:s14], $0x400  }
0x7f: {  	s10 =	sadd.s32 $0x80, s0;
	[sflag:s14] =	ssyncset.done $0x0;
	s2 =	rddreg [dreg:$0x6]  }
0x80: {  	s23 =	simm.s32 $0x400;
	[sflag:s14] =	ssyncadd.s32 $0xFFFFFC00;
	s0 =	sadd.s32 s30, s2  }
0x81: {  	[tilespmem:s23], [sflag:$0x3] =	stream.linear.gather [hbm4b:s0+s3], $0x400, $0x38;
	[tilespmem:$0x1CF00] =	vst v63  }
0x82: {  	_ =	swait.ge [sflag:s14], $0x400  }
0x83: {  	[sflag:s14] =	ssyncset.done $0x0  }
0x84: {  	s0 =	simm.s32 $0x800;
	[sflag:s14] =	ssyncadd.s32 $0xFFFFFC00  }
0x85: {  	[tilespmem:s0], [sflag:$0x1] =	stream.indirect.gather [hbm4b:s6+s16], $0x10, s3, s16, $0xb8;
	[tilespmem:$0x1CF00] =	vst v63  }
0x86: {  	s30 =	smov.u32 s24;
	s24 =	simm.s32 $0x1000  }
0x87: {  	[tilespmem:s24], [sflag:$0x1] =	stream.indirect.gather [hbm4b:s6+s16], $0x10, s16, s16, $0xb8;
	[tilespmem:$0x1CF00] =	vst v63  }
0x88: {  	s12 =	simm.s32 $0x1800;
	s2 =	simm.s32 $0x100  }
0x89: {  	[tilespmem:s12], [sflag:$0x1] =	stream.indirect.gather [hbm4b:s6+s16], $0x10, s2, s16, $0xb8;
	[tilespmem:$0x1CF00] =	vst v63  }
0x8a: {  	s29 =	simm.s32 $0x2000;
	s4 =	simm.s32 $0x180  }
0x8b: {  	[tilespmem:s29], [sflag:$0x1] =	stream.indirect.gather [hbm4b:s6+s16], $0x10, s4, s16, $0xb8;
	[tilespmem:$0x1CF00] =	vst v63  }
0x8c: {  	s31 =	simm.s32 $0x2800;
	s21 =	simm.s32 $0x200  }
0x8d: {  	[tilespmem:s31], [sflag:$0x1] =	stream.indirect.gather [hbm4b:s6+s16], $0x10, s21, s16, $0xb8;
	[tilespmem:$0x1CF00] =	vst v63  }
0x8e: {  	s2 =	simm.s32 $0x3000  }
0x8f: {  	[tilespmem:s2], [sflag:$0x1] =	stream.indirect.gather [hbm4b:s6+s16], $0x10, s19, s16, $0xb8;
	[tilespmem:$0x1CF00] =	vst v63  }
0x90: {  	s21 =	simm.s32 $0x3800  }
0x91: {  	[tilespmem:s21], [sflag:$0x1] =	stream.indirect.gather [hbm4b:s6+s16], $0x10, s25, s16, $0xb8;
	[tilespmem:$0x1CF00] =	vst v63  }
0x92: {  	s4 =	simm.s32 $0x4000  }
0x93: {  	[tilespmem:s4], [sflag:$0x1] =	stream.indirect.gather [hbm4b:s6+s16], $0x10, s11, s16, $0xb8;
	[tilespmem:$0x1CF00] =	vst v63  }
0x94: {  	_ =	swait.ge [sflag:s22], $0x800  }
0x95: {  	[sflag:s22] =	ssyncset.done $0x0  }
0x96: {  	[sflag:s22] =	ssyncadd.s32 $0xFFFFF800  }
0x97: {  	_ =	swait.ge [sflag:s22], $0x800  }
0x98: {  	[sflag:s22] =	ssyncset.done $0x0  }
0x99: {  	[sflag:s22] =	ssyncadd.s32 $0xFFFFF800  }
0x9a: {  	_ =	swait.ge [sflag:s22], $0x800  }
0x9b: {  	[sflag:s22] =	ssyncset.done $0x0  }
0x9c: {  	[sflag:s22] =	ssyncadd.s32 $0xFFFFF800  }
0x9d: {  	_ =	swait.ge [sflag:s22], $0x800  }
0x9e: {  	[sflag:s22] =	ssyncset.done $0x0  }
0x9f: {  	[sflag:s22] =	ssyncadd.s32 $0xFFFFF800  }
0xa0: {  	_ =	swait.ge [sflag:s22], $0x800  }
0xa1: {  	[sflag:s22] =	ssyncset.done $0x0  }
0xa2: {  	[sflag:s22] =	ssyncadd.s32 $0xFFFFF800  }
0xa3: {  	_ =	swait.ge [sflag:s22], $0x800  }
0xa4: {  	[sflag:s22] =	ssyncset.done $0x0  }
0xa5: {  	[sflag:s22] =	ssyncadd.s32 $0xFFFFF800  }
0xa6: {  	_ =	swait.ge [sflag:s22], $0x800  }
0xa7: {  	[sflag:s22] =	ssyncset.done $0x0  }
0xa8: {  	[sflag:s22] =	ssyncadd.s32 $0xFFFFF800  }
0xa9: {  	_ =	swait.ge [sflag:s22], $0x800  }
0xaa: {  	[sflag:s22] =	ssyncset.done $0x0  }
0xab: {  	[sflag:s22] =	ssyncadd.s32 $0xFFFFF800  }
0xac: {  	[spmem:s1] =	stream.indirect.scatter.add.f32 [tilespmem:s0], [sflag:$0x2], $0x10, s23, s16, $0xb8;
	[tilespmem:$0x1CF00] =	vst v63  }
0xad: {  	_ = 	snop  }
0xae: {  	[spmem:s1] =	stream.indirect.scatter.add.f32 [tilespmem:s24], [sflag:$0x2], $0x10, s17, s16, $0xb8;
	[tilespmem:$0x1CF00] =	vst v63  }
0xaf: {  	_ = 	snop  }
0xb0: {  	[spmem:s1] =	stream.indirect.scatter.add.f32 [tilespmem:s12], [sflag:$0x2], $0x10, s18, s16, $0xb8;
	[tilespmem:$0x1CF00] =	vst v63  }
0xb1: {  	_ = 	snop  }
0xb2: {  	[spmem:s1] =	stream.indirect.scatter.add.f32 [tilespmem:s29], [sflag:$0x2], $0x10, s20, s16, $0xb8;
	[tilespmem:$0x1CF00] =	vst v63  }
0xb3: {  	_ = 	snop  }
0xb4: {  	[spmem:s1] =	stream.indirect.scatter.add.f32 [tilespmem:s31], [sflag:$0x2], $0x10, s15, s16, $0xb8;
	[tilespmem:$0x1CF00] =	vst v63  }
0xb5: {  	_ = 	snop  }
0xb6: {  	[spmem:s1] =	stream.indirect.scatter.add.f32 [tilespmem:s2], [sflag:$0x2], $0x10, s26, s16, $0xb8;
	[tilespmem:$0x1CF00] =	vst v63  }
0xb7: {  	_ = 	snop  }
0xb8: {  	[spmem:s1] =	stream.indirect.scatter.add.f32 [tilespmem:s21], [sflag:$0x2], $0x10, s5, s16, $0xb8;
	[tilespmem:$0x1CF00] =	vst v63  }
0xb9: {  	_ = 	snop  }
0xba: {  	[spmem:s1] =	stream.indirect.scatter.add.f32 [tilespmem:s4], [sflag:$0x2], $0x10, s13, s16, $0xb8;
	[tilespmem:$0x1CF00] =	vst v63  }
0xbb: {  	_ =	swait.ge [sflag:s28], $0x800  }
0xbc: {  	[sflag:s28] =	ssyncset.done $0x0  }
0xbd: {  	[sflag:s28] =	ssyncadd.s32 $0xFFFFF800  }
0xbe: {  	_ =	swait.ge [sflag:s28], $0x800  }
0xbf: {  	[sflag:s28] =	ssyncset.done $0x0  }
0xc0: {  	[sflag:s28] =	ssyncadd.s32 $0xFFFFF800  }
0xc1: {  	_ =	swait.ge [sflag:s28], $0x800  }
0xc2: {  	[sflag:s28] =	ssyncset.done $0x0  }
0xc3: {  	[sflag:s28] =	ssyncadd.s32 $0xFFFFF800  }
0xc4: {  	_ =	swait.ge [sflag:s28], $0x800  }
0xc5: {  	[sflag:s28] =	ssyncset.done $0x0  }
0xc6: {  	[sflag:s28] =	ssyncadd.s32 $0xFFFFF800  }
0xc7: {  	_ =	swait.ge [sflag:s28], $0x800  }
0xc8: {  	[sflag:s28] =	ssyncset.done $0x0  }
0xc9: {  	[sflag:s28] =	ssyncadd.s32 $0xFFFFF800  }
0xca: {  	_ =	swait.ge [sflag:s28], $0x800  }
0xcb: {  	[sflag:s28] =	ssyncset.done $0x0  }
0xcc: {  	[sflag:s28] =	ssyncadd.s32 $0xFFFFF800  }
.Ltmp0:
0xcd: {  	_ =	swait.ge [sflag:s28], $0x800;
	(pc) =	sbr.rel @p0 .LBB2_2-.Ltmp0, $4  }
0xce: {  	[sflag:s28] =	ssyncset.done $0x0  }
0xcf: {  	[sflag:s28] =	ssyncadd.s32 $0xFFFFF800  }
0xd0: {  	_ =	swait.ge [sflag:s28], $0x800  }
0xd1: {  	s0 =	smov.u32 s10;
	[sflag:s28] =	ssyncset.done $0x0  }
0xd2: {  	s11 =	rddreg [dreg:$0x7]  }
0xd3: {  	[sflag:s28] =	ssyncadd.s32 $0xFFFFF800;
	s0 =	sadd.s32 s30, s11  }
0xd4: {  	[tilespmem:s3], [sflag:$0x3] =	stream.linear.gather [hbm4b:s0+s3], $0x400, $0x38;
	[tilespmem:$0x1CF00] =	vst v63  }
0xd5: {  	_ =	swait.ge [sflag:s14], $0x400  }
0xd6: {  	[sflag:s14] =	ssyncset.done $0x0;
	s5 =	rddreg [dreg:$0x6]  }
0xd7: {  	[sflag:s14] =	ssyncadd.s32 $0xFFFFFC00;
	s2 =	sadd.s32 s30, s5;
	s30 =	simm.s32 $0x400  }
0xd8: {  	[tilespmem:s30], [sflag:$0x3] =	stream.linear.gather [hbm4b:s2+s3], $0x400, $0x38;
	[tilespmem:$0x1CF00] =	vst v63  }
0xd9: {  	_ =	swait.ge [sflag:s14], $0x400  }
0xda: {  	[sflag:s14] =	ssyncset.done $0x0  }
0xdb: {  	s17 =	simm.s32 $0x800;
	[sflag:s14] =	ssyncadd.s32 $0xFFFFFC00  }
0xdc: {  	[tilespmem:s17], [sflag:$0x1] =	stream.indirect.gather [hbm4b:s6+s16], $0x10, s3, s16, $0xb8;
	[tilespmem:$0x1CF00] =	vst v63  }
0xdd: {  	s18 =	simm.s32 $0x1000  }
0xde: {  	[tilespmem:s18], [sflag:$0x1] =	stream.indirect.gather [hbm4b:s6+s16], $0x10, s16, s16, $0xb8;
	[tilespmem:$0x1CF00] =	vst v63  }
0xdf: {  	s13 =	simm.s32 $0x100;
	s20 =	simm.s32 $0x1800  }
0xe0: {  	[tilespmem:s20], [sflag:$0x1] =	stream.indirect.gather [hbm4b:s6+s16], $0x10, s13, s16, $0xb8;
	[tilespmem:$0x1CF00] =	vst v63  }
0xe1: {  	s19 =	simm.s32 $0x180;
	s15 =	simm.s32 $0x2000  }
0xe2: {  	[tilespmem:s15], [sflag:$0x1] =	stream.indirect.gather [hbm4b:s6+s16], $0x10, s19, s16, $0xb8;
	[tilespmem:$0x1CF00] =	vst v63  }
0xe3: {  	s25 =	simm.s32 $0x200;
	s26 =	simm.s32 $0x2800  }
0xe4: {  	[tilespmem:s26], [sflag:$0x1] =	stream.indirect.gather [hbm4b:s6+s16], $0x10, s25, s16, $0xb8;
	[tilespmem:$0x1CF00] =	vst v63  }
0xe5: {  	s4 =	simm.s32 $0x280;
	s29 =	simm.s32 $0x3000  }
0xe6: {  	[tilespmem:s29], [sflag:$0x1] =	stream.indirect.gather [hbm4b:s6+s16], $0x10, s4, s16, $0xb8;
	[tilespmem:$0x1CF00] =	vst v63  }
0xe7: {  	s10 =	simm.s32 $0x300;
	s2 =	simm.s32 $0x3800  }
0xe8: {  	[tilespmem:s2], [sflag:$0x1] =	stream.indirect.gather [hbm4b:s6+s16], $0x10, s10, s16, $0xb8;
	[tilespmem:$0x1CF00] =	vst v63  }
0xe9: {  	s12 =	simm.s32 $0x380;
	s21 =	simm.s32 $0x4000  }
0xea: {  	[tilespmem:s21], [sflag:$0x1] =	stream.indirect.gather [hbm4b:s6+s16], $0x10, s12, s16, $0xb8;
	[tilespmem:$0x1CF00] =	vst v63  }
0xeb: {  	_ =	swait.ge [sflag:s22], $0x800  }
0xec: {  	[sflag:s22] =	ssyncset.done $0x0  }
0xed: {  	[sflag:s22] =	ssyncadd.s32 $0xFFFFF800  }
0xee: {  	_ =	swait.ge [sflag:s22], $0x800  }
0xef: {  	[sflag:s22] =	ssyncset.done $0x0  }
0xf0: {  	[sflag:s22] =	ssyncadd.s32 $0xFFFFF800  }
0xf1: {  	_ =	swait.ge [sflag:s22], $0x800  }
0xf2: {  	[sflag:s22] =	ssyncset.done $0x0  }
0xf3: {  	[sflag:s22] =	ssyncadd.s32 $0xFFFFF800  }
0xf4: {  	_ =	swait.ge [sflag:s22], $0x800  }
0xf5: {  	[sflag:s22] =	ssyncset.done $0x0  }
0xf6: {  	[sflag:s22] =	ssyncadd.s32 $0xFFFFF800  }
0xf7: {  	_ =	swait.ge [sflag:s22], $0x800  }
0xf8: {  	[sflag:s22] =	ssyncset.done $0x0  }
0xf9: {  	[sflag:s22] =	ssyncadd.s32 $0xFFFFF800  }
0xfa: {  	_ =	swait.ge [sflag:s22], $0x800  }
0xfb: {  	[sflag:s22] =	ssyncset.done $0x0  }
0xfc: {  	[sflag:s22] =	ssyncadd.s32 $0xFFFFF800  }
0xfd: {  	_ =	swait.ge [sflag:s22], $0x800  }
0xfe: {  	[sflag:s22] =	ssyncset.done $0x0  }
0xff: {  	[sflag:s22] =	ssyncadd.s32 $0xFFFFF800  }
0x100: {  	_ =	swait.ge [sflag:s22], $0x800  }
0x101: {  	[sflag:s22] =	ssyncset.done $0x0  }
0x102: {  	[sflag:s22] =	ssyncadd.s32 $0xFFFFF800  }
0x103: {  	[spmem:s1] =	stream.indirect.scatter.add.f32 [tilespmem:s17], [sflag:$0x2], $0x10, s30, s16, $0xb8;
	[tilespmem:$0x1CF00] =	vst v63  }
0x104: {  	s23 =	simm.s32 $0x480  }
0x105: {  	[spmem:s1] =	stream.indirect.scatter.add.f32 [tilespmem:s18], [sflag:$0x2], $0x10, s23, s16, $0xb8;
	[tilespmem:$0x1CF00] =	vst v63  }
0x106: {  	s24 =	simm.s32 $0x500  }
0x107: {  	[spmem:s1] =	stream.indirect.scatter.add.f32 [tilespmem:s20], [sflag:$0x2], $0x10, s24, s16, $0xb8;
	[tilespmem:$0x1CF00] =	vst v63  }
0x108: {  	s31 =	simm.s32 $0x580  }
0x109: {  	[spmem:s1] =	stream.indirect.scatter.add.f32 [tilespmem:s15], [sflag:$0x2], $0x10, s31, s16, $0xb8;
	[tilespmem:$0x1CF00] =	vst v63  }
0x10a: {  	s12 =	simm.s32 $0x600  }
0x10b: {  	[spmem:s1] =	stream.indirect.scatter.add.f32 [tilespmem:s26], [sflag:$0x2], $0x10, s12, s16, $0xb8;
	[tilespmem:$0x1CF00] =	vst v63  }
0x10c: {  	s4 =	simm.s32 $0x680  }
0x10d: {  	[spmem:s1] =	stream.indirect.scatter.add.f32 [tilespmem:s29], [sflag:$0x2], $0x10, s4, s16, $0xb8;
	[tilespmem:$0x1CF00] =	vst v63  }
0x10e: {  	s31 =	simm.s32 $0x700  }
0x10f: {  	[spmem:s1] =	stream.indirect.scatter.add.f32 [tilespmem:s2], [sflag:$0x2], $0x10, s31, s16, $0xb8;
	[tilespmem:$0x1CF00] =	vst v63  }
0x110: {  	s10 =	simm.s32 $0x780  }
0x111: {  	[spmem:s1] =	stream.indirect.scatter.add.f32 [tilespmem:s21], [sflag:$0x2], $0x10, s10, s16, $0xb8;
	[tilespmem:$0x1CF00] =	vst v63  }
0x112: {  	_ =	swait.ge [sflag:s28], $0x800  }
0x113: {  	[sflag:s28] =	ssyncset.done $0x0  }
0x114: {  	[sflag:s28] =	ssyncadd.s32 $0xFFFFF800  }
0x115: {  	_ =	swait.ge [sflag:s28], $0x800  }
0x116: {  	[sflag:s28] =	ssyncset.done $0x0  }
0x117: {  	[sflag:s28] =	ssyncadd.s32 $0xFFFFF800  }
0x118: {  	_ =	swait.ge [sflag:s28], $0x800  }
0x119: {  	[sflag:s28] =	ssyncset.done $0x0  }
0x11a: {  	[sflag:s28] =	ssyncadd.s32 $0xFFFFF800  }
0x11b: {  	_ =	swait.ge [sflag:s28], $0x800  }
0x11c: {  	[sflag:s28] =	ssyncset.done $0x0  }
0x11d: {  	[sflag:s28] =	ssyncadd.s32 $0xFFFFF800  }
0x11e: {  	_ =	swait.ge [sflag:s28], $0x800  }
0x11f: {  	[sflag:s28] =	ssyncset.done $0x0  }
0x120: {  	[sflag:s28] =	ssyncadd.s32 $0xFFFFF800  }
0x121: {  	_ =	swait.ge [sflag:s28], $0x800  }
0x122: {  	[sflag:s28] =	ssyncset.done $0x0  }
0x123: {  	[sflag:s28] =	ssyncadd.s32 $0xFFFFF800  }
0x124: {  	_ =	swait.ge [sflag:s28], $0x800  }
0x125: {  	[sflag:s28] =	ssyncset.done $0x0  }
0x126: {  	[sflag:s28] =	ssyncadd.s32 $0xFFFFF800  }
0x127: {  	_ =	swait.ge [sflag:s28], $0x800  }
0x128: {  	[sflag:s28] =	ssyncset.done $0x0  }
0x129: {  	[sflag:s28] =	ssyncadd.s32 $0xFFFFF800  }
0x12a: {  	[bflag:$0x0] =	sbarrier.arrive $0xFFFF  }
0x12b: {  	s24 =	simm.s32 $0x4800;
	s23 =	rddreg [dreg:$0x9]  }
0x12c: {  	[tilespmem:s24], [sflag:$0x3] =	stream.linear.gather [spmem:s23], $0xC380, $0x38;
	[tilespmem:$0x1CF00] =	vst v63  }
0x12d: {  	_ =	swait.ge [sflag:s14], $0xC380  }
0x12e: {  	[sflag:s14] =	ssyncset.done $0x0  }
0x12f: {  	s0 =	simm.s32 $0x0;
	s4 =	rddreg [dreg:$0xb];
	[sflag:s14] =	ssyncadd.s32 $0xFFFF3C80  }
0x130: {  	[hbm4b:s4+s0] =	stream.linear.scatter [tilespmem:s24], [sflag:$0x3], $0xC380, $0x38;
	[tilespmem:$0x1CF00] =	vst v63  }
0x131: {  	_ =	swait.ge [sflag:s14], $0xC380  }
0x132: {  	[sflag:s14] =	ssyncset.done $0x0  }
0x133: {  	[sflag:s14] =	ssyncadd.s32 $0xFFFF3C80  }
0x134: {  	[bflag:$0x0] =	sbarrier.arrive $0xFFFF  }
0x135: {  	s10 =	rddreg [dreg:$0x8]  }
0x136: {  	[tilespmem:s24], [sflag:$0x3] =	stream.linear.gather [hbm4b:s10+s0], $0xC380, $0x38;
	[tilespmem:$0x1CF00] =	vst v63  }
0x137: {  	_ =	swait.ge [sflag:s14], $0xC380  }
0x138: {  	[sflag:s14] =	ssyncset.done $0x0  }
0x139: {  	[sflag:s14] =	ssyncadd.s32 $0xFFFF3C80  }
0x13a: {  	[spmem:s23] =	stream.linear.scatter [tilespmem:s24], [sflag:$0x3], $0xC380, $0x38;
	[tilespmem:$0x1CF00] =	vst v63  }
0x13b: {  	_ =	swait.ge [sflag:s14], $0xC380  }
0x13c: {  	[sflag:s14] =	ssyncset.done $0x0  }
0x13d: {  	[sflag:s14] =	ssyncadd.s32 $0xFFFF3C80  }
0x13e: {  	s23 =	sadd.s32 $0x0, s11;
	[bflag:$0x0] =	sbarrier.arrive $0xFFFF  }
0x13f: {  	[tilespmem:s3], [sflag:$0x3] =	stream.linear.gather [hbm4b:s23+s3], $0x400, $0x38;
	[tilespmem:$0x1CF00] =	vst v63  }
0x140: {  	_ =	swait.ge [sflag:s14], $0x400  }
0x141: {  	[sflag:s14] =	ssyncset.done $0x0  }
0x142: {  	s24 =	sadd.s32 $0x0, s5;
	[sflag:s14] =	ssyncadd.s32 $0xFFFFFC00  }
0x143: {  	[tilespmem:s30], [sflag:$0x3] =	stream.linear.gather [hbm4b:s24+s3], $0x400, $0x38;
	[tilespmem:$0x1CF00] =	vst v63  }
0x144: {  	_ =	swait.ge [sflag:s14], $0x400  }
0x145: {  	[sflag:s14] =	ssyncset.done $0x0  }
0x146: {  	[sflag:s14] =	ssyncadd.s32 $0xFFFFFC00  }
0x147: {  	[tilespmem:s17], [sflag:$0x1] =	stream.indirect.gather [hbm4b:s7+s16], $0x10, s3, s16, $0xb8;
	[tilespmem:$0x1CF00] =	vst v63  }
0x148: {  	_ = 	snop  }
0x149: {  	[tilespmem:s18], [sflag:$0x1] =	stream.indirect.gather [hbm4b:s7+s16], $0x10, s16, s16, $0xb8;
	[tilespmem:$0x1CF00] =	vst v63  }
0x14a: {  	_ = 	snop  }
0x14b: {  	[tilespmem:s20], [sflag:$0x1] =	stream.indirect.gather [hbm4b:s7+s16], $0x10, s13, s16, $0xb8;
	[tilespmem:$0x1CF00] =	vst v63  }
0x14c: {  	_ = 	snop  }
0x14d: {  	[tilespmem:s15], [sflag:$0x1] =	stream.indirect.gather [hbm4b:s7+s16], $0x10, s19, s16, $0xb8;
	[tilespmem:$0x1CF00] =	vst v63  }
0x14e: {  	_ = 	snop  }
0x14f: {  	[tilespmem:s26], [sflag:$0x1] =	stream.indirect.gather [hbm4b:s7+s16], $0x10, s25, s16, $0xb8;
	[tilespmem:$0x1CF00] =	vst v63  }
0x150: {  	s25 =	simm.s32 $0x280  }
0x151: {  	[tilespmem:s29], [sflag:$0x1] =	stream.indirect.gather [hbm4b:s7+s16], $0x10, s25, s16, $0xb8;
	[tilespmem:$0x1CF00] =	vst v63  }
0x152: {  	s4 =	simm.s32 $0x300  }
0x153: {  	[tilespmem:s2], [sflag:$0x1] =	stream.indirect.gather [hbm4b:s7+s16], $0x10, s4, s16, $0xb8;
	[tilespmem:$0x1CF00] =	vst v63  }
0x154: {  	s5 =	simm.s32 $0x380  }
0x155: {  	[tilespmem:s21], [sflag:$0x1] =	stream.indirect.gather [hbm4b:s7+s16], $0x10, s5, s16, $0xb8;
	[tilespmem:$0x1CF00] =	vst v63  }
0x156: {  	_ =	swait.ge [sflag:s22], $0x800  }
0x157: {  	[sflag:s22] =	ssyncset.done $0x0  }
0x158: {  	[sflag:s22] =	ssyncadd.s32 $0xFFFFF800  }
0x159: {  	_ =	swait.ge [sflag:s22], $0x800  }
0x15a: {  	[sflag:s22] =	ssyncset.done $0x0  }
0x15b: {  	[sflag:s22] =	ssyncadd.s32 $0xFFFFF800  }
0x15c: {  	_ =	swait.ge [sflag:s22], $0x800  }
0x15d: {  	[sflag:s22] =	ssyncset.done $0x0  }
0x15e: {  	[sflag:s22] =	ssyncadd.s32 $0xFFFFF800  }
0x15f: {  	_ =	swait.ge [sflag:s22], $0x800  }
0x160: {  	[sflag:s22] =	ssyncset.done $0x0  }
0x161: {  	[sflag:s22] =	ssyncadd.s32 $0xFFFFF800  }
0x162: {  	_ =	swait.ge [sflag:s22], $0x800  }
0x163: {  	[sflag:s22] =	ssyncset.done $0x0  }
0x164: {  	[sflag:s22] =	ssyncadd.s32 $0xFFFFF800  }
0x165: {  	_ =	swait.ge [sflag:s22], $0x800  }
0x166: {  	[sflag:s22] =	ssyncset.done $0x0  }
0x167: {  	[sflag:s22] =	ssyncadd.s32 $0xFFFFF800  }
0x168: {  	_ =	swait.ge [sflag:s22], $0x800  }
0x169: {  	[sflag:s22] =	ssyncset.done $0x0  }
0x16a: {  	[sflag:s22] =	ssyncadd.s32 $0xFFFFF800  }
0x16b: {  	_ =	swait.ge [sflag:s22], $0x800  }
0x16c: {  	[sflag:s22] =	ssyncset.done $0x0  }
0x16d: {  	[sflag:s22] =	ssyncadd.s32 $0xFFFFF800  }
0x16e: {  	[spmem:s1] =	stream.indirect.scatter.add.f32 [tilespmem:s17], [sflag:$0x2], $0x10, s30, s16, $0xb8;
	[tilespmem:$0x1CF00] =	vst v63  }
0x16f: {  	s10 =	simm.s32 $0x480  }
0x170: {  	[spmem:s1] =	stream.indirect.scatter.add.f32 [tilespmem:s18], [sflag:$0x2], $0x10, s10, s16, $0xb8;
	[tilespmem:$0x1CF00] =	vst v63  }
0x171: {  	s13 =	simm.s32 $0x500  }
0x172: {  	[spmem:s1] =	stream.indirect.scatter.add.f32 [tilespmem:s20], [sflag:$0x2], $0x10, s13, s16, $0xb8;
	[tilespmem:$0x1CF00] =	vst v63  }
0x173: {  	s23 =	simm.s32 $0x580  }
0x174: {  	[spmem:s1] =	stream.indirect.scatter.add.f32 [tilespmem:s15], [sflag:$0x2], $0x10, s23, s16, $0xb8;
	[tilespmem:$0x1CF00] =	vst v63  }
0x175: {  	_ = 	snop  }
0x176: {  	[spmem:s1] =	stream.indirect.scatter.add.f32 [tilespmem:s26], [sflag:$0x2], $0x10, s12, s16, $0xb8;
	[tilespmem:$0x1CF00] =	vst v63  }
0x177: {  	s24 =	simm.s32 $0x680  }
0x178: {  	[spmem:s1] =	stream.indirect.scatter.add.f32 [tilespmem:s29], [sflag:$0x2], $0x10, s24, s16, $0xb8;
	[tilespmem:$0x1CF00] =	vst v63  }
0x179: {  	_ = 	snop  }
0x17a: {  	[spmem:s1] =	stream.indirect.scatter.add.f32 [tilespmem:s2], [sflag:$0x2], $0x10, s31, s16, $0xb8;
	[tilespmem:$0x1CF00] =	vst v63  }
0x17b: {  	s31 =	simm.s32 $0x780  }
0x17c: {  	[spmem:s1] =	stream.indirect.scatter.add.f32 [tilespmem:s21], [sflag:$0x2], $0x10, s31, s16, $0xb8;
	[tilespmem:$0x1CF00] =	vst v63  }
0x17d: {  	_ =	swait.ge [sflag:s28], $0x800  }
0x17e: {  	[sflag:s28] =	ssyncset.done $0x0  }
0x17f: {  	[sflag:s28] =	ssyncadd.s32 $0xFFFFF800  }
0x180: {  	_ =	swait.ge [sflag:s28], $0x800  }
0x181: {  	[sflag:s28] =	ssyncset.done $0x0  }
0x182: {  	[sflag:s28] =	ssyncadd.s32 $0xFFFFF800  }
0x183: {  	_ =	swait.ge [sflag:s28], $0x800  }
0x184: {  	[sflag:s28] =	ssyncset.done $0x0  }
0x185: {  	[sflag:s28] =	ssyncadd.s32 $0xFFFFF800  }
0x186: {  	_ =	swait.ge [sflag:s28], $0x800  }
0x187: {  	[sflag:s28] =	ssyncset.done $0x0  }
0x188: {  	[sflag:s28] =	ssyncadd.s32 $0xFFFFF800  }
0x189: {  	_ =	swait.ge [sflag:s28], $0x800  }
0x18a: {  	[sflag:s28] =	ssyncset.done $0x0  }
0x18b: {  	[sflag:s28] =	ssyncadd.s32 $0xFFFFF800  }
0x18c: {  	_ =	swait.ge [sflag:s28], $0x800  }
0x18d: {  	[sflag:s28] =	ssyncset.done $0x0  }
0x18e: {  	s11 =	simm.s32 $0x380;
	s19 =	simm.s32 $0x280;
	[sflag:s28] =	ssyncadd.s32 $0xFFFFF800  }
0x18f: {  	s25 =	simm.s32 $0x300;
	s5 =	simm.s32 $0x700;
	_ =	swait.ge [sflag:s28], $0x800  }
0x190: {  	s17 =	simm.s32 $0x480;
	s30 =	simm.s32 $0x80;
	[sflag:s28] =	ssyncset.done $0x0  }
0x191: {  	s18 =	simm.s32 $0x500;
	s10 =	simm.s32 $0x100;
	[sflag:s28] =	ssyncadd.s32 $0xFFFFF800  }
0x192: {  	s20 =	simm.s32 $0x580;
	s13 =	simm.s32 $0x780;
	_ =	swait.ge [sflag:s28], $0x800  }
0x193: {  	s15 =	simm.s32 $0x600;
	s26 =	simm.s32 $0x680;
	[sflag:s28] =	ssyncset.done $0x0  }
.LBB2_4:
0x194: {  	s0 =	rddreg [dreg:$0x7]  }
0x195: {  	[sflag:s28] =	ssyncadd.s32 $0xFFFFF800;
	s23 =	sadd.s32 s30, s0  }
0x196: {  	[tilespmem:s3], [sflag:$0x3] =	stream.linear.gather [hbm4b:s23+s3], $0x400, $0x38;
	[tilespmem:$0x1CF00] =	vst v63  }
0x197: {  	s24 =	smov.u32 s10;
	p0 =	sne.s32 s10, $0x1800;
	_ =	swait.ge [sflag:s14], $0x400  }
0x198: {  	s0 =	sadd.s32 $0x80, s10;
	[sflag:s14] =	ssyncset.done $0x0;
	s2 =	rddreg [dreg:$0x6]  }
0x199: {  	s23 =	simm.s32 $0x400;
	[sflag:s14] =	ssyncadd.s32 $0xFFFFFC00;
	s10 =	sadd.s32 s30, s2  }
0x19a: {  	[tilespmem:s23], [sflag:$0x3] =	stream.linear.gather [hbm4b:s10+s3], $0x400, $0x38;
	[tilespmem:$0x1CF00] =	vst v63  }
0x19b: {  	_ =	swait.ge [sflag:s14], $0x400  }
0x19c: {  	[sflag:s14] =	ssyncset.done $0x0  }
0x19d: {  	s10 =	simm.s32 $0x800;
	[sflag:s14] =	ssyncadd.s32 $0xFFFFFC00  }
0x19e: {  	[tilespmem:s10], [sflag:$0x1] =	stream.indirect.gather [hbm4b:s7+s16], $0x10, s3, s16, $0xb8;
	[tilespmem:$0x1CF00] =	vst v63  }
0x19f: {  	s30 =	smov.u32 s24;
	s24 =	simm.s32 $0x1000  }
0x1a0: {  	[tilespmem:s24], [sflag:$0x1] =	stream.indirect.gather [hbm4b:s7+s16], $0x10, s16, s16, $0xb8;
	[tilespmem:$0x1CF00] =	vst v63  }
0x1a1: {  	s12 =	simm.s32 $0x1800;
	s2 =	simm.s32 $0x100  }
0x1a2: {  	[tilespmem:s12], [sflag:$0x1] =	stream.indirect.gather [hbm4b:s7+s16], $0x10, s2, s16, $0xb8;
	[tilespmem:$0x1CF00] =	vst v63  }
0x1a3: {  	s29 =	simm.s32 $0x2000;
	s4 =	simm.s32 $0x180  }
0x1a4: {  	[tilespmem:s29], [sflag:$0x1] =	stream.indirect.gather [hbm4b:s7+s16], $0x10, s4, s16, $0xb8;
	[tilespmem:$0x1CF00] =	vst v63  }
0x1a5: {  	s31 =	simm.s32 $0x2800;
	s21 =	simm.s32 $0x200  }
0x1a6: {  	[tilespmem:s31], [sflag:$0x1] =	stream.indirect.gather [hbm4b:s7+s16], $0x10, s21, s16, $0xb8;
	[tilespmem:$0x1CF00] =	vst v63  }
0x1a7: {  	s2 =	simm.s32 $0x3000  }
0x1a8: {  	[tilespmem:s2], [sflag:$0x1] =	stream.indirect.gather [hbm4b:s7+s16], $0x10, s19, s16, $0xb8;
	[tilespmem:$0x1CF00] =	vst v63  }
0x1a9: {  	s21 =	simm.s32 $0x3800  }
0x1aa: {  	[tilespmem:s21], [sflag:$0x1] =	stream.indirect.gather [hbm4b:s7+s16], $0x10, s25, s16, $0xb8;
	[tilespmem:$0x1CF00] =	vst v63  }
0x1ab: {  	s4 =	simm.s32 $0x4000  }
0x1ac: {  	[tilespmem:s4], [sflag:$0x1] =	stream.indirect.gather [hbm4b:s7+s16], $0x10, s11, s16, $0xb8;
	[tilespmem:$0x1CF00] =	vst v63  }
0x1ad: {  	_ =	swait.ge [sflag:s22], $0x800  }
0x1ae: {  	[sflag:s22] =	ssyncset.done $0x0  }
0x1af: {  	[sflag:s22] =	ssyncadd.s32 $0xFFFFF800  }
0x1b0: {  	_ =	swait.ge [sflag:s22], $0x800  }
0x1b1: {  	[sflag:s22] =	ssyncset.done $0x0  }
0x1b2: {  	[sflag:s22] =	ssyncadd.s32 $0xFFFFF800  }
0x1b3: {  	_ =	swait.ge [sflag:s22], $0x800  }
0x1b4: {  	[sflag:s22] =	ssyncset.done $0x0  }
0x1b5: {  	[sflag:s22] =	ssyncadd.s32 $0xFFFFF800  }
0x1b6: {  	_ =	swait.ge [sflag:s22], $0x800  }
0x1b7: {  	[sflag:s22] =	ssyncset.done $0x0  }
0x1b8: {  	[sflag:s22] =	ssyncadd.s32 $0xFFFFF800  }
0x1b9: {  	_ =	swait.ge [sflag:s22], $0x800  }
0x1ba: {  	[sflag:s22] =	ssyncset.done $0x0  }
0x1bb: {  	[sflag:s22] =	ssyncadd.s32 $0xFFFFF800  }
0x1bc: {  	_ =	swait.ge [sflag:s22], $0x800  }
0x1bd: {  	[sflag:s22] =	ssyncset.done $0x0  }
0x1be: {  	[sflag:s22] =	ssyncadd.s32 $0xFFFFF800  }
0x1bf: {  	_ =	swait.ge [sflag:s22], $0x800  }
0x1c0: {  	[sflag:s22] =	ssyncset.done $0x0  }
0x1c1: {  	[sflag:s22] =	ssyncadd.s32 $0xFFFFF800  }
0x1c2: {  	_ =	swait.ge [sflag:s22], $0x800  }
0x1c3: {  	[sflag:s22] =	ssyncset.done $0x0  }
0x1c4: {  	[sflag:s22] =	ssyncadd.s32 $0xFFFFF800  }
0x1c5: {  	[spmem:s1] =	stream.indirect.scatter.add.f32 [tilespmem:s10], [sflag:$0x2], $0x10, s23, s16, $0xb8;
	[tilespmem:$0x1CF00] =	vst v63  }
0x1c6: {  	_ = 	snop  }
0x1c7: {  	[spmem:s1] =	stream.indirect.scatter.add.f32 [tilespmem:s24], [sflag:$0x2], $0x10, s17, s16, $0xb8;
	[tilespmem:$0x1CF00] =	vst v63  }
0x1c8: {  	_ = 	snop  }
0x1c9: {  	[spmem:s1] =	stream.indirect.scatter.add.f32 [tilespmem:s12], [sflag:$0x2], $0x10, s18, s16, $0xb8;
	[tilespmem:$0x1CF00] =	vst v63  }
0x1ca: {  	_ = 	snop  }
0x1cb: {  	[spmem:s1] =	stream.indirect.scatter.add.f32 [tilespmem:s29], [sflag:$0x2], $0x10, s20, s16, $0xb8;
	[tilespmem:$0x1CF00] =	vst v63  }
0x1cc: {  	_ = 	snop  }
0x1cd: {  	[spmem:s1] =	stream.indirect.scatter.add.f32 [tilespmem:s31], [sflag:$0x2], $0x10, s15, s16, $0xb8;
	[tilespmem:$0x1CF00] =	vst v63  }
0x1ce: {  	_ = 	snop  }
0x1cf: {  	[spmem:s1] =	stream.indirect.scatter.add.f32 [tilespmem:s2], [sflag:$0x2], $0x10, s26, s16, $0xb8;
	[tilespmem:$0x1CF00] =	vst v63  }
0x1d0: {  	_ = 	snop  }
0x1d1: {  	[spmem:s1] =	stream.indirect.scatter.add.f32 [tilespmem:s21], [sflag:$0x2], $0x10, s5, s16, $0xb8;
	[tilespmem:$0x1CF00] =	vst v63  }
0x1d2: {  	_ = 	snop  }
0x1d3: {  	[spmem:s1] =	stream.indirect.scatter.add.f32 [tilespmem:s4], [sflag:$0x2], $0x10, s13, s16, $0xb8;
	[tilespmem:$0x1CF00] =	vst v63  }
0x1d4: {  	_ =	swait.ge [sflag:s28], $0x800  }
0x1d5: {  	[sflag:s28] =	ssyncset.done $0x0  }
0x1d6: {  	[sflag:s28] =	ssyncadd.s32 $0xFFFFF800  }
0x1d7: {  	_ =	swait.ge [sflag:s28], $0x800  }
0x1d8: {  	[sflag:s28] =	ssyncset.done $0x0  }
0x1d9: {  	[sflag:s28] =	ssyncadd.s32 $0xFFFFF800  }
0x1da: {  	_ =	swait.ge [sflag:s28], $0x800  }
0x1db: {  	[sflag:s28] =	ssyncset.done $0x0  }
0x1dc: {  	[sflag:s28] =	ssyncadd.s32 $0xFFFFF800  }
0x1dd: {  	_ =	swait.ge [sflag:s28], $0x800  }
0x1de: {  	[sflag:s28] =	ssyncset.done $0x0  }
0x1df: {  	[sflag:s28] =	ssyncadd.s32 $0xFFFFF800  }
0x1e0: {  	_ =	swait.ge [sflag:s28], $0x800  }
0x1e1: {  	[sflag:s28] =	ssyncset.done $0x0  }
0x1e2: {  	[sflag:s28] =	ssyncadd.s32 $0xFFFFF800  }
0x1e3: {  	_ =	swait.ge [sflag:s28], $0x800  }
0x1e4: {  	[sflag:s28] =	ssyncset.done $0x0  }
0x1e5: {  	[sflag:s28] =	ssyncadd.s32 $0xFFFFF800  }
.Ltmp1:
0x1e6: {  	_ =	swait.ge [sflag:s28], $0x800;
	(pc) =	sbr.rel @p0 .LBB2_4-.Ltmp1, $4  }
0x1e7: {  	[sflag:s28] =	ssyncset.done $0x0  }
0x1e8: {  	[sflag:s28] =	ssyncadd.s32 $0xFFFFF800  }
0x1e9: {  	_ =	swait.ge [sflag:s28], $0x800  }
0x1ea: {  	s10 =	smov.u32 s0;
	[sflag:s28] =	ssyncset.done $0x0  }
0x1eb: {  	s11 =	rddreg [dreg:$0x7]  }
0x1ec: {  	[sflag:s28] =	ssyncadd.s32 $0xFFFFF800;
	s0 =	sadd.s32 s30, s11  }
0x1ed: {  	[tilespmem:s3], [sflag:$0x3] =	stream.linear.gather [hbm4b:s0+s3], $0x400, $0x38;
	[tilespmem:$0x1CF00] =	vst v63  }
0x1ee: {  	_ =	swait.ge [sflag:s14], $0x400  }
0x1ef: {  	[sflag:s14] =	ssyncset.done $0x0;
	s5 =	rddreg [dreg:$0x6]  }
0x1f0: {  	[sflag:s14] =	ssyncadd.s32 $0xFFFFFC00;
	s2 =	sadd.s32 s30, s5;
	s30 =	simm.s32 $0x400  }
0x1f1: {  	[tilespmem:s30], [sflag:$0x3] =	stream.linear.gather [hbm4b:s2+s3], $0x400, $0x38;
	[tilespmem:$0x1CF00] =	vst v63  }
0x1f2: {  	_ =	swait.ge [sflag:s14], $0x400  }
0x1f3: {  	[sflag:s14] =	ssyncset.done $0x0  }
0x1f4: {  	s17 =	simm.s32 $0x800;
	[sflag:s14] =	ssyncadd.s32 $0xFFFFFC00  }
0x1f5: {  	[tilespmem:s17], [sflag:$0x1] =	stream.indirect.gather [hbm4b:s7+s16], $0x10, s3, s16, $0xb8;
	[tilespmem:$0x1CF00] =	vst v63  }
0x1f6: {  	s18 =	simm.s32 $0x1000  }
0x1f7: {  	[tilespmem:s18], [sflag:$0x1] =	stream.indirect.gather [hbm4b:s7+s16], $0x10, s16, s16, $0xb8;
	[tilespmem:$0x1CF00] =	vst v63  }
0x1f8: {  	s13 =	simm.s32 $0x100;
	s20 =	simm.s32 $0x1800  }
0x1f9: {  	[tilespmem:s20], [sflag:$0x1] =	stream.indirect.gather [hbm4b:s7+s16], $0x10, s13, s16, $0xb8;
	[tilespmem:$0x1CF00] =	vst v63  }
0x1fa: {  	s19 =	simm.s32 $0x180;
	s15 =	simm.s32 $0x2000  }
0x1fb: {  	[tilespmem:s15], [sflag:$0x1] =	stream.indirect.gather [hbm4b:s7+s16], $0x10, s19, s16, $0xb8;
	[tilespmem:$0x1CF00] =	vst v63  }
0x1fc: {  	s25 =	simm.s32 $0x200;
	s26 =	simm.s32 $0x2800  }
0x1fd: {  	[tilespmem:s26], [sflag:$0x1] =	stream.indirect.gather [hbm4b:s7+s16], $0x10, s25, s16, $0xb8;
	[tilespmem:$0x1CF00] =	vst v63  }
0x1fe: {  	s4 =	simm.s32 $0x280;
	s29 =	simm.s32 $0x3000  }
0x1ff: {  	[tilespmem:s29], [sflag:$0x1] =	stream.indirect.gather [hbm4b:s7+s16], $0x10, s4, s16, $0xb8;
	[tilespmem:$0x1CF00] =	vst v63  }
0x200: {  	s10 =	simm.s32 $0x300;
	s2 =	simm.s32 $0x3800  }
0x201: {  	[tilespmem:s2], [sflag:$0x1] =	stream.indirect.gather [hbm4b:s7+s16], $0x10, s10, s16, $0xb8;
	[tilespmem:$0x1CF00] =	vst v63  }
0x202: {  	s12 =	simm.s32 $0x380;
	s21 =	simm.s32 $0x4000  }
0x203: {  	[tilespmem:s21], [sflag:$0x1] =	stream.indirect.gather [hbm4b:s7+s16], $0x10, s12, s16, $0xb8;
	[tilespmem:$0x1CF00] =	vst v63  }
0x204: {  	_ =	swait.ge [sflag:s22], $0x800  }
0x205: {  	[sflag:s22] =	ssyncset.done $0x0  }
0x206: {  	[sflag:s22] =	ssyncadd.s32 $0xFFFFF800  }
0x207: {  	_ =	swait.ge [sflag:s22], $0x800  }
0x208: {  	[sflag:s22] =	ssyncset.done $0x0  }
0x209: {  	[sflag:s22] =	ssyncadd.s32 $0xFFFFF800  }
0x20a: {  	_ =	swait.ge [sflag:s22], $0x800  }
0x20b: {  	[sflag:s22] =	ssyncset.done $0x0  }
0x20c: {  	[sflag:s22] =	ssyncadd.s32 $0xFFFFF800  }
0x20d: {  	_ =	swait.ge [sflag:s22], $0x800  }
0x20e: {  	[sflag:s22] =	ssyncset.done $0x0  }
0x20f: {  	[sflag:s22] =	ssyncadd.s32 $0xFFFFF800  }
0x210: {  	_ =	swait.ge [sflag:s22], $0x800  }
0x211: {  	[sflag:s22] =	ssyncset.done $0x0  }
0x212: {  	[sflag:s22] =	ssyncadd.s32 $0xFFFFF800  }
0x213: {  	_ =	swait.ge [sflag:s22], $0x800  }
0x214: {  	[sflag:s22] =	ssyncset.done $0x0  }
0x215: {  	[sflag:s22] =	ssyncadd.s32 $0xFFFFF800  }
0x216: {  	_ =	swait.ge [sflag:s22], $0x800  }
0x217: {  	[sflag:s22] =	ssyncset.done $0x0  }
0x218: {  	[sflag:s22] =	ssyncadd.s32 $0xFFFFF800  }
0x219: {  	_ =	swait.ge [sflag:s22], $0x800  }
0x21a: {  	[sflag:s22] =	ssyncset.done $0x0  }
0x21b: {  	[sflag:s22] =	ssyncadd.s32 $0xFFFFF800  }
0x21c: {  	[spmem:s1] =	stream.indirect.scatter.add.f32 [tilespmem:s17], [sflag:$0x2], $0x10, s30, s16, $0xb8;
	[tilespmem:$0x1CF00] =	vst v63  }
0x21d: {  	s23 =	simm.s32 $0x480  }
0x21e: {  	[spmem:s1] =	stream.indirect.scatter.add.f32 [tilespmem:s18], [sflag:$0x2], $0x10, s23, s16, $0xb8;
	[tilespmem:$0x1CF00] =	vst v63  }
0x21f: {  	s24 =	simm.s32 $0x500  }
0x220: {  	[spmem:s1] =	stream.indirect.scatter.add.f32 [tilespmem:s20], [sflag:$0x2], $0x10, s24, s16, $0xb8;
	[tilespmem:$0x1CF00] =	vst v63  }
0x221: {  	s31 =	simm.s32 $0x580  }
0x222: {  	[spmem:s1] =	stream.indirect.scatter.add.f32 [tilespmem:s15], [sflag:$0x2], $0x10, s31, s16, $0xb8;
	[tilespmem:$0x1CF00] =	vst v63  }
0x223: {  	s12 =	simm.s32 $0x600  }
0x224: {  	[spmem:s1] =	stream.indirect.scatter.add.f32 [tilespmem:s26], [sflag:$0x2], $0x10, s12, s16, $0xb8;
	[tilespmem:$0x1CF00] =	vst v63  }
0x225: {  	s4 =	simm.s32 $0x680  }
0x226: {  	[spmem:s1] =	stream.indirect.scatter.add.f32 [tilespmem:s29], [sflag:$0x2], $0x10, s4, s16, $0xb8;
	[tilespmem:$0x1CF00] =	vst v63  }
0x227: {  	s31 =	simm.s32 $0x700  }
0x228: {  	[spmem:s1] =	stream.indirect.scatter.add.f32 [tilespmem:s2], [sflag:$0x2], $0x10, s31, s16, $0xb8;
	[tilespmem:$0x1CF00] =	vst v63  }
0x229: {  	s10 =	simm.s32 $0x780  }
0x22a: {  	[spmem:s1] =	stream.indirect.scatter.add.f32 [tilespmem:s21], [sflag:$0x2], $0x10, s10, s16, $0xb8;
	[tilespmem:$0x1CF00] =	vst v63  }
0x22b: {  	_ =	swait.ge [sflag:s28], $0x800  }
0x22c: {  	[sflag:s28] =	ssyncset.done $0x0  }
0x22d: {  	[sflag:s28] =	ssyncadd.s32 $0xFFFFF800  }
0x22e: {  	_ =	swait.ge [sflag:s28], $0x800  }
0x22f: {  	[sflag:s28] =	ssyncset.done $0x0  }
0x230: {  	[sflag:s28] =	ssyncadd.s32 $0xFFFFF800  }
0x231: {  	_ =	swait.ge [sflag:s28], $0x800  }
0x232: {  	[sflag:s28] =	ssyncset.done $0x0  }
0x233: {  	[sflag:s28] =	ssyncadd.s32 $0xFFFFF800  }
0x234: {  	_ =	swait.ge [sflag:s28], $0x800  }
0x235: {  	[sflag:s28] =	ssyncset.done $0x0  }
0x236: {  	[sflag:s28] =	ssyncadd.s32 $0xFFFFF800  }
0x237: {  	_ =	swait.ge [sflag:s28], $0x800  }
0x238: {  	[sflag:s28] =	ssyncset.done $0x0  }
0x239: {  	[sflag:s28] =	ssyncadd.s32 $0xFFFFF800  }
0x23a: {  	_ =	swait.ge [sflag:s28], $0x800  }
0x23b: {  	[sflag:s28] =	ssyncset.done $0x0  }
0x23c: {  	[sflag:s28] =	ssyncadd.s32 $0xFFFFF800  }
0x23d: {  	_ =	swait.ge [sflag:s28], $0x800  }
0x23e: {  	[sflag:s28] =	ssyncset.done $0x0  }
0x23f: {  	[sflag:s28] =	ssyncadd.s32 $0xFFFFF800  }
0x240: {  	_ =	swait.ge [sflag:s28], $0x800  }
0x241: {  	[sflag:s28] =	ssyncset.done $0x0  }
0x242: {  	[sflag:s28] =	ssyncadd.s32 $0xFFFFF800  }
0x243: {  	[bflag:$0x0] =	sbarrier.arrive $0xFFFF  }
0x244: {  	s24 =	simm.s32 $0x4800;
	s23 =	rddreg [dreg:$0x9]  }
0x245: {  	[tilespmem:s24], [sflag:$0x3] =	stream.linear.gather [spmem:s23], $0xC380, $0x38;
	[tilespmem:$0x1CF00] =	vst v63  }
0x246: {  	_ =	swait.ge [sflag:s14], $0xC380  }
0x247: {  	[sflag:s14] =	ssyncset.done $0x0  }
0x248: {  	s0 =	simm.s32 $0x0;
	s4 =	rddreg [dreg:$0xc];
	[sflag:s14] =	ssyncadd.s32 $0xFFFF3C80  }
0x249: {  	[hbm4b:s4+s0] =	stream.linear.scatter [tilespmem:s24], [sflag:$0x3], $0xC380, $0x38;
	[tilespmem:$0x1CF00] =	vst v63  }
0x24a: {  	_ =	swait.ge [sflag:s14], $0xC380  }
0x24b: {  	[sflag:s14] =	ssyncset.done $0x0  }
0x24c: {  	[sflag:s14] =	ssyncadd.s32 $0xFFFF3C80  }
0x24d: {  	[bflag:$0x0] =	sbarrier.arrive $0xFFFF  }
0x24e: {  	s10 =	rddreg [dreg:$0x8]  }
0x24f: {  	[tilespmem:s24], [sflag:$0x3] =	stream.linear.gather [hbm4b:s10+s0], $0xC380, $0x38;
	[tilespmem:$0x1CF00] =	vst v63  }
0x250: {  	_ =	swait.ge [sflag:s14], $0xC380  }
0x251: {  	[sflag:s14] =	ssyncset.done $0x0  }
0x252: {  	[sflag:s14] =	ssyncadd.s32 $0xFFFF3C80  }
0x253: {  	[spmem:s23] =	stream.linear.scatter [tilespmem:s24], [sflag:$0x3], $0xC380, $0x38;
	[tilespmem:$0x1CF00] =	vst v63  }
0x254: {  	_ =	swait.ge [sflag:s14], $0xC380  }
0x255: {  	[sflag:s14] =	ssyncset.done $0x0  }
0x256: {  	[sflag:s14] =	ssyncadd.s32 $0xFFFF3C80  }
0x257: {  	s23 =	sadd.s32 $0x0, s11;
	[bflag:$0x0] =	sbarrier.arrive $0xFFFF  }
0x258: {  	[tilespmem:s3], [sflag:$0x3] =	stream.linear.gather [hbm4b:s23+s3], $0x400, $0x38;
	[tilespmem:$0x1CF00] =	vst v63  }
0x259: {  	_ =	swait.ge [sflag:s14], $0x400  }
0x25a: {  	[sflag:s14] =	ssyncset.done $0x0  }
0x25b: {  	s24 =	sadd.s32 $0x0, s5;
	[sflag:s14] =	ssyncadd.s32 $0xFFFFFC00  }
0x25c: {  	[tilespmem:s30], [sflag:$0x3] =	stream.linear.gather [hbm4b:s24+s3], $0x400, $0x38;
	[tilespmem:$0x1CF00] =	vst v63  }
0x25d: {  	_ =	swait.ge [sflag:s14], $0x400  }
0x25e: {  	[sflag:s14] =	ssyncset.done $0x0  }
0x25f: {  	[sflag:s14] =	ssyncadd.s32 $0xFFFFFC00  }
0x260: {  	[tilespmem:s17], [sflag:$0x1] =	stream.indirect.gather [hbm4b:s8+s16], $0x10, s3, s16, $0xb8;
	[tilespmem:$0x1CF00] =	vst v63  }
0x261: {  	_ = 	snop  }
0x262: {  	[tilespmem:s18], [sflag:$0x1] =	stream.indirect.gather [hbm4b:s8+s16], $0x10, s16, s16, $0xb8;
	[tilespmem:$0x1CF00] =	vst v63  }
0x263: {  	_ = 	snop  }
0x264: {  	[tilespmem:s20], [sflag:$0x1] =	stream.indirect.gather [hbm4b:s8+s16], $0x10, s13, s16, $0xb8;
	[tilespmem:$0x1CF00] =	vst v63  }
0x265: {  	_ = 	snop  }
0x266: {  	[tilespmem:s15], [sflag:$0x1] =	stream.indirect.gather [hbm4b:s8+s16], $0x10, s19, s16, $0xb8;
	[tilespmem:$0x1CF00] =	vst v63  }
0x267: {  	_ = 	snop  }
0x268: {  	[tilespmem:s26], [sflag:$0x1] =	stream.indirect.gather [hbm4b:s8+s16], $0x10, s25, s16, $0xb8;
	[tilespmem:$0x1CF00] =	vst v63  }
0x269: {  	s25 =	simm.s32 $0x280  }
0x26a: {  	[tilespmem:s29], [sflag:$0x1] =	stream.indirect.gather [hbm4b:s8+s16], $0x10, s25, s16, $0xb8;
	[tilespmem:$0x1CF00] =	vst v63  }
0x26b: {  	s4 =	simm.s32 $0x300  }
0x26c: {  	[tilespmem:s2], [sflag:$0x1] =	stream.indirect.gather [hbm4b:s8+s16], $0x10, s4, s16, $0xb8;
	[tilespmem:$0x1CF00] =	vst v63  }
0x26d: {  	s5 =	simm.s32 $0x380  }
0x26e: {  	[tilespmem:s21], [sflag:$0x1] =	stream.indirect.gather [hbm4b:s8+s16], $0x10, s5, s16, $0xb8;
	[tilespmem:$0x1CF00] =	vst v63  }
0x26f: {  	_ =	swait.ge [sflag:s22], $0x800  }
0x270: {  	[sflag:s22] =	ssyncset.done $0x0  }
0x271: {  	[sflag:s22] =	ssyncadd.s32 $0xFFFFF800  }
0x272: {  	_ =	swait.ge [sflag:s22], $0x800  }
0x273: {  	[sflag:s22] =	ssyncset.done $0x0  }
0x274: {  	[sflag:s22] =	ssyncadd.s32 $0xFFFFF800  }
0x275: {  	_ =	swait.ge [sflag:s22], $0x800  }
0x276: {  	[sflag:s22] =	ssyncset.done $0x0  }
0x277: {  	[sflag:s22] =	ssyncadd.s32 $0xFFFFF800  }
0x278: {  	_ =	swait.ge [sflag:s22], $0x800  }
0x279: {  	[sflag:s22] =	ssyncset.done $0x0  }
0x27a: {  	[sflag:s22] =	ssyncadd.s32 $0xFFFFF800  }
0x27b: {  	_ =	swait.ge [sflag:s22], $0x800  }
0x27c: {  	[sflag:s22] =	ssyncset.done $0x0  }
0x27d: {  	[sflag:s22] =	ssyncadd.s32 $0xFFFFF800  }
0x27e: {  	_ =	swait.ge [sflag:s22], $0x800  }
0x27f: {  	[sflag:s22] =	ssyncset.done $0x0  }
0x280: {  	[sflag:s22] =	ssyncadd.s32 $0xFFFFF800  }
0x281: {  	_ =	swait.ge [sflag:s22], $0x800  }
0x282: {  	[sflag:s22] =	ssyncset.done $0x0  }
0x283: {  	[sflag:s22] =	ssyncadd.s32 $0xFFFFF800  }
0x284: {  	_ =	swait.ge [sflag:s22], $0x800  }
0x285: {  	[sflag:s22] =	ssyncset.done $0x0  }
0x286: {  	[sflag:s22] =	ssyncadd.s32 $0xFFFFF800  }
0x287: {  	[spmem:s1] =	stream.indirect.scatter.add.f32 [tilespmem:s17], [sflag:$0x2], $0x10, s30, s16, $0xb8;
	[tilespmem:$0x1CF00] =	vst v63  }
0x288: {  	s10 =	simm.s32 $0x480  }
0x289: {  	[spmem:s1] =	stream.indirect.scatter.add.f32 [tilespmem:s18], [sflag:$0x2], $0x10, s10, s16, $0xb8;
	[tilespmem:$0x1CF00] =	vst v63  }
0x28a: {  	s13 =	simm.s32 $0x500  }
0x28b: {  	[spmem:s1] =	stream.indirect.scatter.add.f32 [tilespmem:s20], [sflag:$0x2], $0x10, s13, s16, $0xb8;
	[tilespmem:$0x1CF00] =	vst v63  }
0x28c: {  	s23 =	simm.s32 $0x580  }
0x28d: {  	[spmem:s1] =	stream.indirect.scatter.add.f32 [tilespmem:s15], [sflag:$0x2], $0x10, s23, s16, $0xb8;
	[tilespmem:$0x1CF00] =	vst v63  }
0x28e: {  	_ = 	snop  }
0x28f: {  	[spmem:s1] =	stream.indirect.scatter.add.f32 [tilespmem:s26], [sflag:$0x2], $0x10, s12, s16, $0xb8;
	[tilespmem:$0x1CF00] =	vst v63  }
0x290: {  	s24 =	simm.s32 $0x680  }
0x291: {  	[spmem:s1] =	stream.indirect.scatter.add.f32 [tilespmem:s29], [sflag:$0x2], $0x10, s24, s16, $0xb8;
	[tilespmem:$0x1CF00] =	vst v63  }
0x292: {  	_ = 	snop  }
0x293: {  	[spmem:s1] =	stream.indirect.scatter.add.f32 [tilespmem:s2], [sflag:$0x2], $0x10, s31, s16, $0xb8;
	[tilespmem:$0x1CF00] =	vst v63  }
0x294: {  	s31 =	simm.s32 $0x780  }
0x295: {  	[spmem:s1] =	stream.indirect.scatter.add.f32 [tilespmem:s21], [sflag:$0x2], $0x10, s31, s16, $0xb8;
	[tilespmem:$0x1CF00] =	vst v63  }
0x296: {  	_ =	swait.ge [sflag:s28], $0x800  }
0x297: {  	[sflag:s28] =	ssyncset.done $0x0  }
0x298: {  	[sflag:s28] =	ssyncadd.s32 $0xFFFFF800  }
0x299: {  	_ =	swait.ge [sflag:s28], $0x800  }
0x29a: {  	[sflag:s28] =	ssyncset.done $0x0  }
0x29b: {  	[sflag:s28] =	ssyncadd.s32 $0xFFFFF800  }
0x29c: {  	_ =	swait.ge [sflag:s28], $0x800  }
0x29d: {  	[sflag:s28] =	ssyncset.done $0x0  }
0x29e: {  	[sflag:s28] =	ssyncadd.s32 $0xFFFFF800  }
0x29f: {  	_ =	swait.ge [sflag:s28], $0x800  }
0x2a0: {  	[sflag:s28] =	ssyncset.done $0x0  }
0x2a1: {  	[sflag:s28] =	ssyncadd.s32 $0xFFFFF800  }
0x2a2: {  	_ =	swait.ge [sflag:s28], $0x800  }
0x2a3: {  	[sflag:s28] =	ssyncset.done $0x0  }
0x2a4: {  	[sflag:s28] =	ssyncadd.s32 $0xFFFFF800  }
0x2a5: {  	_ =	swait.ge [sflag:s28], $0x800  }
0x2a6: {  	[sflag:s28] =	ssyncset.done $0x0  }
0x2a7: {  	s11 =	simm.s32 $0x380;
	s19 =	simm.s32 $0x280;
	[sflag:s28] =	ssyncadd.s32 $0xFFFFF800  }
0x2a8: {  	s25 =	simm.s32 $0x300;
	s5 =	simm.s32 $0x700;
	_ =	swait.ge [sflag:s28], $0x800  }
0x2a9: {  	s17 =	simm.s32 $0x480;
	s30 =	simm.s32 $0x80;
	[sflag:s28] =	ssyncset.done $0x0  }
0x2aa: {  	s18 =	simm.s32 $0x500;
	s10 =	simm.s32 $0x100;
	[sflag:s28] =	ssyncadd.s32 $0xFFFFF800  }
0x2ab: {  	s20 =	simm.s32 $0x580;
	s13 =	simm.s32 $0x780;
	_ =	swait.ge [sflag:s28], $0x800  }
0x2ac: {  	s15 =	simm.s32 $0x600;
	s26 =	simm.s32 $0x680;
	[sflag:s28] =	ssyncset.done $0x0  }
.LBB2_6:
0x2ad: {  	s0 =	rddreg [dreg:$0x7]  }
0x2ae: {  	[sflag:s28] =	ssyncadd.s32 $0xFFFFF800;
	s23 =	sadd.s32 s30, s0  }
0x2af: {  	[tilespmem:s3], [sflag:$0x3] =	stream.linear.gather [hbm4b:s23+s3], $0x400, $0x38;
	[tilespmem:$0x1CF00] =	vst v63  }
0x2b0: {  	s24 =	smov.u32 s10;
	p0 =	sne.s32 s10, $0x1800;
	_ =	swait.ge [sflag:s14], $0x400  }
0x2b1: {  	s0 =	sadd.s32 $0x80, s10;
	[sflag:s14] =	ssyncset.done $0x0;
	s2 =	rddreg [dreg:$0x6]  }
0x2b2: {  	s23 =	simm.s32 $0x400;
	[sflag:s14] =	ssyncadd.s32 $0xFFFFFC00;
	s10 =	sadd.s32 s30, s2  }
0x2b3: {  	[tilespmem:s23], [sflag:$0x3] =	stream.linear.gather [hbm4b:s10+s3], $0x400, $0x38;
	[tilespmem:$0x1CF00] =	vst v63  }
0x2b4: {  	_ =	swait.ge [sflag:s14], $0x400  }
0x2b5: {  	[sflag:s14] =	ssyncset.done $0x0  }
0x2b6: {  	s10 =	simm.s32 $0x800;
	[sflag:s14] =	ssyncadd.s32 $0xFFFFFC00  }
0x2b7: {  	[tilespmem:s10], [sflag:$0x1] =	stream.indirect.gather [hbm4b:s8+s16], $0x10, s3, s16, $0xb8;
	[tilespmem:$0x1CF00] =	vst v63  }
0x2b8: {  	s30 =	smov.u32 s24;
	s24 =	simm.s32 $0x1000  }
0x2b9: {  	[tilespmem:s24], [sflag:$0x1] =	stream.indirect.gather [hbm4b:s8+s16], $0x10, s16, s16, $0xb8;
	[tilespmem:$0x1CF00] =	vst v63  }
0x2ba: {  	s12 =	simm.s32 $0x1800;
	s2 =	simm.s32 $0x100  }
0x2bb: {  	[tilespmem:s12], [sflag:$0x1] =	stream.indirect.gather [hbm4b:s8+s16], $0x10, s2, s16, $0xb8;
	[tilespmem:$0x1CF00] =	vst v63  }
0x2bc: {  	s29 =	simm.s32 $0x2000;
	s4 =	simm.s32 $0x180  }
0x2bd: {  	[tilespmem:s29], [sflag:$0x1] =	stream.indirect.gather [hbm4b:s8+s16], $0x10, s4, s16, $0xb8;
	[tilespmem:$0x1CF00] =	vst v63  }
0x2be: {  	s31 =	simm.s32 $0x2800;
	s21 =	simm.s32 $0x200  }
0x2bf: {  	[tilespmem:s31], [sflag:$0x1] =	stream.indirect.gather [hbm4b:s8+s16], $0x10, s21, s16, $0xb8;
	[tilespmem:$0x1CF00] =	vst v63  }
0x2c0: {  	s2 =	simm.s32 $0x3000  }
0x2c1: {  	[tilespmem:s2], [sflag:$0x1] =	stream.indirect.gather [hbm4b:s8+s16], $0x10, s19, s16, $0xb8;
	[tilespmem:$0x1CF00] =	vst v63  }
0x2c2: {  	s21 =	simm.s32 $0x3800  }
0x2c3: {  	[tilespmem:s21], [sflag:$0x1] =	stream.indirect.gather [hbm4b:s8+s16], $0x10, s25, s16, $0xb8;
	[tilespmem:$0x1CF00] =	vst v63  }
0x2c4: {  	s4 =	simm.s32 $0x4000  }
0x2c5: {  	[tilespmem:s4], [sflag:$0x1] =	stream.indirect.gather [hbm4b:s8+s16], $0x10, s11, s16, $0xb8;
	[tilespmem:$0x1CF00] =	vst v63  }
0x2c6: {  	_ =	swait.ge [sflag:s22], $0x800  }
0x2c7: {  	[sflag:s22] =	ssyncset.done $0x0  }
0x2c8: {  	[sflag:s22] =	ssyncadd.s32 $0xFFFFF800  }
0x2c9: {  	_ =	swait.ge [sflag:s22], $0x800  }
0x2ca: {  	[sflag:s22] =	ssyncset.done $0x0  }
0x2cb: {  	[sflag:s22] =	ssyncadd.s32 $0xFFFFF800  }
0x2cc: {  	_ =	swait.ge [sflag:s22], $0x800  }
0x2cd: {  	[sflag:s22] =	ssyncset.done $0x0  }
0x2ce: {  	[sflag:s22] =	ssyncadd.s32 $0xFFFFF800  }
0x2cf: {  	_ =	swait.ge [sflag:s22], $0x800  }
0x2d0: {  	[sflag:s22] =	ssyncset.done $0x0  }
0x2d1: {  	[sflag:s22] =	ssyncadd.s32 $0xFFFFF800  }
0x2d2: {  	_ =	swait.ge [sflag:s22], $0x800  }
0x2d3: {  	[sflag:s22] =	ssyncset.done $0x0  }
0x2d4: {  	[sflag:s22] =	ssyncadd.s32 $0xFFFFF800  }
0x2d5: {  	_ =	swait.ge [sflag:s22], $0x800  }
0x2d6: {  	[sflag:s22] =	ssyncset.done $0x0  }
0x2d7: {  	[sflag:s22] =	ssyncadd.s32 $0xFFFFF800  }
0x2d8: {  	_ =	swait.ge [sflag:s22], $0x800  }
0x2d9: {  	[sflag:s22] =	ssyncset.done $0x0  }
0x2da: {  	[sflag:s22] =	ssyncadd.s32 $0xFFFFF800  }
0x2db: {  	_ =	swait.ge [sflag:s22], $0x800  }
0x2dc: {  	[sflag:s22] =	ssyncset.done $0x0  }
0x2dd: {  	[sflag:s22] =	ssyncadd.s32 $0xFFFFF800  }
0x2de: {  	[spmem:s1] =	stream.indirect.scatter.add.f32 [tilespmem:s10], [sflag:$0x2], $0x10, s23, s16, $0xb8;
	[tilespmem:$0x1CF00] =	vst v63  }
0x2df: {  	_ = 	snop  }
0x2e0: {  	[spmem:s1] =	stream.indirect.scatter.add.f32 [tilespmem:s24], [sflag:$0x2], $0x10, s17, s16, $0xb8;
	[tilespmem:$0x1CF00] =	vst v63  }
0x2e1: {  	_ = 	snop  }
0x2e2: {  	[spmem:s1] =	stream.indirect.scatter.add.f32 [tilespmem:s12], [sflag:$0x2], $0x10, s18, s16, $0xb8;
	[tilespmem:$0x1CF00] =	vst v63  }
0x2e3: {  	_ = 	snop  }
0x2e4: {  	[spmem:s1] =	stream.indirect.scatter.add.f32 [tilespmem:s29], [sflag:$0x2], $0x10, s20, s16, $0xb8;
	[tilespmem:$0x1CF00] =	vst v63  }
0x2e5: {  	_ = 	snop  }
0x2e6: {  	[spmem:s1] =	stream.indirect.scatter.add.f32 [tilespmem:s31], [sflag:$0x2], $0x10, s15, s16, $0xb8;
	[tilespmem:$0x1CF00] =	vst v63  }
0x2e7: {  	_ = 	snop  }
0x2e8: {  	[spmem:s1] =	stream.indirect.scatter.add.f32 [tilespmem:s2], [sflag:$0x2], $0x10, s26, s16, $0xb8;
	[tilespmem:$0x1CF00] =	vst v63  }
0x2e9: {  	_ = 	snop  }
0x2ea: {  	[spmem:s1] =	stream.indirect.scatter.add.f32 [tilespmem:s21], [sflag:$0x2], $0x10, s5, s16, $0xb8;
	[tilespmem:$0x1CF00] =	vst v63  }
0x2eb: {  	_ = 	snop  }
0x2ec: {  	[spmem:s1] =	stream.indirect.scatter.add.f32 [tilespmem:s4], [sflag:$0x2], $0x10, s13, s16, $0xb8;
	[tilespmem:$0x1CF00] =	vst v63  }
0x2ed: {  	_ =	swait.ge [sflag:s28], $0x800  }
0x2ee: {  	[sflag:s28] =	ssyncset.done $0x0  }
0x2ef: {  	[sflag:s28] =	ssyncadd.s32 $0xFFFFF800  }
0x2f0: {  	_ =	swait.ge [sflag:s28], $0x800  }
0x2f1: {  	[sflag:s28] =	ssyncset.done $0x0  }
0x2f2: {  	[sflag:s28] =	ssyncadd.s32 $0xFFFFF800  }
0x2f3: {  	_ =	swait.ge [sflag:s28], $0x800  }
0x2f4: {  	[sflag:s28] =	ssyncset.done $0x0  }
0x2f5: {  	[sflag:s28] =	ssyncadd.s32 $0xFFFFF800  }
0x2f6: {  	_ =	swait.ge [sflag:s28], $0x800  }
0x2f7: {  	[sflag:s28] =	ssyncset.done $0x0  }
0x2f8: {  	[sflag:s28] =	ssyncadd.s32 $0xFFFFF800  }
0x2f9: {  	_ =	swait.ge [sflag:s28], $0x800  }
0x2fa: {  	[sflag:s28] =	ssyncset.done $0x0  }
0x2fb: {  	[sflag:s28] =	ssyncadd.s32 $0xFFFFF800  }
0x2fc: {  	_ =	swait.ge [sflag:s28], $0x800  }
0x2fd: {  	[sflag:s28] =	ssyncset.done $0x0  }
0x2fe: {  	[sflag:s28] =	ssyncadd.s32 $0xFFFFF800  }
.Ltmp2:
0x2ff: {  	_ =	swait.ge [sflag:s28], $0x800;
	(pc) =	sbr.rel @p0 .LBB2_6-.Ltmp2, $4  }
0x300: {  	[sflag:s28] =	ssyncset.done $0x0  }
0x301: {  	[sflag:s28] =	ssyncadd.s32 $0xFFFFF800  }
0x302: {  	_ =	swait.ge [sflag:s28], $0x800  }
0x303: {  	s10 =	smov.u32 s0;
	[sflag:s28] =	ssyncset.done $0x0  }
0x304: {  	s11 =	rddreg [dreg:$0x7]  }
0x305: {  	[sflag:s28] =	ssyncadd.s32 $0xFFFFF800;
	s0 =	sadd.s32 s30, s11  }
0x306: {  	[tilespmem:s3], [sflag:$0x3] =	stream.linear.gather [hbm4b:s0+s3], $0x400, $0x38;
	[tilespmem:$0x1CF00] =	vst v63  }
0x307: {  	_ =	swait.ge [sflag:s14], $0x400  }
0x308: {  	[sflag:s14] =	ssyncset.done $0x0;
	s5 =	rddreg [dreg:$0x6]  }
0x309: {  	[sflag:s14] =	ssyncadd.s32 $0xFFFFFC00;
	s2 =	sadd.s32 s30, s5;
	s30 =	simm.s32 $0x400  }
0x30a: {  	[tilespmem:s30], [sflag:$0x3] =	stream.linear.gather [hbm4b:s2+s3], $0x400, $0x38;
	[tilespmem:$0x1CF00] =	vst v63  }
0x30b: {  	_ =	swait.ge [sflag:s14], $0x400  }
0x30c: {  	[sflag:s14] =	ssyncset.done $0x0  }
0x30d: {  	s17 =	simm.s32 $0x800;
	[sflag:s14] =	ssyncadd.s32 $0xFFFFFC00  }
0x30e: {  	[tilespmem:s17], [sflag:$0x1] =	stream.indirect.gather [hbm4b:s8+s16], $0x10, s3, s16, $0xb8;
	[tilespmem:$0x1CF00] =	vst v63  }
0x30f: {  	s18 =	simm.s32 $0x1000  }
0x310: {  	[tilespmem:s18], [sflag:$0x1] =	stream.indirect.gather [hbm4b:s8+s16], $0x10, s16, s16, $0xb8;
	[tilespmem:$0x1CF00] =	vst v63  }
0x311: {  	s13 =	simm.s32 $0x100;
	s20 =	simm.s32 $0x1800  }
0x312: {  	[tilespmem:s20], [sflag:$0x1] =	stream.indirect.gather [hbm4b:s8+s16], $0x10, s13, s16, $0xb8;
	[tilespmem:$0x1CF00] =	vst v63  }
0x313: {  	s19 =	simm.s32 $0x180;
	s15 =	simm.s32 $0x2000  }
0x314: {  	[tilespmem:s15], [sflag:$0x1] =	stream.indirect.gather [hbm4b:s8+s16], $0x10, s19, s16, $0xb8;
	[tilespmem:$0x1CF00] =	vst v63  }
0x315: {  	s25 =	simm.s32 $0x200;
	s26 =	simm.s32 $0x2800  }
0x316: {  	[tilespmem:s26], [sflag:$0x1] =	stream.indirect.gather [hbm4b:s8+s16], $0x10, s25, s16, $0xb8;
	[tilespmem:$0x1CF00] =	vst v63  }
0x317: {  	s4 =	simm.s32 $0x280;
	s29 =	simm.s32 $0x3000  }
0x318: {  	[tilespmem:s29], [sflag:$0x1] =	stream.indirect.gather [hbm4b:s8+s16], $0x10, s4, s16, $0xb8;
	[tilespmem:$0x1CF00] =	vst v63  }
0x319: {  	s10 =	simm.s32 $0x300;
	s2 =	simm.s32 $0x3800  }
0x31a: {  	[tilespmem:s2], [sflag:$0x1] =	stream.indirect.gather [hbm4b:s8+s16], $0x10, s10, s16, $0xb8;
	[tilespmem:$0x1CF00] =	vst v63  }
0x31b: {  	s12 =	simm.s32 $0x380;
	s21 =	simm.s32 $0x4000  }
0x31c: {  	[tilespmem:s21], [sflag:$0x1] =	stream.indirect.gather [hbm4b:s8+s16], $0x10, s12, s16, $0xb8;
	[tilespmem:$0x1CF00] =	vst v63  }
0x31d: {  	_ =	swait.ge [sflag:s22], $0x800  }
0x31e: {  	[sflag:s22] =	ssyncset.done $0x0  }
0x31f: {  	[sflag:s22] =	ssyncadd.s32 $0xFFFFF800  }
0x320: {  	_ =	swait.ge [sflag:s22], $0x800  }
0x321: {  	[sflag:s22] =	ssyncset.done $0x0  }
0x322: {  	[sflag:s22] =	ssyncadd.s32 $0xFFFFF800  }
0x323: {  	_ =	swait.ge [sflag:s22], $0x800  }
0x324: {  	[sflag:s22] =	ssyncset.done $0x0  }
0x325: {  	[sflag:s22] =	ssyncadd.s32 $0xFFFFF800  }
0x326: {  	_ =	swait.ge [sflag:s22], $0x800  }
0x327: {  	[sflag:s22] =	ssyncset.done $0x0  }
0x328: {  	[sflag:s22] =	ssyncadd.s32 $0xFFFFF800  }
0x329: {  	_ =	swait.ge [sflag:s22], $0x800  }
0x32a: {  	[sflag:s22] =	ssyncset.done $0x0  }
0x32b: {  	[sflag:s22] =	ssyncadd.s32 $0xFFFFF800  }
0x32c: {  	_ =	swait.ge [sflag:s22], $0x800  }
0x32d: {  	[sflag:s22] =	ssyncset.done $0x0  }
0x32e: {  	[sflag:s22] =	ssyncadd.s32 $0xFFFFF800  }
0x32f: {  	_ =	swait.ge [sflag:s22], $0x800  }
0x330: {  	[sflag:s22] =	ssyncset.done $0x0  }
0x331: {  	[sflag:s22] =	ssyncadd.s32 $0xFFFFF800  }
0x332: {  	_ =	swait.ge [sflag:s22], $0x800  }
0x333: {  	[sflag:s22] =	ssyncset.done $0x0  }
0x334: {  	[sflag:s22] =	ssyncadd.s32 $0xFFFFF800  }
0x335: {  	[spmem:s1] =	stream.indirect.scatter.add.f32 [tilespmem:s17], [sflag:$0x2], $0x10, s30, s16, $0xb8;
	[tilespmem:$0x1CF00] =	vst v63  }
0x336: {  	s23 =	simm.s32 $0x480  }
0x337: {  	[spmem:s1] =	stream.indirect.scatter.add.f32 [tilespmem:s18], [sflag:$0x2], $0x10, s23, s16, $0xb8;
	[tilespmem:$0x1CF00] =	vst v63  }
0x338: {  	s24 =	simm.s32 $0x500  }
0x339: {  	[spmem:s1] =	stream.indirect.scatter.add.f32 [tilespmem:s20], [sflag:$0x2], $0x10, s24, s16, $0xb8;
	[tilespmem:$0x1CF00] =	vst v63  }
0x33a: {  	s31 =	simm.s32 $0x580  }
0x33b: {  	[spmem:s1] =	stream.indirect.scatter.add.f32 [tilespmem:s15], [sflag:$0x2], $0x10, s31, s16, $0xb8;
	[tilespmem:$0x1CF00] =	vst v63  }
0x33c: {  	s12 =	simm.s32 $0x600  }
0x33d: {  	[spmem:s1] =	stream.indirect.scatter.add.f32 [tilespmem:s26], [sflag:$0x2], $0x10, s12, s16, $0xb8;
	[tilespmem:$0x1CF00] =	vst v63  }
0x33e: {  	s4 =	simm.s32 $0x680  }
0x33f: {  	[spmem:s1] =	stream.indirect.scatter.add.f32 [tilespmem:s29], [sflag:$0x2], $0x10, s4, s16, $0xb8;
	[tilespmem:$0x1CF00] =	vst v63  }
0x340: {  	s31 =	simm.s32 $0x700  }
0x341: {  	[spmem:s1] =	stream.indirect.scatter.add.f32 [tilespmem:s2], [sflag:$0x2], $0x10, s31, s16, $0xb8;
	[tilespmem:$0x1CF00] =	vst v63  }
0x342: {  	s10 =	simm.s32 $0x780  }
0x343: {  	[spmem:s1] =	stream.indirect.scatter.add.f32 [tilespmem:s21], [sflag:$0x2], $0x10, s10, s16, $0xb8;
	[tilespmem:$0x1CF00] =	vst v63  }
0x344: {  	_ =	swait.ge [sflag:s28], $0x800  }
0x345: {  	[sflag:s28] =	ssyncset.done $0x0  }
0x346: {  	[sflag:s28] =	ssyncadd.s32 $0xFFFFF800  }
0x347: {  	_ =	swait.ge [sflag:s28], $0x800  }
0x348: {  	[sflag:s28] =	ssyncset.done $0x0  }
0x349: {  	[sflag:s28] =	ssyncadd.s32 $0xFFFFF800  }
0x34a: {  	_ =	swait.ge [sflag:s28], $0x800  }
0x34b: {  	[sflag:s28] =	ssyncset.done $0x0  }
0x34c: {  	[sflag:s28] =	ssyncadd.s32 $0xFFFFF800  }
0x34d: {  	_ =	swait.ge [sflag:s28], $0x800  }
0x34e: {  	[sflag:s28] =	ssyncset.done $0x0  }
0x34f: {  	[sflag:s28] =	ssyncadd.s32 $0xFFFFF800  }
0x350: {  	_ =	swait.ge [sflag:s28], $0x800  }
0x351: {  	[sflag:s28] =	ssyncset.done $0x0  }
0x352: {  	[sflag:s28] =	ssyncadd.s32 $0xFFFFF800  }
0x353: {  	_ =	swait.ge [sflag:s28], $0x800  }
0x354: {  	[sflag:s28] =	ssyncset.done $0x0  }
0x355: {  	[sflag:s28] =	ssyncadd.s32 $0xFFFFF800  }
0x356: {  	_ =	swait.ge [sflag:s28], $0x800  }
0x357: {  	[sflag:s28] =	ssyncset.done $0x0  }
0x358: {  	[sflag:s28] =	ssyncadd.s32 $0xFFFFF800  }
0x359: {  	_ =	swait.ge [sflag:s28], $0x800  }
0x35a: {  	[sflag:s28] =	ssyncset.done $0x0  }
0x35b: {  	[sflag:s28] =	ssyncadd.s32 $0xFFFFF800  }
0x35c: {  	[bflag:$0x0] =	sbarrier.arrive $0xFFFF  }
0x35d: {  	s24 =	simm.s32 $0x4800;
	s23 =	rddreg [dreg:$0x9]  }
0x35e: {  	[tilespmem:s24], [sflag:$0x3] =	stream.linear.gather [spmem:s23], $0xC380, $0x38;
	[tilespmem:$0x1CF00] =	vst v63  }
0x35f: {  	_ =	swait.ge [sflag:s14], $0xC380  }
0x360: {  	[sflag:s14] =	ssyncset.done $0x0  }
0x361: {  	s0 =	simm.s32 $0x0;
	s4 =	rddreg [dreg:$0xd];
	[sflag:s14] =	ssyncadd.s32 $0xFFFF3C80  }
0x362: {  	[hbm4b:s4+s0] =	stream.linear.scatter [tilespmem:s24], [sflag:$0x3], $0xC380, $0x38;
	[tilespmem:$0x1CF00] =	vst v63  }
0x363: {  	_ =	swait.ge [sflag:s14], $0xC380  }
0x364: {  	[sflag:s14] =	ssyncset.done $0x0  }
0x365: {  	[sflag:s14] =	ssyncadd.s32 $0xFFFF3C80  }
0x366: {  	[bflag:$0x0] =	sbarrier.arrive $0xFFFF  }
0x367: {  	s10 =	rddreg [dreg:$0x8]  }
0x368: {  	[tilespmem:s24], [sflag:$0x3] =	stream.linear.gather [hbm4b:s10+s0], $0xC380, $0x38;
	[tilespmem:$0x1CF00] =	vst v63  }
0x369: {  	_ =	swait.ge [sflag:s14], $0xC380  }
0x36a: {  	[sflag:s14] =	ssyncset.done $0x0  }
0x36b: {  	[sflag:s14] =	ssyncadd.s32 $0xFFFF3C80  }
0x36c: {  	[spmem:s23] =	stream.linear.scatter [tilespmem:s24], [sflag:$0x3], $0xC380, $0x38;
	[tilespmem:$0x1CF00] =	vst v63  }
0x36d: {  	_ =	swait.ge [sflag:s14], $0xC380  }
0x36e: {  	[sflag:s14] =	ssyncset.done $0x0  }
0x36f: {  	[sflag:s14] =	ssyncadd.s32 $0xFFFF3C80  }
0x370: {  	s23 =	sadd.s32 $0x0, s11;
	[bflag:$0x0] =	sbarrier.arrive $0xFFFF  }
0x371: {  	[tilespmem:s3], [sflag:$0x3] =	stream.linear.gather [hbm4b:s23+s3], $0x400, $0x38;
	[tilespmem:$0x1CF00] =	vst v63  }
0x372: {  	_ =	swait.ge [sflag:s14], $0x400  }
0x373: {  	[sflag:s14] =	ssyncset.done $0x0  }
0x374: {  	s24 =	sadd.s32 $0x0, s5;
	[sflag:s14] =	ssyncadd.s32 $0xFFFFFC00  }
0x375: {  	[tilespmem:s30], [sflag:$0x3] =	stream.linear.gather [hbm4b:s24+s3], $0x400, $0x38;
	[tilespmem:$0x1CF00] =	vst v63  }
0x376: {  	_ =	swait.ge [sflag:s14], $0x400  }
0x377: {  	[sflag:s14] =	ssyncset.done $0x0  }
0x378: {  	[sflag:s14] =	ssyncadd.s32 $0xFFFFFC00  }
0x379: {  	[tilespmem:s17], [sflag:$0x1] =	stream.indirect.gather [hbm4b:s9+s16], $0x10, s3, s16, $0xb8;
	[tilespmem:$0x1CF00] =	vst v63  }
0x37a: {  	_ = 	snop  }
0x37b: {  	[tilespmem:s18], [sflag:$0x1] =	stream.indirect.gather [hbm4b:s9+s16], $0x10, s16, s16, $0xb8;
	[tilespmem:$0x1CF00] =	vst v63  }
0x37c: {  	_ = 	snop  }
0x37d: {  	[tilespmem:s20], [sflag:$0x1] =	stream.indirect.gather [hbm4b:s9+s16], $0x10, s13, s16, $0xb8;
	[tilespmem:$0x1CF00] =	vst v63  }
0x37e: {  	_ = 	snop  }
0x37f: {  	[tilespmem:s15], [sflag:$0x1] =	stream.indirect.gather [hbm4b:s9+s16], $0x10, s19, s16, $0xb8;
	[tilespmem:$0x1CF00] =	vst v63  }
0x380: {  	_ = 	snop  }
0x381: {  	[tilespmem:s26], [sflag:$0x1] =	stream.indirect.gather [hbm4b:s9+s16], $0x10, s25, s16, $0xb8;
	[tilespmem:$0x1CF00] =	vst v63  }
0x382: {  	s25 =	simm.s32 $0x280  }
0x383: {  	[tilespmem:s29], [sflag:$0x1] =	stream.indirect.gather [hbm4b:s9+s16], $0x10, s25, s16, $0xb8;
	[tilespmem:$0x1CF00] =	vst v63  }
0x384: {  	s4 =	simm.s32 $0x300  }
0x385: {  	[tilespmem:s2], [sflag:$0x1] =	stream.indirect.gather [hbm4b:s9+s16], $0x10, s4, s16, $0xb8;
	[tilespmem:$0x1CF00] =	vst v63  }
0x386: {  	s5 =	simm.s32 $0x380  }
0x387: {  	[tilespmem:s21], [sflag:$0x1] =	stream.indirect.gather [hbm4b:s9+s16], $0x10, s5, s16, $0xb8;
	[tilespmem:$0x1CF00] =	vst v63  }
0x388: {  	_ =	swait.ge [sflag:s22], $0x800  }
0x389: {  	[sflag:s22] =	ssyncset.done $0x0  }
0x38a: {  	[sflag:s22] =	ssyncadd.s32 $0xFFFFF800  }
0x38b: {  	_ =	swait.ge [sflag:s22], $0x800  }
0x38c: {  	[sflag:s22] =	ssyncset.done $0x0  }
0x38d: {  	[sflag:s22] =	ssyncadd.s32 $0xFFFFF800  }
0x38e: {  	_ =	swait.ge [sflag:s22], $0x800  }
0x38f: {  	[sflag:s22] =	ssyncset.done $0x0  }
0x390: {  	[sflag:s22] =	ssyncadd.s32 $0xFFFFF800  }
0x391: {  	_ =	swait.ge [sflag:s22], $0x800  }
0x392: {  	[sflag:s22] =	ssyncset.done $0x0  }
0x393: {  	[sflag:s22] =	ssyncadd.s32 $0xFFFFF800  }
0x394: {  	_ =	swait.ge [sflag:s22], $0x800  }
0x395: {  	[sflag:s22] =	ssyncset.done $0x0  }
0x396: {  	[sflag:s22] =	ssyncadd.s32 $0xFFFFF800  }
0x397: {  	_ =	swait.ge [sflag:s22], $0x800  }
0x398: {  	[sflag:s22] =	ssyncset.done $0x0  }
0x399: {  	[sflag:s22] =	ssyncadd.s32 $0xFFFFF800  }
0x39a: {  	_ =	swait.ge [sflag:s22], $0x800  }
0x39b: {  	[sflag:s22] =	ssyncset.done $0x0  }
0x39c: {  	[sflag:s22] =	ssyncadd.s32 $0xFFFFF800  }
0x39d: {  	_ =	swait.ge [sflag:s22], $0x800  }
0x39e: {  	[sflag:s22] =	ssyncset.done $0x0  }
0x39f: {  	[sflag:s22] =	ssyncadd.s32 $0xFFFFF800  }
0x3a0: {  	[spmem:s1] =	stream.indirect.scatter.add.f32 [tilespmem:s17], [sflag:$0x2], $0x10, s30, s16, $0xb8;
	[tilespmem:$0x1CF00] =	vst v63  }
0x3a1: {  	s10 =	simm.s32 $0x480  }
0x3a2: {  	[spmem:s1] =	stream.indirect.scatter.add.f32 [tilespmem:s18], [sflag:$0x2], $0x10, s10, s16, $0xb8;
	[tilespmem:$0x1CF00] =	vst v63  }
0x3a3: {  	s13 =	simm.s32 $0x500  }
0x3a4: {  	[spmem:s1] =	stream.indirect.scatter.add.f32 [tilespmem:s20], [sflag:$0x2], $0x10, s13, s16, $0xb8;
	[tilespmem:$0x1CF00] =	vst v63  }
0x3a5: {  	s23 =	simm.s32 $0x580  }
0x3a6: {  	[spmem:s1] =	stream.indirect.scatter.add.f32 [tilespmem:s15], [sflag:$0x2], $0x10, s23, s16, $0xb8;
	[tilespmem:$0x1CF00] =	vst v63  }
0x3a7: {  	_ = 	snop  }
0x3a8: {  	[spmem:s1] =	stream.indirect.scatter.add.f32 [tilespmem:s26], [sflag:$0x2], $0x10, s12, s16, $0xb8;
	[tilespmem:$0x1CF00] =	vst v63  }
0x3a9: {  	s24 =	simm.s32 $0x680  }
0x3aa: {  	[spmem:s1] =	stream.indirect.scatter.add.f32 [tilespmem:s29], [sflag:$0x2], $0x10, s24, s16, $0xb8;
	[tilespmem:$0x1CF00] =	vst v63  }
0x3ab: {  	_ = 	snop  }
0x3ac: {  	[spmem:s1] =	stream.indirect.scatter.add.f32 [tilespmem:s2], [sflag:$0x2], $0x10, s31, s16, $0xb8;
	[tilespmem:$0x1CF00] =	vst v63  }
0x3ad: {  	s31 =	simm.s32 $0x780  }
0x3ae: {  	[spmem:s1] =	stream.indirect.scatter.add.f32 [tilespmem:s21], [sflag:$0x2], $0x10, s31, s16, $0xb8;
	[tilespmem:$0x1CF00] =	vst v63  }
0x3af: {  	_ =	swait.ge [sflag:s28], $0x800  }
0x3b0: {  	[sflag:s28] =	ssyncset.done $0x0  }
0x3b1: {  	[sflag:s28] =	ssyncadd.s32 $0xFFFFF800  }
0x3b2: {  	_ =	swait.ge [sflag:s28], $0x800  }
0x3b3: {  	[sflag:s28] =	ssyncset.done $0x0  }
0x3b4: {  	[sflag:s28] =	ssyncadd.s32 $0xFFFFF800  }
0x3b5: {  	_ =	swait.ge [sflag:s28], $0x800  }
0x3b6: {  	[sflag:s28] =	ssyncset.done $0x0  }
0x3b7: {  	[sflag:s28] =	ssyncadd.s32 $0xFFFFF800  }
0x3b8: {  	_ =	swait.ge [sflag:s28], $0x800  }
0x3b9: {  	[sflag:s28] =	ssyncset.done $0x0  }
0x3ba: {  	[sflag:s28] =	ssyncadd.s32 $0xFFFFF800  }
0x3bb: {  	_ =	swait.ge [sflag:s28], $0x800  }
0x3bc: {  	[sflag:s28] =	ssyncset.done $0x0  }
0x3bd: {  	[sflag:s28] =	ssyncadd.s32 $0xFFFFF800  }
0x3be: {  	_ =	swait.ge [sflag:s28], $0x800  }
0x3bf: {  	[sflag:s28] =	ssyncset.done $0x0  }
0x3c0: {  	s11 =	simm.s32 $0x380;
	s19 =	simm.s32 $0x280;
	[sflag:s28] =	ssyncadd.s32 $0xFFFFF800  }
0x3c1: {  	s25 =	simm.s32 $0x300;
	s5 =	simm.s32 $0x700;
	_ =	swait.ge [sflag:s28], $0x800  }
0x3c2: {  	s17 =	simm.s32 $0x480;
	s30 =	simm.s32 $0x80;
	[sflag:s28] =	ssyncset.done $0x0  }
0x3c3: {  	s18 =	simm.s32 $0x500;
	s10 =	simm.s32 $0x100;
	[sflag:s28] =	ssyncadd.s32 $0xFFFFF800  }
0x3c4: {  	s20 =	simm.s32 $0x580;
	s13 =	simm.s32 $0x780;
	_ =	swait.ge [sflag:s28], $0x800  }
0x3c5: {  	s15 =	simm.s32 $0x600;
	s26 =	simm.s32 $0x680;
	[sflag:s28] =	ssyncset.done $0x0  }
.LBB2_8:
0x3c6: {  	s0 =	rddreg [dreg:$0x7]  }
0x3c7: {  	[sflag:s28] =	ssyncadd.s32 $0xFFFFF800;
	s23 =	sadd.s32 s30, s0  }
0x3c8: {  	[tilespmem:s3], [sflag:$0x3] =	stream.linear.gather [hbm4b:s23+s3], $0x400, $0x38;
	[tilespmem:$0x1CF00] =	vst v63  }
0x3c9: {  	s24 =	smov.u32 s10;
	p0 =	sne.s32 s10, $0x1800;
	_ =	swait.ge [sflag:s14], $0x400  }
0x3ca: {  	s0 =	sadd.s32 $0x80, s10;
	[sflag:s14] =	ssyncset.done $0x0;
	s2 =	rddreg [dreg:$0x6]  }
0x3cb: {  	s23 =	simm.s32 $0x400;
	[sflag:s14] =	ssyncadd.s32 $0xFFFFFC00;
	s10 =	sadd.s32 s30, s2  }
0x3cc: {  	[tilespmem:s23], [sflag:$0x3] =	stream.linear.gather [hbm4b:s10+s3], $0x400, $0x38;
	[tilespmem:$0x1CF00] =	vst v63  }
0x3cd: {  	_ =	swait.ge [sflag:s14], $0x400  }
0x3ce: {  	[sflag:s14] =	ssyncset.done $0x0  }
0x3cf: {  	s10 =	simm.s32 $0x800;
	[sflag:s14] =	ssyncadd.s32 $0xFFFFFC00  }
0x3d0: {  	[tilespmem:s10], [sflag:$0x1] =	stream.indirect.gather [hbm4b:s9+s16], $0x10, s3, s16, $0xb8;
	[tilespmem:$0x1CF00] =	vst v63  }
0x3d1: {  	s30 =	smov.u32 s24;
	s24 =	simm.s32 $0x1000  }
0x3d2: {  	[tilespmem:s24], [sflag:$0x1] =	stream.indirect.gather [hbm4b:s9+s16], $0x10, s16, s16, $0xb8;
	[tilespmem:$0x1CF00] =	vst v63  }
0x3d3: {  	s12 =	simm.s32 $0x1800;
	s2 =	simm.s32 $0x100  }
0x3d4: {  	[tilespmem:s12], [sflag:$0x1] =	stream.indirect.gather [hbm4b:s9+s16], $0x10, s2, s16, $0xb8;
	[tilespmem:$0x1CF00] =	vst v63  }
0x3d5: {  	s29 =	simm.s32 $0x2000;
	s4 =	simm.s32 $0x180  }
0x3d6: {  	[tilespmem:s29], [sflag:$0x1] =	stream.indirect.gather [hbm4b:s9+s16], $0x10, s4, s16, $0xb8;
	[tilespmem:$0x1CF00] =	vst v63  }
0x3d7: {  	s31 =	simm.s32 $0x2800;
	s21 =	simm.s32 $0x200  }
0x3d8: {  	[tilespmem:s31], [sflag:$0x1] =	stream.indirect.gather [hbm4b:s9+s16], $0x10, s21, s16, $0xb8;
	[tilespmem:$0x1CF00] =	vst v63  }
0x3d9: {  	s2 =	simm.s32 $0x3000  }
0x3da: {  	[tilespmem:s2], [sflag:$0x1] =	stream.indirect.gather [hbm4b:s9+s16], $0x10, s19, s16, $0xb8;
	[tilespmem:$0x1CF00] =	vst v63  }
0x3db: {  	s21 =	simm.s32 $0x3800  }
0x3dc: {  	[tilespmem:s21], [sflag:$0x1] =	stream.indirect.gather [hbm4b:s9+s16], $0x10, s25, s16, $0xb8;
	[tilespmem:$0x1CF00] =	vst v63  }
0x3dd: {  	s4 =	simm.s32 $0x4000  }
0x3de: {  	[tilespmem:s4], [sflag:$0x1] =	stream.indirect.gather [hbm4b:s9+s16], $0x10, s11, s16, $0xb8;
	[tilespmem:$0x1CF00] =	vst v63  }
0x3df: {  	_ =	swait.ge [sflag:s22], $0x800  }
0x3e0: {  	[sflag:s22] =	ssyncset.done $0x0  }
0x3e1: {  	[sflag:s22] =	ssyncadd.s32 $0xFFFFF800  }
0x3e2: {  	_ =	swait.ge [sflag:s22], $0x800  }
0x3e3: {  	[sflag:s22] =	ssyncset.done $0x0  }
0x3e4: {  	[sflag:s22] =	ssyncadd.s32 $0xFFFFF800  }
0x3e5: {  	_ =	swait.ge [sflag:s22], $0x800  }
0x3e6: {  	[sflag:s22] =	ssyncset.done $0x0  }
0x3e7: {  	[sflag:s22] =	ssyncadd.s32 $0xFFFFF800  }
0x3e8: {  	_ =	swait.ge [sflag:s22], $0x800  }
0x3e9: {  	[sflag:s22] =	ssyncset.done $0x0  }
0x3ea: {  	[sflag:s22] =	ssyncadd.s32 $0xFFFFF800  }
0x3eb: {  	_ =	swait.ge [sflag:s22], $0x800  }
0x3ec: {  	[sflag:s22] =	ssyncset.done $0x0  }
0x3ed: {  	[sflag:s22] =	ssyncadd.s32 $0xFFFFF800  }
0x3ee: {  	_ =	swait.ge [sflag:s22], $0x800  }
0x3ef: {  	[sflag:s22] =	ssyncset.done $0x0  }
0x3f0: {  	[sflag:s22] =	ssyncadd.s32 $0xFFFFF800  }
0x3f1: {  	_ =	swait.ge [sflag:s22], $0x800  }
0x3f2: {  	[sflag:s22] =	ssyncset.done $0x0  }
0x3f3: {  	[sflag:s22] =	ssyncadd.s32 $0xFFFFF800  }
0x3f4: {  	_ =	swait.ge [sflag:s22], $0x800  }
0x3f5: {  	[sflag:s22] =	ssyncset.done $0x0  }
0x3f6: {  	[sflag:s22] =	ssyncadd.s32 $0xFFFFF800  }
0x3f7: {  	[spmem:s1] =	stream.indirect.scatter.add.f32 [tilespmem:s10], [sflag:$0x2], $0x10, s23, s16, $0xb8;
	[tilespmem:$0x1CF00] =	vst v63  }
0x3f8: {  	_ = 	snop  }
0x3f9: {  	[spmem:s1] =	stream.indirect.scatter.add.f32 [tilespmem:s24], [sflag:$0x2], $0x10, s17, s16, $0xb8;
	[tilespmem:$0x1CF00] =	vst v63  }
0x3fa: {  	_ = 	snop  }
0x3fb: {  	[spmem:s1] =	stream.indirect.scatter.add.f32 [tilespmem:s12], [sflag:$0x2], $0x10, s18, s16, $0xb8;
	[tilespmem:$0x1CF00] =	vst v63  }
0x3fc: {  	_ = 	snop  }
0x3fd: {  	[spmem:s1] =	stream.indirect.scatter.add.f32 [tilespmem:s29], [sflag:$0x2], $0x10, s20, s16, $0xb8;
	[tilespmem:$0x1CF00] =	vst v63  }
0x3fe: {  	_ = 	snop  }
0x3ff: {  	[spmem:s1] =	stream.indirect.scatter.add.f32 [tilespmem:s31], [sflag:$0x2], $0x10, s15, s16, $0xb8;
	[tilespmem:$0x1CF00] =	vst v63  }
0x400: {  	_ = 	snop  }
0x401: {  	[spmem:s1] =	stream.indirect.scatter.add.f32 [tilespmem:s2], [sflag:$0x2], $0x10, s26, s16, $0xb8;
	[tilespmem:$0x1CF00] =	vst v63  }
0x402: {  	_ = 	snop  }
0x403: {  	[spmem:s1] =	stream.indirect.scatter.add.f32 [tilespmem:s21], [sflag:$0x2], $0x10, s5, s16, $0xb8;
	[tilespmem:$0x1CF00] =	vst v63  }
0x404: {  	_ = 	snop  }
0x405: {  	[spmem:s1] =	stream.indirect.scatter.add.f32 [tilespmem:s4], [sflag:$0x2], $0x10, s13, s16, $0xb8;
	[tilespmem:$0x1CF00] =	vst v63  }
0x406: {  	_ =	swait.ge [sflag:s28], $0x800  }
0x407: {  	[sflag:s28] =	ssyncset.done $0x0  }
0x408: {  	[sflag:s28] =	ssyncadd.s32 $0xFFFFF800  }
0x409: {  	_ =	swait.ge [sflag:s28], $0x800  }
0x40a: {  	[sflag:s28] =	ssyncset.done $0x0  }
0x40b: {  	[sflag:s28] =	ssyncadd.s32 $0xFFFFF800  }
0x40c: {  	_ =	swait.ge [sflag:s28], $0x800  }
0x40d: {  	[sflag:s28] =	ssyncset.done $0x0  }
0x40e: {  	[sflag:s28] =	ssyncadd.s32 $0xFFFFF800  }
0x40f: {  	_ =	swait.ge [sflag:s28], $0x800  }
0x410: {  	[sflag:s28] =	ssyncset.done $0x0  }
0x411: {  	[sflag:s28] =	ssyncadd.s32 $0xFFFFF800  }
0x412: {  	_ =	swait.ge [sflag:s28], $0x800  }
0x413: {  	[sflag:s28] =	ssyncset.done $0x0  }
0x414: {  	[sflag:s28] =	ssyncadd.s32 $0xFFFFF800  }
0x415: {  	_ =	swait.ge [sflag:s28], $0x800  }
0x416: {  	[sflag:s28] =	ssyncset.done $0x0  }
0x417: {  	[sflag:s28] =	ssyncadd.s32 $0xFFFFF800  }
.Ltmp3:
0x418: {  	_ =	swait.ge [sflag:s28], $0x800;
	(pc) =	sbr.rel @p0 .LBB2_8-.Ltmp3, $4  }
0x419: {  	[sflag:s28] =	ssyncset.done $0x0  }
0x41a: {  	[sflag:s28] =	ssyncadd.s32 $0xFFFFF800  }
0x41b: {  	_ =	swait.ge [sflag:s28], $0x800  }
0x41c: {  	s10 =	smov.u32 s0;
	[sflag:s28] =	ssyncset.done $0x0  }
0x41d: {  	s0 =	rddreg [dreg:$0x7]  }
0x41e: {  	[sflag:s28] =	ssyncadd.s32 $0xFFFFF800;
	s0 =	sadd.s32 s30, s0  }
0x41f: {  	[tilespmem:s3], [sflag:$0x3] =	stream.linear.gather [hbm4b:s0+s3], $0x400, $0x38;
	[tilespmem:$0x1CF00] =	vst v63  }
0x420: {  	_ =	swait.ge [sflag:s14], $0x400  }
0x421: {  	[sflag:s14] =	ssyncset.done $0x0;
	s24 =	rddreg [dreg:$0x6]  }
0x422: {  	s10 =	simm.s32 $0x400;
	[sflag:s14] =	ssyncadd.s32 $0xFFFFFC00;
	s0 =	sadd.s32 s30, s24  }
0x423: {  	[tilespmem:s10], [sflag:$0x3] =	stream.linear.gather [hbm4b:s0+s3], $0x400, $0x38;
	[tilespmem:$0x1CF00] =	vst v63  }
0x424: {  	_ =	swait.ge [sflag:s14], $0x400  }
0x425: {  	[sflag:s14] =	ssyncset.done $0x0  }
0x426: {  	s0 =	simm.s32 $0x800;
	[sflag:s14] =	ssyncadd.s32 $0xFFFFFC00  }
0x427: {  	[tilespmem:s0], [sflag:$0x1] =	stream.indirect.gather [hbm4b:s9+s16], $0x10, s3, s16, $0xb8;
	[tilespmem:$0x1CF00] =	vst v63  }
0x428: {  	s23 =	simm.s32 $0x1000  }
0x429: {  	[tilespmem:s23], [sflag:$0x1] =	stream.indirect.gather [hbm4b:s9+s16], $0x10, s16, s16, $0xb8;
	[tilespmem:$0x1CF00] =	vst v63  }
0x42a: {  	s12 =	simm.s32 $0x1800;
	s2 =	simm.s32 $0x100  }
0x42b: {  	[tilespmem:s12], [sflag:$0x1] =	stream.indirect.gather [hbm4b:s9+s16], $0x10, s2, s16, $0xb8;
	[tilespmem:$0x1CF00] =	vst v63  }
0x42c: {  	s29 =	simm.s32 $0x180;
	s24 =	simm.s32 $0x2000  }
0x42d: {  	[tilespmem:s24], [sflag:$0x1] =	stream.indirect.gather [hbm4b:s9+s16], $0x10, s29, s16, $0xb8;
	[tilespmem:$0x1CF00] =	vst v63  }
0x42e: {  	s30 =	simm.s32 $0x200;
	s29 =	simm.s32 $0x2800  }
0x42f: {  	[tilespmem:s29], [sflag:$0x1] =	stream.indirect.gather [hbm4b:s9+s16], $0x10, s30, s16, $0xb8;
	[tilespmem:$0x1CF00] =	vst v63  }
0x430: {  	s31 =	simm.s32 $0x3000  }
0x431: {  	[tilespmem:s31], [sflag:$0x1] =	stream.indirect.gather [hbm4b:s9+s16], $0x10, s19, s16, $0xb8;
	[tilespmem:$0x1CF00] =	vst v63  }
0x432: {  	s21 =	simm.s32 $0x3800  }
0x433: {  	[tilespmem:s21], [sflag:$0x1] =	stream.indirect.gather [hbm4b:s9+s16], $0x10, s25, s16, $0xb8;
	[tilespmem:$0x1CF00] =	vst v63  }
0x434: {  	s4 =	simm.s32 $0x4000  }
0x435: {  	[tilespmem:s4], [sflag:$0x1] =	stream.indirect.gather [hbm4b:s9+s16], $0x10, s11, s16, $0xb8;
	[tilespmem:$0x1CF00] =	vst v63  }
0x436: {  	_ =	swait.ge [sflag:s22], $0x800  }
0x437: {  	[sflag:s22] =	ssyncset.done $0x0  }
0x438: {  	[sflag:s22] =	ssyncadd.s32 $0xFFFFF800  }
0x439: {  	_ =	swait.ge [sflag:s22], $0x800  }
0x43a: {  	[sflag:s22] =	ssyncset.done $0x0  }
0x43b: {  	[sflag:s22] =	ssyncadd.s32 $0xFFFFF800  }
0x43c: {  	_ =	swait.ge [sflag:s22], $0x800  }
0x43d: {  	[sflag:s22] =	ssyncset.done $0x0  }
0x43e: {  	[sflag:s22] =	ssyncadd.s32 $0xFFFFF800  }
0x43f: {  	_ =	swait.ge [sflag:s22], $0x800  }
0x440: {  	[sflag:s22] =	ssyncset.done $0x0  }
0x441: {  	[sflag:s22] =	ssyncadd.s32 $0xFFFFF800  }
0x442: {  	_ =	swait.ge [sflag:s22], $0x800  }
0x443: {  	[sflag:s22] =	ssyncset.done $0x0  }
0x444: {  	[sflag:s22] =	ssyncadd.s32 $0xFFFFF800  }
0x445: {  	_ =	swait.ge [sflag:s22], $0x800  }
0x446: {  	[sflag:s22] =	ssyncset.done $0x0  }
0x447: {  	[sflag:s22] =	ssyncadd.s32 $0xFFFFF800  }
0x448: {  	_ =	swait.ge [sflag:s22], $0x800  }
0x449: {  	[sflag:s22] =	ssyncset.done $0x0  }
0x44a: {  	[sflag:s22] =	ssyncadd.s32 $0xFFFFF800  }
0x44b: {  	_ =	swait.ge [sflag:s22], $0x800  }
0x44c: {  	[sflag:s22] =	ssyncset.done $0x0  }
0x44d: {  	[sflag:s22] =	ssyncadd.s32 $0xFFFFF800  }
0x44e: {  	[spmem:s1] =	stream.indirect.scatter.add.f32 [tilespmem:s0], [sflag:$0x2], $0x10, s10, s16, $0xb8;
	[tilespmem:$0x1CF00] =	vst v63  }
0x44f: {  	_ = 	snop  }
0x450: {  	[spmem:s1] =	stream.indirect.scatter.add.f32 [tilespmem:s23], [sflag:$0x2], $0x10, s17, s16, $0xb8;
	[tilespmem:$0x1CF00] =	vst v63  }
0x451: {  	_ = 	snop  }
0x452: {  	[spmem:s1] =	stream.indirect.scatter.add.f32 [tilespmem:s12], [sflag:$0x2], $0x10, s18, s16, $0xb8;
	[tilespmem:$0x1CF00] =	vst v63  }
0x453: {  	_ = 	snop  }
0x454: {  	[spmem:s1] =	stream.indirect.scatter.add.f32 [tilespmem:s24], [sflag:$0x2], $0x10, s20, s16, $0xb8;
	[tilespmem:$0x1CF00] =	vst v63  }
0x455: {  	_ = 	snop  }
0x456: {  	[spmem:s1] =	stream.indirect.scatter.add.f32 [tilespmem:s29], [sflag:$0x2], $0x10, s15, s16, $0xb8;
	[tilespmem:$0x1CF00] =	vst v63  }
0x457: {  	_ = 	snop  }
0x458: {  	[spmem:s1] =	stream.indirect.scatter.add.f32 [tilespmem:s31], [sflag:$0x2], $0x10, s26, s16, $0xb8;
	[tilespmem:$0x1CF00] =	vst v63  }
0x459: {  	_ = 	snop  }
0x45a: {  	[spmem:s1] =	stream.indirect.scatter.add.f32 [tilespmem:s21], [sflag:$0x2], $0x10, s5, s16, $0xb8;
	[tilespmem:$0x1CF00] =	vst v63  }
0x45b: {  	_ = 	snop  }
0x45c: {  	[spmem:s1] =	stream.indirect.scatter.add.f32 [tilespmem:s4], [sflag:$0x2], $0x10, s13, s16, $0xb8;
	[tilespmem:$0x1CF00] =	vst v63  }
0x45d: {  	_ =	swait.ge [sflag:s28], $0x800  }
0x45e: {  	[sflag:s28] =	ssyncset.done $0x0  }
0x45f: {  	[sflag:s28] =	ssyncadd.s32 $0xFFFFF800  }
0x460: {  	_ =	swait.ge [sflag:s28], $0x800  }
0x461: {  	[sflag:s28] =	ssyncset.done $0x0  }
0x462: {  	[sflag:s28] =	ssyncadd.s32 $0xFFFFF800  }
0x463: {  	_ =	swait.ge [sflag:s28], $0x800  }
0x464: {  	[sflag:s28] =	ssyncset.done $0x0  }
0x465: {  	[sflag:s28] =	ssyncadd.s32 $0xFFFFF800  }
0x466: {  	_ =	swait.ge [sflag:s28], $0x800  }
0x467: {  	[sflag:s28] =	ssyncset.done $0x0  }
0x468: {  	[sflag:s28] =	ssyncadd.s32 $0xFFFFF800  }
0x469: {  	_ =	swait.ge [sflag:s28], $0x800  }
0x46a: {  	[sflag:s28] =	ssyncset.done $0x0  }
0x46b: {  	[sflag:s28] =	ssyncadd.s32 $0xFFFFF800  }
0x46c: {  	_ =	swait.ge [sflag:s28], $0x800  }
0x46d: {  	[sflag:s28] =	ssyncset.done $0x0  }
0x46e: {  	[sflag:s28] =	ssyncadd.s32 $0xFFFFF800  }
0x46f: {  	_ =	swait.ge [sflag:s28], $0x800  }
0x470: {  	[sflag:s28] =	ssyncset.done $0x0  }
0x471: {  	[sflag:s28] =	ssyncadd.s32 $0xFFFFF800  }
0x472: {  	_ =	swait.ge [sflag:s28], $0x800  }
0x473: {  	[sflag:s28] =	ssyncset.done $0x0  }
0x474: {  	[sflag:s28] =	ssyncadd.s32 $0xFFFFF800  }
0x475: {  	[bflag:$0x0] =	sbarrier.arrive $0xFFFF  }
0x476: {  	s10 =	simm.s32 $0x4800;
	s23 =	rddreg [dreg:$0x9]  }
0x477: {  	[tilespmem:s10], [sflag:$0x3] =	stream.linear.gather [spmem:s23], $0xC380, $0x38;
	[tilespmem:$0x1CF00] =	vst v63  }
0x478: {  	_ =	swait.ge [sflag:s14], $0xC380  }
0x479: {  	[sflag:s14] =	ssyncset.done $0x0  }
0x47a: {  	s29 =	rddreg [dreg:$0xe];
	[sflag:s14] =	ssyncadd.s32 $0xFFFF3C80  }
0x47b: {  	[hbm4b:s29+s3] =	stream.linear.scatter [tilespmem:s10], [sflag:$0x3], $0xC380, $0x38;
	[tilespmem:$0x1CF00] =	vst v63  }
0x47c: {  	_ =	swait.ge [sflag:s14], $0xC380  }
0x47d: {  	s30 =	rddreg [dreg:$0xf]  }
0x47e: {  	s31 =	rddreg [dreg:$0xa];
	s2 =	sadd.s32 $0x1, s30  }
0x47f: {  	p0 =	sne.s32 s2, s31  }
.Ltmp4:
0x480: {  	_ = 	snop;
	(pc) =	sbr.rel @p0 .LBB2_1-.Ltmp4, $3  }
0x481: {  	[sflag:s14] =	ssyncset.done $0x0  }
0x482: {  	[sflag:s14] =	ssyncadd.s32 $0xFFFF3C80  }
0x483: {  	[bflag:$0x0] =	sbarrier.arrive $0xFFFF;
	_ =	sdelay $0x1  }
0x484: {  	_ =	sfence.sel $0x180000  }
0x485: {  	[bflag:$0x0] =	sbarrier.arrive $0xFFFF  }
0x486: {  	_ =	strace $0x90000047  }
0x487: {  	s0 =	stileid.u32;
	[bflag:$0x2] =	sbarrier.arrive $0xFFFF  }
0x488: {  	p0 =	sne.s32 s0, $0x0;
	s0 =	rddreg [dreg:$0x5]  }
0x489: {  	s0 =	sadd.s32 @!p0 $0x100000, s0  }
0x48a: {  	[sflag:s0] =	ssyncadd.tile.s32 @!p0 $0x1;
	_ =	shalt  }
.Lfunc_end2:
_tile_overlayer_lowered:
.L_overlay_start_2:
0x48b: {  	(tag) =	ssettag $0x2  }
0x48c: {  	s0 =	rddreg [dreg:$0x0];
	s2 =	stileid.u32  }
0x48d: {  	s1 =	rddreg [dreg:$0x1];
	p0 =	sne.s32 s2, $0x0  }
0x48e: {  	s3 =	rddreg [dreg:$0x2];
	[bflag:$0x3] =	sbarrier.arrive $0xFFFF;
	s2 =	simm.s32 @!p0 $0x1C03  }
0x48f: {  	[timem:s3], [sflag:s2] =	dma.local @!p0 [hbm:s0], s1  }
0x490: {  	s0 =	simm.s32 @!p0 $0x3  }
0x491: {  	_ =	swait.ge @!p0 [sflag:s0], s1  }
0x492: {  	s1 =	ssub.s32 @!p0 $0x0, s1;
	[sflag:s0] =	ssyncset.done @!p0 $0x0  }
0x493: {  	[sflag:s0] =	ssyncadd.s32 @!p0 s1  }
0x494: {  	[bflag:$0x3] =	sbarrier.arrive $0xFFFF  }
0x495: {  	_ =	shalt  }

</sc_bundles>
